<compile_context>
chip_gen: v7x
topology: tpu7x:2x2x1
jax: 0.10.2.dev20260603
libtpu: 0.0.44.dev20260713+nightly
codegen_flags: <defaults>
</compile_context>

<pallas_src>
import functools

import jax
import jax.numpy as jnp
from jax import lax
from jax.experimental import pallas as pl
from jax.experimental.pallas import tpu as pltpu
from jax.experimental.pallas import tpu_sc as plsc

B = 16384
F = 26
D = 16
OFF = 100000
NC = 2
NS = 16
NW = NC * NS
ROWS_W = B // NW
CHUNK = 64
NCHUNK = ROWS_W // CHUNK
GROUP = CHUNK * F
NIDX = ROWS_W * F
NUSED = 2 * OFF

_mesh = plsc.VectorSubcoreMesh(core_axis_name="c", subcore_axis_name="s")


@functools.partial(
    pl.kernel,
    out_type=jax.ShapeDtypeStruct((B * D,), jnp.float32),
    mesh=_mesh,
    compiler_params=pltpu.CompilerParams(use_tc_tiling_on_sc=False),
    scratch_types=[
        pltpu.VMEM((NCHUNK, GROUP), jnp.int32),
        pltpu.VMEM((GROUP, D), jnp.float32),
        pltpu.VMEM((GROUP, D), jnp.float32),
        pltpu.VMEM((NIDX + 32,), jnp.float32),
        pltpu.VMEM((ROWS_W * D,), jnp.float32),
        pltpu.VMEM((16,), jnp.float32),
        pltpu.SemaphoreType.DMA,
        pltpu.SemaphoreType.DMA,
    ],
)
def _fm_sc(idx_hbm, emb_hbm, fc_hbm, bias_hbm, out_hbm,
           idx_v, rows0, rows1, fc_v, z2_v, bias_v, sem0, sem1):
    wid = lax.axis_index("s") * NC + lax.axis_index("c")
    base = wid * ROWS_W

    pltpu.sync_copy(idx_hbm.at[wid], idx_v)
    pltpu.sync_copy(bias_hbm, bias_v)

    rows_bufs = (rows0, rows1)
    sems = (sem0, sem1)
    NBUF = 2

    def start(g):
        buf = rows_bufs[g % NBUF]
        sem = sems[g % NBUF]
        isl = idx_v.at[g]
        return [
            pltpu.async_copy(emb_hbm.at[isl], buf, sem),
            pltpu.async_copy(fc_hbm.at[isl],
                             fc_v.at[pl.ds(g * GROUP, GROUP)], sem),
        ]

    lanes = lax.iota(jnp.int32, 16)
    bias16 = bias_v[...]

    def process(g):
        buf = rows_bufs[g % NBUF]

        def one_row(bb):
            rb = bb * F
            fb = g * GROUP + bb * F
            s = [None] * 4
            sq = [None] * 4
            for f in range(F):
                v = buf[rb + f, :]
                k = f & 3
                if s[k] is None:
                    s[k], sq[k] = v, v * v
                else:
                    s[k] = s[k] + v
                    sq[k] = sq[k] + v * v
            st = (s[0] + s[1]) + (s[2] + s[3])
            sqt = (sq[0] + sq[1]) + (sq[2] + sq[3])
            acc = (st * st - sqt) * 0.5 + bias16
            fc0 = fc_v[pl.ds(fb, 16)]
            fc1 = fc_v[pl.ds(fb + 16, 16)]
            acc = acc + fc0 + jnp.where(lanes < F - 16, fc1, 0.0)
            z2_v[pl.ds((g * CHUNK + bb) * D, 16)] = acc

        def row2(ii, carry):
            one_row(ii * 2)
            one_row(ii * 2 + 1)
            return carry

        lax.fori_loop(0, CHUNK // 2, row2, 0)

    pending = {0: start(0)}
    for g in range(NCHUNK):
        if g + 1 < NCHUNK:
            pending[g + 1] = start(g + 1)
        for cp in pending.pop(g):
            cp.wait()
        process(g)

    pltpu.sync_copy(z2_v, out_hbm.at[pl.ds(base * D, ROWS_W * D)])


def _tc_epilogue_body(z_ref, o_ref):
    o_ref[...] = 1.0 / (1.0 + jnp.exp(-jnp.sum(z_ref[...], axis=1)))


_TC_BLK = 4096


def _tc_epilogue(z2):
    return pl.pallas_call(
        _tc_epilogue_body,
        out_shape=jax.ShapeDtypeStruct((B,), jnp.float32),
        grid=(B // _TC_BLK,),
        in_specs=[pl.BlockSpec((_TC_BLK, D), lambda i: (i, 0))],
        out_specs=pl.BlockSpec((_TC_BLK,), lambda i: (i,)),
    )(z2)


def kernel(x, W_emb, W_fc, bias):
    x = x.astype(jnp.int32)
    flat = jnp.concatenate(
        [
            x[:, :1],
            x[:, 1:25] + OFF,
            jnp.where(x[:, 25:] != 0, OFF + 1, OFF),
        ],
        axis=1,
    ).reshape(NW, NCHUNK, GROUP)
    fc1d = W_fc[:NUSED].reshape(-1)
    bias16 = jnp.broadcast_to(bias.astype(jnp.float32) / D, (16,))
    z2 = _fm_sc(flat, W_emb[:NUSED], fc1d, bias16)
    return _tc_epilogue(z2.reshape(B, D))

# --- scband reference (transcript-rebuilt; emitter-appended) ---
"""Pipeline reference for scband-fm-17334488007295 (READ-ONLY COPY).

The authoritative reference and input builder live on the scoring server;
editing this copy changes nothing except your own understanding.
"""

import jax, jax.numpy as jnp
import numpy as np

INPUT_DIMS = [100000] * 26
EMBED_DIM = 16
FIELD_NUM = len(INPUT_DIMS)
TOTAL = int(sum(INPUT_DIMS))
OFFSETS = [0] + INPUT_DIMS[:-1]
PAD_IDX = OFFSETS[-1]
BATCH = 16384


def setup_inputs(seed: int = 0):
    key = jax.random.key(seed)
    k1, k2, k3 = jax.random.split(key, 3)
    x = jax.random.randint(k1, (BATCH, FIELD_NUM), 0, 100000)
    W_emb = jax.random.normal(k2, (TOTAL + 1, EMBED_DIM), dtype=jnp.float32) * 0.01
    W_emb = W_emb.at[PAD_IDX].set(0.0)
    W_fc = jax.random.normal(k3, (TOTAL + 1, 1), dtype=jnp.float32) * 0.01
    W_fc = W_fc.at[PAD_IDX].set(0.0)
    bias = jnp.zeros((1,), dtype=jnp.float32)
    return {"x": x, "W_emb": W_emb, "W_fc": W_fc, "bias": bias}


def embed_layer(x, table, offsets, field_num, pad_idx):
    # replicate padding_idx semantics: padding row is zeros
    table = table.at[pad_idx].set(0.0)
    one_hot_x = x[:, : field_num - 1]
    multi_hot_x = x[:, field_num - 1 :]
    embed_x = jnp.take(table, one_hot_x + offsets[:-1][None, :], axis=0)
    # nonzero entries of multi_hot_x are overwritten with (col_index + 1)
    cols = jnp.arange(multi_hot_x.shape[1])[None, :]
    mh = jnp.where(multi_hot_x != 0, cols + 1, multi_hot_x)
    embed = jnp.take(table, mh + offsets[-1], axis=0)
    sum_embed = jnp.sum(embed, axis=1)
    return jnp.concatenate([embed_x, sum_embed[:, None, :]], axis=1)


def reference(x, W_emb, W_fc, bias):
    offsets = jnp.array(OFFSETS, dtype=x.dtype)
    embed_x = embed_layer(x, W_emb, offsets, FIELD_NUM, PAD_IDX)  # [B, F, d]
    fc_x = embed_layer(x, W_fc, offsets, FIELD_NUM, PAD_IDX)      # [B, F, 1]
    fm_y = bias + jnp.sum(fc_x, axis=1)                            # [B, 1]
    square_of_sum = jnp.sum(embed_x, axis=1) ** 2                  # [B, d]
    sum_of_square = jnp.sum(embed_x ** 2, axis=1)                  # [B, d]
    fm_y = fm_y + 0.5 * jnp.sum(square_of_sum - sum_of_square, axis=1, keepdims=True)
    y = jax.nn.sigmoid(jnp.squeeze(fm_y, axis=1))
    return y

if __name__ == "__main__":
    import jax
    _d = setup_inputs()
    print(jax.jit(kernel)(*tuple(_d.values())))

</pallas_src>

<mosaic_0001>
#map = affine_map<(d0, d1) -> (0, 0, 0)>
#map1 = affine_map<(d0, d1) -> (0, 0)>
#map2 = affine_map<(d0, d1) -> (0)>
module attributes {stable_mosaic.version = 14 : i64} {
  func.func @_fm_sc(%arg0: i32, %arg1: i32, %arg2: memref<32x8x1664xi32, #tpu.memory_space<hbm>>, %arg3: memref<200000x16xf32, #tpu.memory_space<hbm>>, %arg4: memref<200000xf32, #tpu.memory_space<hbm>>, %arg5: memref<16xf32, #tpu.memory_space<hbm>>, %arg6: memref<262144xf32, #tpu.memory_space<hbm>>, %arg7: memref<8x1664xi32, #tpu.memory_space<vmem>>, %arg8: memref<1664x16xf32, #tpu.memory_space<vmem>>, %arg9: memref<1664x16xf32, #tpu.memory_space<vmem>>, %arg10: memref<13344xf32, #tpu.memory_space<vmem>>, %arg11: memref<8192xf32, #tpu.memory_space<vmem>>, %arg12: memref<16xf32, #tpu.memory_space<vmem>>, %arg13: memref<!tpu.dma_semaphore, #tpu.memory_space<semaphore_mem>>, %arg14: memref<!tpu.dma_semaphore, #tpu.memory_space<semaphore_mem>>) attributes {dimension_semantics = [#tpu.dimension_semantics<core_parallel>, #tpu.dimension_semantics<subcore_parallel>], iteration_bounds = array<i64: 2, 16>, scalar_prefetch = 0 : i64, scratch_operands = 8 : i64, tpu.core_type = #tpu.core_type<sc_vector_subcore>, window_params = [{transform_indices = #map}, {transform_indices = #map1}, {transform_indices = #map2}, {transform_indices = #map2}, {transform_indices = #map2}]} {
    %mul3A = arith.constant 2 : i32
    %mul3A_0 = arith.muli %arg1, %mul3A : i32
    %add3A = arith.addi %mul3A_0, %arg0 : i32
    %mul3A_1 = arith.constant 512 : i32
    %mul3A_2 = arith.muli %add3A, %mul3A_1 : i32
    "tpu.region"() ({
      %run_scoped3A = tpu.sem_alloc : memref<!tpu.dma_semaphore, #tpu.memory_space<semaphore_mem>>
      %dma_start3A_292 = arith.constant 0 : i32
      %dma_start3A_293 = arith.constant 0 : i32
      %dma_start3A_294 = tpu.memref_slice %arg2[%add3A, %dma_start3A_292, %dma_start3A_293] : memref<32x8x1664xi32, #tpu.memory_space<hbm>> -> memref<1x8x1664xi32, #tpu.memory_space<hbm>>
      %dma_start3A_295 = tpu.memref_squeeze %dma_start3A_294 : memref<1x8x1664xi32, #tpu.memory_space<hbm>> -> memref<8x1664xi32, #tpu.memory_space<hbm>>
      %dma_start3A_296 = arith.constant 0 : i32
      %dma_start3A_297 = arith.constant 0 : i32
      %dma_start3A_298 = tpu.memref_slice %arg2[%add3A, %dma_start3A_296, %dma_start3A_297] : memref<32x8x1664xi32, #tpu.memory_space<hbm>> -> memref<1x8x1664xi32, #tpu.memory_space<hbm>>
      %dma_start3A_299 = tpu.memref_squeeze %dma_start3A_298 : memref<1x8x1664xi32, #tpu.memory_space<hbm>> -> memref<8x1664xi32, #tpu.memory_space<hbm>>
      tpu.enqueue_dma source(%dma_start3A_299 : memref<8x1664xi32, #tpu.memory_space<hbm>>) target(%arg7 : memref<8x1664xi32, #tpu.memory_space<vmem>>) target_semaphore(%run_scoped3A : memref<!tpu.dma_semaphore, #tpu.memory_space<semaphore_mem>>)
      %dma_wait3A_300 = arith.constant 0 : i32
      %dma_wait3A_301 = arith.constant 0 : i32
      %dma_wait3A_302 = tpu.memref_slice %arg2[%add3A, %dma_wait3A_300, %dma_wait3A_301] : memref<32x8x1664xi32, #tpu.memory_space<hbm>> -> memref<1x8x1664xi32, #tpu.memory_space<hbm>>
      %dma_wait3A_303 = tpu.memref_squeeze %dma_wait3A_302 : memref<1x8x1664xi32, #tpu.memory_space<hbm>> -> memref<8x1664xi32, #tpu.memory_space<hbm>>
      %dma_wait3A_304 = arith.constant 0 : i32
      %dma_wait3A_305 = arith.constant 0 : i32
      %dma_wait3A_306 = tpu.memref_slice %arg2[%add3A, %dma_wait3A_304, %dma_wait3A_305] : memref<32x8x1664xi32, #tpu.memory_space<hbm>> -> memref<1x8x1664xi32, #tpu.memory_space<hbm>>
      %dma_wait3A_307 = tpu.memref_squeeze %dma_wait3A_306 : memref<1x8x1664xi32, #tpu.memory_space<hbm>> -> memref<8x1664xi32, #tpu.memory_space<hbm>>
      tpu.wait_dma2 semaphore(%run_scoped3A : memref<!tpu.dma_semaphore, #tpu.memory_space<semaphore_mem>>) src(%dma_wait3A_307 : memref<8x1664xi32, #tpu.memory_space<hbm>>) dst(%arg7 : memref<8x1664xi32, #tpu.memory_space<vmem>>)
      tpu.yield
    }) : () -> ()
    "tpu.region"() ({
      %run_scoped3A = tpu.sem_alloc : memref<!tpu.dma_semaphore, #tpu.memory_space<semaphore_mem>>
      tpu.enqueue_dma source(%arg5 : memref<16xf32, #tpu.memory_space<hbm>>) target(%arg12 : memref<16xf32, #tpu.memory_space<vmem>>) target_semaphore(%run_scoped3A : memref<!tpu.dma_semaphore, #tpu.memory_space<semaphore_mem>>)
      tpu.wait_dma2 semaphore(%run_scoped3A : memref<!tpu.dma_semaphore, #tpu.memory_space<semaphore_mem>>) src(%arg5 : memref<16xf32, #tpu.memory_space<hbm>>) dst(%arg12 : memref<16xf32, #tpu.memory_space<vmem>>)
      tpu.yield
    }) : () -> ()
    %iota3A = tpu.iota {dimensions = array<i32: 0>} : vector<16xi32>
    %get3A = arith.constant 0 : index
    %get3A_3 = tpu.vector_load %arg12[%get3A] {strides = array<i32>} : memref<16xf32, #tpu.memory_space<vmem>>, vector<16xf32>,
    %get3A_4 = vector.shape_cast %get3A_3 : vector<16xf32> to vector<16xf32>
    %dma_start3A = arith.constant 0 : i32
    %dma_start3A_5 = arith.constant 0 : i32
    %dma_start3A_6 = tpu.memref_slice %arg7[%dma_start3A, %dma_start3A_5] : memref<8x1664xi32, #tpu.memory_space<vmem>> -> memref<1x1664xi32, #tpu.memory_space<vmem>>
    %dma_start3A_7 = tpu.memref_squeeze %dma_start3A_6 : memref<1x1664xi32, #tpu.memory_space<vmem>> -> memref<1664xi32, #tpu.memory_space<vmem>>
    %dma_start3A_8 = arith.constant 0 : i32
    %dma_start3A_9 = arith.constant 0 : i32
    %dma_start3A_10 = tpu.memref_slice %arg3[%dma_start3A_8, %dma_start3A_9] : memref<200000x16xf32, #tpu.memory_space<hbm>> -> memref<200000x16xf32, #tpu.memory_space<hbm>>
    tpu.enqueue_indirect_dma source(%dma_start3A_10 : memref<200000x16xf32, #tpu.memory_space<hbm>>) target(%arg8 : memref<1664x16xf32, #tpu.memory_space<vmem>>) offsets(%dma_start3A_7 : memref<1664xi32, #tpu.memory_space<vmem>>) semaphore(%arg13 : memref<!tpu.dma_semaphore, #tpu.memory_space<semaphore_mem>>)
    %dma_start3A_11 = arith.constant 0 : i32
    %dma_start3A_12 = arith.constant 0 : i32
    %dma_start3A_13 = tpu.memref_slice %arg10[%dma_start3A_12] : memref<13344xf32, #tpu.memory_space<vmem>> -> memref<1664xf32, #tpu.memory_space<vmem>>
    %dma_start3A_14 = arith.constant 0 : i32
    %dma_start3A_15 = tpu.memref_slice %arg7[%dma_start3A_11, %dma_start3A_14] : memref<8x1664xi32, #tpu.memory_space<vmem>> -> memref<1x1664xi32, #tpu.memory_space<vmem>>
    %dma_start3A_16 = tpu.memref_squeeze %dma_start3A_15 : memref<1x1664xi32, #tpu.memory_space<vmem>> -> memref<1664xi32, #tpu.memory_space<vmem>>
    %dma_start3A_17 = arith.constant 0 : i32
    %dma_start3A_18 = tpu.memref_slice %arg4[%dma_start3A_17] : memref<200000xf32, #tpu.memory_space<hbm>> -> memref<200000xf32, #tpu.memory_space<hbm>>
    tpu.enqueue_indirect_dma source(%dma_start3A_18 : memref<200000xf32, #tpu.memory_space<hbm>>) target(%dma_start3A_13 : memref<1664xf32, #tpu.memory_space<vmem>>) offsets(%dma_start3A_16 : memref<1664xi32, #tpu.memory_space<vmem>>) semaphore(%arg13 : memref<!tpu.dma_semaphore, #tpu.memory_space<semaphore_mem>>)
    %dma_start3A_19 = arith.constant 1 : i32
    %dma_start3A_20 = arith.constant 0 : i32
    %dma_start3A_21 = tpu.memref_slice %arg7[%dma_start3A_19, %dma_start3A_20] : memref<8x1664xi32, #tpu.memory_space<vmem>> -> memref<1x1664xi32, #tpu.memory_space<vmem>>
    %dma_start3A_22 = tpu.memref_squeeze %dma_start3A_21 : memref<1x1664xi32, #tpu.memory_space<vmem>> -> memref<1664xi32, #tpu.memory_space<vmem>>
    %dma_start3A_23 = arith.constant 0 : i32
    %dma_start3A_24 = arith.constant 0 : i32
    %dma_start3A_25 = tpu.memref_slice %arg3[%dma_start3A_23, %dma_start3A_24] : memref<200000x16xf32, #tpu.memory_space<hbm>> -> memref<200000x16xf32, #tpu.memory_space<hbm>>
    tpu.enqueue_indirect_dma source(%dma_start3A_25 : memref<200000x16xf32, #tpu.memory_space<hbm>>) target(%arg9 : memref<1664x16xf32, #tpu.memory_space<vmem>>) offsets(%dma_start3A_22 : memref<1664xi32, #tpu.memory_space<vmem>>) semaphore(%arg14 : memref<!tpu.dma_semaphore, #tpu.memory_space<semaphore_mem>>)
    %dma_start3A_26 = arith.constant 1 : i32
    %dma_start3A_27 = arith.constant 1664 : i32
    %dma_start3A_28 = tpu.memref_slice %arg10[%dma_start3A_27] : memref<13344xf32, #tpu.memory_space<vmem>> -> memref<1664xf32, #tpu.memory_space<vmem>>
    %dma_start3A_29 = arith.constant 0 : i32
    %dma_start3A_30 = tpu.memref_slice %arg7[%dma_start3A_26, %dma_start3A_29] : memref<8x1664xi32, #tpu.memory_space<vmem>> -> memref<1x1664xi32, #tpu.memory_space<vmem>>
    %dma_start3A_31 = tpu.memref_squeeze %dma_start3A_30 : memref<1x1664xi32, #tpu.memory_space<vmem>> -> memref<1664xi32, #tpu.memory_space<vmem>>
    %dma_start3A_32 = arith.constant 0 : i32
    %dma_start3A_33 = tpu.memref_slice %arg4[%dma_start3A_32] : memref<200000xf32, #tpu.memory_space<hbm>> -> memref<200000xf32, #tpu.memory_space<hbm>>
    tpu.enqueue_indirect_dma source(%dma_start3A_33 : memref<200000xf32, #tpu.memory_space<hbm>>) target(%dma_start3A_28 : memref<1664xf32, #tpu.memory_space<vmem>>) offsets(%dma_start3A_31 : memref<1664xi32, #tpu.memory_space<vmem>>) semaphore(%arg14 : memref<!tpu.dma_semaphore, #tpu.memory_space<semaphore_mem>>)
    %dma_wait3A = arith.constant 0 : i32
    %dma_wait3A_34 = arith.constant 0 : i32
    %dma_wait3A_35 = tpu.memref_slice %arg7[%dma_wait3A, %dma_wait3A_34] : memref<8x1664xi32, #tpu.memory_space<vmem>> -> memref<1x1664xi32, #tpu.memory_space<vmem>>
    %dma_wait3A_36 = tpu.memref_squeeze %dma_wait3A_35 : memref<1x1664xi32, #tpu.memory_space<vmem>> -> memref<1664xi32, #tpu.memory_space<vmem>>
    %dma_wait3A_37 = arith.constant 0 : i32
    %dma_wait3A_38 = arith.constant 0 : i32
    %dma_wait3A_39 = tpu.memref_slice %arg3[%dma_wait3A_37, %dma_wait3A_38] : memref<200000x16xf32, #tpu.memory_space<hbm>> -> memref<200000x16xf32, #tpu.memory_space<hbm>>
    tpu.wait_indirect_dma semaphore(%arg13 : memref<!tpu.dma_semaphore, #tpu.memory_space<semaphore_mem>>) src(%dma_wait3A_39 : memref<200000x16xf32, #tpu.memory_space<hbm>>) dst(%arg8 : memref<1664x16xf32, #tpu.memory_space<vmem>>)
    %dma_wait3A_40 = arith.constant 0 : i32
    %dma_wait3A_41 = arith.constant 0 : i32
    %dma_wait3A_42 = tpu.memref_slice %arg10[%dma_wait3A_41] : memref<13344xf32, #tpu.memory_space<vmem>> -> memref<1664xf32, #tpu.memory_space<vmem>>
    %dma_wait3A_43 = arith.constant 0 : i32
    %dma_wait3A_44 = tpu.memref_slice %arg7[%dma_wait3A_40, %dma_wait3A_43] : memref<8x1664xi32, #tpu.memory_space<vmem>> -> memref<1x1664xi32, #tpu.memory_space<vmem>>
    %dma_wait3A_45 = tpu.memref_squeeze %dma_wait3A_44 : memref<1x1664xi32, #tpu.memory_space<vmem>> -> memref<1664xi32, #tpu.memory_space<vmem>>
    %dma_wait3A_46 = arith.constant 0 : i32
    %dma_wait3A_47 = tpu.memref_slice %arg4[%dma_wait3A_46] : memref<200000xf32, #tpu.memory_space<hbm>> -> memref<200000xf32, #tpu.memory_space<hbm>>
    tpu.wait_indirect_dma semaphore(%arg13 : memref<!tpu.dma_semaphore, #tpu.memory_space<semaphore_mem>>) src(%dma_wait3A_47 : memref<200000xf32, #tpu.memory_space<hbm>>) dst(%dma_wait3A_42 : memref<1664xf32, #tpu.memory_space<vmem>>)
    %scan3A = arith.constant 0 : i32
    %scan3A_48 = arith.constant 0 : i32
    %scan3A_49 = arith.constant 32 : i32
    %scan3A_50 = arith.addi %scan3A_48, %scan3A_49 : i32
    %scan3A_51 = arith.constant 1 : i32
    scf.for %scan3A_292 = %scan3A_48 to %scan3A_50 step %scan3A_51  : i32 {
      %mul3A_293 = arith.constant 2 : i32
      %mul3A_294 = arith.muli %scan3A_292, %mul3A_293 : i32
      %mul3A_295 = arith.constant 26 : i32
      %mul3A_296 = arith.muli %mul3A_294, %mul3A_295 : i32
      %mul3A_297 = arith.constant 26 : i32
      %mul3A_298 = arith.muli %mul3A_294, %mul3A_297 : i32
      %add3A_299 = arith.constant 0 : i32
      %add3A_300 = arith.addi %add3A_299, %mul3A_298 : i32
      %add3A_301 = arith.constant 0 : i32
      %add3A_302 = arith.addi %mul3A_296, %add3A_301 : i32
      %get3A_303 = arith.index_cast %add3A_302 : i32 to index
      %get3A_304 = arith.constant 0 : index
      %get3A_305 = tpu.vector_load %arg8[%get3A_303, %get3A_304] {strides = array<i32>} : memref<1664x16xf32, #tpu.memory_space<vmem>>, vector<1x16xf32>,
      %get3A_306 = vector.shape_cast %get3A_305 : vector<1x16xf32> to vector<16xf32>
      %mul3A_307 = arith.mulf %get3A_306, %get3A_306 : vector<16xf32>
      %add3A_308 = arith.constant 1 : i32
      %add3A_309 = arith.addi %mul3A_296, %add3A_308 : i32
      %get3A_310 = arith.index_cast %add3A_309 : i32 to index
      %get3A_311 = arith.constant 0 : index
      %get3A_312 = tpu.vector_load %arg8[%get3A_310, %get3A_311] {strides = array<i32>} : memref<1664x16xf32, #tpu.memory_space<vmem>>, vector<1x16xf32>,
      %get3A_313 = vector.shape_cast %get3A_312 : vector<1x16xf32> to vector<16xf32>
      %mul3A_314 = arith.mulf %get3A_313, %get3A_313 : vector<16xf32>
      %add3A_315 = arith.constant 2 : i32
      %add3A_316 = arith.addi %mul3A_296, %add3A_315 : i32
      %get3A_317 = arith.index_cast %add3A_316 : i32 to index
      %get3A_318 = arith.constant 0 : index
      %get3A_319 = tpu.vector_load %arg8[%get3A_317, %get3A_318] {strides = array<i32>} : memref<1664x16xf32, #tpu.memory_space<vmem>>, vector<1x16xf32>,
      %get3A_320 = vector.shape_cast %get3A_319 : vector<1x16xf32> to vector<16xf32>
      %mul3A_321 = arith.mulf %get3A_320, %get3A_320 : vector<16xf32>
      %add3A_322 = arith.constant 3 : i32
      %add3A_323 = arith.addi %mul3A_296, %add3A_322 : i32
      %get3A_324 = arith.index_cast %add3A_323 : i32 to index
      %get3A_325 = arith.constant 0 : index
      %get3A_326 = tpu.vector_load %arg8[%get3A_324, %get3A_325] {strides = array<i32>} : memref<1664x16xf32, #tpu.memory_space<vmem>>, vector<1x16xf32>,
      %get3A_327 = vector.shape_cast %get3A_326 : vector<1x16xf32> to vector<16xf32>
      %mul3A_328 = arith.mulf %get3A_327, %get3A_327 : vector<16xf32>
      %add3A_329 = arith.constant 4 : i32
      %add3A_330 = arith.addi %mul3A_296, %add3A_329 : i32
      %get3A_331 = arith.index_cast %add3A_330 : i32 to index
      %get3A_332 = arith.constant 0 : index
      %get3A_333 = tpu.vector_load %arg8[%get3A_331, %get3A_332] {strides = array<i32>} : memref<1664x16xf32, #tpu.memory_space<vmem>>, vector<1x16xf32>,
      %get3A_334 = vector.shape_cast %get3A_333 : vector<1x16xf32> to vector<16xf32>
      %add3A_335 = arith.addf %get3A_306, %get3A_334 : vector<16xf32>
      %mul3A_336 = arith.mulf %get3A_334, %get3A_334 : vector<16xf32>
      %add3A_337 = arith.addf %mul3A_307, %mul3A_336 : vector<16xf32>
      %add3A_338 = arith.constant 5 : i32
      %add3A_339 = arith.addi %mul3A_296, %add3A_338 : i32
      %get3A_340 = arith.index_cast %add3A_339 : i32 to index
      %get3A_341 = arith.constant 0 : index
      %get3A_342 = tpu.vector_load %arg8[%get3A_340, %get3A_341] {strides = array<i32>} : memref<1664x16xf32, #tpu.memory_space<vmem>>, vector<1x16xf32>,
      %get3A_343 = vector.shape_cast %get3A_342 : vector<1x16xf32> to vector<16xf32>
      %add3A_344 = arith.addf %get3A_313, %get3A_343 : vector<16xf32>
      %mul3A_345 = arith.mulf %get3A_343, %get3A_343 : vector<16xf32>
      %add3A_346 = arith.addf %mul3A_314, %mul3A_345 : vector<16xf32>
      %add3A_347 = arith.constant 6 : i32
      %add3A_348 = arith.addi %mul3A_296, %add3A_347 : i32
      %get3A_349 = arith.index_cast %add3A_348 : i32 to index
      %get3A_350 = arith.constant 0 : index
      %get3A_351 = tpu.vector_load %arg8[%get3A_349, %get3A_350] {strides = array<i32>} : memref<1664x16xf32, #tpu.memory_space<vmem>>, vector<1x16xf32>,
      %get3A_352 = vector.shape_cast %get3A_351 : vector<1x16xf32> to vector<16xf32>
      %add3A_353 = arith.addf %get3A_320, %get3A_352 : vector<16xf32>
      %mul3A_354 = arith.mulf %get3A_352, %get3A_352 : vector<16xf32>
      %add3A_355 = arith.addf %mul3A_321, %mul3A_354 : vector<16xf32>
      %add3A_356 = arith.constant 7 : i32
      %add3A_357 = arith.addi %mul3A_296, %add3A_356 : i32
      %get3A_358 = arith.index_cast %add3A_357 : i32 to index
      %get3A_359 = arith.constant 0 : index
      %get3A_360 = tpu.vector_load %arg8[%get3A_358, %get3A_359] {strides = array<i32>} : memref<1664x16xf32, #tpu.memory_space<vmem>>, vector<1x16xf32>,
      %get3A_361 = vector.shape_cast %get3A_360 : vector<1x16xf32> to vector<16xf32>
      %add3A_362 = arith.addf %get3A_327, %get3A_361 : vector<16xf32>
      %mul3A_363 = arith.mulf %get3A_361, %get3A_361 : vector<16xf32>
      %add3A_364 = arith.addf %mul3A_328, %mul3A_363 : vector<16xf32>
      %add3A_365 = arith.constant 8 : i32
      %add3A_366 = arith.addi %mul3A_296, %add3A_365 : i32
      %get3A_367 = arith.index_cast %add3A_366 : i32 to index
      %get3A_368 = arith.constant 0 : index
      %get3A_369 = tpu.vector_load %arg8[%get3A_367, %get3A_368] {strides = array<i32>} : memref<1664x16xf32, #tpu.memory_space<vmem>>, vector<1x16xf32>,
      %get3A_370 = vector.shape_cast %get3A_369 : vector<1x16xf32> to vector<16xf32>
      %add3A_371 = arith.addf %add3A_335, %get3A_370 : vector<16xf32>
      %mul3A_372 = arith.mulf %get3A_370, %get3A_370 : vector<16xf32>
      %add3A_373 = arith.addf %add3A_337, %mul3A_372 : vector<16xf32>
      %add3A_374 = arith.constant 9 : i32
      %add3A_375 = arith.addi %mul3A_296, %add3A_374 : i32
      %get3A_376 = arith.index_cast %add3A_375 : i32 to index
      %get3A_377 = arith.constant 0 : index
      %get3A_378 = tpu.vector_load %arg8[%get3A_376, %get3A_377] {strides = array<i32>} : memref<1664x16xf32, #tpu.memory_space<vmem>>, vector<1x16xf32>,
      %get3A_379 = vector.shape_cast %get3A_378 : vector<1x16xf32> to vector<16xf32>
      %add3A_380 = arith.addf %add3A_344, %get3A_379 : vector<16xf32>
      %mul3A_381 = arith.mulf %get3A_379, %get3A_379 : vector<16xf32>
      %add3A_382 = arith.addf %add3A_346, %mul3A_381 : vector<16xf32>
      %add3A_383 = arith.constant 10 : i32
      %add3A_384 = arith.addi %mul3A_296, %add3A_383 : i32
      %get3A_385 = arith.index_cast %add3A_384 : i32 to index
      %get3A_386 = arith.constant 0 : index
      %get3A_387 = tpu.vector_load %arg8[%get3A_385, %get3A_386] {strides = array<i32>} : memref<1664x16xf32, #tpu.memory_space<vmem>>, vector<1x16xf32>,
      %get3A_388 = vector.shape_cast %get3A_387 : vector<1x16xf32> to vector<16xf32>
      %add3A_389 = arith.addf %add3A_353, %get3A_388 : vector<16xf32>
      %mul3A_390 = arith.mulf %get3A_388, %get3A_388 : vector<16xf32>
      %add3A_391 = arith.addf %add3A_355, %mul3A_390 : vector<16xf32>
      %add3A_392 = arith.constant 11 : i32
      %add3A_393 = arith.addi %mul3A_296, %add3A_392 : i32
      %get3A_394 = arith.index_cast %add3A_393 : i32 to index
      %get3A_395 = arith.constant 0 : index
      %get3A_396 = tpu.vector_load %arg8[%get3A_394, %get3A_395] {strides = array<i32>} : memref<1664x16xf32, #tpu.memory_space<vmem>>, vector<1x16xf32>,
      %get3A_397 = vector.shape_cast %get3A_396 : vector<1x16xf32> to vector<16xf32>
      %add3A_398 = arith.addf %add3A_362, %get3A_397 : vector<16xf32>
      %mul3A_399 = arith.mulf %get3A_397, %get3A_397 : vector<16xf32>
      %add3A_400 = arith.addf %add3A_364, %mul3A_399 : vector<16xf32>
      %add3A_401 = arith.constant 12 : i32
      %add3A_402 = arith.addi %mul3A_296, %add3A_401 : i32
      %get3A_403 = arith.index_cast %add3A_402 : i32 to index
      %get3A_404 = arith.constant 0 : index
      %get3A_405 = tpu.vector_load %arg8[%get3A_403, %get3A_404] {strides = array<i32>} : memref<1664x16xf32, #tpu.memory_space<vmem>>, vector<1x16xf32>,
      %get3A_406 = vector.shape_cast %get3A_405 : vector<1x16xf32> to vector<16xf32>
      %add3A_407 = arith.addf %add3A_371, %get3A_406 : vector<16xf32>
      %mul3A_408 = arith.mulf %get3A_406, %get3A_406 : vector<16xf32>
      %add3A_409 = arith.addf %add3A_373, %mul3A_408 : vector<16xf32>
      %add3A_410 = arith.constant 13 : i32
      %add3A_411 = arith.addi %mul3A_296, %add3A_410 : i32
      %get3A_412 = arith.index_cast %add3A_411 : i32 to index
      %get3A_413 = arith.constant 0 : index
      %get3A_414 = tpu.vector_load %arg8[%get3A_412, %get3A_413] {strides = array<i32>} : memref<1664x16xf32, #tpu.memory_space<vmem>>, vector<1x16xf32>,
      %get3A_415 = vector.shape_cast %get3A_414 : vector<1x16xf32> to vector<16xf32>
      %add3A_416 = arith.addf %add3A_380, %get3A_415 : vector<16xf32>
      %mul3A_417 = arith.mulf %get3A_415, %get3A_415 : vector<16xf32>
      %add3A_418 = arith.addf %add3A_382, %mul3A_417 : vector<16xf32>
      %add3A_419 = arith.constant 14 : i32
      %add3A_420 = arith.addi %mul3A_296, %add3A_419 : i32
      %get3A_421 = arith.index_cast %add3A_420 : i32 to index
      %get3A_422 = arith.constant 0 : index
      %get3A_423 = tpu.vector_load %arg8[%get3A_421, %get3A_422] {strides = array<i32>} : memref<1664x16xf32, #tpu.memory_space<vmem>>, vector<1x16xf32>,
      %get3A_424 = vector.shape_cast %get3A_423 : vector<1x16xf32> to vector<16xf32>
      %add3A_425 = arith.addf %add3A_389, %get3A_424 : vector<16xf32>
      %mul3A_426 = arith.mulf %get3A_424, %get3A_424 : vector<16xf32>
      %add3A_427 = arith.addf %add3A_391, %mul3A_426 : vector<16xf32>
      %add3A_428 = arith.constant 15 : i32
      %add3A_429 = arith.addi %mul3A_296, %add3A_428 : i32
      %get3A_430 = arith.index_cast %add3A_429 : i32 to index
      %get3A_431 = arith.constant 0 : index
      %get3A_432 = tpu.vector_load %arg8[%get3A_430, %get3A_431] {strides = array<i32>} : memref<1664x16xf32, #tpu.memory_space<vmem>>, vector<1x16xf32>,
      %get3A_433 = vector.shape_cast %get3A_432 : vector<1x16xf32> to vector<16xf32>
      %add3A_434 = arith.addf %add3A_398, %get3A_433 : vector<16xf32>
      %mul3A_435 = arith.mulf %get3A_433, %get3A_433 : vector<16xf32>
      %add3A_436 = arith.addf %add3A_400, %mul3A_435 : vector<16xf32>
      %add3A_437 = arith.constant 16 : i32
      %add3A_438 = arith.addi %mul3A_296, %add3A_437 : i32
      %get3A_439 = arith.index_cast %add3A_438 : i32 to index
      %get3A_440 = arith.constant 0 : index
      %get3A_441 = tpu.vector_load %arg8[%get3A_439, %get3A_440] {strides = array<i32>} : memref<1664x16xf32, #tpu.memory_space<vmem>>, vector<1x16xf32>,
      %get3A_442 = vector.shape_cast %get3A_441 : vector<1x16xf32> to vector<16xf32>
      %add3A_443 = arith.addf %add3A_407, %get3A_442 : vector<16xf32>
      %mul3A_444 = arith.mulf %get3A_442, %get3A_442 : vector<16xf32>
      %add3A_445 = arith.addf %add3A_409, %mul3A_444 : vector<16xf32>
      %add3A_446 = arith.constant 17 : i32
      %add3A_447 = arith.addi %mul3A_296, %add3A_446 : i32
      %get3A_448 = arith.index_cast %add3A_447 : i32 to index
      %get3A_449 = arith.constant 0 : index
      %get3A_450 = tpu.vector_load %arg8[%get3A_448, %get3A_449] {strides = array<i32>} : memref<1664x16xf32, #tpu.memory_space<vmem>>, vector<1x16xf32>,
      %get3A_451 = vector.shape_cast %get3A_450 : vector<1x16xf32> to vector<16xf32>
      %add3A_452 = arith.addf %add3A_416, %get3A_451 : vector<16xf32>
      %mul3A_453 = arith.mulf %get3A_451, %get3A_451 : vector<16xf32>
      %add3A_454 = arith.addf %add3A_418, %mul3A_453 : vector<16xf32>
      %add3A_455 = arith.constant 18 : i32
      %add3A_456 = arith.addi %mul3A_296, %add3A_455 : i32
      %get3A_457 = arith.index_cast %add3A_456 : i32 to index
      %get3A_458 = arith.constant 0 : index
      %get3A_459 = tpu.vector_load %arg8[%get3A_457, %get3A_458] {strides = array<i32>} : memref<1664x16xf32, #tpu.memory_space<vmem>>, vector<1x16xf32>,
      %get3A_460 = vector.shape_cast %get3A_459 : vector<1x16xf32> to vector<16xf32>
      %add3A_461 = arith.addf %add3A_425, %get3A_460 : vector<16xf32>
      %mul3A_462 = arith.mulf %get3A_460, %get3A_460 : vector<16xf32>
      %add3A_463 = arith.addf %add3A_427, %mul3A_462 : vector<16xf32>
      %add3A_464 = arith.constant 19 : i32
      %add3A_465 = arith.addi %mul3A_296, %add3A_464 : i32
      %get3A_466 = arith.index_cast %add3A_465 : i32 to index
      %get3A_467 = arith.constant 0 : index
      %get3A_468 = tpu.vector_load %arg8[%get3A_466, %get3A_467] {strides = array<i32>} : memref<1664x16xf32, #tpu.memory_space<vmem>>, vector<1x16xf32>,
      %get3A_469 = vector.shape_cast %get3A_468 : vector<1x16xf32> to vector<16xf32>
      %add3A_470 = arith.addf %add3A_434, %get3A_469 : vector<16xf32>
      %mul3A_471 = arith.mulf %get3A_469, %get3A_469 : vector<16xf32>
      %add3A_472 = arith.addf %add3A_436, %mul3A_471 : vector<16xf32>
      %add3A_473 = arith.constant 20 : i32
      %add3A_474 = arith.addi %mul3A_296, %add3A_473 : i32
      %get3A_475 = arith.index_cast %add3A_474 : i32 to index
      %get3A_476 = arith.constant 0 : index
      %get3A_477 = tpu.vector_load %arg8[%get3A_475, %get3A_476] {strides = array<i32>} : memref<1664x16xf32, #tpu.memory_space<vmem>>, vector<1x16xf32>,
      %get3A_478 = vector.shape_cast %get3A_477 : vector<1x16xf32> to vector<16xf32>
      %add3A_479 = arith.addf %add3A_443, %get3A_478 : vector<16xf32>
      %mul3A_480 = arith.mulf %get3A_478, %get3A_478 : vector<16xf32>
      %add3A_481 = arith.addf %add3A_445, %mul3A_480 : vector<16xf32>
      %add3A_482 = arith.constant 21 : i32
      %add3A_483 = arith.addi %mul3A_296, %add3A_482 : i32
      %get3A_484 = arith.index_cast %add3A_483 : i32 to index
      %get3A_485 = arith.constant 0 : index
      %get3A_486 = tpu.vector_load %arg8[%get3A_484, %get3A_485] {strides = array<i32>} : memref<1664x16xf32, #tpu.memory_space<vmem>>, vector<1x16xf32>,
      %get3A_487 = vector.shape_cast %get3A_486 : vector<1x16xf32> to vector<16xf32>
      %add3A_488 = arith.addf %add3A_452, %get3A_487 : vector<16xf32>
      %mul3A_489 = arith.mulf %get3A_487, %get3A_487 : vector<16xf32>
      %add3A_490 = arith.addf %add3A_454, %mul3A_489 : vector<16xf32>
      %add3A_491 = arith.constant 22 : i32
      %add3A_492 = arith.addi %mul3A_296, %add3A_491 : i32
      %get3A_493 = arith.index_cast %add3A_492 : i32 to index
      %get3A_494 = arith.constant 0 : index
      %get3A_495 = tpu.vector_load %arg8[%get3A_493, %get3A_494] {strides = array<i32>} : memref<1664x16xf32, #tpu.memory_space<vmem>>, vector<1x16xf32>,
      %get3A_496 = vector.shape_cast %get3A_495 : vector<1x16xf32> to vector<16xf32>
      %add3A_497 = arith.addf %add3A_461, %get3A_496 : vector<16xf32>
      %mul3A_498 = arith.mulf %get3A_496, %get3A_496 : vector<16xf32>
      %add3A_499 = arith.addf %add3A_463, %mul3A_498 : vector<16xf32>
      %add3A_500 = arith.constant 23 : i32
      %add3A_501 = arith.addi %mul3A_296, %add3A_500 : i32
      %get3A_502 = arith.index_cast %add3A_501 : i32 to index
      %get3A_503 = arith.constant 0 : index
      %get3A_504 = tpu.vector_load %arg8[%get3A_502, %get3A_503] {strides = array<i32>} : memref<1664x16xf32, #tpu.memory_space<vmem>>, vector<1x16xf32>,
      %get3A_505 = vector.shape_cast %get3A_504 : vector<1x16xf32> to vector<16xf32>
      %add3A_506 = arith.addf %add3A_470, %get3A_505 : vector<16xf32>
      %mul3A_507 = arith.mulf %get3A_505, %get3A_505 : vector<16xf32>
      %add3A_508 = arith.addf %add3A_472, %mul3A_507 : vector<16xf32>
      %add3A_509 = arith.constant 24 : i32
      %add3A_510 = arith.addi %mul3A_296, %add3A_509 : i32
      %get3A_511 = arith.index_cast %add3A_510 : i32 to index
      %get3A_512 = arith.constant 0 : index
      %get3A_513 = tpu.vector_load %arg8[%get3A_511, %get3A_512] {strides = array<i32>} : memref<1664x16xf32, #tpu.memory_space<vmem>>, vector<1x16xf32>,
      %get3A_514 = vector.shape_cast %get3A_513 : vector<1x16xf32> to vector<16xf32>
      %add3A_515 = arith.addf %add3A_479, %get3A_514 : vector<16xf32>
      %mul3A_516 = arith.mulf %get3A_514, %get3A_514 : vector<16xf32>
      %add3A_517 = arith.addf %add3A_481, %mul3A_516 : vector<16xf32>
      %add3A_518 = arith.constant 25 : i32
      %add3A_519 = arith.addi %mul3A_296, %add3A_518 : i32
      %get3A_520 = arith.index_cast %add3A_519 : i32 to index
      %get3A_521 = arith.constant 0 : index
      %get3A_522 = tpu.vector_load %arg8[%get3A_520, %get3A_521] {strides = array<i32>} : memref<1664x16xf32, #tpu.memory_space<vmem>>, vector<1x16xf32>,
      %get3A_523 = vector.shape_cast %get3A_522 : vector<1x16xf32> to vector<16xf32>
      %add3A_524 = arith.addf %add3A_488, %get3A_523 : vector<16xf32>
      %mul3A_525 = arith.mulf %get3A_523, %get3A_523 : vector<16xf32>
      %add3A_526 = arith.addf %add3A_490, %mul3A_525 : vector<16xf32>
      %add3A_527 = arith.addf %add3A_515, %add3A_524 : vector<16xf32>
      %add3A_528 = arith.addf %add3A_497, %add3A_506 : vector<16xf32>
      %add3A_529 = arith.addf %add3A_527, %add3A_528 : vector<16xf32>
      %add3A_530 = arith.addf %add3A_517, %add3A_526 : vector<16xf32>
      %add3A_531 = arith.addf %add3A_499, %add3A_508 : vector<16xf32>
      %add3A_532 = arith.addf %add3A_530, %add3A_531 : vector<16xf32>
      %mul3A_533 = arith.mulf %add3A_529, %add3A_529 : vector<16xf32>
      %sub3A = arith.subf %mul3A_533, %add3A_532 : vector<16xf32>
      %mul3A_534 = arith.constant 5.000000e-01 : f32
      %mul3A_535 = vector.broadcast %mul3A_534 : f32 to vector<16xf32>
      %mul3A_536 = arith.mulf %sub3A, %mul3A_535 : vector<16xf32>
      %add3A_537 = arith.addf %mul3A_536, %get3A_4 : vector<16xf32>
      %get3A_538 = arith.index_cast %add3A_300 : i32 to index
      %get3A_539 = tpu.vector_load %arg10[%get3A_538] {strides = array<i32>} : memref<13344xf32, #tpu.memory_space<vmem>>, vector<16xf32>,
      %get3A_540 = vector.shape_cast %get3A_539 : vector<16xf32> to vector<16xf32>
      %add3A_541 = arith.constant 16 : i32
      %add3A_542 = arith.addi %add3A_300, %add3A_541 : i32
      %get3A_543 = arith.index_cast %add3A_542 : i32 to index
      %get3A_544 = tpu.vector_load %arg10[%get3A_543] {strides = array<i32>} : memref<13344xf32, #tpu.memory_space<vmem>>, vector<16xf32>,
      %get3A_545 = vector.shape_cast %get3A_544 : vector<16xf32> to vector<16xf32>
      %add3A_546 = arith.addf %add3A_537, %get3A_540 : vector<16xf32>
      %lt3A = arith.constant 10 : i32
      %lt3A_547 = vector.broadcast %lt3A : i32 to vector<16xi32>
      %lt3A_548 = arith.cmpi slt, %iota3A, %lt3A_547 : vector<16xi32>
      %jit3A = arith.constant 0.000000e+00 : f32
      %broadcast_in_dim3A = vector.broadcast %jit3A : f32 to vector<16xf32>
      %select_n3A = arith.select %lt3A_548, %get3A_545, %broadcast_in_dim3A : vector<16xi1>, vector<16xf32>
      %add3A_549 = arith.addf %add3A_546, %select_n3A : vector<16xf32>
      %add3A_550 = arith.constant 0 : i32
      %add3A_551 = arith.addi %add3A_550, %mul3A_294 : i32
      %mul3A_552 = arith.constant 16 : i32
      %mul3A_553 = arith.muli %add3A_551, %mul3A_552 : i32
      %swap3A = arith.index_cast %mul3A_553 : i32 to index
      %swap3A_554 = tpu.vector_load %arg11[%swap3A] {strides = array<i32>} : memref<8192xf32, #tpu.memory_space<vmem>>, vector<16xf32>,
      %swap3A_555 = vector.shape_cast %swap3A_554 : vector<16xf32> to vector<16xf32>
      %swap3A_556 = vector.shape_cast %add3A_549 : vector<16xf32> to vector<16xf32>
      tpu.vector_store %arg11[%swap3A], %swap3A_556 {strides = array<i32>} : memref<8192xf32, #tpu.memory_space<vmem>>, vector<16xf32>,
      %mul3A_557 = arith.constant 2 : i32
      %mul3A_558 = arith.muli %scan3A_292, %mul3A_557 : i32
      %add3A_559 = arith.constant 1 : i32
      %add3A_560 = arith.addi %mul3A_558, %add3A_559 : i32
      %mul3A_561 = arith.constant 26 : i32
      %mul3A_562 = arith.muli %add3A_560, %mul3A_561 : i32
      %mul3A_563 = arith.constant 26 : i32
      %mul3A_564 = arith.muli %add3A_560, %mul3A_563 : i32
      %add3A_565 = arith.constant 0 : i32
      %add3A_566 = arith.addi %add3A_565, %mul3A_564 : i32
      %add3A_567 = arith.constant 0 : i32
      %add3A_568 = arith.addi %mul3A_562, %add3A_567 : i32
      %get3A_569 = arith.index_cast %add3A_568 : i32 to index
      %get3A_570 = arith.constant 0 : index
      %get3A_571 = tpu.vector_load %arg8[%get3A_569, %get3A_570] {strides = array<i32>} : memref<1664x16xf32, #tpu.memory_space<vmem>>, vector<1x16xf32>,
      %get3A_572 = vector.shape_cast %get3A_571 : vector<1x16xf32> to vector<16xf32>
      %mul3A_573 = arith.mulf %get3A_572, %get3A_572 : vector<16xf32>
      %add3A_574 = arith.constant 1 : i32
      %add3A_575 = arith.addi %mul3A_562, %add3A_574 : i32
      %get3A_576 = arith.index_cast %add3A_575 : i32 to index
      %get3A_577 = arith.constant 0 : index
      %get3A_578 = tpu.vector_load %arg8[%get3A_576, %get3A_577] {strides = array<i32>} : memref<1664x16xf32, #tpu.memory_space<vmem>>, vector<1x16xf32>,
      %get3A_579 = vector.shape_cast %get3A_578 : vector<1x16xf32> to vector<16xf32>
      %mul3A_580 = arith.mulf %get3A_579, %get3A_579 : vector<16xf32>
      %add3A_581 = arith.constant 2 : i32
      %add3A_582 = arith.addi %mul3A_562, %add3A_581 : i32
      %get3A_583 = arith.index_cast %add3A_582 : i32 to index
      %get3A_584 = arith.constant 0 : index
      %get3A_585 = tpu.vector_load %arg8[%get3A_583, %get3A_584] {strides = array<i32>} : memref<1664x16xf32, #tpu.memory_space<vmem>>, vector<1x16xf32>,
      %get3A_586 = vector.shape_cast %get3A_585 : vector<1x16xf32> to vector<16xf32>
      %mul3A_587 = arith.mulf %get3A_586, %get3A_586 : vector<16xf32>
      %add3A_588 = arith.constant 3 : i32
      %add3A_589 = arith.addi %mul3A_562, %add3A_588 : i32
      %get3A_590 = arith.index_cast %add3A_589 : i32 to index
      %get3A_591 = arith.constant 0 : index
      %get3A_592 = tpu.vector_load %arg8[%get3A_590, %get3A_591] {strides = array<i32>} : memref<1664x16xf32, #tpu.memory_space<vmem>>, vector<1x16xf32>,
      %get3A_593 = vector.shape_cast %get3A_592 : vector<1x16xf32> to vector<16xf32>
      %mul3A_594 = arith.mulf %get3A_593, %get3A_593 : vector<16xf32>
      %add3A_595 = arith.constant 4 : i32
      %add3A_596 = arith.addi %mul3A_562, %add3A_595 : i32
      %get3A_597 = arith.index_cast %add3A_596 : i32 to index
      %get3A_598 = arith.constant 0 : index
      %get3A_599 = tpu.vector_load %arg8[%get3A_597, %get3A_598] {strides = array<i32>} : memref<1664x16xf32, #tpu.memory_space<vmem>>, vector<1x16xf32>,
      %get3A_600 = vector.shape_cast %get3A_599 : vector<1x16xf32> to vector<16xf32>
      %add3A_601 = arith.addf %get3A_572, %get3A_600 : vector<16xf32>
      %mul3A_602 = arith.mulf %get3A_600, %get3A_600 : vector<16xf32>
      %add3A_603 = arith.addf %mul3A_573, %mul3A_602 : vector<16xf32>
      %add3A_604 = arith.constant 5 : i32
      %add3A_605 = arith.addi %mul3A_562, %add3A_604 : i32
      %get3A_606 = arith.index_cast %add3A_605 : i32 to index
      %get3A_607 = arith.constant 0 : index
      %get3A_608 = tpu.vector_load %arg8[%get3A_606, %get3A_607] {strides = array<i32>} : memref<1664x16xf32, #tpu.memory_space<vmem>>, vector<1x16xf32>,
      %get3A_609 = vector.shape_cast %get3A_608 : vector<1x16xf32> to vector<16xf32>
      %add3A_610 = arith.addf %get3A_579, %get3A_609 : vector<16xf32>
      %mul3A_611 = arith.mulf %get3A_609, %get3A_609 : vector<16xf32>
      %add3A_612 = arith.addf %mul3A_580, %mul3A_611 : vector<16xf32>
      %add3A_613 = arith.constant 6 : i32
      %add3A_614 = arith.addi %mul3A_562, %add3A_613 : i32
      %get3A_615 = arith.index_cast %add3A_614 : i32 to index
      %get3A_616 = arith.constant 0 : index
      %get3A_617 = tpu.vector_load %arg8[%get3A_615, %get3A_616] {strides = array<i32>} : memref<1664x16xf32, #tpu.memory_space<vmem>>, vector<1x16xf32>,
      %get3A_618 = vector.shape_cast %get3A_617 : vector<1x16xf32> to vector<16xf32>
      %add3A_619 = arith.addf %get3A_586, %get3A_618 : vector<16xf32>
      %mul3A_620 = arith.mulf %get3A_618, %get3A_618 : vector<16xf32>
      %add3A_621 = arith.addf %mul3A_587, %mul3A_620 : vector<16xf32>
      %add3A_622 = arith.constant 7 : i32
      %add3A_623 = arith.addi %mul3A_562, %add3A_622 : i32
      %get3A_624 = arith.index_cast %add3A_623 : i32 to index
      %get3A_625 = arith.constant 0 : index
      %get3A_626 = tpu.vector_load %arg8[%get3A_624, %get3A_625] {strides = array<i32>} : memref<1664x16xf32, #tpu.memory_space<vmem>>, vector<1x16xf32>,
      %get3A_627 = vector.shape_cast %get3A_626 : vector<1x16xf32> to vector<16xf32>
      %add3A_628 = arith.addf %get3A_593, %get3A_627 : vector<16xf32>
      %mul3A_629 = arith.mulf %get3A_627, %get3A_627 : vector<16xf32>
      %add3A_630 = arith.addf %mul3A_594, %mul3A_629 : vector<16xf32>
      %add3A_631 = arith.constant 8 : i32
      %add3A_632 = arith.addi %mul3A_562, %add3A_631 : i32
      %get3A_633 = arith.index_cast %add3A_632 : i32 to index
      %get3A_634 = arith.constant 0 : index
      %get3A_635 = tpu.vector_load %arg8[%get3A_633, %get3A_634] {strides = array<i32>} : memref<1664x16xf32, #tpu.memory_space<vmem>>, vector<1x16xf32>,
      %get3A_636 = vector.shape_cast %get3A_635 : vector<1x16xf32> to vector<16xf32>
      %add3A_637 = arith.addf %add3A_601, %get3A_636 : vector<16xf32>
      %mul3A_638 = arith.mulf %get3A_636, %get3A_636 : vector<16xf32>
      %add3A_639 = arith.addf %add3A_603, %mul3A_638 : vector<16xf32>
      %add3A_640 = arith.constant 9 : i32
      %add3A_641 = arith.addi %mul3A_562, %add3A_640 : i32
      %get3A_642 = arith.index_cast %add3A_641 : i32 to index
      %get3A_643 = arith.constant 0 : index
      %get3A_644 = tpu.vector_load %arg8[%get3A_642, %get3A_643] {strides = array<i32>} : memref<1664x16xf32, #tpu.memory_space<vmem>>, vector<1x16xf32>,
      %get3A_645 = vector.shape_cast %get3A_644 : vector<1x16xf32> to vector<16xf32>
      %add3A_646 = arith.addf %add3A_610, %get3A_645 : vector<16xf32>
      %mul3A_647 = arith.mulf %get3A_645, %get3A_645 : vector<16xf32>
      %add3A_648 = arith.addf %add3A_612, %mul3A_647 : vector<16xf32>
      %add3A_649 = arith.constant 10 : i32
      %add3A_650 = arith.addi %mul3A_562, %add3A_649 : i32
      %get3A_651 = arith.index_cast %add3A_650 : i32 to index
      %get3A_652 = arith.constant 0 : index
      %get3A_653 = tpu.vector_load %arg8[%get3A_651, %get3A_652] {strides = array<i32>} : memref<1664x16xf32, #tpu.memory_space<vmem>>, vector<1x16xf32>,
      %get3A_654 = vector.shape_cast %get3A_653 : vector<1x16xf32> to vector<16xf32>
      %add3A_655 = arith.addf %add3A_619, %get3A_654 : vector<16xf32>
      %mul3A_656 = arith.mulf %get3A_654, %get3A_654 : vector<16xf32>
      %add3A_657 = arith.addf %add3A_621, %mul3A_656 : vector<16xf32>
      %add3A_658 = arith.constant 11 : i32
      %add3A_659 = arith.addi %mul3A_562, %add3A_658 : i32
      %get3A_660 = arith.index_cast %add3A_659 : i32 to index
      %get3A_661 = arith.constant 0 : index
      %get3A_662 = tpu.vector_load %arg8[%get3A_660, %get3A_661] {strides = array<i32>} : memref<1664x16xf32, #tpu.memory_space<vmem>>, vector<1x16xf32>,
      %get3A_663 = vector.shape_cast %get3A_662 : vector<1x16xf32> to vector<16xf32>
      %add3A_664 = arith.addf %add3A_628, %get3A_663 : vector<16xf32>
      %mul3A_665 = arith.mulf %get3A_663, %get3A_663 : vector<16xf32>
      %add3A_666 = arith.addf %add3A_630, %mul3A_665 : vector<16xf32>
      %add3A_667 = arith.constant 12 : i32
      %add3A_668 = arith.addi %mul3A_562, %add3A_667 : i32
      %get3A_669 = arith.index_cast %add3A_668 : i32 to index
      %get3A_670 = arith.constant 0 : index
      %get3A_671 = tpu.vector_load %arg8[%get3A_669, %get3A_670] {strides = array<i32>} : memref<1664x16xf32, #tpu.memory_space<vmem>>, vector<1x16xf32>,
      %get3A_672 = vector.shape_cast %get3A_671 : vector<1x16xf32> to vector<16xf32>
      %add3A_673 = arith.addf %add3A_637, %get3A_672 : vector<16xf32>
      %mul3A_674 = arith.mulf %get3A_672, %get3A_672 : vector<16xf32>
      %add3A_675 = arith.addf %add3A_639, %mul3A_674 : vector<16xf32>
      %add3A_676 = arith.constant 13 : i32
      %add3A_677 = arith.addi %mul3A_562, %add3A_676 : i32
      %get3A_678 = arith.index_cast %add3A_677 : i32 to index
      %get3A_679 = arith.constant 0 : index
      %get3A_680 = tpu.vector_load %arg8[%get3A_678, %get3A_679] {strides = array<i32>} : memref<1664x16xf32, #tpu.memory_space<vmem>>, vector<1x16xf32>,
      %get3A_681 = vector.shape_cast %get3A_680 : vector<1x16xf32> to vector<16xf32>
      %add3A_682 = arith.addf %add3A_646, %get3A_681 : vector<16xf32>
      %mul3A_683 = arith.mulf %get3A_681, %get3A_681 : vector<16xf32>
      %add3A_684 = arith.addf %add3A_648, %mul3A_683 : vector<16xf32>
      %add3A_685 = arith.constant 14 : i32
      %add3A_686 = arith.addi %mul3A_562, %add3A_685 : i32
      %get3A_687 = arith.index_cast %add3A_686 : i32 to index
      %get3A_688 = arith.constant 0 : index
      %get3A_689 = tpu.vector_load %arg8[%get3A_687, %get3A_688] {strides = array<i32>} : memref<1664x16xf32, #tpu.memory_space<vmem>>, vector<1x16xf32>,
      %get3A_690 = vector.shape_cast %get3A_689 : vector<1x16xf32> to vector<16xf32>
      %add3A_691 = arith.addf %add3A_655, %get3A_690 : vector<16xf32>
      %mul3A_692 = arith.mulf %get3A_690, %get3A_690 : vector<16xf32>
      %add3A_693 = arith.addf %add3A_657, %mul3A_692 : vector<16xf32>
      %add3A_694 = arith.constant 15 : i32
      %add3A_695 = arith.addi %mul3A_562, %add3A_694 : i32
      %get3A_696 = arith.index_cast %add3A_695 : i32 to index
      %get3A_697 = arith.constant 0 : index
      %get3A_698 = tpu.vector_load %arg8[%get3A_696, %get3A_697] {strides = array<i32>} : memref<1664x16xf32, #tpu.memory_space<vmem>>, vector<1x16xf32>,
      %get3A_699 = vector.shape_cast %get3A_698 : vector<1x16xf32> to vector<16xf32>
      %add3A_700 = arith.addf %add3A_664, %get3A_699 : vector<16xf32>
      %mul3A_701 = arith.mulf %get3A_699, %get3A_699 : vector<16xf32>
      %add3A_702 = arith.addf %add3A_666, %mul3A_701 : vector<16xf32>
      %add3A_703 = arith.constant 16 : i32
      %add3A_704 = arith.addi %mul3A_562, %add3A_703 : i32
      %get3A_705 = arith.index_cast %add3A_704 : i32 to index
      %get3A_706 = arith.constant 0 : index
      %get3A_707 = tpu.vector_load %arg8[%get3A_705, %get3A_706] {strides = array<i32>} : memref<1664x16xf32, #tpu.memory_space<vmem>>, vector<1x16xf32>,
      %get3A_708 = vector.shape_cast %get3A_707 : vector<1x16xf32> to vector<16xf32>
      %add3A_709 = arith.addf %add3A_673, %get3A_708 : vector<16xf32>
      %mul3A_710 = arith.mulf %get3A_708, %get3A_708 : vector<16xf32>
      %add3A_711 = arith.addf %add3A_675, %mul3A_710 : vector<16xf32>
      %add3A_712 = arith.constant 17 : i32
      %add3A_713 = arith.addi %mul3A_562, %add3A_712 : i32
      %get3A_714 = arith.index_cast %add3A_713 : i32 to index
      %get3A_715 = arith.constant 0 : index
      %get3A_716 = tpu.vector_load %arg8[%get3A_714, %get3A_715] {strides = array<i32>} : memref<1664x16xf32, #tpu.memory_space<vmem>>, vector<1x16xf32>,
      %get3A_717 = vector.shape_cast %get3A_716 : vector<1x16xf32> to vector<16xf32>
      %add3A_718 = arith.addf %add3A_682, %get3A_717 : vector<16xf32>
      %mul3A_719 = arith.mulf %get3A_717, %get3A_717 : vector<16xf32>
      %add3A_720 = arith.addf %add3A_684, %mul3A_719 : vector<16xf32>
      %add3A_721 = arith.constant 18 : i32
      %add3A_722 = arith.addi %mul3A_562, %add3A_721 : i32
      %get3A_723 = arith.index_cast %add3A_722 : i32 to index
      %get3A_724 = arith.constant 0 : index
      %get3A_725 = tpu.vector_load %arg8[%get3A_723, %get3A_724] {strides = array<i32>} : memref<1664x16xf32, #tpu.memory_space<vmem>>, vector<1x16xf32>,
      %get3A_726 = vector.shape_cast %get3A_725 : vector<1x16xf32> to vector<16xf32>
      %add3A_727 = arith.addf %add3A_691, %get3A_726 : vector<16xf32>
      %mul3A_728 = arith.mulf %get3A_726, %get3A_726 : vector<16xf32>
      %add3A_729 = arith.addf %add3A_693, %mul3A_728 : vector<16xf32>
      %add3A_730 = arith.constant 19 : i32
      %add3A_731 = arith.addi %mul3A_562, %add3A_730 : i32
      %get3A_732 = arith.index_cast %add3A_731 : i32 to index
      %get3A_733 = arith.constant 0 : index
      %get3A_734 = tpu.vector_load %arg8[%get3A_732, %get3A_733] {strides = array<i32>} : memref<1664x16xf32, #tpu.memory_space<vmem>>, vector<1x16xf32>,
      %get3A_735 = vector.shape_cast %get3A_734 : vector<1x16xf32> to vector<16xf32>
      %add3A_736 = arith.addf %add3A_700, %get3A_735 : vector<16xf32>
      %mul3A_737 = arith.mulf %get3A_735, %get3A_735 : vector<16xf32>
      %add3A_738 = arith.addf %add3A_702, %mul3A_737 : vector<16xf32>
      %add3A_739 = arith.constant 20 : i32
      %add3A_740 = arith.addi %mul3A_562, %add3A_739 : i32
      %get3A_741 = arith.index_cast %add3A_740 : i32 to index
      %get3A_742 = arith.constant 0 : index
      %get3A_743 = tpu.vector_load %arg8[%get3A_741, %get3A_742] {strides = array<i32>} : memref<1664x16xf32, #tpu.memory_space<vmem>>, vector<1x16xf32>,
      %get3A_744 = vector.shape_cast %get3A_743 : vector<1x16xf32> to vector<16xf32>
      %add3A_745 = arith.addf %add3A_709, %get3A_744 : vector<16xf32>
      %mul3A_746 = arith.mulf %get3A_744, %get3A_744 : vector<16xf32>
      %add3A_747 = arith.addf %add3A_711, %mul3A_746 : vector<16xf32>
      %add3A_748 = arith.constant 21 : i32
      %add3A_749 = arith.addi %mul3A_562, %add3A_748 : i32
      %get3A_750 = arith.index_cast %add3A_749 : i32 to index
      %get3A_751 = arith.constant 0 : index
      %get3A_752 = tpu.vector_load %arg8[%get3A_750, %get3A_751] {strides = array<i32>} : memref<1664x16xf32, #tpu.memory_space<vmem>>, vector<1x16xf32>,
      %get3A_753 = vector.shape_cast %get3A_752 : vector<1x16xf32> to vector<16xf32>
      %add3A_754 = arith.addf %add3A_718, %get3A_753 : vector<16xf32>
      %mul3A_755 = arith.mulf %get3A_753, %get3A_753 : vector<16xf32>
      %add3A_756 = arith.addf %add3A_720, %mul3A_755 : vector<16xf32>
      %add3A_757 = arith.constant 22 : i32
      %add3A_758 = arith.addi %mul3A_562, %add3A_757 : i32
      %get3A_759 = arith.index_cast %add3A_758 : i32 to index
      %get3A_760 = arith.constant 0 : index
      %get3A_761 = tpu.vector_load %arg8[%get3A_759, %get3A_760] {strides = array<i32>} : memref<1664x16xf32, #tpu.memory_space<vmem>>, vector<1x16xf32>,
      %get3A_762 = vector.shape_cast %get3A_761 : vector<1x16xf32> to vector<16xf32>
      %add3A_763 = arith.addf %add3A_727, %get3A_762 : vector<16xf32>
      %mul3A_764 = arith.mulf %get3A_762, %get3A_762 : vector<16xf32>
      %add3A_765 = arith.addf %add3A_729, %mul3A_764 : vector<16xf32>
      %add3A_766 = arith.constant 23 : i32
      %add3A_767 = arith.addi %mul3A_562, %add3A_766 : i32
      %get3A_768 = arith.index_cast %add3A_767 : i32 to index
      %get3A_769 = arith.constant 0 : index
      %get3A_770 = tpu.vector_load %arg8[%get3A_768, %get3A_769] {strides = array<i32>} : memref<1664x16xf32, #tpu.memory_space<vmem>>, vector<1x16xf32>,
      %get3A_771 = vector.shape_cast %get3A_770 : vector<1x16xf32> to vector<16xf32>
      %add3A_772 = arith.addf %add3A_736, %get3A_771 : vector<16xf32>
      %mul3A_773 = arith.mulf %get3A_771, %get3A_771 : vector<16xf32>
      %add3A_774 = arith.addf %add3A_738, %mul3A_773 : vector<16xf32>
      %add3A_775 = arith.constant 24 : i32
      %add3A_776 = arith.addi %mul3A_562, %add3A_775 : i32
      %get3A_777 = arith.index_cast %add3A_776 : i32 to index
      %get3A_778 = arith.constant 0 : index
      %get3A_779 = tpu.vector_load %arg8[%get3A_777, %get3A_778] {strides = array<i32>} : memref<1664x16xf32, #tpu.memory_space<vmem>>, vector<1x16xf32>,
      %get3A_780 = vector.shape_cast %get3A_779 : vector<1x16xf32> to vector<16xf32>
      %add3A_781 = arith.addf %add3A_745, %get3A_780 : vector<16xf32>
      %mul3A_782 = arith.mulf %get3A_780, %get3A_780 : vector<16xf32>
      %add3A_783 = arith.addf %add3A_747, %mul3A_782 : vector<16xf32>
      %add3A_784 = arith.constant 25 : i32
      %add3A_785 = arith.addi %mul3A_562, %add3A_784 : i32
      %get3A_786 = arith.index_cast %add3A_785 : i32 to index
      %get3A_787 = arith.constant 0 : index
      %get3A_788 = tpu.vector_load %arg8[%get3A_786, %get3A_787] {strides = array<i32>} : memref<1664x16xf32, #tpu.memory_space<vmem>>, vector<1x16xf32>,
      %get3A_789 = vector.shape_cast %get3A_788 : vector<1x16xf32> to vector<16xf32>
      %add3A_790 = arith.addf %add3A_754, %get3A_789 : vector<16xf32>
      %mul3A_791 = arith.mulf %get3A_789, %get3A_789 : vector<16xf32>
      %add3A_792 = arith.addf %add3A_756, %mul3A_791 : vector<16xf32>
      %add3A_793 = arith.addf %add3A_781, %add3A_790 : vector<16xf32>
      %add3A_794 = arith.addf %add3A_763, %add3A_772 : vector<16xf32>
      %add3A_795 = arith.addf %add3A_793, %add3A_794 : vector<16xf32>
      %add3A_796 = arith.addf %add3A_783, %add3A_792 : vector<16xf32>
      %add3A_797 = arith.addf %add3A_765, %add3A_774 : vector<16xf32>
      %add3A_798 = arith.addf %add3A_796, %add3A_797 : vector<16xf32>
      %mul3A_799 = arith.mulf %add3A_795, %add3A_795 : vector<16xf32>
      %sub3A_800 = arith.subf %mul3A_799, %add3A_798 : vector<16xf32>
      %mul3A_801 = arith.constant 5.000000e-01 : f32
      %mul3A_802 = vector.broadcast %mul3A_801 : f32 to vector<16xf32>
      %mul3A_803 = arith.mulf %sub3A_800, %mul3A_802 : vector<16xf32>
      %add3A_804 = arith.addf %mul3A_803, %get3A_4 : vector<16xf32>
      %get3A_805 = arith.index_cast %add3A_566 : i32 to index
      %get3A_806 = tpu.vector_load %arg10[%get3A_805] {strides = array<i32>} : memref<13344xf32, #tpu.memory_space<vmem>>, vector<16xf32>,
      %get3A_807 = vector.shape_cast %get3A_806 : vector<16xf32> to vector<16xf32>
      %add3A_808 = arith.constant 16 : i32
      %add3A_809 = arith.addi %add3A_566, %add3A_808 : i32
      %get3A_810 = arith.index_cast %add3A_809 : i32 to index
      %get3A_811 = tpu.vector_load %arg10[%get3A_810] {strides = array<i32>} : memref<13344xf32, #tpu.memory_space<vmem>>, vector<16xf32>,
      %get3A_812 = vector.shape_cast %get3A_811 : vector<16xf32> to vector<16xf32>
      %add3A_813 = arith.addf %add3A_804, %get3A_807 : vector<16xf32>
      %lt3A_814 = arith.constant 10 : i32
      %lt3A_815 = vector.broadcast %lt3A_814 : i32 to vector<16xi32>
      %lt3A_816 = arith.cmpi slt, %iota3A, %lt3A_815 : vector<16xi32>
      %jit3A_817 = arith.constant 0.000000e+00 : f32
      %broadcast_in_dim3A_818 = vector.broadcast %jit3A_817 : f32 to vector<16xf32>
      %select_n3A_819 = arith.select %lt3A_816, %get3A_812, %broadcast_in_dim3A_818 : vector<16xi1>, vector<16xf32>
      %add3A_820 = arith.addf %add3A_813, %select_n3A_819 : vector<16xf32>
      %add3A_821 = arith.constant 0 : i32
      %add3A_822 = arith.addi %add3A_821, %add3A_560 : i32
      %mul3A_823 = arith.constant 16 : i32
      %mul3A_824 = arith.muli %add3A_822, %mul3A_823 : i32
      %swap3A_825 = arith.index_cast %mul3A_824 : i32 to index
      %swap3A_826 = tpu.vector_load %arg11[%swap3A_825] {strides = array<i32>} : memref<8192xf32, #tpu.memory_space<vmem>>, vector<16xf32>,
      %swap3A_827 = vector.shape_cast %swap3A_826 : vector<16xf32> to vector<16xf32>
      %swap3A_828 = vector.shape_cast %add3A_820 : vector<16xf32> to vector<16xf32>
      tpu.vector_store %arg11[%swap3A_825], %swap3A_828 {strides = array<i32>} : memref<8192xf32, #tpu.memory_space<vmem>>, vector<16xf32>,
    }
    %scan3A_52 = arith.constant 32 : i32
    %dma_start3A_53 = arith.constant 2 : i32
    %dma_start3A_54 = arith.constant 0 : i32
    %dma_start3A_55 = tpu.memref_slice %arg7[%dma_start3A_53, %dma_start3A_54] : memref<8x1664xi32, #tpu.memory_space<vmem>> -> memref<1x1664xi32, #tpu.memory_space<vmem>>
    %dma_start3A_56 = tpu.memref_squeeze %dma_start3A_55 : memref<1x1664xi32, #tpu.memory_space<vmem>> -> memref<1664xi32, #tpu.memory_space<vmem>>
    %dma_start3A_57 = arith.constant 0 : i32
    %dma_start3A_58 = arith.constant 0 : i32
    %dma_start3A_59 = tpu.memref_slice %arg3[%dma_start3A_57, %dma_start3A_58] : memref<200000x16xf32, #tpu.memory_space<hbm>> -> memref<200000x16xf32, #tpu.memory_space<hbm>>
    tpu.enqueue_indirect_dma source(%dma_start3A_59 : memref<200000x16xf32, #tpu.memory_space<hbm>>) target(%arg8 : memref<1664x16xf32, #tpu.memory_space<vmem>>) offsets(%dma_start3A_56 : memref<1664xi32, #tpu.memory_space<vmem>>) semaphore(%arg13 : memref<!tpu.dma_semaphore, #tpu.memory_space<semaphore_mem>>)
    %dma_start3A_60 = arith.constant 2 : i32
    %dma_start3A_61 = arith.constant 3328 : i32
    %dma_start3A_62 = tpu.memref_slice %arg10[%dma_start3A_61] : memref<13344xf32, #tpu.memory_space<vmem>> -> memref<1664xf32, #tpu.memory_space<vmem>>
    %dma_start3A_63 = arith.constant 0 : i32
    %dma_start3A_64 = tpu.memref_slice %arg7[%dma_start3A_60, %dma_start3A_63] : memref<8x1664xi32, #tpu.memory_space<vmem>> -> memref<1x1664xi32, #tpu.memory_space<vmem>>
    %dma_start3A_65 = tpu.memref_squeeze %dma_start3A_64 : memref<1x1664xi32, #tpu.memory_space<vmem>> -> memref<1664xi32, #tpu.memory_space<vmem>>
    %dma_start3A_66 = arith.constant 0 : i32
    %dma_start3A_67 = tpu.memref_slice %arg4[%dma_start3A_66] : memref<200000xf32, #tpu.memory_space<hbm>> -> memref<200000xf32, #tpu.memory_space<hbm>>
    tpu.enqueue_indirect_dma source(%dma_start3A_67 : memref<200000xf32, #tpu.memory_space<hbm>>) target(%dma_start3A_62 : memref<1664xf32, #tpu.memory_space<vmem>>) offsets(%dma_start3A_65 : memref<1664xi32, #tpu.memory_space<vmem>>) semaphore(%arg13 : memref<!tpu.dma_semaphore, #tpu.memory_space<semaphore_mem>>)
    %dma_wait3A_68 = arith.constant 1 : i32
    %dma_wait3A_69 = arith.constant 0 : i32
    %dma_wait3A_70 = tpu.memref_slice %arg7[%dma_wait3A_68, %dma_wait3A_69] : memref<8x1664xi32, #tpu.memory_space<vmem>> -> memref<1x1664xi32, #tpu.memory_space<vmem>>
    %dma_wait3A_71 = tpu.memref_squeeze %dma_wait3A_70 : memref<1x1664xi32, #tpu.memory_space<vmem>> -> memref<1664xi32, #tpu.memory_space<vmem>>
    %dma_wait3A_72 = arith.constant 0 : i32
    %dma_wait3A_73 = arith.constant 0 : i32
    %dma_wait3A_74 = tpu.memref_slice %arg3[%dma_wait3A_72, %dma_wait3A_73] : memref<200000x16xf32, #tpu.memory_space<hbm>> -> memref<200000x16xf32, #tpu.memory_space<hbm>>
    tpu.wait_indirect_dma semaphore(%arg14 : memref<!tpu.dma_semaphore, #tpu.memory_space<semaphore_mem>>) src(%dma_wait3A_74 : memref<200000x16xf32, #tpu.memory_space<hbm>>) dst(%arg9 : memref<1664x16xf32, #tpu.memory_space<vmem>>)
    %dma_wait3A_75 = arith.constant 1 : i32
    %dma_wait3A_76 = arith.constant 1664 : i32
    %dma_wait3A_77 = tpu.memref_slice %arg10[%dma_wait3A_76] : memref<13344xf32, #tpu.memory_space<vmem>> -> memref<1664xf32, #tpu.memory_space<vmem>>
    %dma_wait3A_78 = arith.constant 0 : i32
    %dma_wait3A_79 = tpu.memref_slice %arg7[%dma_wait3A_75, %dma_wait3A_78] : memref<8x1664xi32, #tpu.memory_space<vmem>> -> memref<1x1664xi32, #tpu.memory_space<vmem>>
    %dma_wait3A_80 = tpu.memref_squeeze %dma_wait3A_79 : memref<1x1664xi32, #tpu.memory_space<vmem>> -> memref<1664xi32, #tpu.memory_space<vmem>>
    %dma_wait3A_81 = arith.constant 0 : i32
    %dma_wait3A_82 = tpu.memref_slice %arg4[%dma_wait3A_81] : memref<200000xf32, #tpu.memory_space<hbm>> -> memref<200000xf32, #tpu.memory_space<hbm>>
    tpu.wait_indirect_dma semaphore(%arg14 : memref<!tpu.dma_semaphore, #tpu.memory_space<semaphore_mem>>) src(%dma_wait3A_82 : memref<200000xf32, #tpu.memory_space<hbm>>) dst(%dma_wait3A_77 : memref<1664xf32, #tpu.memory_space<vmem>>)
    %scan3A_83 = arith.constant 0 : i32
    %scan3A_84 = arith.constant 0 : i32
    %scan3A_85 = arith.constant 32 : i32
    %scan3A_86 = arith.addi %scan3A_84, %scan3A_85 : i32
    %scan3A_87 = arith.constant 1 : i32
    scf.for %scan3A_292 = %scan3A_84 to %scan3A_86 step %scan3A_87  : i32 {
      %mul3A_293 = arith.constant 2 : i32
      %mul3A_294 = arith.muli %scan3A_292, %mul3A_293 : i32
      %mul3A_295 = arith.constant 26 : i32
      %mul3A_296 = arith.muli %mul3A_294, %mul3A_295 : i32
      %mul3A_297 = arith.constant 26 : i32
      %mul3A_298 = arith.muli %mul3A_294, %mul3A_297 : i32
      %add3A_299 = arith.constant 1664 : i32
      %add3A_300 = arith.addi %add3A_299, %mul3A_298 : i32
      %add3A_301 = arith.constant 0 : i32
      %add3A_302 = arith.addi %mul3A_296, %add3A_301 : i32
      %get3A_303 = arith.index_cast %add3A_302 : i32 to index
      %get3A_304 = arith.constant 0 : index
      %get3A_305 = tpu.vector_load %arg9[%get3A_303, %get3A_304] {strides = array<i32>} : memref<1664x16xf32, #tpu.memory_space<vmem>>, vector<1x16xf32>,
      %get3A_306 = vector.shape_cast %get3A_305 : vector<1x16xf32> to vector<16xf32>
      %mul3A_307 = arith.mulf %get3A_306, %get3A_306 : vector<16xf32>
      %add3A_308 = arith.constant 1 : i32
      %add3A_309 = arith.addi %mul3A_296, %add3A_308 : i32
      %get3A_310 = arith.index_cast %add3A_309 : i32 to index
      %get3A_311 = arith.constant 0 : index
      %get3A_312 = tpu.vector_load %arg9[%get3A_310, %get3A_311] {strides = array<i32>} : memref<1664x16xf32, #tpu.memory_space<vmem>>, vector<1x16xf32>,
      %get3A_313 = vector.shape_cast %get3A_312 : vector<1x16xf32> to vector<16xf32>
      %mul3A_314 = arith.mulf %get3A_313, %get3A_313 : vector<16xf32>
      %add3A_315 = arith.constant 2 : i32
      %add3A_316 = arith.addi %mul3A_296, %add3A_315 : i32
      %get3A_317 = arith.index_cast %add3A_316 : i32 to index
      %get3A_318 = arith.constant 0 : index
      %get3A_319 = tpu.vector_load %arg9[%get3A_317, %get3A_318] {strides = array<i32>} : memref<1664x16xf32, #tpu.memory_space<vmem>>, vector<1x16xf32>,
      %get3A_320 = vector.shape_cast %get3A_319 : vector<1x16xf32> to vector<16xf32>
      %mul3A_321 = arith.mulf %get3A_320, %get3A_320 : vector<16xf32>
      %add3A_322 = arith.constant 3 : i32
      %add3A_323 = arith.addi %mul3A_296, %add3A_322 : i32
      %get3A_324 = arith.index_cast %add3A_323 : i32 to index
      %get3A_325 = arith.constant 0 : index
      %get3A_326 = tpu.vector_load %arg9[%get3A_324, %get3A_325] {strides = array<i32>} : memref<1664x16xf32, #tpu.memory_space<vmem>>, vector<1x16xf32>,
      %get3A_327 = vector.shape_cast %get3A_326 : vector<1x16xf32> to vector<16xf32>
      %mul3A_328 = arith.mulf %get3A_327, %get3A_327 : vector<16xf32>
      %add3A_329 = arith.constant 4 : i32
      %add3A_330 = arith.addi %mul3A_296, %add3A_329 : i32
      %get3A_331 = arith.index_cast %add3A_330 : i32 to index
      %get3A_332 = arith.constant 0 : index
      %get3A_333 = tpu.vector_load %arg9[%get3A_331, %get3A_332] {strides = array<i32>} : memref<1664x16xf32, #tpu.memory_space<vmem>>, vector<1x16xf32>,
      %get3A_334 = vector.shape_cast %get3A_333 : vector<1x16xf32> to vector<16xf32>
      %add3A_335 = arith.addf %get3A_306, %get3A_334 : vector<16xf32>
      %mul3A_336 = arith.mulf %get3A_334, %get3A_334 : vector<16xf32>
      %add3A_337 = arith.addf %mul3A_307, %mul3A_336 : vector<16xf32>
      %add3A_338 = arith.constant 5 : i32
      %add3A_339 = arith.addi %mul3A_296, %add3A_338 : i32
      %get3A_340 = arith.index_cast %add3A_339 : i32 to index
      %get3A_341 = arith.constant 0 : index
      %get3A_342 = tpu.vector_load %arg9[%get3A_340, %get3A_341] {strides = array<i32>} : memref<1664x16xf32, #tpu.memory_space<vmem>>, vector<1x16xf32>,
      %get3A_343 = vector.shape_cast %get3A_342 : vector<1x16xf32> to vector<16xf32>
      %add3A_344 = arith.addf %get3A_313, %get3A_343 : vector<16xf32>
      %mul3A_345 = arith.mulf %get3A_343, %get3A_343 : vector<16xf32>
      %add3A_346 = arith.addf %mul3A_314, %mul3A_345 : vector<16xf32>
      %add3A_347 = arith.constant 6 : i32
      %add3A_348 = arith.addi %mul3A_296, %add3A_347 : i32
      %get3A_349 = arith.index_cast %add3A_348 : i32 to index
      %get3A_350 = arith.constant 0 : index
      %get3A_351 = tpu.vector_load %arg9[%get3A_349, %get3A_350] {strides = array<i32>} : memref<1664x16xf32, #tpu.memory_space<vmem>>, vector<1x16xf32>,
      %get3A_352 = vector.shape_cast %get3A_351 : vector<1x16xf32> to vector<16xf32>
      %add3A_353 = arith.addf %get3A_320, %get3A_352 : vector<16xf32>
      %mul3A_354 = arith.mulf %get3A_352, %get3A_352 : vector<16xf32>
      %add3A_355 = arith.addf %mul3A_321, %mul3A_354 : vector<16xf32>
      %add3A_356 = arith.constant 7 : i32
      %add3A_357 = arith.addi %mul3A_296, %add3A_356 : i32
      %get3A_358 = arith.index_cast %add3A_357 : i32 to index
      %get3A_359 = arith.constant 0 : index
      %get3A_360 = tpu.vector_load %arg9[%get3A_358, %get3A_359] {strides = array<i32>} : memref<1664x16xf32, #tpu.memory_space<vmem>>, vector<1x16xf32>,
      %get3A_361 = vector.shape_cast %get3A_360 : vector<1x16xf32> to vector<16xf32>
      %add3A_362 = arith.addf %get3A_327, %get3A_361 : vector<16xf32>
      %mul3A_363 = arith.mulf %get3A_361, %get3A_361 : vector<16xf32>
      %add3A_364 = arith.addf %mul3A_328, %mul3A_363 : vector<16xf32>
      %add3A_365 = arith.constant 8 : i32
      %add3A_366 = arith.addi %mul3A_296, %add3A_365 : i32
      %get3A_367 = arith.index_cast %add3A_366 : i32 to index
      %get3A_368 = arith.constant 0 : index
      %get3A_369 = tpu.vector_load %arg9[%get3A_367, %get3A_368] {strides = array<i32>} : memref<1664x16xf32, #tpu.memory_space<vmem>>, vector<1x16xf32>,
      %get3A_370 = vector.shape_cast %get3A_369 : vector<1x16xf32> to vector<16xf32>
      %add3A_371 = arith.addf %add3A_335, %get3A_370 : vector<16xf32>
      %mul3A_372 = arith.mulf %get3A_370, %get3A_370 : vector<16xf32>
      %add3A_373 = arith.addf %add3A_337, %mul3A_372 : vector<16xf32>
      %add3A_374 = arith.constant 9 : i32
      %add3A_375 = arith.addi %mul3A_296, %add3A_374 : i32
      %get3A_376 = arith.index_cast %add3A_375 : i32 to index
      %get3A_377 = arith.constant 0 : index
      %get3A_378 = tpu.vector_load %arg9[%get3A_376, %get3A_377] {strides = array<i32>} : memref<1664x16xf32, #tpu.memory_space<vmem>>, vector<1x16xf32>,
      %get3A_379 = vector.shape_cast %get3A_378 : vector<1x16xf32> to vector<16xf32>
      %add3A_380 = arith.addf %add3A_344, %get3A_379 : vector<16xf32>
      %mul3A_381 = arith.mulf %get3A_379, %get3A_379 : vector<16xf32>
      %add3A_382 = arith.addf %add3A_346, %mul3A_381 : vector<16xf32>
      %add3A_383 = arith.constant 10 : i32
      %add3A_384 = arith.addi %mul3A_296, %add3A_383 : i32
      %get3A_385 = arith.index_cast %add3A_384 : i32 to index
      %get3A_386 = arith.constant 0 : index
      %get3A_387 = tpu.vector_load %arg9[%get3A_385, %get3A_386] {strides = array<i32>} : memref<1664x16xf32, #tpu.memory_space<vmem>>, vector<1x16xf32>,
      %get3A_388 = vector.shape_cast %get3A_387 : vector<1x16xf32> to vector<16xf32>
      %add3A_389 = arith.addf %add3A_353, %get3A_388 : vector<16xf32>
      %mul3A_390 = arith.mulf %get3A_388, %get3A_388 : vector<16xf32>
      %add3A_391 = arith.addf %add3A_355, %mul3A_390 : vector<16xf32>
      %add3A_392 = arith.constant 11 : i32
      %add3A_393 = arith.addi %mul3A_296, %add3A_392 : i32
      %get3A_394 = arith.index_cast %add3A_393 : i32 to index
      %get3A_395 = arith.constant 0 : index
      %get3A_396 = tpu.vector_load %arg9[%get3A_394, %get3A_395] {strides = array<i32>} : memref<1664x16xf32, #tpu.memory_space<vmem>>, vector<1x16xf32>,
      %get3A_397 = vector.shape_cast %get3A_396 : vector<1x16xf32> to vector<16xf32>
      %add3A_398 = arith.addf %add3A_362, %get3A_397 : vector<16xf32>
      %mul3A_399 = arith.mulf %get3A_397, %get3A_397 : vector<16xf32>
      %add3A_400 = arith.addf %add3A_364, %mul3A_399 : vector<16xf32>
      %add3A_401 = arith.constant 12 : i32
      %add3A_402 = arith.addi %mul3A_296, %add3A_401 : i32
      %get3A_403 = arith.index_cast %add3A_402 : i32 to index
      %get3A_404 = arith.constant 0 : index
      %get3A_405 = tpu.vector_load %arg9[%get3A_403, %get3A_404] {strides = array<i32>} : memref<1664x16xf32, #tpu.memory_space<vmem>>, vector<1x16xf32>,
      %get3A_406 = vector.shape_cast %get3A_405 : vector<1x16xf32> to vector<16xf32>
      %add3A_407 = arith.addf %add3A_371, %get3A_406 : vector<16xf32>
      %mul3A_408 = arith.mulf %get3A_406, %get3A_406 : vector<16xf32>
      %add3A_409 = arith.addf %add3A_373, %mul3A_408 : vector<16xf32>
      %add3A_410 = arith.constant 13 : i32
      %add3A_411 = arith.addi %mul3A_296, %add3A_410 : i32
      %get3A_412 = arith.index_cast %add3A_411 : i32 to index
      %get3A_413 = arith.constant 0 : index
      %get3A_414 = tpu.vector_load %arg9[%get3A_412, %get3A_413] {strides = array<i32>} : memref<1664x16xf32, #tpu.memory_space<vmem>>, vector<1x16xf32>,
      %get3A_415 = vector.shape_cast %get3A_414 : vector<1x16xf32> to vector<16xf32>
      %add3A_416 = arith.addf %add3A_380, %get3A_415 : vector<16xf32>
      %mul3A_417 = arith.mulf %get3A_415, %get3A_415 : vector<16xf32>
      %add3A_418 = arith.addf %add3A_382, %mul3A_417 : vector<16xf32>
      %add3A_419 = arith.constant 14 : i32
      %add3A_420 = arith.addi %mul3A_296, %add3A_419 : i32
      %get3A_421 = arith.index_cast %add3A_420 : i32 to index
      %get3A_422 = arith.constant 0 : index
      %get3A_423 = tpu.vector_load %arg9[%get3A_421, %get3A_422] {strides = array<i32>} : memref<1664x16xf32, #tpu.memory_space<vmem>>, vector<1x16xf32>,
      %get3A_424 = vector.shape_cast %get3A_423 : vector<1x16xf32> to vector<16xf32>
      %add3A_425 = arith.addf %add3A_389, %get3A_424 : vector<16xf32>
      %mul3A_426 = arith.mulf %get3A_424, %get3A_424 : vector<16xf32>
      %add3A_427 = arith.addf %add3A_391, %mul3A_426 : vector<16xf32>
      %add3A_428 = arith.constant 15 : i32
      %add3A_429 = arith.addi %mul3A_296, %add3A_428 : i32
      %get3A_430 = arith.index_cast %add3A_429 : i32 to index
      %get3A_431 = arith.constant 0 : index
      %get3A_432 = tpu.vector_load %arg9[%get3A_430, %get3A_431] {strides = array<i32>} : memref<1664x16xf32, #tpu.memory_space<vmem>>, vector<1x16xf32>,
      %get3A_433 = vector.shape_cast %get3A_432 : vector<1x16xf32> to vector<16xf32>
      %add3A_434 = arith.addf %add3A_398, %get3A_433 : vector<16xf32>
      %mul3A_435 = arith.mulf %get3A_433, %get3A_433 : vector<16xf32>
      %add3A_436 = arith.addf %add3A_400, %mul3A_435 : vector<16xf32>
      %add3A_437 = arith.constant 16 : i32
      %add3A_438 = arith.addi %mul3A_296, %add3A_437 : i32
      %get3A_439 = arith.index_cast %add3A_438 : i32 to index
      %get3A_440 = arith.constant 0 : index
      %get3A_441 = tpu.vector_load %arg9[%get3A_439, %get3A_440] {strides = array<i32>} : memref<1664x16xf32, #tpu.memory_space<vmem>>, vector<1x16xf32>,
      %get3A_442 = vector.shape_cast %get3A_441 : vector<1x16xf32> to vector<16xf32>
      %add3A_443 = arith.addf %add3A_407, %get3A_442 : vector<16xf32>
      %mul3A_444 = arith.mulf %get3A_442, %get3A_442 : vector<16xf32>
      %add3A_445 = arith.addf %add3A_409, %mul3A_444 : vector<16xf32>
      %add3A_446 = arith.constant 17 : i32
      %add3A_447 = arith.addi %mul3A_296, %add3A_446 : i32
      %get3A_448 = arith.index_cast %add3A_447 : i32 to index
      %get3A_449 = arith.constant 0 : index
      %get3A_450 = tpu.vector_load %arg9[%get3A_448, %get3A_449] {strides = array<i32>} : memref<1664x16xf32, #tpu.memory_space<vmem>>, vector<1x16xf32>,
      %get3A_451 = vector.shape_cast %get3A_450 : vector<1x16xf32> to vector<16xf32>
      %add3A_452 = arith.addf %add3A_416, %get3A_451 : vector<16xf32>
      %mul3A_453 = arith.mulf %get3A_451, %get3A_451 : vector<16xf32>
      %add3A_454 = arith.addf %add3A_418, %mul3A_453 : vector<16xf32>
      %add3A_455 = arith.constant 18 : i32
      %add3A_456 = arith.addi %mul3A_296, %add3A_455 : i32
      %get3A_457 = arith.index_cast %add3A_456 : i32 to index
      %get3A_458 = arith.constant 0 : index
      %get3A_459 = tpu.vector_load %arg9[%get3A_457, %get3A_458] {strides = array<i32>} : memref<1664x16xf32, #tpu.memory_space<vmem>>, vector<1x16xf32>,
      %get3A_460 = vector.shape_cast %get3A_459 : vector<1x16xf32> to vector<16xf32>
      %add3A_461 = arith.addf %add3A_425, %get3A_460 : vector<16xf32>
      %mul3A_462 = arith.mulf %get3A_460, %get3A_460 : vector<16xf32>
      %add3A_463 = arith.addf %add3A_427, %mul3A_462 : vector<16xf32>
      %add3A_464 = arith.constant 19 : i32
      %add3A_465 = arith.addi %mul3A_296, %add3A_464 : i32
      %get3A_466 = arith.index_cast %add3A_465 : i32 to index
      %get3A_467 = arith.constant 0 : index
      %get3A_468 = tpu.vector_load %arg9[%get3A_466, %get3A_467] {strides = array<i32>} : memref<1664x16xf32, #tpu.memory_space<vmem>>, vector<1x16xf32>,
      %get3A_469 = vector.shape_cast %get3A_468 : vector<1x16xf32> to vector<16xf32>
      %add3A_470 = arith.addf %add3A_434, %get3A_469 : vector<16xf32>
      %mul3A_471 = arith.mulf %get3A_469, %get3A_469 : vector<16xf32>
      %add3A_472 = arith.addf %add3A_436, %mul3A_471 : vector<16xf32>
      %add3A_473 = arith.constant 20 : i32
      %add3A_474 = arith.addi %mul3A_296, %add3A_473 : i32
      %get3A_475 = arith.index_cast %add3A_474 : i32 to index
      %get3A_476 = arith.constant 0 : index
      %get3A_477 = tpu.vector_load %arg9[%get3A_475, %get3A_476] {strides = array<i32>} : memref<1664x16xf32, #tpu.memory_space<vmem>>, vector<1x16xf32>,
      %get3A_478 = vector.shape_cast %get3A_477 : vector<1x16xf32> to vector<16xf32>
      %add3A_479 = arith.addf %add3A_443, %get3A_478 : vector<16xf32>
      %mul3A_480 = arith.mulf %get3A_478, %get3A_478 : vector<16xf32>
      %add3A_481 = arith.addf %add3A_445, %mul3A_480 : vector<16xf32>
      %add3A_482 = arith.constant 21 : i32
      %add3A_483 = arith.addi %mul3A_296, %add3A_482 : i32
      %get3A_484 = arith.index_cast %add3A_483 : i32 to index
      %get3A_485 = arith.constant 0 : index
      %get3A_486 = tpu.vector_load %arg9[%get3A_484, %get3A_485] {strides = array<i32>} : memref<1664x16xf32, #tpu.memory_space<vmem>>, vector<1x16xf32>,
      %get3A_487 = vector.shape_cast %get3A_486 : vector<1x16xf32> to vector<16xf32>
      %add3A_488 = arith.addf %add3A_452, %get3A_487 : vector<16xf32>
      %mul3A_489 = arith.mulf %get3A_487, %get3A_487 : vector<16xf32>
      %add3A_490 = arith.addf %add3A_454, %mul3A_489 : vector<16xf32>
      %add3A_491 = arith.constant 22 : i32
      %add3A_492 = arith.addi %mul3A_296, %add3A_491 : i32
      %get3A_493 = arith.index_cast %add3A_492 : i32 to index
      %get3A_494 = arith.constant 0 : index
      %get3A_495 = tpu.vector_load %arg9[%get3A_493, %get3A_494] {strides = array<i32>} : memref<1664x16xf32, #tpu.memory_space<vmem>>, vector<1x16xf32>,
      %get3A_496 = vector.shape_cast %get3A_495 : vector<1x16xf32> to vector<16xf32>
      %add3A_497 = arith.addf %add3A_461, %get3A_496 : vector<16xf32>
      %mul3A_498 = arith.mulf %get3A_496, %get3A_496 : vector<16xf32>
      %add3A_499 = arith.addf %add3A_463, %mul3A_498 : vector<16xf32>
      %add3A_500 = arith.constant 23 : i32
      %add3A_501 = arith.addi %mul3A_296, %add3A_500 : i32
      %get3A_502 = arith.index_cast %add3A_501 : i32 to index
      %get3A_503 = arith.constant 0 : index
      %get3A_504 = tpu.vector_load %arg9[%get3A_502, %get3A_503] {strides = array<i32>} : memref<1664x16xf32, #tpu.memory_space<vmem>>, vector<1x16xf32>,
      %get3A_505 = vector.shape_cast %get3A_504 : vector<1x16xf32> to vector<16xf32>
      %add3A_506 = arith.addf %add3A_470, %get3A_505 : vector<16xf32>
      %mul3A_507 = arith.mulf %get3A_505, %get3A_505 : vector<16xf32>
      %add3A_508 = arith.addf %add3A_472, %mul3A_507 : vector<16xf32>
      %add3A_509 = arith.constant 24 : i32
      %add3A_510 = arith.addi %mul3A_296, %add3A_509 : i32
      %get3A_511 = arith.index_cast %add3A_510 : i32 to index
      %get3A_512 = arith.constant 0 : index
      %get3A_513 = tpu.vector_load %arg9[%get3A_511, %get3A_512] {strides = array<i32>} : memref<1664x16xf32, #tpu.memory_space<vmem>>, vector<1x16xf32>,
      %get3A_514 = vector.shape_cast %get3A_513 : vector<1x16xf32> to vector<16xf32>
      %add3A_515 = arith.addf %add3A_479, %get3A_514 : vector<16xf32>
      %mul3A_516 = arith.mulf %get3A_514, %get3A_514 : vector<16xf32>
      %add3A_517 = arith.addf %add3A_481, %mul3A_516 : vector<16xf32>
      %add3A_518 = arith.constant 25 : i32
      %add3A_519 = arith.addi %mul3A_296, %add3A_518 : i32
      %get3A_520 = arith.index_cast %add3A_519 : i32 to index
      %get3A_521 = arith.constant 0 : index
      %get3A_522 = tpu.vector_load %arg9[%get3A_520, %get3A_521] {strides = array<i32>} : memref<1664x16xf32, #tpu.memory_space<vmem>>, vector<1x16xf32>,
      %get3A_523 = vector.shape_cast %get3A_522 : vector<1x16xf32> to vector<16xf32>
      %add3A_524 = arith.addf %add3A_488, %get3A_523 : vector<16xf32>
      %mul3A_525 = arith.mulf %get3A_523, %get3A_523 : vector<16xf32>
      %add3A_526 = arith.addf %add3A_490, %mul3A_525 : vector<16xf32>
      %add3A_527 = arith.addf %add3A_515, %add3A_524 : vector<16xf32>
      %add3A_528 = arith.addf %add3A_497, %add3A_506 : vector<16xf32>
      %add3A_529 = arith.addf %add3A_527, %add3A_528 : vector<16xf32>
      %add3A_530 = arith.addf %add3A_517, %add3A_526 : vector<16xf32>
      %add3A_531 = arith.addf %add3A_499, %add3A_508 : vector<16xf32>
      %add3A_532 = arith.addf %add3A_530, %add3A_531 : vector<16xf32>
      %mul3A_533 = arith.mulf %add3A_529, %add3A_529 : vector<16xf32>
      %sub3A = arith.subf %mul3A_533, %add3A_532 : vector<16xf32>
      %mul3A_534 = arith.constant 5.000000e-01 : f32
      %mul3A_535 = vector.broadcast %mul3A_534 : f32 to vector<16xf32>
      %mul3A_536 = arith.mulf %sub3A, %mul3A_535 : vector<16xf32>
      %add3A_537 = arith.addf %mul3A_536, %get3A_4 : vector<16xf32>
      %get3A_538 = arith.index_cast %add3A_300 : i32 to index
      %get3A_539 = tpu.vector_load %arg10[%get3A_538] {strides = array<i32>} : memref<13344xf32, #tpu.memory_space<vmem>>, vector<16xf32>,
      %get3A_540 = vector.shape_cast %get3A_539 : vector<16xf32> to vector<16xf32>
      %add3A_541 = arith.constant 16 : i32
      %add3A_542 = arith.addi %add3A_300, %add3A_541 : i32
      %get3A_543 = arith.index_cast %add3A_542 : i32 to index
      %get3A_544 = tpu.vector_load %arg10[%get3A_543] {strides = array<i32>} : memref<13344xf32, #tpu.memory_space<vmem>>, vector<16xf32>,
      %get3A_545 = vector.shape_cast %get3A_544 : vector<16xf32> to vector<16xf32>
      %add3A_546 = arith.addf %add3A_537, %get3A_540 : vector<16xf32>
      %lt3A = arith.constant 10 : i32
      %lt3A_547 = vector.broadcast %lt3A : i32 to vector<16xi32>
      %lt3A_548 = arith.cmpi slt, %iota3A, %lt3A_547 : vector<16xi32>
      %jit3A = arith.constant 0.000000e+00 : f32
      %broadcast_in_dim3A = vector.broadcast %jit3A : f32 to vector<16xf32>
      %select_n3A = arith.select %lt3A_548, %get3A_545, %broadcast_in_dim3A : vector<16xi1>, vector<16xf32>
      %add3A_549 = arith.addf %add3A_546, %select_n3A : vector<16xf32>
      %add3A_550 = arith.constant 64 : i32
      %add3A_551 = arith.addi %add3A_550, %mul3A_294 : i32
      %mul3A_552 = arith.constant 16 : i32
      %mul3A_553 = arith.muli %add3A_551, %mul3A_552 : i32
      %swap3A = arith.index_cast %mul3A_553 : i32 to index
      %swap3A_554 = tpu.vector_load %arg11[%swap3A] {strides = array<i32>} : memref<8192xf32, #tpu.memory_space<vmem>>, vector<16xf32>,
      %swap3A_555 = vector.shape_cast %swap3A_554 : vector<16xf32> to vector<16xf32>
      %swap3A_556 = vector.shape_cast %add3A_549 : vector<16xf32> to vector<16xf32>
      tpu.vector_store %arg11[%swap3A], %swap3A_556 {strides = array<i32>} : memref<8192xf32, #tpu.memory_space<vmem>>, vector<16xf32>,
      %mul3A_557 = arith.constant 2 : i32
      %mul3A_558 = arith.muli %scan3A_292, %mul3A_557 : i32
      %add3A_559 = arith.constant 1 : i32
      %add3A_560 = arith.addi %mul3A_558, %add3A_559 : i32
      %mul3A_561 = arith.constant 26 : i32
      %mul3A_562 = arith.muli %add3A_560, %mul3A_561 : i32
      %mul3A_563 = arith.constant 26 : i32
      %mul3A_564 = arith.muli %add3A_560, %mul3A_563 : i32
      %add3A_565 = arith.constant 1664 : i32
      %add3A_566 = arith.addi %add3A_565, %mul3A_564 : i32
      %add3A_567 = arith.constant 0 : i32
      %add3A_568 = arith.addi %mul3A_562, %add3A_567 : i32
      %get3A_569 = arith.index_cast %add3A_568 : i32 to index
      %get3A_570 = arith.constant 0 : index
      %get3A_571 = tpu.vector_load %arg9[%get3A_569, %get3A_570] {strides = array<i32>} : memref<1664x16xf32, #tpu.memory_space<vmem>>, vector<1x16xf32>,
      %get3A_572 = vector.shape_cast %get3A_571 : vector<1x16xf32> to vector<16xf32>
      %mul3A_573 = arith.mulf %get3A_572, %get3A_572 : vector<16xf32>
      %add3A_574 = arith.constant 1 : i32
      %add3A_575 = arith.addi %mul3A_562, %add3A_574 : i32
      %get3A_576 = arith.index_cast %add3A_575 : i32 to index
      %get3A_577 = arith.constant 0 : index
      %get3A_578 = tpu.vector_load %arg9[%get3A_576, %get3A_577] {strides = array<i32>} : memref<1664x16xf32, #tpu.memory_space<vmem>>, vector<1x16xf32>,
      %get3A_579 = vector.shape_cast %get3A_578 : vector<1x16xf32> to vector<16xf32>
      %mul3A_580 = arith.mulf %get3A_579, %get3A_579 : vector<16xf32>
      %add3A_581 = arith.constant 2 : i32
      %add3A_582 = arith.addi %mul3A_562, %add3A_581 : i32
      %get3A_583 = arith.index_cast %add3A_582 : i32 to index
      %get3A_584 = arith.constant 0 : index
      %get3A_585 = tpu.vector_load %arg9[%get3A_583, %get3A_584] {strides = array<i32>} : memref<1664x16xf32, #tpu.memory_space<vmem>>, vector<1x16xf32>,
      %get3A_586 = vector.shape_cast %get3A_585 : vector<1x16xf32> to vector<16xf32>
      %mul3A_587 = arith.mulf %get3A_586, %get3A_586 : vector<16xf32>
      %add3A_588 = arith.constant 3 : i32
      %add3A_589 = arith.addi %mul3A_562, %add3A_588 : i32
      %get3A_590 = arith.index_cast %add3A_589 : i32 to index
      %get3A_591 = arith.constant 0 : index
      %get3A_592 = tpu.vector_load %arg9[%get3A_590, %get3A_591] {strides = array<i32>} : memref<1664x16xf32, #tpu.memory_space<vmem>>, vector<1x16xf32>,
      %get3A_593 = vector.shape_cast %get3A_592 : vector<1x16xf32> to vector<16xf32>
      %mul3A_594 = arith.mulf %get3A_593, %get3A_593 : vector<16xf32>
      %add3A_595 = arith.constant 4 : i32
      %add3A_596 = arith.addi %mul3A_562, %add3A_595 : i32
      %get3A_597 = arith.index_cast %add3A_596 : i32 to index
      %get3A_598 = arith.constant 0 : index
      %get3A_599 = tpu.vector_load %arg9[%get3A_597, %get3A_598] {strides = array<i32>} : memref<1664x16xf32, #tpu.memory_space<vmem>>, vector<1x16xf32>,
      %get3A_600 = vector.shape_cast %get3A_599 : vector<1x16xf32> to vector<16xf32>
      %add3A_601 = arith.addf %get3A_572, %get3A_600 : vector<16xf32>
      %mul3A_602 = arith.mulf %get3A_600, %get3A_600 : vector<16xf32>
      %add3A_603 = arith.addf %mul3A_573, %mul3A_602 : vector<16xf32>
      %add3A_604 = arith.constant 5 : i32
      %add3A_605 = arith.addi %mul3A_562, %add3A_604 : i32
      %get3A_606 = arith.index_cast %add3A_605 : i32 to index
      %get3A_607 = arith.constant 0 : index
      %get3A_608 = tpu.vector_load %arg9[%get3A_606, %get3A_607] {strides = array<i32>} : memref<1664x16xf32, #tpu.memory_space<vmem>>, vector<1x16xf32>,
      %get3A_609 = vector.shape_cast %get3A_608 : vector<1x16xf32> to vector<16xf32>
      %add3A_610 = arith.addf %get3A_579, %get3A_609 : vector<16xf32>
      %mul3A_611 = arith.mulf %get3A_609, %get3A_609 : vector<16xf32>
      %add3A_612 = arith.addf %mul3A_580, %mul3A_611 : vector<16xf32>
      %add3A_613 = arith.constant 6 : i32
      %add3A_614 = arith.addi %mul3A_562, %add3A_613 : i32
      %get3A_615 = arith.index_cast %add3A_614 : i32 to index
      %get3A_616 = arith.constant 0 : index
      %get3A_617 = tpu.vector_load %arg9[%get3A_615, %get3A_616] {strides = array<i32>} : memref<1664x16xf32, #tpu.memory_space<vmem>>, vector<1x16xf32>,
      %get3A_618 = vector.shape_cast %get3A_617 : vector<1x16xf32> to vector<16xf32>
      %add3A_619 = arith.addf %get3A_586, %get3A_618 : vector<16xf32>
      %mul3A_620 = arith.mulf %get3A_618, %get3A_618 : vector<16xf32>
      %add3A_621 = arith.addf %mul3A_587, %mul3A_620 : vector<16xf32>
      %add3A_622 = arith.constant 7 : i32
      %add3A_623 = arith.addi %mul3A_562, %add3A_622 : i32
      %get3A_624 = arith.index_cast %add3A_623 : i32 to index
      %get3A_625 = arith.constant 0 : index
      %get3A_626 = tpu.vector_load %arg9[%get3A_624, %get3A_625] {strides = array<i32>} : memref<1664x16xf32, #tpu.memory_space<vmem>>, vector<1x16xf32>,
      %get3A_627 = vector.shape_cast %get3A_626 : vector<1x16xf32> to vector<16xf32>
      %add3A_628 = arith.addf %get3A_593, %get3A_627 : vector<16xf32>
      %mul3A_629 = arith.mulf %get3A_627, %get3A_627 : vector<16xf32>
      %add3A_630 = arith.addf %mul3A_594, %mul3A_629 : vector<16xf32>
      %add3A_631 = arith.constant 8 : i32
      %add3A_632 = arith.addi %mul3A_562, %add3A_631 : i32
      %get3A_633 = arith.index_cast %add3A_632 : i32 to index
      %get3A_634 = arith.constant 0 : index
      %get3A_635 = tpu.vector_load %arg9[%get3A_633, %get3A_634] {strides = array<i32>} : memref<1664x16xf32, #tpu.memory_space<vmem>>, vector<1x16xf32>,
      %get3A_636 = vector.shape_cast %get3A_635 : vector<1x16xf32> to vector<16xf32>
      %add3A_637 = arith.addf %add3A_601, %get3A_636 : vector<16xf32>
      %mul3A_638 = arith.mulf %get3A_636, %get3A_636 : vector<16xf32>
      %add3A_639 = arith.addf %add3A_603, %mul3A_638 : vector<16xf32>
      %add3A_640 = arith.constant 9 : i32
      %add3A_641 = arith.addi %mul3A_562, %add3A_640 : i32
      %get3A_642 = arith.index_cast %add3A_641 : i32 to index
      %get3A_643 = arith.constant 0 : index
      %get3A_644 = tpu.vector_load %arg9[%get3A_642, %get3A_643] {strides = array<i32>} : memref<1664x16xf32, #tpu.memory_space<vmem>>, vector<1x16xf32>,
      %get3A_645 = vector.shape_cast %get3A_644 : vector<1x16xf32> to vector<16xf32>
      %add3A_646 = arith.addf %add3A_610, %get3A_645 : vector<16xf32>
      %mul3A_647 = arith.mulf %get3A_645, %get3A_645 : vector<16xf32>
      %add3A_648 = arith.addf %add3A_612, %mul3A_647 : vector<16xf32>
      %add3A_649 = arith.constant 10 : i32
      %add3A_650 = arith.addi %mul3A_562, %add3A_649 : i32
      %get3A_651 = arith.index_cast %add3A_650 : i32 to index
      %get3A_652 = arith.constant 0 : index
      %get3A_653 = tpu.vector_load %arg9[%get3A_651, %get3A_652] {strides = array<i32>} : memref<1664x16xf32, #tpu.memory_space<vmem>>, vector<1x16xf32>,
      %get3A_654 = vector.shape_cast %get3A_653 : vector<1x16xf32> to vector<16xf32>
      %add3A_655 = arith.addf %add3A_619, %get3A_654 : vector<16xf32>
      %mul3A_656 = arith.mulf %get3A_654, %get3A_654 : vector<16xf32>
      %add3A_657 = arith.addf %add3A_621, %mul3A_656 : vector<16xf32>
      %add3A_658 = arith.constant 11 : i32
      %add3A_659 = arith.addi %mul3A_562, %add3A_658 : i32
      %get3A_660 = arith.index_cast %add3A_659 : i32 to index
      %get3A_661 = arith.constant 0 : index
      %get3A_662 = tpu.vector_load %arg9[%get3A_660, %get3A_661] {strides = array<i32>} : memref<1664x16xf32, #tpu.memory_space<vmem>>, vector<1x16xf32>,
      %get3A_663 = vector.shape_cast %get3A_662 : vector<1x16xf32> to vector<16xf32>
      %add3A_664 = arith.addf %add3A_628, %get3A_663 : vector<16xf32>
      %mul3A_665 = arith.mulf %get3A_663, %get3A_663 : vector<16xf32>
      %add3A_666 = arith.addf %add3A_630, %mul3A_665 : vector<16xf32>
      %add3A_667 = arith.constant 12 : i32
      %add3A_668 = arith.addi %mul3A_562, %add3A_667 : i32
      %get3A_669 = arith.index_cast %add3A_668 : i32 to index
      %get3A_670 = arith.constant 0 : index
      %get3A_671 = tpu.vector_load %arg9[%get3A_669, %get3A_670] {strides = array<i32>} : memref<1664x16xf32, #tpu.memory_space<vmem>>, vector<1x16xf32>,
      %get3A_672 = vector.shape_cast %get3A_671 : vector<1x16xf32> to vector<16xf32>
      %add3A_673 = arith.addf %add3A_637, %get3A_672 : vector<16xf32>
      %mul3A_674 = arith.mulf %get3A_672, %get3A_672 : vector<16xf32>
      %add3A_675 = arith.addf %add3A_639, %mul3A_674 : vector<16xf32>
      %add3A_676 = arith.constant 13 : i32
      %add3A_677 = arith.addi %mul3A_562, %add3A_676 : i32
      %get3A_678 = arith.index_cast %add3A_677 : i32 to index
      %get3A_679 = arith.constant 0 : index
      %get3A_680 = tpu.vector_load %arg9[%get3A_678, %get3A_679] {strides = array<i32>} : memref<1664x16xf32, #tpu.memory_space<vmem>>, vector<1x16xf32>,
      %get3A_681 = vector.shape_cast %get3A_680 : vector<1x16xf32> to vector<16xf32>
      %add3A_682 = arith.addf %add3A_646, %get3A_681 : vector<16xf32>
      %mul3A_683 = arith.mulf %get3A_681, %get3A_681 : vector<16xf32>
      %add3A_684 = arith.addf %add3A_648, %mul3A_683 : vector<16xf32>
      %add3A_685 = arith.constant 14 : i32
      %add3A_686 = arith.addi %mul3A_562, %add3A_685 : i32
      %get3A_687 = arith.index_cast %add3A_686 : i32 to index
      %get3A_688 = arith.constant 0 : index
      %get3A_689 = tpu.vector_load %arg9[%get3A_687, %get3A_688] {strides = array<i32>} : memref<1664x16xf32, #tpu.memory_space<vmem>>, vector<1x16xf32>,
      %get3A_690 = vector.shape_cast %get3A_689 : vector<1x16xf32> to vector<16xf32>
      %add3A_691 = arith.addf %add3A_655, %get3A_690 : vector<16xf32>
      %mul3A_692 = arith.mulf %get3A_690, %get3A_690 : vector<16xf32>
      %add3A_693 = arith.addf %add3A_657, %mul3A_692 : vector<16xf32>
      %add3A_694 = arith.constant 15 : i32
      %add3A_695 = arith.addi %mul3A_562, %add3A_694 : i32
      %get3A_696 = arith.index_cast %add3A_695 : i32 to index
      %get3A_697 = arith.constant 0 : index
      %get3A_698 = tpu.vector_load %arg9[%get3A_696, %get3A_697] {strides = array<i32>} : memref<1664x16xf32, #tpu.memory_space<vmem>>, vector<1x16xf32>,
      %get3A_699 = vector.shape_cast %get3A_698 : vector<1x16xf32> to vector<16xf32>
      %add3A_700 = arith.addf %add3A_664, %get3A_699 : vector<16xf32>
      %mul3A_701 = arith.mulf %get3A_699, %get3A_699 : vector<16xf32>
      %add3A_702 = arith.addf %add3A_666, %mul3A_701 : vector<16xf32>
      %add3A_703 = arith.constant 16 : i32
      %add3A_704 = arith.addi %mul3A_562, %add3A_703 : i32
      %get3A_705 = arith.index_cast %add3A_704 : i32 to index
      %get3A_706 = arith.constant 0 : index
      %get3A_707 = tpu.vector_load %arg9[%get3A_705, %get3A_706] {strides = array<i32>} : memref<1664x16xf32, #tpu.memory_space<vmem>>, vector<1x16xf32>,
      %get3A_708 = vector.shape_cast %get3A_707 : vector<1x16xf32> to vector<16xf32>
      %add3A_709 = arith.addf %add3A_673, %get3A_708 : vector<16xf32>
      %mul3A_710 = arith.mulf %get3A_708, %get3A_708 : vector<16xf32>
      %add3A_711 = arith.addf %add3A_675, %mul3A_710 : vector<16xf32>
      %add3A_712 = arith.constant 17 : i32
      %add3A_713 = arith.addi %mul3A_562, %add3A_712 : i32
      %get3A_714 = arith.index_cast %add3A_713 : i32 to index
      %get3A_715 = arith.constant 0 : index
      %get3A_716 = tpu.vector_load %arg9[%get3A_714, %get3A_715] {strides = array<i32>} : memref<1664x16xf32, #tpu.memory_space<vmem>>, vector<1x16xf32>,
      %get3A_717 = vector.shape_cast %get3A_716 : vector<1x16xf32> to vector<16xf32>
      %add3A_718 = arith.addf %add3A_682, %get3A_717 : vector<16xf32>
      %mul3A_719 = arith.mulf %get3A_717, %get3A_717 : vector<16xf32>
      %add3A_720 = arith.addf %add3A_684, %mul3A_719 : vector<16xf32>
      %add3A_721 = arith.constant 18 : i32
      %add3A_722 = arith.addi %mul3A_562, %add3A_721 : i32
      %get3A_723 = arith.index_cast %add3A_722 : i32 to index
      %get3A_724 = arith.constant 0 : index
      %get3A_725 = tpu.vector_load %arg9[%get3A_723, %get3A_724] {strides = array<i32>} : memref<1664x16xf32, #tpu.memory_space<vmem>>, vector<1x16xf32>,
      %get3A_726 = vector.shape_cast %get3A_725 : vector<1x16xf32> to vector<16xf32>
      %add3A_727 = arith.addf %add3A_691, %get3A_726 : vector<16xf32>
      %mul3A_728 = arith.mulf %get3A_726, %get3A_726 : vector<16xf32>
      %add3A_729 = arith.addf %add3A_693, %mul3A_728 : vector<16xf32>
      %add3A_730 = arith.constant 19 : i32
      %add3A_731 = arith.addi %mul3A_562, %add3A_730 : i32
      %get3A_732 = arith.index_cast %add3A_731 : i32 to index
      %get3A_733 = arith.constant 0 : index
      %get3A_734 = tpu.vector_load %arg9[%get3A_732, %get3A_733] {strides = array<i32>} : memref<1664x16xf32, #tpu.memory_space<vmem>>, vector<1x16xf32>,
      %get3A_735 = vector.shape_cast %get3A_734 : vector<1x16xf32> to vector<16xf32>
      %add3A_736 = arith.addf %add3A_700, %get3A_735 : vector<16xf32>
      %mul3A_737 = arith.mulf %get3A_735, %get3A_735 : vector<16xf32>
      %add3A_738 = arith.addf %add3A_702, %mul3A_737 : vector<16xf32>
      %add3A_739 = arith.constant 20 : i32
      %add3A_740 = arith.addi %mul3A_562, %add3A_739 : i32
      %get3A_741 = arith.index_cast %add3A_740 : i32 to index
      %get3A_742 = arith.constant 0 : index
      %get3A_743 = tpu.vector_load %arg9[%get3A_741, %get3A_742] {strides = array<i32>} : memref<1664x16xf32, #tpu.memory_space<vmem>>, vector<1x16xf32>,
      %get3A_744 = vector.shape_cast %get3A_743 : vector<1x16xf32> to vector<16xf32>
      %add3A_745 = arith.addf %add3A_709, %get3A_744 : vector<16xf32>
      %mul3A_746 = arith.mulf %get3A_744, %get3A_744 : vector<16xf32>
      %add3A_747 = arith.addf %add3A_711, %mul3A_746 : vector<16xf32>
      %add3A_748 = arith.constant 21 : i32
      %add3A_749 = arith.addi %mul3A_562, %add3A_748 : i32
      %get3A_750 = arith.index_cast %add3A_749 : i32 to index
      %get3A_751 = arith.constant 0 : index
      %get3A_752 = tpu.vector_load %arg9[%get3A_750, %get3A_751] {strides = array<i32>} : memref<1664x16xf32, #tpu.memory_space<vmem>>, vector<1x16xf32>,
      %get3A_753 = vector.shape_cast %get3A_752 : vector<1x16xf32> to vector<16xf32>
      %add3A_754 = arith.addf %add3A_718, %get3A_753 : vector<16xf32>
      %mul3A_755 = arith.mulf %get3A_753, %get3A_753 : vector<16xf32>
      %add3A_756 = arith.addf %add3A_720, %mul3A_755 : vector<16xf32>
      %add3A_757 = arith.constant 22 : i32
      %add3A_758 = arith.addi %mul3A_562, %add3A_757 : i32
      %get3A_759 = arith.index_cast %add3A_758 : i32 to index
      %get3A_760 = arith.constant 0 : index
      %get3A_761 = tpu.vector_load %arg9[%get3A_759, %get3A_760] {strides = array<i32>} : memref<1664x16xf32, #tpu.memory_space<vmem>>, vector<1x16xf32>,
      %get3A_762 = vector.shape_cast %get3A_761 : vector<1x16xf32> to vector<16xf32>
      %add3A_763 = arith.addf %add3A_727, %get3A_762 : vector<16xf32>
      %mul3A_764 = arith.mulf %get3A_762, %get3A_762 : vector<16xf32>
      %add3A_765 = arith.addf %add3A_729, %mul3A_764 : vector<16xf32>
      %add3A_766 = arith.constant 23 : i32
      %add3A_767 = arith.addi %mul3A_562, %add3A_766 : i32
      %get3A_768 = arith.index_cast %add3A_767 : i32 to index
      %get3A_769 = arith.constant 0 : index
      %get3A_770 = tpu.vector_load %arg9[%get3A_768, %get3A_769] {strides = array<i32>} : memref<1664x16xf32, #tpu.memory_space<vmem>>, vector<1x16xf32>,
      %get3A_771 = vector.shape_cast %get3A_770 : vector<1x16xf32> to vector<16xf32>
      %add3A_772 = arith.addf %add3A_736, %get3A_771 : vector<16xf32>
      %mul3A_773 = arith.mulf %get3A_771, %get3A_771 : vector<16xf32>
      %add3A_774 = arith.addf %add3A_738, %mul3A_773 : vector<16xf32>
      %add3A_775 = arith.constant 24 : i32
      %add3A_776 = arith.addi %mul3A_562, %add3A_775 : i32
      %get3A_777 = arith.index_cast %add3A_776 : i32 to index
      %get3A_778 = arith.constant 0 : index
      %get3A_779 = tpu.vector_load %arg9[%get3A_777, %get3A_778] {strides = array<i32>} : memref<1664x16xf32, #tpu.memory_space<vmem>>, vector<1x16xf32>,
      %get3A_780 = vector.shape_cast %get3A_779 : vector<1x16xf32> to vector<16xf32>
      %add3A_781 = arith.addf %add3A_745, %get3A_780 : vector<16xf32>
      %mul3A_782 = arith.mulf %get3A_780, %get3A_780 : vector<16xf32>
      %add3A_783 = arith.addf %add3A_747, %mul3A_782 : vector<16xf32>
      %add3A_784 = arith.constant 25 : i32
      %add3A_785 = arith.addi %mul3A_562, %add3A_784 : i32
      %get3A_786 = arith.index_cast %add3A_785 : i32 to index
      %get3A_787 = arith.constant 0 : index
      %get3A_788 = tpu.vector_load %arg9[%get3A_786, %get3A_787] {strides = array<i32>} : memref<1664x16xf32, #tpu.memory_space<vmem>>, vector<1x16xf32>,
      %get3A_789 = vector.shape_cast %get3A_788 : vector<1x16xf32> to vector<16xf32>
      %add3A_790 = arith.addf %add3A_754, %get3A_789 : vector<16xf32>
      %mul3A_791 = arith.mulf %get3A_789, %get3A_789 : vector<16xf32>
      %add3A_792 = arith.addf %add3A_756, %mul3A_791 : vector<16xf32>
      %add3A_793 = arith.addf %add3A_781, %add3A_790 : vector<16xf32>
      %add3A_794 = arith.addf %add3A_763, %add3A_772 : vector<16xf32>
      %add3A_795 = arith.addf %add3A_793, %add3A_794 : vector<16xf32>
      %add3A_796 = arith.addf %add3A_783, %add3A_792 : vector<16xf32>
      %add3A_797 = arith.addf %add3A_765, %add3A_774 : vector<16xf32>
      %add3A_798 = arith.addf %add3A_796, %add3A_797 : vector<16xf32>
      %mul3A_799 = arith.mulf %add3A_795, %add3A_795 : vector<16xf32>
      %sub3A_800 = arith.subf %mul3A_799, %add3A_798 : vector<16xf32>
      %mul3A_801 = arith.constant 5.000000e-01 : f32
      %mul3A_802 = vector.broadcast %mul3A_801 : f32 to vector<16xf32>
      %mul3A_803 = arith.mulf %sub3A_800, %mul3A_802 : vector<16xf32>
      %add3A_804 = arith.addf %mul3A_803, %get3A_4 : vector<16xf32>
      %get3A_805 = arith.index_cast %add3A_566 : i32 to index
      %get3A_806 = tpu.vector_load %arg10[%get3A_805] {strides = array<i32>} : memref<13344xf32, #tpu.memory_space<vmem>>, vector<16xf32>,
      %get3A_807 = vector.shape_cast %get3A_806 : vector<16xf32> to vector<16xf32>
      %add3A_808 = arith.constant 16 : i32
      %add3A_809 = arith.addi %add3A_566, %add3A_808 : i32
      %get3A_810 = arith.index_cast %add3A_809 : i32 to index
      %get3A_811 = tpu.vector_load %arg10[%get3A_810] {strides = array<i32>} : memref<13344xf32, #tpu.memory_space<vmem>>, vector<16xf32>,
      %get3A_812 = vector.shape_cast %get3A_811 : vector<16xf32> to vector<16xf32>
      %add3A_813 = arith.addf %add3A_804, %get3A_807 : vector<16xf32>
      %lt3A_814 = arith.constant 10 : i32
      %lt3A_815 = vector.broadcast %lt3A_814 : i32 to vector<16xi32>
      %lt3A_816 = arith.cmpi slt, %iota3A, %lt3A_815 : vector<16xi32>
      %jit3A_817 = arith.constant 0.000000e+00 : f32
      %broadcast_in_dim3A_818 = vector.broadcast %jit3A_817 : f32 to vector<16xf32>
      %select_n3A_819 = arith.select %lt3A_816, %get3A_812, %broadcast_in_dim3A_818 : vector<16xi1>, vector<16xf32>
      %add3A_820 = arith.addf %add3A_813, %select_n3A_819 : vector<16xf32>
      %add3A_821 = arith.constant 64 : i32
      %add3A_822 = arith.addi %add3A_821, %add3A_560 : i32
      %mul3A_823 = arith.constant 16 : i32
      %mul3A_824 = arith.muli %add3A_822, %mul3A_823 : i32
      %swap3A_825 = arith.index_cast %mul3A_824 : i32 to index
      %swap3A_826 = tpu.vector_load %arg11[%swap3A_825] {strides = array<i32>} : memref<8192xf32, #tpu.memory_space<vmem>>, vector<16xf32>,
      %swap3A_827 = vector.shape_cast %swap3A_826 : vector<16xf32> to vector<16xf32>
      %swap3A_828 = vector.shape_cast %add3A_820 : vector<16xf32> to vector<16xf32>
      tpu.vector_store %arg11[%swap3A_825], %swap3A_828 {strides = array<i32>} : memref<8192xf32, #tpu.memory_space<vmem>>, vector<16xf32>,
    }
    %scan3A_88 = arith.constant 32 : i32
    %dma_start3A_89 = arith.constant 3 : i32
    %dma_start3A_90 = arith.constant 0 : i32
    %dma_start3A_91 = tpu.memref_slice %arg7[%dma_start3A_89, %dma_start3A_90] : memref<8x1664xi32, #tpu.memory_space<vmem>> -> memref<1x1664xi32, #tpu.memory_space<vmem>>
    %dma_start3A_92 = tpu.memref_squeeze %dma_start3A_91 : memref<1x1664xi32, #tpu.memory_space<vmem>> -> memref<1664xi32, #tpu.memory_space<vmem>>
    %dma_start3A_93 = arith.constant 0 : i32
    %dma_start3A_94 = arith.constant 0 : i32
    %dma_start3A_95 = tpu.memref_slice %arg3[%dma_start3A_93, %dma_start3A_94] : memref<200000x16xf32, #tpu.memory_space<hbm>> -> memref<200000x16xf32, #tpu.memory_space<hbm>>
    tpu.enqueue_indirect_dma source(%dma_start3A_95 : memref<200000x16xf32, #tpu.memory_space<hbm>>) target(%arg9 : memref<1664x16xf32, #tpu.memory_space<vmem>>) offsets(%dma_start3A_92 : memref<1664xi32, #tpu.memory_space<vmem>>) semaphore(%arg14 : memref<!tpu.dma_semaphore, #tpu.memory_space<semaphore_mem>>)
    %dma_start3A_96 = arith.constant 3 : i32
    %dma_start3A_97 = arith.constant 4992 : i32
    %dma_start3A_98 = tpu.memref_slice %arg10[%dma_start3A_97] : memref<13344xf32, #tpu.memory_space<vmem>> -> memref<1664xf32, #tpu.memory_space<vmem>>
    %dma_start3A_99 = arith.constant 0 : i32
    %dma_start3A_100 = tpu.memref_slice %arg7[%dma_start3A_96, %dma_start3A_99] : memref<8x1664xi32, #tpu.memory_space<vmem>> -> memref<1x1664xi32, #tpu.memory_space<vmem>>
    %dma_start3A_101 = tpu.memref_squeeze %dma_start3A_100 : memref<1x1664xi32, #tpu.memory_space<vmem>> -> memref<1664xi32, #tpu.memory_space<vmem>>
    %dma_start3A_102 = arith.constant 0 : i32
    %dma_start3A_103 = tpu.memref_slice %arg4[%dma_start3A_102] : memref<200000xf32, #tpu.memory_space<hbm>> -> memref<200000xf32, #tpu.memory_space<hbm>>
    tpu.enqueue_indirect_dma source(%dma_start3A_103 : memref<200000xf32, #tpu.memory_space<hbm>>) target(%dma_start3A_98 : memref<1664xf32, #tpu.memory_space<vmem>>) offsets(%dma_start3A_101 : memref<1664xi32, #tpu.memory_space<vmem>>) semaphore(%arg14 : memref<!tpu.dma_semaphore, #tpu.memory_space<semaphore_mem>>)
    %dma_wait3A_104 = arith.constant 2 : i32
    %dma_wait3A_105 = arith.constant 0 : i32
    %dma_wait3A_106 = tpu.memref_slice %arg7[%dma_wait3A_104, %dma_wait3A_105] : memref<8x1664xi32, #tpu.memory_space<vmem>> -> memref<1x1664xi32, #tpu.memory_space<vmem>>
    %dma_wait3A_107 = tpu.memref_squeeze %dma_wait3A_106 : memref<1x1664xi32, #tpu.memory_space<vmem>> -> memref<1664xi32, #tpu.memory_space<vmem>>
    %dma_wait3A_108 = arith.constant 0 : i32
    %dma_wait3A_109 = arith.constant 0 : i32
    %dma_wait3A_110 = tpu.memref_slice %arg3[%dma_wait3A_108, %dma_wait3A_109] : memref<200000x16xf32, #tpu.memory_space<hbm>> -> memref<200000x16xf32, #tpu.memory_space<hbm>>
    tpu.wait_indirect_dma semaphore(%arg13 : memref<!tpu.dma_semaphore, #tpu.memory_space<semaphore_mem>>) src(%dma_wait3A_110 : memref<200000x16xf32, #tpu.memory_space<hbm>>) dst(%arg8 : memref<1664x16xf32, #tpu.memory_space<vmem>>)
    %dma_wait3A_111 = arith.constant 2 : i32
    %dma_wait3A_112 = arith.constant 3328 : i32
    %dma_wait3A_113 = tpu.memref_slice %arg10[%dma_wait3A_112] : memref<13344xf32, #tpu.memory_space<vmem>> -> memref<1664xf32, #tpu.memory_space<vmem>>
    %dma_wait3A_114 = arith.constant 0 : i32
    %dma_wait3A_115 = tpu.memref_slice %arg7[%dma_wait3A_111, %dma_wait3A_114] : memref<8x1664xi32, #tpu.memory_space<vmem>> -> memref<1x1664xi32, #tpu.memory_space<vmem>>
    %dma_wait3A_116 = tpu.memref_squeeze %dma_wait3A_115 : memref<1x1664xi32, #tpu.memory_space<vmem>> -> memref<1664xi32, #tpu.memory_space<vmem>>
    %dma_wait3A_117 = arith.constant 0 : i32
    %dma_wait3A_118 = tpu.memref_slice %arg4[%dma_wait3A_117] : memref<200000xf32, #tpu.memory_space<hbm>> -> memref<200000xf32, #tpu.memory_space<hbm>>
    tpu.wait_indirect_dma semaphore(%arg13 : memref<!tpu.dma_semaphore, #tpu.memory_space<semaphore_mem>>) src(%dma_wait3A_118 : memref<200000xf32, #tpu.memory_space<hbm>>) dst(%dma_wait3A_113 : memref<1664xf32, #tpu.memory_space<vmem>>)
    %scan3A_119 = arith.constant 0 : i32
    %scan3A_120 = arith.constant 0 : i32
    %scan3A_121 = arith.constant 32 : i32
    %scan3A_122 = arith.addi %scan3A_120, %scan3A_121 : i32
    %scan3A_123 = arith.constant 1 : i32
    scf.for %scan3A_292 = %scan3A_120 to %scan3A_122 step %scan3A_123  : i32 {
      %mul3A_293 = arith.constant 2 : i32
      %mul3A_294 = arith.muli %scan3A_292, %mul3A_293 : i32
      %mul3A_295 = arith.constant 26 : i32
      %mul3A_296 = arith.muli %mul3A_294, %mul3A_295 : i32
      %mul3A_297 = arith.constant 26 : i32
      %mul3A_298 = arith.muli %mul3A_294, %mul3A_297 : i32
      %add3A_299 = arith.constant 3328 : i32
      %add3A_300 = arith.addi %add3A_299, %mul3A_298 : i32
      %add3A_301 = arith.constant 0 : i32
      %add3A_302 = arith.addi %mul3A_296, %add3A_301 : i32
      %get3A_303 = arith.index_cast %add3A_302 : i32 to index
      %get3A_304 = arith.constant 0 : index
      %get3A_305 = tpu.vector_load %arg8[%get3A_303, %get3A_304] {strides = array<i32>} : memref<1664x16xf32, #tpu.memory_space<vmem>>, vector<1x16xf32>,
      %get3A_306 = vector.shape_cast %get3A_305 : vector<1x16xf32> to vector<16xf32>
      %mul3A_307 = arith.mulf %get3A_306, %get3A_306 : vector<16xf32>
      %add3A_308 = arith.constant 1 : i32
      %add3A_309 = arith.addi %mul3A_296, %add3A_308 : i32
      %get3A_310 = arith.index_cast %add3A_309 : i32 to index
      %get3A_311 = arith.constant 0 : index
      %get3A_312 = tpu.vector_load %arg8[%get3A_310, %get3A_311] {strides = array<i32>} : memref<1664x16xf32, #tpu.memory_space<vmem>>, vector<1x16xf32>,
      %get3A_313 = vector.shape_cast %get3A_312 : vector<1x16xf32> to vector<16xf32>
      %mul3A_314 = arith.mulf %get3A_313, %get3A_313 : vector<16xf32>
      %add3A_315 = arith.constant 2 : i32
      %add3A_316 = arith.addi %mul3A_296, %add3A_315 : i32
      %get3A_317 = arith.index_cast %add3A_316 : i32 to index
      %get3A_318 = arith.constant 0 : index
      %get3A_319 = tpu.vector_load %arg8[%get3A_317, %get3A_318] {strides = array<i32>} : memref<1664x16xf32, #tpu.memory_space<vmem>>, vector<1x16xf32>,
      %get3A_320 = vector.shape_cast %get3A_319 : vector<1x16xf32> to vector<16xf32>
      %mul3A_321 = arith.mulf %get3A_320, %get3A_320 : vector<16xf32>
      %add3A_322 = arith.constant 3 : i32
      %add3A_323 = arith.addi %mul3A_296, %add3A_322 : i32
      %get3A_324 = arith.index_cast %add3A_323 : i32 to index
      %get3A_325 = arith.constant 0 : index
      %get3A_326 = tpu.vector_load %arg8[%get3A_324, %get3A_325] {strides = array<i32>} : memref<1664x16xf32, #tpu.memory_space<vmem>>, vector<1x16xf32>,
      %get3A_327 = vector.shape_cast %get3A_326 : vector<1x16xf32> to vector<16xf32>
      %mul3A_328 = arith.mulf %get3A_327, %get3A_327 : vector<16xf32>
      %add3A_329 = arith.constant 4 : i32
      %add3A_330 = arith.addi %mul3A_296, %add3A_329 : i32
      %get3A_331 = arith.index_cast %add3A_330 : i32 to index
      %get3A_332 = arith.constant 0 : index
      %get3A_333 = tpu.vector_load %arg8[%get3A_331, %get3A_332] {strides = array<i32>} : memref<1664x16xf32, #tpu.memory_space<vmem>>, vector<1x16xf32>,
      %get3A_334 = vector.shape_cast %get3A_333 : vector<1x16xf32> to vector<16xf32>
      %add3A_335 = arith.addf %get3A_306, %get3A_334 : vector<16xf32>
      %mul3A_336 = arith.mulf %get3A_334, %get3A_334 : vector<16xf32>
      %add3A_337 = arith.addf %mul3A_307, %mul3A_336 : vector<16xf32>
      %add3A_338 = arith.constant 5 : i32
      %add3A_339 = arith.addi %mul3A_296, %add3A_338 : i32
      %get3A_340 = arith.index_cast %add3A_339 : i32 to index
      %get3A_341 = arith.constant 0 : index
      %get3A_342 = tpu.vector_load %arg8[%get3A_340, %get3A_341] {strides = array<i32>} : memref<1664x16xf32, #tpu.memory_space<vmem>>, vector<1x16xf32>,
      %get3A_343 = vector.shape_cast %get3A_342 : vector<1x16xf32> to vector<16xf32>
      %add3A_344 = arith.addf %get3A_313, %get3A_343 : vector<16xf32>
      %mul3A_345 = arith.mulf %get3A_343, %get3A_343 : vector<16xf32>
      %add3A_346 = arith.addf %mul3A_314, %mul3A_345 : vector<16xf32>
      %add3A_347 = arith.constant 6 : i32
      %add3A_348 = arith.addi %mul3A_296, %add3A_347 : i32
      %get3A_349 = arith.index_cast %add3A_348 : i32 to index
      %get3A_350 = arith.constant 0 : index
      %get3A_351 = tpu.vector_load %arg8[%get3A_349, %get3A_350] {strides = array<i32>} : memref<1664x16xf32, #tpu.memory_space<vmem>>, vector<1x16xf32>,
      %get3A_352 = vector.shape_cast %get3A_351 : vector<1x16xf32> to vector<16xf32>
      %add3A_353 = arith.addf %get3A_320, %get3A_352 : vector<16xf32>
      %mul3A_354 = arith.mulf %get3A_352, %get3A_352 : vector<16xf32>
      %add3A_355 = arith.addf %mul3A_321, %mul3A_354 : vector<16xf32>
      %add3A_356 = arith.constant 7 : i32
      %add3A_357 = arith.addi %mul3A_296, %add3A_356 : i32
      %get3A_358 = arith.index_cast %add3A_357 : i32 to index
      %get3A_359 = arith.constant 0 : index
      %get3A_360 = tpu.vector_load %arg8[%get3A_358, %get3A_359] {strides = array<i32>} : memref<1664x16xf32, #tpu.memory_space<vmem>>, vector<1x16xf32>,
      %get3A_361 = vector.shape_cast %get3A_360 : vector<1x16xf32> to vector<16xf32>
      %add3A_362 = arith.addf %get3A_327, %get3A_361 : vector<16xf32>
      %mul3A_363 = arith.mulf %get3A_361, %get3A_361 : vector<16xf32>
      %add3A_364 = arith.addf %mul3A_328, %mul3A_363 : vector<16xf32>
      %add3A_365 = arith.constant 8 : i32
      %add3A_366 = arith.addi %mul3A_296, %add3A_365 : i32
      %get3A_367 = arith.index_cast %add3A_366 : i32 to index
      %get3A_368 = arith.constant 0 : index
      %get3A_369 = tpu.vector_load %arg8[%get3A_367, %get3A_368] {strides = array<i32>} : memref<1664x16xf32, #tpu.memory_space<vmem>>, vector<1x16xf32>,
      %get3A_370 = vector.shape_cast %get3A_369 : vector<1x16xf32> to vector<16xf32>
      %add3A_371 = arith.addf %add3A_335, %get3A_370 : vector<16xf32>
      %mul3A_372 = arith.mulf %get3A_370, %get3A_370 : vector<16xf32>
      %add3A_373 = arith.addf %add3A_337, %mul3A_372 : vector<16xf32>
      %add3A_374 = arith.constant 9 : i32
      %add3A_375 = arith.addi %mul3A_296, %add3A_374 : i32
      %get3A_376 = arith.index_cast %add3A_375 : i32 to index
      %get3A_377 = arith.constant 0 : index
      %get3A_378 = tpu.vector_load %arg8[%get3A_376, %get3A_377] {strides = array<i32>} : memref<1664x16xf32, #tpu.memory_space<vmem>>, vector<1x16xf32>,
      %get3A_379 = vector.shape_cast %get3A_378 : vector<1x16xf32> to vector<16xf32>
      %add3A_380 = arith.addf %add3A_344, %get3A_379 : vector<16xf32>
      %mul3A_381 = arith.mulf %get3A_379, %get3A_379 : vector<16xf32>
      %add3A_382 = arith.addf %add3A_346, %mul3A_381 : vector<16xf32>
      %add3A_383 = arith.constant 10 : i32
      %add3A_384 = arith.addi %mul3A_296, %add3A_383 : i32
      %get3A_385 = arith.index_cast %add3A_384 : i32 to index
      %get3A_386 = arith.constant 0 : index
      %get3A_387 = tpu.vector_load %arg8[%get3A_385, %get3A_386] {strides = array<i32>} : memref<1664x16xf32, #tpu.memory_space<vmem>>, vector<1x16xf32>,
      %get3A_388 = vector.shape_cast %get3A_387 : vector<1x16xf32> to vector<16xf32>
      %add3A_389 = arith.addf %add3A_353, %get3A_388 : vector<16xf32>
      %mul3A_390 = arith.mulf %get3A_388, %get3A_388 : vector<16xf32>
      %add3A_391 = arith.addf %add3A_355, %mul3A_390 : vector<16xf32>
      %add3A_392 = arith.constant 11 : i32
      %add3A_393 = arith.addi %mul3A_296, %add3A_392 : i32
      %get3A_394 = arith.index_cast %add3A_393 : i32 to index
      %get3A_395 = arith.constant 0 : index
      %get3A_396 = tpu.vector_load %arg8[%get3A_394, %get3A_395] {strides = array<i32>} : memref<1664x16xf32, #tpu.memory_space<vmem>>, vector<1x16xf32>,
      %get3A_397 = vector.shape_cast %get3A_396 : vector<1x16xf32> to vector<16xf32>
      %add3A_398 = arith.addf %add3A_362, %get3A_397 : vector<16xf32>
      %mul3A_399 = arith.mulf %get3A_397, %get3A_397 : vector<16xf32>
      %add3A_400 = arith.addf %add3A_364, %mul3A_399 : vector<16xf32>
      %add3A_401 = arith.constant 12 : i32
      %add3A_402 = arith.addi %mul3A_296, %add3A_401 : i32
      %get3A_403 = arith.index_cast %add3A_402 : i32 to index
      %get3A_404 = arith.constant 0 : index
      %get3A_405 = tpu.vector_load %arg8[%get3A_403, %get3A_404] {strides = array<i32>} : memref<1664x16xf32, #tpu.memory_space<vmem>>, vector<1x16xf32>,
      %get3A_406 = vector.shape_cast %get3A_405 : vector<1x16xf32> to vector<16xf32>
      %add3A_407 = arith.addf %add3A_371, %get3A_406 : vector<16xf32>
      %mul3A_408 = arith.mulf %get3A_406, %get3A_406 : vector<16xf32>
      %add3A_409 = arith.addf %add3A_373, %mul3A_408 : vector<16xf32>
      %add3A_410 = arith.constant 13 : i32
      %add3A_411 = arith.addi %mul3A_296, %add3A_410 : i32
      %get3A_412 = arith.index_cast %add3A_411 : i32 to index
      %get3A_413 = arith.constant 0 : index
      %get3A_414 = tpu.vector_load %arg8[%get3A_412, %get3A_413] {strides = array<i32>} : memref<1664x16xf32, #tpu.memory_space<vmem>>, vector<1x16xf32>,
      %get3A_415 = vector.shape_cast %get3A_414 : vector<1x16xf32> to vector<16xf32>
      %add3A_416 = arith.addf %add3A_380, %get3A_415 : vector<16xf32>
      %mul3A_417 = arith.mulf %get3A_415, %get3A_415 : vector<16xf32>
      %add3A_418 = arith.addf %add3A_382, %mul3A_417 : vector<16xf32>
      %add3A_419 = arith.constant 14 : i32
      %add3A_420 = arith.addi %mul3A_296, %add3A_419 : i32
      %get3A_421 = arith.index_cast %add3A_420 : i32 to index
      %get3A_422 = arith.constant 0 : index
      %get3A_423 = tpu.vector_load %arg8[%get3A_421, %get3A_422] {strides = array<i32>} : memref<1664x16xf32, #tpu.memory_space<vmem>>, vector<1x16xf32>,
      %get3A_424 = vector.shape_cast %get3A_423 : vector<1x16xf32> to vector<16xf32>
      %add3A_425 = arith.addf %add3A_389, %get3A_424 : vector<16xf32>
      %mul3A_426 = arith.mulf %get3A_424, %get3A_424 : vector<16xf32>
      %add3A_427 = arith.addf %add3A_391, %mul3A_426 : vector<16xf32>
      %add3A_428 = arith.constant 15 : i32
      %add3A_429 = arith.addi %mul3A_296, %add3A_428 : i32
      %get3A_430 = arith.index_cast %add3A_429 : i32 to index
      %get3A_431 = arith.constant 0 : index
      %get3A_432 = tpu.vector_load %arg8[%get3A_430, %get3A_431] {strides = array<i32>} : memref<1664x16xf32, #tpu.memory_space<vmem>>, vector<1x16xf32>,
      %get3A_433 = vector.shape_cast %get3A_432 : vector<1x16xf32> to vector<16xf32>
      %add3A_434 = arith.addf %add3A_398, %get3A_433 : vector<16xf32>
      %mul3A_435 = arith.mulf %get3A_433, %get3A_433 : vector<16xf32>
      %add3A_436 = arith.addf %add3A_400, %mul3A_435 : vector<16xf32>
      %add3A_437 = arith.constant 16 : i32
      %add3A_438 = arith.addi %mul3A_296, %add3A_437 : i32
      %get3A_439 = arith.index_cast %add3A_438 : i32 to index
      %get3A_440 = arith.constant 0 : index
      %get3A_441 = tpu.vector_load %arg8[%get3A_439, %get3A_440] {strides = array<i32>} : memref<1664x16xf32, #tpu.memory_space<vmem>>, vector<1x16xf32>,
      %get3A_442 = vector.shape_cast %get3A_441 : vector<1x16xf32> to vector<16xf32>
      %add3A_443 = arith.addf %add3A_407, %get3A_442 : vector<16xf32>
      %mul3A_444 = arith.mulf %get3A_442, %get3A_442 : vector<16xf32>
      %add3A_445 = arith.addf %add3A_409, %mul3A_444 : vector<16xf32>
      %add3A_446 = arith.constant 17 : i32
      %add3A_447 = arith.addi %mul3A_296, %add3A_446 : i32
      %get3A_448 = arith.index_cast %add3A_447 : i32 to index
      %get3A_449 = arith.constant 0 : index
      %get3A_450 = tpu.vector_load %arg8[%get3A_448, %get3A_449] {strides = array<i32>} : memref<1664x16xf32, #tpu.memory_space<vmem>>, vector<1x16xf32>,
      %get3A_451 = vector.shape_cast %get3A_450 : vector<1x16xf32> to vector<16xf32>
      %add3A_452 = arith.addf %add3A_416, %get3A_451 : vector<16xf32>
      %mul3A_453 = arith.mulf %get3A_451, %get3A_451 : vector<16xf32>
      %add3A_454 = arith.addf %add3A_418, %mul3A_453 : vector<16xf32>
      %add3A_455 = arith.constant 18 : i32
      %add3A_456 = arith.addi %mul3A_296, %add3A_455 : i32
      %get3A_457 = arith.index_cast %add3A_456 : i32 to index
      %get3A_458 = arith.constant 0 : index
      %get3A_459 = tpu.vector_load %arg8[%get3A_457, %get3A_458] {strides = array<i32>} : memref<1664x16xf32, #tpu.memory_space<vmem>>, vector<1x16xf32>,
      %get3A_460 = vector.shape_cast %get3A_459 : vector<1x16xf32> to vector<16xf32>
      %add3A_461 = arith.addf %add3A_425, %get3A_460 : vector<16xf32>
      %mul3A_462 = arith.mulf %get3A_460, %get3A_460 : vector<16xf32>
      %add3A_463 = arith.addf %add3A_427, %mul3A_462 : vector<16xf32>
      %add3A_464 = arith.constant 19 : i32
      %add3A_465 = arith.addi %mul3A_296, %add3A_464 : i32
      %get3A_466 = arith.index_cast %add3A_465 : i32 to index
      %get3A_467 = arith.constant 0 : index
      %get3A_468 = tpu.vector_load %arg8[%get3A_466, %get3A_467] {strides = array<i32>} : memref<1664x16xf32, #tpu.memory_space<vmem>>, vector<1x16xf32>,
      %get3A_469 = vector.shape_cast %get3A_468 : vector<1x16xf32> to vector<16xf32>
      %add3A_470 = arith.addf %add3A_434, %get3A_469 : vector<16xf32>
      %mul3A_471 = arith.mulf %get3A_469, %get3A_469 : vector<16xf32>
      %add3A_472 = arith.addf %add3A_436, %mul3A_471 : vector<16xf32>
      %add3A_473 = arith.constant 20 : i32
      %add3A_474 = arith.addi %mul3A_296, %add3A_473 : i32
      %get3A_475 = arith.index_cast %add3A_474 : i32 to index
      %get3A_476 = arith.constant 0 : index
      %get3A_477 = tpu.vector_load %arg8[%get3A_475, %get3A_476] {strides = array<i32>} : memref<1664x16xf32, #tpu.memory_space<vmem>>, vector<1x16xf32>,
      %get3A_478 = vector.shape_cast %get3A_477 : vector<1x16xf32> to vector<16xf32>
      %add3A_479 = arith.addf %add3A_443, %get3A_478 : vector<16xf32>
      %mul3A_480 = arith.mulf %get3A_478, %get3A_478 : vector<16xf32>
      %add3A_481 = arith.addf %add3A_445, %mul3A_480 : vector<16xf32>
      %add3A_482 = arith.constant 21 : i32
      %add3A_483 = arith.addi %mul3A_296, %add3A_482 : i32
      %get3A_484 = arith.index_cast %add3A_483 : i32 to index
      %get3A_485 = arith.constant 0 : index
      %get3A_486 = tpu.vector_load %arg8[%get3A_484, %get3A_485] {strides = array<i32>} : memref<1664x16xf32, #tpu.memory_space<vmem>>, vector<1x16xf32>,
      %get3A_487 = vector.shape_cast %get3A_486 : vector<1x16xf32> to vector<16xf32>
      %add3A_488 = arith.addf %add3A_452, %get3A_487 : vector<16xf32>
      %mul3A_489 = arith.mulf %get3A_487, %get3A_487 : vector<16xf32>
      %add3A_490 = arith.addf %add3A_454, %mul3A_489 : vector<16xf32>
      %add3A_491 = arith.constant 22 : i32
      %add3A_492 = arith.addi %mul3A_296, %add3A_491 : i32
      %get3A_493 = arith.index_cast %add3A_492 : i32 to index
      %get3A_494 = arith.constant 0 : index
      %get3A_495 = tpu.vector_load %arg8[%get3A_493, %get3A_494] {strides = array<i32>} : memref<1664x16xf32, #tpu.memory_space<vmem>>, vector<1x16xf32>,
      %get3A_496 = vector.shape_cast %get3A_495 : vector<1x16xf32> to vector<16xf32>
      %add3A_497 = arith.addf %add3A_461, %get3A_496 : vector<16xf32>
      %mul3A_498 = arith.mulf %get3A_496, %get3A_496 : vector<16xf32>
      %add3A_499 = arith.addf %add3A_463, %mul3A_498 : vector<16xf32>
      %add3A_500 = arith.constant 23 : i32
      %add3A_501 = arith.addi %mul3A_296, %add3A_500 : i32
      %get3A_502 = arith.index_cast %add3A_501 : i32 to index
      %get3A_503 = arith.constant 0 : index
      %get3A_504 = tpu.vector_load %arg8[%get3A_502, %get3A_503] {strides = array<i32>} : memref<1664x16xf32, #tpu.memory_space<vmem>>, vector<1x16xf32>,
      %get3A_505 = vector.shape_cast %get3A_504 : vector<1x16xf32> to vector<16xf32>
      %add3A_506 = arith.addf %add3A_470, %get3A_505 : vector<16xf32>
      %mul3A_507 = arith.mulf %get3A_505, %get3A_505 : vector<16xf32>
      %add3A_508 = arith.addf %add3A_472, %mul3A_507 : vector<16xf32>
      %add3A_509 = arith.constant 24 : i32
      %add3A_510 = arith.addi %mul3A_296, %add3A_509 : i32
      %get3A_511 = arith.index_cast %add3A_510 : i32 to index
      %get3A_512 = arith.constant 0 : index
      %get3A_513 = tpu.vector_load %arg8[%get3A_511, %get3A_512] {strides = array<i32>} : memref<1664x16xf32, #tpu.memory_space<vmem>>, vector<1x16xf32>,
      %get3A_514 = vector.shape_cast %get3A_513 : vector<1x16xf32> to vector<16xf32>
      %add3A_515 = arith.addf %add3A_479, %get3A_514 : vector<16xf32>
      %mul3A_516 = arith.mulf %get3A_514, %get3A_514 : vector<16xf32>
      %add3A_517 = arith.addf %add3A_481, %mul3A_516 : vector<16xf32>
      %add3A_518 = arith.constant 25 : i32
      %add3A_519 = arith.addi %mul3A_296, %add3A_518 : i32
      %get3A_520 = arith.index_cast %add3A_519 : i32 to index
      %get3A_521 = arith.constant 0 : index
      %get3A_522 = tpu.vector_load %arg8[%get3A_520, %get3A_521] {strides = array<i32>} : memref<1664x16xf32, #tpu.memory_space<vmem>>, vector<1x16xf32>,
      %get3A_523 = vector.shape_cast %get3A_522 : vector<1x16xf32> to vector<16xf32>
      %add3A_524 = arith.addf %add3A_488, %get3A_523 : vector<16xf32>
      %mul3A_525 = arith.mulf %get3A_523, %get3A_523 : vector<16xf32>
      %add3A_526 = arith.addf %add3A_490, %mul3A_525 : vector<16xf32>
      %add3A_527 = arith.addf %add3A_515, %add3A_524 : vector<16xf32>
      %add3A_528 = arith.addf %add3A_497, %add3A_506 : vector<16xf32>
      %add3A_529 = arith.addf %add3A_527, %add3A_528 : vector<16xf32>
      %add3A_530 = arith.addf %add3A_517, %add3A_526 : vector<16xf32>
      %add3A_531 = arith.addf %add3A_499, %add3A_508 : vector<16xf32>
      %add3A_532 = arith.addf %add3A_530, %add3A_531 : vector<16xf32>
      %mul3A_533 = arith.mulf %add3A_529, %add3A_529 : vector<16xf32>
      %sub3A = arith.subf %mul3A_533, %add3A_532 : vector<16xf32>
      %mul3A_534 = arith.constant 5.000000e-01 : f32
      %mul3A_535 = vector.broadcast %mul3A_534 : f32 to vector<16xf32>
      %mul3A_536 = arith.mulf %sub3A, %mul3A_535 : vector<16xf32>
      %add3A_537 = arith.addf %mul3A_536, %get3A_4 : vector<16xf32>
      %get3A_538 = arith.index_cast %add3A_300 : i32 to index
      %get3A_539 = tpu.vector_load %arg10[%get3A_538] {strides = array<i32>} : memref<13344xf32, #tpu.memory_space<vmem>>, vector<16xf32>,
      %get3A_540 = vector.shape_cast %get3A_539 : vector<16xf32> to vector<16xf32>
      %add3A_541 = arith.constant 16 : i32
      %add3A_542 = arith.addi %add3A_300, %add3A_541 : i32
      %get3A_543 = arith.index_cast %add3A_542 : i32 to index
      %get3A_544 = tpu.vector_load %arg10[%get3A_543] {strides = array<i32>} : memref<13344xf32, #tpu.memory_space<vmem>>, vector<16xf32>,
      %get3A_545 = vector.shape_cast %get3A_544 : vector<16xf32> to vector<16xf32>
      %add3A_546 = arith.addf %add3A_537, %get3A_540 : vector<16xf32>
      %lt3A = arith.constant 10 : i32
      %lt3A_547 = vector.broadcast %lt3A : i32 to vector<16xi32>
      %lt3A_548 = arith.cmpi slt, %iota3A, %lt3A_547 : vector<16xi32>
      %jit3A = arith.constant 0.000000e+00 : f32
      %broadcast_in_dim3A = vector.broadcast %jit3A : f32 to vector<16xf32>
      %select_n3A = arith.select %lt3A_548, %get3A_545, %broadcast_in_dim3A : vector<16xi1>, vector<16xf32>
      %add3A_549 = arith.addf %add3A_546, %select_n3A : vector<16xf32>
      %add3A_550 = arith.constant 128 : i32
      %add3A_551 = arith.addi %add3A_550, %mul3A_294 : i32
      %mul3A_552 = arith.constant 16 : i32
      %mul3A_553 = arith.muli %add3A_551, %mul3A_552 : i32
      %swap3A = arith.index_cast %mul3A_553 : i32 to index
      %swap3A_554 = tpu.vector_load %arg11[%swap3A] {strides = array<i32>} : memref<8192xf32, #tpu.memory_space<vmem>>, vector<16xf32>,
      %swap3A_555 = vector.shape_cast %swap3A_554 : vector<16xf32> to vector<16xf32>
      %swap3A_556 = vector.shape_cast %add3A_549 : vector<16xf32> to vector<16xf32>
      tpu.vector_store %arg11[%swap3A], %swap3A_556 {strides = array<i32>} : memref<8192xf32, #tpu.memory_space<vmem>>, vector<16xf32>,
      %mul3A_557 = arith.constant 2 : i32
      %mul3A_558 = arith.muli %scan3A_292, %mul3A_557 : i32
      %add3A_559 = arith.constant 1 : i32
      %add3A_560 = arith.addi %mul3A_558, %add3A_559 : i32
      %mul3A_561 = arith.constant 26 : i32
      %mul3A_562 = arith.muli %add3A_560, %mul3A_561 : i32
      %mul3A_563 = arith.constant 26 : i32
      %mul3A_564 = arith.muli %add3A_560, %mul3A_563 : i32
      %add3A_565 = arith.constant 3328 : i32
      %add3A_566 = arith.addi %add3A_565, %mul3A_564 : i32
      %add3A_567 = arith.constant 0 : i32
      %add3A_568 = arith.addi %mul3A_562, %add3A_567 : i32
      %get3A_569 = arith.index_cast %add3A_568 : i32 to index
      %get3A_570 = arith.constant 0 : index
      %get3A_571 = tpu.vector_load %arg8[%get3A_569, %get3A_570] {strides = array<i32>} : memref<1664x16xf32, #tpu.memory_space<vmem>>, vector<1x16xf32>,
      %get3A_572 = vector.shape_cast %get3A_571 : vector<1x16xf32> to vector<16xf32>
      %mul3A_573 = arith.mulf %get3A_572, %get3A_572 : vector<16xf32>
      %add3A_574 = arith.constant 1 : i32
      %add3A_575 = arith.addi %mul3A_562, %add3A_574 : i32
      %get3A_576 = arith.index_cast %add3A_575 : i32 to index
      %get3A_577 = arith.constant 0 : index
      %get3A_578 = tpu.vector_load %arg8[%get3A_576, %get3A_577] {strides = array<i32>} : memref<1664x16xf32, #tpu.memory_space<vmem>>, vector<1x16xf32>,
      %get3A_579 = vector.shape_cast %get3A_578 : vector<1x16xf32> to vector<16xf32>
      %mul3A_580 = arith.mulf %get3A_579, %get3A_579 : vector<16xf32>
      %add3A_581 = arith.constant 2 : i32
      %add3A_582 = arith.addi %mul3A_562, %add3A_581 : i32
      %get3A_583 = arith.index_cast %add3A_582 : i32 to index
      %get3A_584 = arith.constant 0 : index
      %get3A_585 = tpu.vector_load %arg8[%get3A_583, %get3A_584] {strides = array<i32>} : memref<1664x16xf32, #tpu.memory_space<vmem>>, vector<1x16xf32>,
      %get3A_586 = vector.shape_cast %get3A_585 : vector<1x16xf32> to vector<16xf32>
      %mul3A_587 = arith.mulf %get3A_586, %get3A_586 : vector<16xf32>
      %add3A_588 = arith.constant 3 : i32
      %add3A_589 = arith.addi %mul3A_562, %add3A_588 : i32
      %get3A_590 = arith.index_cast %add3A_589 : i32 to index
      %get3A_591 = arith.constant 0 : index
      %get3A_592 = tpu.vector_load %arg8[%get3A_590, %get3A_591] {strides = array<i32>} : memref<1664x16xf32, #tpu.memory_space<vmem>>, vector<1x16xf32>,
      %get3A_593 = vector.shape_cast %get3A_592 : vector<1x16xf32> to vector<16xf32>
      %mul3A_594 = arith.mulf %get3A_593, %get3A_593 : vector<16xf32>
      %add3A_595 = arith.constant 4 : i32
      %add3A_596 = arith.addi %mul3A_562, %add3A_595 : i32
      %get3A_597 = arith.index_cast %add3A_596 : i32 to index
      %get3A_598 = arith.constant 0 : index
      %get3A_599 = tpu.vector_load %arg8[%get3A_597, %get3A_598] {strides = array<i32>} : memref<1664x16xf32, #tpu.memory_space<vmem>>, vector<1x16xf32>,
      %get3A_600 = vector.shape_cast %get3A_599 : vector<1x16xf32> to vector<16xf32>
      %add3A_601 = arith.addf %get3A_572, %get3A_600 : vector<16xf32>
      %mul3A_602 = arith.mulf %get3A_600, %get3A_600 : vector<16xf32>
      %add3A_603 = arith.addf %mul3A_573, %mul3A_602 : vector<16xf32>
      %add3A_604 = arith.constant 5 : i32
      %add3A_605 = arith.addi %mul3A_562, %add3A_604 : i32
      %get3A_606 = arith.index_cast %add3A_605 : i32 to index
      %get3A_607 = arith.constant 0 : index
      %get3A_608 = tpu.vector_load %arg8[%get3A_606, %get3A_607] {strides = array<i32>} : memref<1664x16xf32, #tpu.memory_space<vmem>>, vector<1x16xf32>,
      %get3A_609 = vector.shape_cast %get3A_608 : vector<1x16xf32> to vector<16xf32>
      %add3A_610 = arith.addf %get3A_579, %get3A_609 : vector<16xf32>
      %mul3A_611 = arith.mulf %get3A_609, %get3A_609 : vector<16xf32>
      %add3A_612 = arith.addf %mul3A_580, %mul3A_611 : vector<16xf32>
      %add3A_613 = arith.constant 6 : i32
      %add3A_614 = arith.addi %mul3A_562, %add3A_613 : i32
      %get3A_615 = arith.index_cast %add3A_614 : i32 to index
      %get3A_616 = arith.constant 0 : index
      %get3A_617 = tpu.vector_load %arg8[%get3A_615, %get3A_616] {strides = array<i32>} : memref<1664x16xf32, #tpu.memory_space<vmem>>, vector<1x16xf32>,
      %get3A_618 = vector.shape_cast %get3A_617 : vector<1x16xf32> to vector<16xf32>
      %add3A_619 = arith.addf %get3A_586, %get3A_618 : vector<16xf32>
      %mul3A_620 = arith.mulf %get3A_618, %get3A_618 : vector<16xf32>
      %add3A_621 = arith.addf %mul3A_587, %mul3A_620 : vector<16xf32>
      %add3A_622 = arith.constant 7 : i32
      %add3A_623 = arith.addi %mul3A_562, %add3A_622 : i32
      %get3A_624 = arith.index_cast %add3A_623 : i32 to index
      %get3A_625 = arith.constant 0 : index
      %get3A_626 = tpu.vector_load %arg8[%get3A_624, %get3A_625] {strides = array<i32>} : memref<1664x16xf32, #tpu.memory_space<vmem>>, vector<1x16xf32>,
      %get3A_627 = vector.shape_cast %get3A_626 : vector<1x16xf32> to vector<16xf32>
      %add3A_628 = arith.addf %get3A_593, %get3A_627 : vector<16xf32>
      %mul3A_629 = arith.mulf %get3A_627, %get3A_627 : vector<16xf32>
      %add3A_630 = arith.addf %mul3A_594, %mul3A_629 : vector<16xf32>
      %add3A_631 = arith.constant 8 : i32
      %add3A_632 = arith.addi %mul3A_562, %add3A_631 : i32
      %get3A_633 = arith.index_cast %add3A_632 : i32 to index
      %get3A_634 = arith.constant 0 : index
      %get3A_635 = tpu.vector_load %arg8[%get3A_633, %get3A_634] {strides = array<i32>} : memref<1664x16xf32, #tpu.memory_space<vmem>>, vector<1x16xf32>,
      %get3A_636 = vector.shape_cast %get3A_635 : vector<1x16xf32> to vector<16xf32>
      %add3A_637 = arith.addf %add3A_601, %get3A_636 : vector<16xf32>
      %mul3A_638 = arith.mulf %get3A_636, %get3A_636 : vector<16xf32>
      %add3A_639 = arith.addf %add3A_603, %mul3A_638 : vector<16xf32>
      %add3A_640 = arith.constant 9 : i32
      %add3A_641 = arith.addi %mul3A_562, %add3A_640 : i32
      %get3A_642 = arith.index_cast %add3A_641 : i32 to index
      %get3A_643 = arith.constant 0 : index
      %get3A_644 = tpu.vector_load %arg8[%get3A_642, %get3A_643] {strides = array<i32>} : memref<1664x16xf32, #tpu.memory_space<vmem>>, vector<1x16xf32>,
      %get3A_645 = vector.shape_cast %get3A_644 : vector<1x16xf32> to vector<16xf32>
      %add3A_646 = arith.addf %add3A_610, %get3A_645 : vector<16xf32>
      %mul3A_647 = arith.mulf %get3A_645, %get3A_645 : vector<16xf32>
      %add3A_648 = arith.addf %add3A_612, %mul3A_647 : vector<16xf32>
      %add3A_649 = arith.constant 10 : i32
      %add3A_650 = arith.addi %mul3A_562, %add3A_649 : i32
      %get3A_651 = arith.index_cast %add3A_650 : i32 to index
      %get3A_652 = arith.constant 0 : index
      %get3A_653 = tpu.vector_load %arg8[%get3A_651, %get3A_652] {strides = array<i32>} : memref<1664x16xf32, #tpu.memory_space<vmem>>, vector<1x16xf32>,
      %get3A_654 = vector.shape_cast %get3A_653 : vector<1x16xf32> to vector<16xf32>
      %add3A_655 = arith.addf %add3A_619, %get3A_654 : vector<16xf32>
      %mul3A_656 = arith.mulf %get3A_654, %get3A_654 : vector<16xf32>
      %add3A_657 = arith.addf %add3A_621, %mul3A_656 : vector<16xf32>
      %add3A_658 = arith.constant 11 : i32
      %add3A_659 = arith.addi %mul3A_562, %add3A_658 : i32
      %get3A_660 = arith.index_cast %add3A_659 : i32 to index
      %get3A_661 = arith.constant 0 : index
      %get3A_662 = tpu.vector_load %arg8[%get3A_660, %get3A_661] {strides = array<i32>} : memref<1664x16xf32, #tpu.memory_space<vmem>>, vector<1x16xf32>,
      %get3A_663 = vector.shape_cast %get3A_662 : vector<1x16xf32> to vector<16xf32>
      %add3A_664 = arith.addf %add3A_628, %get3A_663 : vector<16xf32>
      %mul3A_665 = arith.mulf %get3A_663, %get3A_663 : vector<16xf32>
      %add3A_666 = arith.addf %add3A_630, %mul3A_665 : vector<16xf32>
      %add3A_667 = arith.constant 12 : i32
      %add3A_668 = arith.addi %mul3A_562, %add3A_667 : i32
      %get3A_669 = arith.index_cast %add3A_668 : i32 to index
      %get3A_670 = arith.constant 0 : index
      %get3A_671 = tpu.vector_load %arg8[%get3A_669, %get3A_670] {strides = array<i32>} : memref<1664x16xf32, #tpu.memory_space<vmem>>, vector<1x16xf32>,
      %get3A_672 = vector.shape_cast %get3A_671 : vector<1x16xf32> to vector<16xf32>
      %add3A_673 = arith.addf %add3A_637, %get3A_672 : vector<16xf32>
      %mul3A_674 = arith.mulf %get3A_672, %get3A_672 : vector<16xf32>
      %add3A_675 = arith.addf %add3A_639, %mul3A_674 : vector<16xf32>
      %add3A_676 = arith.constant 13 : i32
      %add3A_677 = arith.addi %mul3A_562, %add3A_676 : i32
      %get3A_678 = arith.index_cast %add3A_677 : i32 to index
      %get3A_679 = arith.constant 0 : index
      %get3A_680 = tpu.vector_load %arg8[%get3A_678, %get3A_679] {strides = array<i32>} : memref<1664x16xf32, #tpu.memory_space<vmem>>, vector<1x16xf32>,
      %get3A_681 = vector.shape_cast %get3A_680 : vector<1x16xf32> to vector<16xf32>
      %add3A_682 = arith.addf %add3A_646, %get3A_681 : vector<16xf32>
      %mul3A_683 = arith.mulf %get3A_681, %get3A_681 : vector<16xf32>
      %add3A_684 = arith.addf %add3A_648, %mul3A_683 : vector<16xf32>
      %add3A_685 = arith.constant 14 : i32
      %add3A_686 = arith.addi %mul3A_562, %add3A_685 : i32
      %get3A_687 = arith.index_cast %add3A_686 : i32 to index
      %get3A_688 = arith.constant 0 : index
      %get3A_689 = tpu.vector_load %arg8[%get3A_687, %get3A_688] {strides = array<i32>} : memref<1664x16xf32, #tpu.memory_space<vmem>>, vector<1x16xf32>,
      %get3A_690 = vector.shape_cast %get3A_689 : vector<1x16xf32> to vector<16xf32>
      %add3A_691 = arith.addf %add3A_655, %get3A_690 : vector<16xf32>
      %mul3A_692 = arith.mulf %get3A_690, %get3A_690 : vector<16xf32>
      %add3A_693 = arith.addf %add3A_657, %mul3A_692 : vector<16xf32>
      %add3A_694 = arith.constant 15 : i32
      %add3A_695 = arith.addi %mul3A_562, %add3A_694 : i32
      %get3A_696 = arith.index_cast %add3A_695 : i32 to index
      %get3A_697 = arith.constant 0 : index
      %get3A_698 = tpu.vector_load %arg8[%get3A_696, %get3A_697] {strides = array<i32>} : memref<1664x16xf32, #tpu.memory_space<vmem>>, vector<1x16xf32>,
      %get3A_699 = vector.shape_cast %get3A_698 : vector<1x16xf32> to vector<16xf32>
      %add3A_700 = arith.addf %add3A_664, %get3A_699 : vector<16xf32>
      %mul3A_701 = arith.mulf %get3A_699, %get3A_699 : vector<16xf32>
      %add3A_702 = arith.addf %add3A_666, %mul3A_701 : vector<16xf32>
      %add3A_703 = arith.constant 16 : i32
      %add3A_704 = arith.addi %mul3A_562, %add3A_703 : i32
      %get3A_705 = arith.index_cast %add3A_704 : i32 to index
      %get3A_706 = arith.constant 0 : index
      %get3A_707 = tpu.vector_load %arg8[%get3A_705, %get3A_706] {strides = array<i32>} : memref<1664x16xf32, #tpu.memory_space<vmem>>, vector<1x16xf32>,
      %get3A_708 = vector.shape_cast %get3A_707 : vector<1x16xf32> to vector<16xf32>
      %add3A_709 = arith.addf %add3A_673, %get3A_708 : vector<16xf32>
      %mul3A_710 = arith.mulf %get3A_708, %get3A_708 : vector<16xf32>
      %add3A_711 = arith.addf %add3A_675, %mul3A_710 : vector<16xf32>
      %add3A_712 = arith.constant 17 : i32
      %add3A_713 = arith.addi %mul3A_562, %add3A_712 : i32
      %get3A_714 = arith.index_cast %add3A_713 : i32 to index
      %get3A_715 = arith.constant 0 : index
      %get3A_716 = tpu.vector_load %arg8[%get3A_714, %get3A_715] {strides = array<i32>} : memref<1664x16xf32, #tpu.memory_space<vmem>>, vector<1x16xf32>,
      %get3A_717 = vector.shape_cast %get3A_716 : vector<1x16xf32> to vector<16xf32>
      %add3A_718 = arith.addf %add3A_682, %get3A_717 : vector<16xf32>
      %mul3A_719 = arith.mulf %get3A_717, %get3A_717 : vector<16xf32>
      %add3A_720 = arith.addf %add3A_684, %mul3A_719 : vector<16xf32>
      %add3A_721 = arith.constant 18 : i32
      %add3A_722 = arith.addi %mul3A_562, %add3A_721 : i32
      %get3A_723 = arith.index_cast %add3A_722 : i32 to index
      %get3A_724 = arith.constant 0 : index
      %get3A_725 = tpu.vector_load %arg8[%get3A_723, %get3A_724] {strides = array<i32>} : memref<1664x16xf32, #tpu.memory_space<vmem>>, vector<1x16xf32>,
      %get3A_726 = vector.shape_cast %get3A_725 : vector<1x16xf32> to vector<16xf32>
      %add3A_727 = arith.addf %add3A_691, %get3A_726 : vector<16xf32>
      %mul3A_728 = arith.mulf %get3A_726, %get3A_726 : vector<16xf32>
      %add3A_729 = arith.addf %add3A_693, %mul3A_728 : vector<16xf32>
      %add3A_730 = arith.constant 19 : i32
      %add3A_731 = arith.addi %mul3A_562, %add3A_730 : i32
      %get3A_732 = arith.index_cast %add3A_731 : i32 to index
      %get3A_733 = arith.constant 0 : index
      %get3A_734 = tpu.vector_load %arg8[%get3A_732, %get3A_733] {strides = array<i32>} : memref<1664x16xf32, #tpu.memory_space<vmem>>, vector<1x16xf32>,
      %get3A_735 = vector.shape_cast %get3A_734 : vector<1x16xf32> to vector<16xf32>
      %add3A_736 = arith.addf %add3A_700, %get3A_735 : vector<16xf32>
      %mul3A_737 = arith.mulf %get3A_735, %get3A_735 : vector<16xf32>
      %add3A_738 = arith.addf %add3A_702, %mul3A_737 : vector<16xf32>
      %add3A_739 = arith.constant 20 : i32
      %add3A_740 = arith.addi %mul3A_562, %add3A_739 : i32
      %get3A_741 = arith.index_cast %add3A_740 : i32 to index
      %get3A_742 = arith.constant 0 : index
      %get3A_743 = tpu.vector_load %arg8[%get3A_741, %get3A_742] {strides = array<i32>} : memref<1664x16xf32, #tpu.memory_space<vmem>>, vector<1x16xf32>,
      %get3A_744 = vector.shape_cast %get3A_743 : vector<1x16xf32> to vector<16xf32>
      %add3A_745 = arith.addf %add3A_709, %get3A_744 : vector<16xf32>
      %mul3A_746 = arith.mulf %get3A_744, %get3A_744 : vector<16xf32>
      %add3A_747 = arith.addf %add3A_711, %mul3A_746 : vector<16xf32>
      %add3A_748 = arith.constant 21 : i32
      %add3A_749 = arith.addi %mul3A_562, %add3A_748 : i32
      %get3A_750 = arith.index_cast %add3A_749 : i32 to index
      %get3A_751 = arith.constant 0 : index
      %get3A_752 = tpu.vector_load %arg8[%get3A_750, %get3A_751] {strides = array<i32>} : memref<1664x16xf32, #tpu.memory_space<vmem>>, vector<1x16xf32>,
      %get3A_753 = vector.shape_cast %get3A_752 : vector<1x16xf32> to vector<16xf32>
      %add3A_754 = arith.addf %add3A_718, %get3A_753 : vector<16xf32>
      %mul3A_755 = arith.mulf %get3A_753, %get3A_753 : vector<16xf32>
      %add3A_756 = arith.addf %add3A_720, %mul3A_755 : vector<16xf32>
      %add3A_757 = arith.constant 22 : i32
      %add3A_758 = arith.addi %mul3A_562, %add3A_757 : i32
      %get3A_759 = arith.index_cast %add3A_758 : i32 to index
      %get3A_760 = arith.constant 0 : index
      %get3A_761 = tpu.vector_load %arg8[%get3A_759, %get3A_760] {strides = array<i32>} : memref<1664x16xf32, #tpu.memory_space<vmem>>, vector<1x16xf32>,
      %get3A_762 = vector.shape_cast %get3A_761 : vector<1x16xf32> to vector<16xf32>
      %add3A_763 = arith.addf %add3A_727, %get3A_762 : vector<16xf32>
      %mul3A_764 = arith.mulf %get3A_762, %get3A_762 : vector<16xf32>
      %add3A_765 = arith.addf %add3A_729, %mul3A_764 : vector<16xf32>
      %add3A_766 = arith.constant 23 : i32
      %add3A_767 = arith.addi %mul3A_562, %add3A_766 : i32
      %get3A_768 = arith.index_cast %add3A_767 : i32 to index
      %get3A_769 = arith.constant 0 : index
      %get3A_770 = tpu.vector_load %arg8[%get3A_768, %get3A_769] {strides = array<i32>} : memref<1664x16xf32, #tpu.memory_space<vmem>>, vector<1x16xf32>,
      %get3A_771 = vector.shape_cast %get3A_770 : vector<1x16xf32> to vector<16xf32>
      %add3A_772 = arith.addf %add3A_736, %get3A_771 : vector<16xf32>
      %mul3A_773 = arith.mulf %get3A_771, %get3A_771 : vector<16xf32>
      %add3A_774 = arith.addf %add3A_738, %mul3A_773 : vector<16xf32>
      %add3A_775 = arith.constant 24 : i32
      %add3A_776 = arith.addi %mul3A_562, %add3A_775 : i32
      %get3A_777 = arith.index_cast %add3A_776 : i32 to index
      %get3A_778 = arith.constant 0 : index
      %get3A_779 = tpu.vector_load %arg8[%get3A_777, %get3A_778] {strides = array<i32>} : memref<1664x16xf32, #tpu.memory_space<vmem>>, vector<1x16xf32>,
      %get3A_780 = vector.shape_cast %get3A_779 : vector<1x16xf32> to vector<16xf32>
      %add3A_781 = arith.addf %add3A_745, %get3A_780 : vector<16xf32>
      %mul3A_782 = arith.mulf %get3A_780, %get3A_780 : vector<16xf32>
      %add3A_783 = arith.addf %add3A_747, %mul3A_782 : vector<16xf32>
      %add3A_784 = arith.constant 25 : i32
      %add3A_785 = arith.addi %mul3A_562, %add3A_784 : i32
      %get3A_786 = arith.index_cast %add3A_785 : i32 to index
      %get3A_787 = arith.constant 0 : index
      %get3A_788 = tpu.vector_load %arg8[%get3A_786, %get3A_787] {strides = array<i32>} : memref<1664x16xf32, #tpu.memory_space<vmem>>, vector<1x16xf32>,
      %get3A_789 = vector.shape_cast %get3A_788 : vector<1x16xf32> to vector<16xf32>
      %add3A_790 = arith.addf %add3A_754, %get3A_789 : vector<16xf32>
      %mul3A_791 = arith.mulf %get3A_789, %get3A_789 : vector<16xf32>
      %add3A_792 = arith.addf %add3A_756, %mul3A_791 : vector<16xf32>
      %add3A_793 = arith.addf %add3A_781, %add3A_790 : vector<16xf32>
      %add3A_794 = arith.addf %add3A_763, %add3A_772 : vector<16xf32>
      %add3A_795 = arith.addf %add3A_793, %add3A_794 : vector<16xf32>
      %add3A_796 = arith.addf %add3A_783, %add3A_792 : vector<16xf32>
      %add3A_797 = arith.addf %add3A_765, %add3A_774 : vector<16xf32>
      %add3A_798 = arith.addf %add3A_796, %add3A_797 : vector<16xf32>
      %mul3A_799 = arith.mulf %add3A_795, %add3A_795 : vector<16xf32>
      %sub3A_800 = arith.subf %mul3A_799, %add3A_798 : vector<16xf32>
      %mul3A_801 = arith.constant 5.000000e-01 : f32
      %mul3A_802 = vector.broadcast %mul3A_801 : f32 to vector<16xf32>
      %mul3A_803 = arith.mulf %sub3A_800, %mul3A_802 : vector<16xf32>
      %add3A_804 = arith.addf %mul3A_803, %get3A_4 : vector<16xf32>
      %get3A_805 = arith.index_cast %add3A_566 : i32 to index
      %get3A_806 = tpu.vector_load %arg10[%get3A_805] {strides = array<i32>} : memref<13344xf32, #tpu.memory_space<vmem>>, vector<16xf32>,
      %get3A_807 = vector.shape_cast %get3A_806 : vector<16xf32> to vector<16xf32>
      %add3A_808 = arith.constant 16 : i32
      %add3A_809 = arith.addi %add3A_566, %add3A_808 : i32
      %get3A_810 = arith.index_cast %add3A_809 : i32 to index
      %get3A_811 = tpu.vector_load %arg10[%get3A_810] {strides = array<i32>} : memref<13344xf32, #tpu.memory_space<vmem>>, vector<16xf32>,
      %get3A_812 = vector.shape_cast %get3A_811 : vector<16xf32> to vector<16xf32>
      %add3A_813 = arith.addf %add3A_804, %get3A_807 : vector<16xf32>
      %lt3A_814 = arith.constant 10 : i32
      %lt3A_815 = vector.broadcast %lt3A_814 : i32 to vector<16xi32>
      %lt3A_816 = arith.cmpi slt, %iota3A, %lt3A_815 : vector<16xi32>
      %jit3A_817 = arith.constant 0.000000e+00 : f32
      %broadcast_in_dim3A_818 = vector.broadcast %jit3A_817 : f32 to vector<16xf32>
      %select_n3A_819 = arith.select %lt3A_816, %get3A_812, %broadcast_in_dim3A_818 : vector<16xi1>, vector<16xf32>
      %add3A_820 = arith.addf %add3A_813, %select_n3A_819 : vector<16xf32>
      %add3A_821 = arith.constant 128 : i32
      %add3A_822 = arith.addi %add3A_821, %add3A_560 : i32
      %mul3A_823 = arith.constant 16 : i32
      %mul3A_824 = arith.muli %add3A_822, %mul3A_823 : i32
      %swap3A_825 = arith.index_cast %mul3A_824 : i32 to index
      %swap3A_826 = tpu.vector_load %arg11[%swap3A_825] {strides = array<i32>} : memref<8192xf32, #tpu.memory_space<vmem>>, vector<16xf32>,
      %swap3A_827 = vector.shape_cast %swap3A_826 : vector<16xf32> to vector<16xf32>
      %swap3A_828 = vector.shape_cast %add3A_820 : vector<16xf32> to vector<16xf32>
      tpu.vector_store %arg11[%swap3A_825], %swap3A_828 {strides = array<i32>} : memref<8192xf32, #tpu.memory_space<vmem>>, vector<16xf32>,
    }
    %scan3A_124 = arith.constant 32 : i32
    %dma_start3A_125 = arith.constant 4 : i32
    %dma_start3A_126 = arith.constant 0 : i32
    %dma_start3A_127 = tpu.memref_slice %arg7[%dma_start3A_125, %dma_start3A_126] : memref<8x1664xi32, #tpu.memory_space<vmem>> -> memref<1x1664xi32, #tpu.memory_space<vmem>>
    %dma_start3A_128 = tpu.memref_squeeze %dma_start3A_127 : memref<1x1664xi32, #tpu.memory_space<vmem>> -> memref<1664xi32, #tpu.memory_space<vmem>>
    %dma_start3A_129 = arith.constant 0 : i32
    %dma_start3A_130 = arith.constant 0 : i32
    %dma_start3A_131 = tpu.memref_slice %arg3[%dma_start3A_129, %dma_start3A_130] : memref<200000x16xf32, #tpu.memory_space<hbm>> -> memref<200000x16xf32, #tpu.memory_space<hbm>>
    tpu.enqueue_indirect_dma source(%dma_start3A_131 : memref<200000x16xf32, #tpu.memory_space<hbm>>) target(%arg8 : memref<1664x16xf32, #tpu.memory_space<vmem>>) offsets(%dma_start3A_128 : memref<1664xi32, #tpu.memory_space<vmem>>) semaphore(%arg13 : memref<!tpu.dma_semaphore, #tpu.memory_space<semaphore_mem>>)
    %dma_start3A_132 = arith.constant 4 : i32
    %dma_start3A_133 = arith.constant 6656 : i32
    %dma_start3A_134 = tpu.memref_slice %arg10[%dma_start3A_133] : memref<13344xf32, #tpu.memory_space<vmem>> -> memref<1664xf32, #tpu.memory_space<vmem>>
    %dma_start3A_135 = arith.constant 0 : i32
    %dma_start3A_136 = tpu.memref_slice %arg7[%dma_start3A_132, %dma_start3A_135] : memref<8x1664xi32, #tpu.memory_space<vmem>> -> memref<1x1664xi32, #tpu.memory_space<vmem>>
    %dma_start3A_137 = tpu.memref_squeeze %dma_start3A_136 : memref<1x1664xi32, #tpu.memory_space<vmem>> -> memref<1664xi32, #tpu.memory_space<vmem>>
    %dma_start3A_138 = arith.constant 0 : i32
    %dma_start3A_139 = tpu.memref_slice %arg4[%dma_start3A_138] : memref<200000xf32, #tpu.memory_space<hbm>> -> memref<200000xf32, #tpu.memory_space<hbm>>
    tpu.enqueue_indirect_dma source(%dma_start3A_139 : memref<200000xf32, #tpu.memory_space<hbm>>) target(%dma_start3A_134 : memref<1664xf32, #tpu.memory_space<vmem>>) offsets(%dma_start3A_137 : memref<1664xi32, #tpu.memory_space<vmem>>) semaphore(%arg13 : memref<!tpu.dma_semaphore, #tpu.memory_space<semaphore_mem>>)
    %dma_wait3A_140 = arith.constant 3 : i32
    %dma_wait3A_141 = arith.constant 0 : i32
    %dma_wait3A_142 = tpu.memref_slice %arg7[%dma_wait3A_140, %dma_wait3A_141] : memref<8x1664xi32, #tpu.memory_space<vmem>> -> memref<1x1664xi32, #tpu.memory_space<vmem>>
    %dma_wait3A_143 = tpu.memref_squeeze %dma_wait3A_142 : memref<1x1664xi32, #tpu.memory_space<vmem>> -> memref<1664xi32, #tpu.memory_space<vmem>>
    %dma_wait3A_144 = arith.constant 0 : i32
    %dma_wait3A_145 = arith.constant 0 : i32
    %dma_wait3A_146 = tpu.memref_slice %arg3[%dma_wait3A_144, %dma_wait3A_145] : memref<200000x16xf32, #tpu.memory_space<hbm>> -> memref<200000x16xf32, #tpu.memory_space<hbm>>
    tpu.wait_indirect_dma semaphore(%arg14 : memref<!tpu.dma_semaphore, #tpu.memory_space<semaphore_mem>>) src(%dma_wait3A_146 : memref<200000x16xf32, #tpu.memory_space<hbm>>) dst(%arg9 : memref<1664x16xf32, #tpu.memory_space<vmem>>)
    %dma_wait3A_147 = arith.constant 3 : i32
    %dma_wait3A_148 = arith.constant 4992 : i32
    %dma_wait3A_149 = tpu.memref_slice %arg10[%dma_wait3A_148] : memref<13344xf32, #tpu.memory_space<vmem>> -> memref<1664xf32, #tpu.memory_space<vmem>>
    %dma_wait3A_150 = arith.constant 0 : i32
    %dma_wait3A_151 = tpu.memref_slice %arg7[%dma_wait3A_147, %dma_wait3A_150] : memref<8x1664xi32, #tpu.memory_space<vmem>> -> memref<1x1664xi32, #tpu.memory_space<vmem>>
    %dma_wait3A_152 = tpu.memref_squeeze %dma_wait3A_151 : memref<1x1664xi32, #tpu.memory_space<vmem>> -> memref<1664xi32, #tpu.memory_space<vmem>>
    %dma_wait3A_153 = arith.constant 0 : i32
    %dma_wait3A_154 = tpu.memref_slice %arg4[%dma_wait3A_153] : memref<200000xf32, #tpu.memory_space<hbm>> -> memref<200000xf32, #tpu.memory_space<hbm>>
    tpu.wait_indirect_dma semaphore(%arg14 : memref<!tpu.dma_semaphore, #tpu.memory_space<semaphore_mem>>) src(%dma_wait3A_154 : memref<200000xf32, #tpu.memory_space<hbm>>) dst(%dma_wait3A_149 : memref<1664xf32, #tpu.memory_space<vmem>>)
    %scan3A_155 = arith.constant 0 : i32
    %scan3A_156 = arith.constant 0 : i32
    %scan3A_157 = arith.constant 32 : i32
    %scan3A_158 = arith.addi %scan3A_156, %scan3A_157 : i32
    %scan3A_159 = arith.constant 1 : i32
    scf.for %scan3A_292 = %scan3A_156 to %scan3A_158 step %scan3A_159  : i32 {
      %mul3A_293 = arith.constant 2 : i32
      %mul3A_294 = arith.muli %scan3A_292, %mul3A_293 : i32
      %mul3A_295 = arith.constant 26 : i32
      %mul3A_296 = arith.muli %mul3A_294, %mul3A_295 : i32
      %mul3A_297 = arith.constant 26 : i32
      %mul3A_298 = arith.muli %mul3A_294, %mul3A_297 : i32
      %add3A_299 = arith.constant 4992 : i32
      %add3A_300 = arith.addi %add3A_299, %mul3A_298 : i32
      %add3A_301 = arith.constant 0 : i32
      %add3A_302 = arith.addi %mul3A_296, %add3A_301 : i32
      %get3A_303 = arith.index_cast %add3A_302 : i32 to index
      %get3A_304 = arith.constant 0 : index
      %get3A_305 = tpu.vector_load %arg9[%get3A_303, %get3A_304] {strides = array<i32>} : memref<1664x16xf32, #tpu.memory_space<vmem>>, vector<1x16xf32>,
      %get3A_306 = vector.shape_cast %get3A_305 : vector<1x16xf32> to vector<16xf32>
      %mul3A_307 = arith.mulf %get3A_306, %get3A_306 : vector<16xf32>
      %add3A_308 = arith.constant 1 : i32
      %add3A_309 = arith.addi %mul3A_296, %add3A_308 : i32
      %get3A_310 = arith.index_cast %add3A_309 : i32 to index
      %get3A_311 = arith.constant 0 : index
      %get3A_312 = tpu.vector_load %arg9[%get3A_310, %get3A_311] {strides = array<i32>} : memref<1664x16xf32, #tpu.memory_space<vmem>>, vector<1x16xf32>,
      %get3A_313 = vector.shape_cast %get3A_312 : vector<1x16xf32> to vector<16xf32>
      %mul3A_314 = arith.mulf %get3A_313, %get3A_313 : vector<16xf32>
      %add3A_315 = arith.constant 2 : i32
      %add3A_316 = arith.addi %mul3A_296, %add3A_315 : i32
      %get3A_317 = arith.index_cast %add3A_316 : i32 to index
      %get3A_318 = arith.constant 0 : index
      %get3A_319 = tpu.vector_load %arg9[%get3A_317, %get3A_318] {strides = array<i32>} : memref<1664x16xf32, #tpu.memory_space<vmem>>, vector<1x16xf32>,
      %get3A_320 = vector.shape_cast %get3A_319 : vector<1x16xf32> to vector<16xf32>
      %mul3A_321 = arith.mulf %get3A_320, %get3A_320 : vector<16xf32>
      %add3A_322 = arith.constant 3 : i32
      %add3A_323 = arith.addi %mul3A_296, %add3A_322 : i32
      %get3A_324 = arith.index_cast %add3A_323 : i32 to index
      %get3A_325 = arith.constant 0 : index
      %get3A_326 = tpu.vector_load %arg9[%get3A_324, %get3A_325] {strides = array<i32>} : memref<1664x16xf32, #tpu.memory_space<vmem>>, vector<1x16xf32>,
      %get3A_327 = vector.shape_cast %get3A_326 : vector<1x16xf32> to vector<16xf32>
      %mul3A_328 = arith.mulf %get3A_327, %get3A_327 : vector<16xf32>
      %add3A_329 = arith.constant 4 : i32
      %add3A_330 = arith.addi %mul3A_296, %add3A_329 : i32
      %get3A_331 = arith.index_cast %add3A_330 : i32 to index
      %get3A_332 = arith.constant 0 : index
      %get3A_333 = tpu.vector_load %arg9[%get3A_331, %get3A_332] {strides = array<i32>} : memref<1664x16xf32, #tpu.memory_space<vmem>>, vector<1x16xf32>,
      %get3A_334 = vector.shape_cast %get3A_333 : vector<1x16xf32> to vector<16xf32>
      %add3A_335 = arith.addf %get3A_306, %get3A_334 : vector<16xf32>
      %mul3A_336 = arith.mulf %get3A_334, %get3A_334 : vector<16xf32>
      %add3A_337 = arith.addf %mul3A_307, %mul3A_336 : vector<16xf32>
      %add3A_338 = arith.constant 5 : i32
      %add3A_339 = arith.addi %mul3A_296, %add3A_338 : i32
      %get3A_340 = arith.index_cast %add3A_339 : i32 to index
      %get3A_341 = arith.constant 0 : index
      %get3A_342 = tpu.vector_load %arg9[%get3A_340, %get3A_341] {strides = array<i32>} : memref<1664x16xf32, #tpu.memory_space<vmem>>, vector<1x16xf32>,
      %get3A_343 = vector.shape_cast %get3A_342 : vector<1x16xf32> to vector<16xf32>
      %add3A_344 = arith.addf %get3A_313, %get3A_343 : vector<16xf32>
      %mul3A_345 = arith.mulf %get3A_343, %get3A_343 : vector<16xf32>
      %add3A_346 = arith.addf %mul3A_314, %mul3A_345 : vector<16xf32>
      %add3A_347 = arith.constant 6 : i32
      %add3A_348 = arith.addi %mul3A_296, %add3A_347 : i32
      %get3A_349 = arith.index_cast %add3A_348 : i32 to index
      %get3A_350 = arith.constant 0 : index
      %get3A_351 = tpu.vector_load %arg9[%get3A_349, %get3A_350] {strides = array<i32>} : memref<1664x16xf32, #tpu.memory_space<vmem>>, vector<1x16xf32>,
      %get3A_352 = vector.shape_cast %get3A_351 : vector<1x16xf32> to vector<16xf32>
      %add3A_353 = arith.addf %get3A_320, %get3A_352 : vector<16xf32>
      %mul3A_354 = arith.mulf %get3A_352, %get3A_352 : vector<16xf32>
      %add3A_355 = arith.addf %mul3A_321, %mul3A_354 : vector<16xf32>
      %add3A_356 = arith.constant 7 : i32
      %add3A_357 = arith.addi %mul3A_296, %add3A_356 : i32
      %get3A_358 = arith.index_cast %add3A_357 : i32 to index
      %get3A_359 = arith.constant 0 : index
      %get3A_360 = tpu.vector_load %arg9[%get3A_358, %get3A_359] {strides = array<i32>} : memref<1664x16xf32, #tpu.memory_space<vmem>>, vector<1x16xf32>,
      %get3A_361 = vector.shape_cast %get3A_360 : vector<1x16xf32> to vector<16xf32>
      %add3A_362 = arith.addf %get3A_327, %get3A_361 : vector<16xf32>
      %mul3A_363 = arith.mulf %get3A_361, %get3A_361 : vector<16xf32>
      %add3A_364 = arith.addf %mul3A_328, %mul3A_363 : vector<16xf32>
      %add3A_365 = arith.constant 8 : i32
      %add3A_366 = arith.addi %mul3A_296, %add3A_365 : i32
      %get3A_367 = arith.index_cast %add3A_366 : i32 to index
      %get3A_368 = arith.constant 0 : index
      %get3A_369 = tpu.vector_load %arg9[%get3A_367, %get3A_368] {strides = array<i32>} : memref<1664x16xf32, #tpu.memory_space<vmem>>, vector<1x16xf32>,
      %get3A_370 = vector.shape_cast %get3A_369 : vector<1x16xf32> to vector<16xf32>
      %add3A_371 = arith.addf %add3A_335, %get3A_370 : vector<16xf32>
      %mul3A_372 = arith.mulf %get3A_370, %get3A_370 : vector<16xf32>
      %add3A_373 = arith.addf %add3A_337, %mul3A_372 : vector<16xf32>
      %add3A_374 = arith.constant 9 : i32
      %add3A_375 = arith.addi %mul3A_296, %add3A_374 : i32
      %get3A_376 = arith.index_cast %add3A_375 : i32 to index
      %get3A_377 = arith.constant 0 : index
      %get3A_378 = tpu.vector_load %arg9[%get3A_376, %get3A_377] {strides = array<i32>} : memref<1664x16xf32, #tpu.memory_space<vmem>>, vector<1x16xf32>,
      %get3A_379 = vector.shape_cast %get3A_378 : vector<1x16xf32> to vector<16xf32>
      %add3A_380 = arith.addf %add3A_344, %get3A_379 : vector<16xf32>
      %mul3A_381 = arith.mulf %get3A_379, %get3A_379 : vector<16xf32>
      %add3A_382 = arith.addf %add3A_346, %mul3A_381 : vector<16xf32>
      %add3A_383 = arith.constant 10 : i32
      %add3A_384 = arith.addi %mul3A_296, %add3A_383 : i32
      %get3A_385 = arith.index_cast %add3A_384 : i32 to index
      %get3A_386 = arith.constant 0 : index
      %get3A_387 = tpu.vector_load %arg9[%get3A_385, %get3A_386] {strides = array<i32>} : memref<1664x16xf32, #tpu.memory_space<vmem>>, vector<1x16xf32>,
      %get3A_388 = vector.shape_cast %get3A_387 : vector<1x16xf32> to vector<16xf32>
      %add3A_389 = arith.addf %add3A_353, %get3A_388 : vector<16xf32>
      %mul3A_390 = arith.mulf %get3A_388, %get3A_388 : vector<16xf32>
      %add3A_391 = arith.addf %add3A_355, %mul3A_390 : vector<16xf32>
      %add3A_392 = arith.constant 11 : i32
      %add3A_393 = arith.addi %mul3A_296, %add3A_392 : i32
      %get3A_394 = arith.index_cast %add3A_393 : i32 to index
      %get3A_395 = arith.constant 0 : index
      %get3A_396 = tpu.vector_load %arg9[%get3A_394, %get3A_395] {strides = array<i32>} : memref<1664x16xf32, #tpu.memory_space<vmem>>, vector<1x16xf32>,
      %get3A_397 = vector.shape_cast %get3A_396 : vector<1x16xf32> to vector<16xf32>
      %add3A_398 = arith.addf %add3A_362, %get3A_397 : vector<16xf32>
      %mul3A_399 = arith.mulf %get3A_397, %get3A_397 : vector<16xf32>
      %add3A_400 = arith.addf %add3A_364, %mul3A_399 : vector<16xf32>
      %add3A_401 = arith.constant 12 : i32
      %add3A_402 = arith.addi %mul3A_296, %add3A_401 : i32
      %get3A_403 = arith.index_cast %add3A_402 : i32 to index
      %get3A_404 = arith.constant 0 : index
      %get3A_405 = tpu.vector_load %arg9[%get3A_403, %get3A_404] {strides = array<i32>} : memref<1664x16xf32, #tpu.memory_space<vmem>>, vector<1x16xf32>,
      %get3A_406 = vector.shape_cast %get3A_405 : vector<1x16xf32> to vector<16xf32>
      %add3A_407 = arith.addf %add3A_371, %get3A_406 : vector<16xf32>
      %mul3A_408 = arith.mulf %get3A_406, %get3A_406 : vector<16xf32>
      %add3A_409 = arith.addf %add3A_373, %mul3A_408 : vector<16xf32>
      %add3A_410 = arith.constant 13 : i32
      %add3A_411 = arith.addi %mul3A_296, %add3A_410 : i32
      %get3A_412 = arith.index_cast %add3A_411 : i32 to index
      %get3A_413 = arith.constant 0 : index
      %get3A_414 = tpu.vector_load %arg9[%get3A_412, %get3A_413] {strides = array<i32>} : memref<1664x16xf32, #tpu.memory_space<vmem>>, vector<1x16xf32>,
      %get3A_415 = vector.shape_cast %get3A_414 : vector<1x16xf32> to vector<16xf32>
      %add3A_416 = arith.addf %add3A_380, %get3A_415 : vector<16xf32>
      %mul3A_417 = arith.mulf %get3A_415, %get3A_415 : vector<16xf32>
      %add3A_418 = arith.addf %add3A_382, %mul3A_417 : vector<16xf32>
      %add3A_419 = arith.constant 14 : i32
      %add3A_420 = arith.addi %mul3A_296, %add3A_419 : i32
      %get3A_421 = arith.index_cast %add3A_420 : i32 to index
      %get3A_422 = arith.constant 0 : index
      %get3A_423 = tpu.vector_load %arg9[%get3A_421, %get3A_422] {strides = array<i32>} : memref<1664x16xf32, #tpu.memory_space<vmem>>, vector<1x16xf32>,
      %get3A_424 = vector.shape_cast %get3A_423 : vector<1x16xf32> to vector<16xf32>
      %add3A_425 = arith.addf %add3A_389, %get3A_424 : vector<16xf32>
      %mul3A_426 = arith.mulf %get3A_424, %get3A_424 : vector<16xf32>
      %add3A_427 = arith.addf %add3A_391, %mul3A_426 : vector<16xf32>
      %add3A_428 = arith.constant 15 : i32
      %add3A_429 = arith.addi %mul3A_296, %add3A_428 : i32
      %get3A_430 = arith.index_cast %add3A_429 : i32 to index
      %get3A_431 = arith.constant 0 : index
      %get3A_432 = tpu.vector_load %arg9[%get3A_430, %get3A_431] {strides = array<i32>} : memref<1664x16xf32, #tpu.memory_space<vmem>>, vector<1x16xf32>,
      %get3A_433 = vector.shape_cast %get3A_432 : vector<1x16xf32> to vector<16xf32>
      %add3A_434 = arith.addf %add3A_398, %get3A_433 : vector<16xf32>
      %mul3A_435 = arith.mulf %get3A_433, %get3A_433 : vector<16xf32>
      %add3A_436 = arith.addf %add3A_400, %mul3A_435 : vector<16xf32>
      %add3A_437 = arith.constant 16 : i32
      %add3A_438 = arith.addi %mul3A_296, %add3A_437 : i32
      %get3A_439 = arith.index_cast %add3A_438 : i32 to index
      %get3A_440 = arith.constant 0 : index
      %get3A_441 = tpu.vector_load %arg9[%get3A_439, %get3A_440] {strides = array<i32>} : memref<1664x16xf32, #tpu.memory_space<vmem>>, vector<1x16xf32>,
      %get3A_442 = vector.shape_cast %get3A_441 : vector<1x16xf32> to vector<16xf32>
      %add3A_443 = arith.addf %add3A_407, %get3A_442 : vector<16xf32>
      %mul3A_444 = arith.mulf %get3A_442, %get3A_442 : vector<16xf32>
      %add3A_445 = arith.addf %add3A_409, %mul3A_444 : vector<16xf32>
      %add3A_446 = arith.constant 17 : i32
      %add3A_447 = arith.addi %mul3A_296, %add3A_446 : i32
      %get3A_448 = arith.index_cast %add3A_447 : i32 to index
      %get3A_449 = arith.constant 0 : index
      %get3A_450 = tpu.vector_load %arg9[%get3A_448, %get3A_449] {strides = array<i32>} : memref<1664x16xf32, #tpu.memory_space<vmem>>, vector<1x16xf32>,
      %get3A_451 = vector.shape_cast %get3A_450 : vector<1x16xf32> to vector<16xf32>
      %add3A_452 = arith.addf %add3A_416, %get3A_451 : vector<16xf32>
      %mul3A_453 = arith.mulf %get3A_451, %get3A_451 : vector<16xf32>
      %add3A_454 = arith.addf %add3A_418, %mul3A_453 : vector<16xf32>
      %add3A_455 = arith.constant 18 : i32
      %add3A_456 = arith.addi %mul3A_296, %add3A_455 : i32
      %get3A_457 = arith.index_cast %add3A_456 : i32 to index
      %get3A_458 = arith.constant 0 : index
      %get3A_459 = tpu.vector_load %arg9[%get3A_457, %get3A_458] {strides = array<i32>} : memref<1664x16xf32, #tpu.memory_space<vmem>>, vector<1x16xf32>,
      %get3A_460 = vector.shape_cast %get3A_459 : vector<1x16xf32> to vector<16xf32>
      %add3A_461 = arith.addf %add3A_425, %get3A_460 : vector<16xf32>
      %mul3A_462 = arith.mulf %get3A_460, %get3A_460 : vector<16xf32>
      %add3A_463 = arith.addf %add3A_427, %mul3A_462 : vector<16xf32>
      %add3A_464 = arith.constant 19 : i32
      %add3A_465 = arith.addi %mul3A_296, %add3A_464 : i32
      %get3A_466 = arith.index_cast %add3A_465 : i32 to index
      %get3A_467 = arith.constant 0 : index
      %get3A_468 = tpu.vector_load %arg9[%get3A_466, %get3A_467] {strides = array<i32>} : memref<1664x16xf32, #tpu.memory_space<vmem>>, vector<1x16xf32>,
      %get3A_469 = vector.shape_cast %get3A_468 : vector<1x16xf32> to vector<16xf32>
      %add3A_470 = arith.addf %add3A_434, %get3A_469 : vector<16xf32>
      %mul3A_471 = arith.mulf %get3A_469, %get3A_469 : vector<16xf32>
      %add3A_472 = arith.addf %add3A_436, %mul3A_471 : vector<16xf32>
      %add3A_473 = arith.constant 20 : i32
      %add3A_474 = arith.addi %mul3A_296, %add3A_473 : i32
      %get3A_475 = arith.index_cast %add3A_474 : i32 to index
      %get3A_476 = arith.constant 0 : index
      %get3A_477 = tpu.vector_load %arg9[%get3A_475, %get3A_476] {strides = array<i32>} : memref<1664x16xf32, #tpu.memory_space<vmem>>, vector<1x16xf32>,
      %get3A_478 = vector.shape_cast %get3A_477 : vector<1x16xf32> to vector<16xf32>
      %add3A_479 = arith.addf %add3A_443, %get3A_478 : vector<16xf32>
      %mul3A_480 = arith.mulf %get3A_478, %get3A_478 : vector<16xf32>
      %add3A_481 = arith.addf %add3A_445, %mul3A_480 : vector<16xf32>
      %add3A_482 = arith.constant 21 : i32
      %add3A_483 = arith.addi %mul3A_296, %add3A_482 : i32
      %get3A_484 = arith.index_cast %add3A_483 : i32 to index
      %get3A_485 = arith.constant 0 : index
      %get3A_486 = tpu.vector_load %arg9[%get3A_484, %get3A_485] {strides = array<i32>} : memref<1664x16xf32, #tpu.memory_space<vmem>>, vector<1x16xf32>,
      %get3A_487 = vector.shape_cast %get3A_486 : vector<1x16xf32> to vector<16xf32>
      %add3A_488 = arith.addf %add3A_452, %get3A_487 : vector<16xf32>
      %mul3A_489 = arith.mulf %get3A_487, %get3A_487 : vector<16xf32>
      %add3A_490 = arith.addf %add3A_454, %mul3A_489 : vector<16xf32>
      %add3A_491 = arith.constant 22 : i32
      %add3A_492 = arith.addi %mul3A_296, %add3A_491 : i32
      %get3A_493 = arith.index_cast %add3A_492 : i32 to index
      %get3A_494 = arith.constant 0 : index
      %get3A_495 = tpu.vector_load %arg9[%get3A_493, %get3A_494] {strides = array<i32>} : memref<1664x16xf32, #tpu.memory_space<vmem>>, vector<1x16xf32>,
      %get3A_496 = vector.shape_cast %get3A_495 : vector<1x16xf32> to vector<16xf32>
      %add3A_497 = arith.addf %add3A_461, %get3A_496 : vector<16xf32>
      %mul3A_498 = arith.mulf %get3A_496, %get3A_496 : vector<16xf32>
      %add3A_499 = arith.addf %add3A_463, %mul3A_498 : vector<16xf32>
      %add3A_500 = arith.constant 23 : i32
      %add3A_501 = arith.addi %mul3A_296, %add3A_500 : i32
      %get3A_502 = arith.index_cast %add3A_501 : i32 to index
      %get3A_503 = arith.constant 0 : index
      %get3A_504 = tpu.vector_load %arg9[%get3A_502, %get3A_503] {strides = array<i32>} : memref<1664x16xf32, #tpu.memory_space<vmem>>, vector<1x16xf32>,
      %get3A_505 = vector.shape_cast %get3A_504 : vector<1x16xf32> to vector<16xf32>
      %add3A_506 = arith.addf %add3A_470, %get3A_505 : vector<16xf32>
      %mul3A_507 = arith.mulf %get3A_505, %get3A_505 : vector<16xf32>
      %add3A_508 = arith.addf %add3A_472, %mul3A_507 : vector<16xf32>
      %add3A_509 = arith.constant 24 : i32
      %add3A_510 = arith.addi %mul3A_296, %add3A_509 : i32
      %get3A_511 = arith.index_cast %add3A_510 : i32 to index
      %get3A_512 = arith.constant 0 : index
      %get3A_513 = tpu.vector_load %arg9[%get3A_511, %get3A_512] {strides = array<i32>} : memref<1664x16xf32, #tpu.memory_space<vmem>>, vector<1x16xf32>,
      %get3A_514 = vector.shape_cast %get3A_513 : vector<1x16xf32> to vector<16xf32>
      %add3A_515 = arith.addf %add3A_479, %get3A_514 : vector<16xf32>
      %mul3A_516 = arith.mulf %get3A_514, %get3A_514 : vector<16xf32>
      %add3A_517 = arith.addf %add3A_481, %mul3A_516 : vector<16xf32>
      %add3A_518 = arith.constant 25 : i32
      %add3A_519 = arith.addi %mul3A_296, %add3A_518 : i32
      %get3A_520 = arith.index_cast %add3A_519 : i32 to index
      %get3A_521 = arith.constant 0 : index
      %get3A_522 = tpu.vector_load %arg9[%get3A_520, %get3A_521] {strides = array<i32>} : memref<1664x16xf32, #tpu.memory_space<vmem>>, vector<1x16xf32>,
      %get3A_523 = vector.shape_cast %get3A_522 : vector<1x16xf32> to vector<16xf32>
      %add3A_524 = arith.addf %add3A_488, %get3A_523 : vector<16xf32>
      %mul3A_525 = arith.mulf %get3A_523, %get3A_523 : vector<16xf32>
      %add3A_526 = arith.addf %add3A_490, %mul3A_525 : vector<16xf32>
      %add3A_527 = arith.addf %add3A_515, %add3A_524 : vector<16xf32>
      %add3A_528 = arith.addf %add3A_497, %add3A_506 : vector<16xf32>
      %add3A_529 = arith.addf %add3A_527, %add3A_528 : vector<16xf32>
      %add3A_530 = arith.addf %add3A_517, %add3A_526 : vector<16xf32>
      %add3A_531 = arith.addf %add3A_499, %add3A_508 : vector<16xf32>
      %add3A_532 = arith.addf %add3A_530, %add3A_531 : vector<16xf32>
      %mul3A_533 = arith.mulf %add3A_529, %add3A_529 : vector<16xf32>
      %sub3A = arith.subf %mul3A_533, %add3A_532 : vector<16xf32>
      %mul3A_534 = arith.constant 5.000000e-01 : f32
      %mul3A_535 = vector.broadcast %mul3A_534 : f32 to vector<16xf32>
      %mul3A_536 = arith.mulf %sub3A, %mul3A_535 : vector<16xf32>
      %add3A_537 = arith.addf %mul3A_536, %get3A_4 : vector<16xf32>
      %get3A_538 = arith.index_cast %add3A_300 : i32 to index
      %get3A_539 = tpu.vector_load %arg10[%get3A_538] {strides = array<i32>} : memref<13344xf32, #tpu.memory_space<vmem>>, vector<16xf32>,
      %get3A_540 = vector.shape_cast %get3A_539 : vector<16xf32> to vector<16xf32>
      %add3A_541 = arith.constant 16 : i32
      %add3A_542 = arith.addi %add3A_300, %add3A_541 : i32
      %get3A_543 = arith.index_cast %add3A_542 : i32 to index
      %get3A_544 = tpu.vector_load %arg10[%get3A_543] {strides = array<i32>} : memref<13344xf32, #tpu.memory_space<vmem>>, vector<16xf32>,
      %get3A_545 = vector.shape_cast %get3A_544 : vector<16xf32> to vector<16xf32>
      %add3A_546 = arith.addf %add3A_537, %get3A_540 : vector<16xf32>
      %lt3A = arith.constant 10 : i32
      %lt3A_547 = vector.broadcast %lt3A : i32 to vector<16xi32>
      %lt3A_548 = arith.cmpi slt, %iota3A, %lt3A_547 : vector<16xi32>
      %jit3A = arith.constant 0.000000e+00 : f32
      %broadcast_in_dim3A = vector.broadcast %jit3A : f32 to vector<16xf32>
      %select_n3A = arith.select %lt3A_548, %get3A_545, %broadcast_in_dim3A : vector<16xi1>, vector<16xf32>
      %add3A_549 = arith.addf %add3A_546, %select_n3A : vector<16xf32>
      %add3A_550 = arith.constant 192 : i32
      %add3A_551 = arith.addi %add3A_550, %mul3A_294 : i32
      %mul3A_552 = arith.constant 16 : i32
      %mul3A_553 = arith.muli %add3A_551, %mul3A_552 : i32
      %swap3A = arith.index_cast %mul3A_553 : i32 to index
      %swap3A_554 = tpu.vector_load %arg11[%swap3A] {strides = array<i32>} : memref<8192xf32, #tpu.memory_space<vmem>>, vector<16xf32>,
      %swap3A_555 = vector.shape_cast %swap3A_554 : vector<16xf32> to vector<16xf32>
      %swap3A_556 = vector.shape_cast %add3A_549 : vector<16xf32> to vector<16xf32>
      tpu.vector_store %arg11[%swap3A], %swap3A_556 {strides = array<i32>} : memref<8192xf32, #tpu.memory_space<vmem>>, vector<16xf32>,
      %mul3A_557 = arith.constant 2 : i32
      %mul3A_558 = arith.muli %scan3A_292, %mul3A_557 : i32
      %add3A_559 = arith.constant 1 : i32
      %add3A_560 = arith.addi %mul3A_558, %add3A_559 : i32
      %mul3A_561 = arith.constant 26 : i32
      %mul3A_562 = arith.muli %add3A_560, %mul3A_561 : i32
      %mul3A_563 = arith.constant 26 : i32
      %mul3A_564 = arith.muli %add3A_560, %mul3A_563 : i32
      %add3A_565 = arith.constant 4992 : i32
      %add3A_566 = arith.addi %add3A_565, %mul3A_564 : i32
      %add3A_567 = arith.constant 0 : i32
      %add3A_568 = arith.addi %mul3A_562, %add3A_567 : i32
      %get3A_569 = arith.index_cast %add3A_568 : i32 to index
      %get3A_570 = arith.constant 0 : index
      %get3A_571 = tpu.vector_load %arg9[%get3A_569, %get3A_570] {strides = array<i32>} : memref<1664x16xf32, #tpu.memory_space<vmem>>, vector<1x16xf32>,
      %get3A_572 = vector.shape_cast %get3A_571 : vector<1x16xf32> to vector<16xf32>
      %mul3A_573 = arith.mulf %get3A_572, %get3A_572 : vector<16xf32>
      %add3A_574 = arith.constant 1 : i32
      %add3A_575 = arith.addi %mul3A_562, %add3A_574 : i32
      %get3A_576 = arith.index_cast %add3A_575 : i32 to index
      %get3A_577 = arith.constant 0 : index
      %get3A_578 = tpu.vector_load %arg9[%get3A_576, %get3A_577] {strides = array<i32>} : memref<1664x16xf32, #tpu.memory_space<vmem>>, vector<1x16xf32>,
      %get3A_579 = vector.shape_cast %get3A_578 : vector<1x16xf32> to vector<16xf32>
      %mul3A_580 = arith.mulf %get3A_579, %get3A_579 : vector<16xf32>
      %add3A_581 = arith.constant 2 : i32
      %add3A_582 = arith.addi %mul3A_562, %add3A_581 : i32
      %get3A_583 = arith.index_cast %add3A_582 : i32 to index
      %get3A_584 = arith.constant 0 : index
      %get3A_585 = tpu.vector_load %arg9[%get3A_583, %get3A_584] {strides = array<i32>} : memref<1664x16xf32, #tpu.memory_space<vmem>>, vector<1x16xf32>,
      %get3A_586 = vector.shape_cast %get3A_585 : vector<1x16xf32> to vector<16xf32>
      %mul3A_587 = arith.mulf %get3A_586, %get3A_586 : vector<16xf32>
      %add3A_588 = arith.constant 3 : i32
      %add3A_589 = arith.addi %mul3A_562, %add3A_588 : i32
      %get3A_590 = arith.index_cast %add3A_589 : i32 to index
      %get3A_591 = arith.constant 0 : index
      %get3A_592 = tpu.vector_load %arg9[%get3A_590, %get3A_591] {strides = array<i32>} : memref<1664x16xf32, #tpu.memory_space<vmem>>, vector<1x16xf32>,
      %get3A_593 = vector.shape_cast %get3A_592 : vector<1x16xf32> to vector<16xf32>
      %mul3A_594 = arith.mulf %get3A_593, %get3A_593 : vector<16xf32>
      %add3A_595 = arith.constant 4 : i32
      %add3A_596 = arith.addi %mul3A_562, %add3A_595 : i32
      %get3A_597 = arith.index_cast %add3A_596 : i32 to index
      %get3A_598 = arith.constant 0 : index
      %get3A_599 = tpu.vector_load %arg9[%get3A_597, %get3A_598] {strides = array<i32>} : memref<1664x16xf32, #tpu.memory_space<vmem>>, vector<1x16xf32>,
      %get3A_600 = vector.shape_cast %get3A_599 : vector<1x16xf32> to vector<16xf32>
      %add3A_601 = arith.addf %get3A_572, %get3A_600 : vector<16xf32>
      %mul3A_602 = arith.mulf %get3A_600, %get3A_600 : vector<16xf32>
      %add3A_603 = arith.addf %mul3A_573, %mul3A_602 : vector<16xf32>
      %add3A_604 = arith.constant 5 : i32
      %add3A_605 = arith.addi %mul3A_562, %add3A_604 : i32
      %get3A_606 = arith.index_cast %add3A_605 : i32 to index
      %get3A_607 = arith.constant 0 : index
      %get3A_608 = tpu.vector_load %arg9[%get3A_606, %get3A_607] {strides = array<i32>} : memref<1664x16xf32, #tpu.memory_space<vmem>>, vector<1x16xf32>,
      %get3A_609 = vector.shape_cast %get3A_608 : vector<1x16xf32> to vector<16xf32>
      %add3A_610 = arith.addf %get3A_579, %get3A_609 : vector<16xf32>
      %mul3A_611 = arith.mulf %get3A_609, %get3A_609 : vector<16xf32>
      %add3A_612 = arith.addf %mul3A_580, %mul3A_611 : vector<16xf32>
      %add3A_613 = arith.constant 6 : i32
      %add3A_614 = arith.addi %mul3A_562, %add3A_613 : i32
      %get3A_615 = arith.index_cast %add3A_614 : i32 to index
      %get3A_616 = arith.constant 0 : index
      %get3A_617 = tpu.vector_load %arg9[%get3A_615, %get3A_616] {strides = array<i32>} : memref<1664x16xf32, #tpu.memory_space<vmem>>, vector<1x16xf32>,
      %get3A_618 = vector.shape_cast %get3A_617 : vector<1x16xf32> to vector<16xf32>
      %add3A_619 = arith.addf %get3A_586, %get3A_618 : vector<16xf32>
      %mul3A_620 = arith.mulf %get3A_618, %get3A_618 : vector<16xf32>
      %add3A_621 = arith.addf %mul3A_587, %mul3A_620 : vector<16xf32>
      %add3A_622 = arith.constant 7 : i32
      %add3A_623 = arith.addi %mul3A_562, %add3A_622 : i32
      %get3A_624 = arith.index_cast %add3A_623 : i32 to index
      %get3A_625 = arith.constant 0 : index
      %get3A_626 = tpu.vector_load %arg9[%get3A_624, %get3A_625] {strides = array<i32>} : memref<1664x16xf32, #tpu.memory_space<vmem>>, vector<1x16xf32>,
      %get3A_627 = vector.shape_cast %get3A_626 : vector<1x16xf32> to vector<16xf32>
      %add3A_628 = arith.addf %get3A_593, %get3A_627 : vector<16xf32>
      %mul3A_629 = arith.mulf %get3A_627, %get3A_627 : vector<16xf32>
      %add3A_630 = arith.addf %mul3A_594, %mul3A_629 : vector<16xf32>
      %add3A_631 = arith.constant 8 : i32
      %add3A_632 = arith.addi %mul3A_562, %add3A_631 : i32
      %get3A_633 = arith.index_cast %add3A_632 : i32 to index
      %get3A_634 = arith.constant 0 : index
      %get3A_635 = tpu.vector_load %arg9[%get3A_633, %get3A_634] {strides = array<i32>} : memref<1664x16xf32, #tpu.memory_space<vmem>>, vector<1x16xf32>,
      %get3A_636 = vector.shape_cast %get3A_635 : vector<1x16xf32> to vector<16xf32>
      %add3A_637 = arith.addf %add3A_601, %get3A_636 : vector<16xf32>
      %mul3A_638 = arith.mulf %get3A_636, %get3A_636 : vector<16xf32>
      %add3A_639 = arith.addf %add3A_603, %mul3A_638 : vector<16xf32>
      %add3A_640 = arith.constant 9 : i32
      %add3A_641 = arith.addi %mul3A_562, %add3A_640 : i32
      %get3A_642 = arith.index_cast %add3A_641 : i32 to index
      %get3A_643 = arith.constant 0 : index
      %get3A_644 = tpu.vector_load %arg9[%get3A_642, %get3A_643] {strides = array<i32>} : memref<1664x16xf32, #tpu.memory_space<vmem>>, vector<1x16xf32>,
      %get3A_645 = vector.shape_cast %get3A_644 : vector<1x16xf32> to vector<16xf32>
      %add3A_646 = arith.addf %add3A_610, %get3A_645 : vector<16xf32>
      %mul3A_647 = arith.mulf %get3A_645, %get3A_645 : vector<16xf32>
      %add3A_648 = arith.addf %add3A_612, %mul3A_647 : vector<16xf32>
      %add3A_649 = arith.constant 10 : i32
      %add3A_650 = arith.addi %mul3A_562, %add3A_649 : i32
      %get3A_651 = arith.index_cast %add3A_650 : i32 to index
      %get3A_652 = arith.constant 0 : index
      %get3A_653 = tpu.vector_load %arg9[%get3A_651, %get3A_652] {strides = array<i32>} : memref<1664x16xf32, #tpu.memory_space<vmem>>, vector<1x16xf32>,
      %get3A_654 = vector.shape_cast %get3A_653 : vector<1x16xf32> to vector<16xf32>
      %add3A_655 = arith.addf %add3A_619, %get3A_654 : vector<16xf32>
      %mul3A_656 = arith.mulf %get3A_654, %get3A_654 : vector<16xf32>
      %add3A_657 = arith.addf %add3A_621, %mul3A_656 : vector<16xf32>
      %add3A_658 = arith.constant 11 : i32
      %add3A_659 = arith.addi %mul3A_562, %add3A_658 : i32
      %get3A_660 = arith.index_cast %add3A_659 : i32 to index
      %get3A_661 = arith.constant 0 : index
      %get3A_662 = tpu.vector_load %arg9[%get3A_660, %get3A_661] {strides = array<i32>} : memref<1664x16xf32, #tpu.memory_space<vmem>>, vector<1x16xf32>,
      %get3A_663 = vector.shape_cast %get3A_662 : vector<1x16xf32> to vector<16xf32>
      %add3A_664 = arith.addf %add3A_628, %get3A_663 : vector<16xf32>
      %mul3A_665 = arith.mulf %get3A_663, %get3A_663 : vector<16xf32>
      %add3A_666 = arith.addf %add3A_630, %mul3A_665 : vector<16xf32>
      %add3A_667 = arith.constant 12 : i32
      %add3A_668 = arith.addi %mul3A_562, %add3A_667 : i32
      %get3A_669 = arith.index_cast %add3A_668 : i32 to index
      %get3A_670 = arith.constant 0 : index
      %get3A_671 = tpu.vector_load %arg9[%get3A_669, %get3A_670] {strides = array<i32>} : memref<1664x16xf32, #tpu.memory_space<vmem>>, vector<1x16xf32>,
      %get3A_672 = vector.shape_cast %get3A_671 : vector<1x16xf32> to vector<16xf32>
      %add3A_673 = arith.addf %add3A_637, %get3A_672 : vector<16xf32>
      %mul3A_674 = arith.mulf %get3A_672, %get3A_672 : vector<16xf32>
      %add3A_675 = arith.addf %add3A_639, %mul3A_674 : vector<16xf32>
      %add3A_676 = arith.constant 13 : i32
      %add3A_677 = arith.addi %mul3A_562, %add3A_676 : i32
      %get3A_678 = arith.index_cast %add3A_677 : i32 to index
      %get3A_679 = arith.constant 0 : index
      %get3A_680 = tpu.vector_load %arg9[%get3A_678, %get3A_679] {strides = array<i32>} : memref<1664x16xf32, #tpu.memory_space<vmem>>, vector<1x16xf32>,
      %get3A_681 = vector.shape_cast %get3A_680 : vector<1x16xf32> to vector<16xf32>
      %add3A_682 = arith.addf %add3A_646, %get3A_681 : vector<16xf32>
      %mul3A_683 = arith.mulf %get3A_681, %get3A_681 : vector<16xf32>
      %add3A_684 = arith.addf %add3A_648, %mul3A_683 : vector<16xf32>
      %add3A_685 = arith.constant 14 : i32
      %add3A_686 = arith.addi %mul3A_562, %add3A_685 : i32
      %get3A_687 = arith.index_cast %add3A_686 : i32 to index
      %get3A_688 = arith.constant 0 : index
      %get3A_689 = tpu.vector_load %arg9[%get3A_687, %get3A_688] {strides = array<i32>} : memref<1664x16xf32, #tpu.memory_space<vmem>>, vector<1x16xf32>,
      %get3A_690 = vector.shape_cast %get3A_689 : vector<1x16xf32> to vector<16xf32>
      %add3A_691 = arith.addf %add3A_655, %get3A_690 : vector<16xf32>
      %mul3A_692 = arith.mulf %get3A_690, %get3A_690 : vector<16xf32>
      %add3A_693 = arith.addf %add3A_657, %mul3A_692 : vector<16xf32>
      %add3A_694 = arith.constant 15 : i32
      %add3A_695 = arith.addi %mul3A_562, %add3A_694 : i32
      %get3A_696 = arith.index_cast %add3A_695 : i32 to index
      %get3A_697 = arith.constant 0 : index
      %get3A_698 = tpu.vector_load %arg9[%get3A_696, %get3A_697] {strides = array<i32>} : memref<1664x16xf32, #tpu.memory_space<vmem>>, vector<1x16xf32>,
      %get3A_699 = vector.shape_cast %get3A_698 : vector<1x16xf32> to vector<16xf32>
      %add3A_700 = arith.addf %add3A_664, %get3A_699 : vector<16xf32>
      %mul3A_701 = arith.mulf %get3A_699, %get3A_699 : vector<16xf32>
      %add3A_702 = arith.addf %add3A_666, %mul3A_701 : vector<16xf32>
      %add3A_703 = arith.constant 16 : i32
      %add3A_704 = arith.addi %mul3A_562, %add3A_703 : i32
      %get3A_705 = arith.index_cast %add3A_704 : i32 to index
      %get3A_706 = arith.constant 0 : index
      %get3A_707 = tpu.vector_load %arg9[%get3A_705, %get3A_706] {strides = array<i32>} : memref<1664x16xf32, #tpu.memory_space<vmem>>, vector<1x16xf32>,
      %get3A_708 = vector.shape_cast %get3A_707 : vector<1x16xf32> to vector<16xf32>
      %add3A_709 = arith.addf %add3A_673, %get3A_708 : vector<16xf32>
      %mul3A_710 = arith.mulf %get3A_708, %get3A_708 : vector<16xf32>
      %add3A_711 = arith.addf %add3A_675, %mul3A_710 : vector<16xf32>
      %add3A_712 = arith.constant 17 : i32
      %add3A_713 = arith.addi %mul3A_562, %add3A_712 : i32
      %get3A_714 = arith.index_cast %add3A_713 : i32 to index
      %get3A_715 = arith.constant 0 : index
      %get3A_716 = tpu.vector_load %arg9[%get3A_714, %get3A_715] {strides = array<i32>} : memref<1664x16xf32, #tpu.memory_space<vmem>>, vector<1x16xf32>,
      %get3A_717 = vector.shape_cast %get3A_716 : vector<1x16xf32> to vector<16xf32>
      %add3A_718 = arith.addf %add3A_682, %get3A_717 : vector<16xf32>
      %mul3A_719 = arith.mulf %get3A_717, %get3A_717 : vector<16xf32>
      %add3A_720 = arith.addf %add3A_684, %mul3A_719 : vector<16xf32>
      %add3A_721 = arith.constant 18 : i32
      %add3A_722 = arith.addi %mul3A_562, %add3A_721 : i32
      %get3A_723 = arith.index_cast %add3A_722 : i32 to index
      %get3A_724 = arith.constant 0 : index
      %get3A_725 = tpu.vector_load %arg9[%get3A_723, %get3A_724] {strides = array<i32>} : memref<1664x16xf32, #tpu.memory_space<vmem>>, vector<1x16xf32>,
      %get3A_726 = vector.shape_cast %get3A_725 : vector<1x16xf32> to vector<16xf32>
      %add3A_727 = arith.addf %add3A_691, %get3A_726 : vector<16xf32>
      %mul3A_728 = arith.mulf %get3A_726, %get3A_726 : vector<16xf32>
      %add3A_729 = arith.addf %add3A_693, %mul3A_728 : vector<16xf32>
      %add3A_730 = arith.constant 19 : i32
      %add3A_731 = arith.addi %mul3A_562, %add3A_730 : i32
      %get3A_732 = arith.index_cast %add3A_731 : i32 to index
      %get3A_733 = arith.constant 0 : index
      %get3A_734 = tpu.vector_load %arg9[%get3A_732, %get3A_733] {strides = array<i32>} : memref<1664x16xf32, #tpu.memory_space<vmem>>, vector<1x16xf32>,
      %get3A_735 = vector.shape_cast %get3A_734 : vector<1x16xf32> to vector<16xf32>
      %add3A_736 = arith.addf %add3A_700, %get3A_735 : vector<16xf32>
      %mul3A_737 = arith.mulf %get3A_735, %get3A_735 : vector<16xf32>
      %add3A_738 = arith.addf %add3A_702, %mul3A_737 : vector<16xf32>
      %add3A_739 = arith.constant 20 : i32
      %add3A_740 = arith.addi %mul3A_562, %add3A_739 : i32
      %get3A_741 = arith.index_cast %add3A_740 : i32 to index
      %get3A_742 = arith.constant 0 : index
      %get3A_743 = tpu.vector_load %arg9[%get3A_741, %get3A_742] {strides = array<i32>} : memref<1664x16xf32, #tpu.memory_space<vmem>>, vector<1x16xf32>,
      %get3A_744 = vector.shape_cast %get3A_743 : vector<1x16xf32> to vector<16xf32>
      %add3A_745 = arith.addf %add3A_709, %get3A_744 : vector<16xf32>
      %mul3A_746 = arith.mulf %get3A_744, %get3A_744 : vector<16xf32>
      %add3A_747 = arith.addf %add3A_711, %mul3A_746 : vector<16xf32>
      %add3A_748 = arith.constant 21 : i32
      %add3A_749 = arith.addi %mul3A_562, %add3A_748 : i32
      %get3A_750 = arith.index_cast %add3A_749 : i32 to index
      %get3A_751 = arith.constant 0 : index
      %get3A_752 = tpu.vector_load %arg9[%get3A_750, %get3A_751] {strides = array<i32>} : memref<1664x16xf32, #tpu.memory_space<vmem>>, vector<1x16xf32>,
      %get3A_753 = vector.shape_cast %get3A_752 : vector<1x16xf32> to vector<16xf32>
      %add3A_754 = arith.addf %add3A_718, %get3A_753 : vector<16xf32>
      %mul3A_755 = arith.mulf %get3A_753, %get3A_753 : vector<16xf32>
      %add3A_756 = arith.addf %add3A_720, %mul3A_755 : vector<16xf32>
      %add3A_757 = arith.constant 22 : i32
      %add3A_758 = arith.addi %mul3A_562, %add3A_757 : i32
      %get3A_759 = arith.index_cast %add3A_758 : i32 to index
      %get3A_760 = arith.constant 0 : index
      %get3A_761 = tpu.vector_load %arg9[%get3A_759, %get3A_760] {strides = array<i32>} : memref<1664x16xf32, #tpu.memory_space<vmem>>, vector<1x16xf32>,
      %get3A_762 = vector.shape_cast %get3A_761 : vector<1x16xf32> to vector<16xf32>
      %add3A_763 = arith.addf %add3A_727, %get3A_762 : vector<16xf32>
      %mul3A_764 = arith.mulf %get3A_762, %get3A_762 : vector<16xf32>
      %add3A_765 = arith.addf %add3A_729, %mul3A_764 : vector<16xf32>
      %add3A_766 = arith.constant 23 : i32
      %add3A_767 = arith.addi %mul3A_562, %add3A_766 : i32
      %get3A_768 = arith.index_cast %add3A_767 : i32 to index
      %get3A_769 = arith.constant 0 : index
      %get3A_770 = tpu.vector_load %arg9[%get3A_768, %get3A_769] {strides = array<i32>} : memref<1664x16xf32, #tpu.memory_space<vmem>>, vector<1x16xf32>,
      %get3A_771 = vector.shape_cast %get3A_770 : vector<1x16xf32> to vector<16xf32>
      %add3A_772 = arith.addf %add3A_736, %get3A_771 : vector<16xf32>
      %mul3A_773 = arith.mulf %get3A_771, %get3A_771 : vector<16xf32>
      %add3A_774 = arith.addf %add3A_738, %mul3A_773 : vector<16xf32>
      %add3A_775 = arith.constant 24 : i32
      %add3A_776 = arith.addi %mul3A_562, %add3A_775 : i32
      %get3A_777 = arith.index_cast %add3A_776 : i32 to index
      %get3A_778 = arith.constant 0 : index
      %get3A_779 = tpu.vector_load %arg9[%get3A_777, %get3A_778] {strides = array<i32>} : memref<1664x16xf32, #tpu.memory_space<vmem>>, vector<1x16xf32>,
      %get3A_780 = vector.shape_cast %get3A_779 : vector<1x16xf32> to vector<16xf32>
      %add3A_781 = arith.addf %add3A_745, %get3A_780 : vector<16xf32>
      %mul3A_782 = arith.mulf %get3A_780, %get3A_780 : vector<16xf32>
      %add3A_783 = arith.addf %add3A_747, %mul3A_782 : vector<16xf32>
      %add3A_784 = arith.constant 25 : i32
      %add3A_785 = arith.addi %mul3A_562, %add3A_784 : i32
      %get3A_786 = arith.index_cast %add3A_785 : i32 to index
      %get3A_787 = arith.constant 0 : index
      %get3A_788 = tpu.vector_load %arg9[%get3A_786, %get3A_787] {strides = array<i32>} : memref<1664x16xf32, #tpu.memory_space<vmem>>, vector<1x16xf32>,
      %get3A_789 = vector.shape_cast %get3A_788 : vector<1x16xf32> to vector<16xf32>
      %add3A_790 = arith.addf %add3A_754, %get3A_789 : vector<16xf32>
      %mul3A_791 = arith.mulf %get3A_789, %get3A_789 : vector<16xf32>
      %add3A_792 = arith.addf %add3A_756, %mul3A_791 : vector<16xf32>
      %add3A_793 = arith.addf %add3A_781, %add3A_790 : vector<16xf32>
      %add3A_794 = arith.addf %add3A_763, %add3A_772 : vector<16xf32>
      %add3A_795 = arith.addf %add3A_793, %add3A_794 : vector<16xf32>
      %add3A_796 = arith.addf %add3A_783, %add3A_792 : vector<16xf32>
      %add3A_797 = arith.addf %add3A_765, %add3A_774 : vector<16xf32>
      %add3A_798 = arith.addf %add3A_796, %add3A_797 : vector<16xf32>
      %mul3A_799 = arith.mulf %add3A_795, %add3A_795 : vector<16xf32>
      %sub3A_800 = arith.subf %mul3A_799, %add3A_798 : vector<16xf32>
      %mul3A_801 = arith.constant 5.000000e-01 : f32
      %mul3A_802 = vector.broadcast %mul3A_801 : f32 to vector<16xf32>
      %mul3A_803 = arith.mulf %sub3A_800, %mul3A_802 : vector<16xf32>
      %add3A_804 = arith.addf %mul3A_803, %get3A_4 : vector<16xf32>
      %get3A_805 = arith.index_cast %add3A_566 : i32 to index
      %get3A_806 = tpu.vector_load %arg10[%get3A_805] {strides = array<i32>} : memref<13344xf32, #tpu.memory_space<vmem>>, vector<16xf32>,
      %get3A_807 = vector.shape_cast %get3A_806 : vector<16xf32> to vector<16xf32>
      %add3A_808 = arith.constant 16 : i32
      %add3A_809 = arith.addi %add3A_566, %add3A_808 : i32
      %get3A_810 = arith.index_cast %add3A_809 : i32 to index
      %get3A_811 = tpu.vector_load %arg10[%get3A_810] {strides = array<i32>} : memref<13344xf32, #tpu.memory_space<vmem>>, vector<16xf32>,
      %get3A_812 = vector.shape_cast %get3A_811 : vector<16xf32> to vector<16xf32>
      %add3A_813 = arith.addf %add3A_804, %get3A_807 : vector<16xf32>
      %lt3A_814 = arith.constant 10 : i32
      %lt3A_815 = vector.broadcast %lt3A_814 : i32 to vector<16xi32>
      %lt3A_816 = arith.cmpi slt, %iota3A, %lt3A_815 : vector<16xi32>
      %jit3A_817 = arith.constant 0.000000e+00 : f32
      %broadcast_in_dim3A_818 = vector.broadcast %jit3A_817 : f32 to vector<16xf32>
      %select_n3A_819 = arith.select %lt3A_816, %get3A_812, %broadcast_in_dim3A_818 : vector<16xi1>, vector<16xf32>
      %add3A_820 = arith.addf %add3A_813, %select_n3A_819 : vector<16xf32>
      %add3A_821 = arith.constant 192 : i32
      %add3A_822 = arith.addi %add3A_821, %add3A_560 : i32
      %mul3A_823 = arith.constant 16 : i32
      %mul3A_824 = arith.muli %add3A_822, %mul3A_823 : i32
      %swap3A_825 = arith.index_cast %mul3A_824 : i32 to index
      %swap3A_826 = tpu.vector_load %arg11[%swap3A_825] {strides = array<i32>} : memref<8192xf32, #tpu.memory_space<vmem>>, vector<16xf32>,
      %swap3A_827 = vector.shape_cast %swap3A_826 : vector<16xf32> to vector<16xf32>
      %swap3A_828 = vector.shape_cast %add3A_820 : vector<16xf32> to vector<16xf32>
      tpu.vector_store %arg11[%swap3A_825], %swap3A_828 {strides = array<i32>} : memref<8192xf32, #tpu.memory_space<vmem>>, vector<16xf32>,
    }
    %scan3A_160 = arith.constant 32 : i32
    %dma_start3A_161 = arith.constant 5 : i32
    %dma_start3A_162 = arith.constant 0 : i32
    %dma_start3A_163 = tpu.memref_slice %arg7[%dma_start3A_161, %dma_start3A_162] : memref<8x1664xi32, #tpu.memory_space<vmem>> -> memref<1x1664xi32, #tpu.memory_space<vmem>>
    %dma_start3A_164 = tpu.memref_squeeze %dma_start3A_163 : memref<1x1664xi32, #tpu.memory_space<vmem>> -> memref<1664xi32, #tpu.memory_space<vmem>>
    %dma_start3A_165 = arith.constant 0 : i32
    %dma_start3A_166 = arith.constant 0 : i32
    %dma_start3A_167 = tpu.memref_slice %arg3[%dma_start3A_165, %dma_start3A_166] : memref<200000x16xf32, #tpu.memory_space<hbm>> -> memref<200000x16xf32, #tpu.memory_space<hbm>>
    tpu.enqueue_indirect_dma source(%dma_start3A_167 : memref<200000x16xf32, #tpu.memory_space<hbm>>) target(%arg9 : memref<1664x16xf32, #tpu.memory_space<vmem>>) offsets(%dma_start3A_164 : memref<1664xi32, #tpu.memory_space<vmem>>) semaphore(%arg14 : memref<!tpu.dma_semaphore, #tpu.memory_space<semaphore_mem>>)
    %dma_start3A_168 = arith.constant 5 : i32
    %dma_start3A_169 = arith.constant 8320 : i32
    %dma_start3A_170 = tpu.memref_slice %arg10[%dma_start3A_169] : memref<13344xf32, #tpu.memory_space<vmem>> -> memref<1664xf32, #tpu.memory_space<vmem>>
    %dma_start3A_171 = arith.constant 0 : i32
    %dma_start3A_172 = tpu.memref_slice %arg7[%dma_start3A_168, %dma_start3A_171] : memref<8x1664xi32, #tpu.memory_space<vmem>> -> memref<1x1664xi32, #tpu.memory_space<vmem>>
    %dma_start3A_173 = tpu.memref_squeeze %dma_start3A_172 : memref<1x1664xi32, #tpu.memory_space<vmem>> -> memref<1664xi32, #tpu.memory_space<vmem>>
    %dma_start3A_174 = arith.constant 0 : i32
    %dma_start3A_175 = tpu.memref_slice %arg4[%dma_start3A_174] : memref<200000xf32, #tpu.memory_space<hbm>> -> memref<200000xf32, #tpu.memory_space<hbm>>
    tpu.enqueue_indirect_dma source(%dma_start3A_175 : memref<200000xf32, #tpu.memory_space<hbm>>) target(%dma_start3A_170 : memref<1664xf32, #tpu.memory_space<vmem>>) offsets(%dma_start3A_173 : memref<1664xi32, #tpu.memory_space<vmem>>) semaphore(%arg14 : memref<!tpu.dma_semaphore, #tpu.memory_space<semaphore_mem>>)
    %dma_wait3A_176 = arith.constant 4 : i32
    %dma_wait3A_177 = arith.constant 0 : i32
    %dma_wait3A_178 = tpu.memref_slice %arg7[%dma_wait3A_176, %dma_wait3A_177] : memref<8x1664xi32, #tpu.memory_space<vmem>> -> memref<1x1664xi32, #tpu.memory_space<vmem>>
    %dma_wait3A_179 = tpu.memref_squeeze %dma_wait3A_178 : memref<1x1664xi32, #tpu.memory_space<vmem>> -> memref<1664xi32, #tpu.memory_space<vmem>>
    %dma_wait3A_180 = arith.constant 0 : i32
    %dma_wait3A_181 = arith.constant 0 : i32
    %dma_wait3A_182 = tpu.memref_slice %arg3[%dma_wait3A_180, %dma_wait3A_181] : memref<200000x16xf32, #tpu.memory_space<hbm>> -> memref<200000x16xf32, #tpu.memory_space<hbm>>
    tpu.wait_indirect_dma semaphore(%arg13 : memref<!tpu.dma_semaphore, #tpu.memory_space<semaphore_mem>>) src(%dma_wait3A_182 : memref<200000x16xf32, #tpu.memory_space<hbm>>) dst(%arg8 : memref<1664x16xf32, #tpu.memory_space<vmem>>)
    %dma_wait3A_183 = arith.constant 4 : i32
    %dma_wait3A_184 = arith.constant 6656 : i32
    %dma_wait3A_185 = tpu.memref_slice %arg10[%dma_wait3A_184] : memref<13344xf32, #tpu.memory_space<vmem>> -> memref<1664xf32, #tpu.memory_space<vmem>>
    %dma_wait3A_186 = arith.constant 0 : i32
    %dma_wait3A_187 = tpu.memref_slice %arg7[%dma_wait3A_183, %dma_wait3A_186] : memref<8x1664xi32, #tpu.memory_space<vmem>> -> memref<1x1664xi32, #tpu.memory_space<vmem>>
    %dma_wait3A_188 = tpu.memref_squeeze %dma_wait3A_187 : memref<1x1664xi32, #tpu.memory_space<vmem>> -> memref<1664xi32, #tpu.memory_space<vmem>>
    %dma_wait3A_189 = arith.constant 0 : i32
    %dma_wait3A_190 = tpu.memref_slice %arg4[%dma_wait3A_189] : memref<200000xf32, #tpu.memory_space<hbm>> -> memref<200000xf32, #tpu.memory_space<hbm>>
    tpu.wait_indirect_dma semaphore(%arg13 : memref<!tpu.dma_semaphore, #tpu.memory_space<semaphore_mem>>) src(%dma_wait3A_190 : memref<200000xf32, #tpu.memory_space<hbm>>) dst(%dma_wait3A_185 : memref<1664xf32, #tpu.memory_space<vmem>>)
    %scan3A_191 = arith.constant 0 : i32
    %scan3A_192 = arith.constant 0 : i32
    %scan3A_193 = arith.constant 32 : i32
    %scan3A_194 = arith.addi %scan3A_192, %scan3A_193 : i32
    %scan3A_195 = arith.constant 1 : i32
    scf.for %scan3A_292 = %scan3A_192 to %scan3A_194 step %scan3A_195  : i32 {
      %mul3A_293 = arith.constant 2 : i32
      %mul3A_294 = arith.muli %scan3A_292, %mul3A_293 : i32
      %mul3A_295 = arith.constant 26 : i32
      %mul3A_296 = arith.muli %mul3A_294, %mul3A_295 : i32
      %mul3A_297 = arith.constant 26 : i32
      %mul3A_298 = arith.muli %mul3A_294, %mul3A_297 : i32
      %add3A_299 = arith.constant 6656 : i32
      %add3A_300 = arith.addi %add3A_299, %mul3A_298 : i32
      %add3A_301 = arith.constant 0 : i32
      %add3A_302 = arith.addi %mul3A_296, %add3A_301 : i32
      %get3A_303 = arith.index_cast %add3A_302 : i32 to index
      %get3A_304 = arith.constant 0 : index
      %get3A_305 = tpu.vector_load %arg8[%get3A_303, %get3A_304] {strides = array<i32>} : memref<1664x16xf32, #tpu.memory_space<vmem>>, vector<1x16xf32>,
      %get3A_306 = vector.shape_cast %get3A_305 : vector<1x16xf32> to vector<16xf32>
      %mul3A_307 = arith.mulf %get3A_306, %get3A_306 : vector<16xf32>
      %add3A_308 = arith.constant 1 : i32
      %add3A_309 = arith.addi %mul3A_296, %add3A_308 : i32
      %get3A_310 = arith.index_cast %add3A_309 : i32 to index
      %get3A_311 = arith.constant 0 : index
      %get3A_312 = tpu.vector_load %arg8[%get3A_310, %get3A_311] {strides = array<i32>} : memref<1664x16xf32, #tpu.memory_space<vmem>>, vector<1x16xf32>,
      %get3A_313 = vector.shape_cast %get3A_312 : vector<1x16xf32> to vector<16xf32>
      %mul3A_314 = arith.mulf %get3A_313, %get3A_313 : vector<16xf32>
      %add3A_315 = arith.constant 2 : i32
      %add3A_316 = arith.addi %mul3A_296, %add3A_315 : i32
      %get3A_317 = arith.index_cast %add3A_316 : i32 to index
      %get3A_318 = arith.constant 0 : index
      %get3A_319 = tpu.vector_load %arg8[%get3A_317, %get3A_318] {strides = array<i32>} : memref<1664x16xf32, #tpu.memory_space<vmem>>, vector<1x16xf32>,
      %get3A_320 = vector.shape_cast %get3A_319 : vector<1x16xf32> to vector<16xf32>
      %mul3A_321 = arith.mulf %get3A_320, %get3A_320 : vector<16xf32>
      %add3A_322 = arith.constant 3 : i32
      %add3A_323 = arith.addi %mul3A_296, %add3A_322 : i32
      %get3A_324 = arith.index_cast %add3A_323 : i32 to index
      %get3A_325 = arith.constant 0 : index
      %get3A_326 = tpu.vector_load %arg8[%get3A_324, %get3A_325] {strides = array<i32>} : memref<1664x16xf32, #tpu.memory_space<vmem>>, vector<1x16xf32>,
      %get3A_327 = vector.shape_cast %get3A_326 : vector<1x16xf32> to vector<16xf32>
      %mul3A_328 = arith.mulf %get3A_327, %get3A_327 : vector<16xf32>
      %add3A_329 = arith.constant 4 : i32
      %add3A_330 = arith.addi %mul3A_296, %add3A_329 : i32
      %get3A_331 = arith.index_cast %add3A_330 : i32 to index
      %get3A_332 = arith.constant 0 : index
      %get3A_333 = tpu.vector_load %arg8[%get3A_331, %get3A_332] {strides = array<i32>} : memref<1664x16xf32, #tpu.memory_space<vmem>>, vector<1x16xf32>,
      %get3A_334 = vector.shape_cast %get3A_333 : vector<1x16xf32> to vector<16xf32>
      %add3A_335 = arith.addf %get3A_306, %get3A_334 : vector<16xf32>
      %mul3A_336 = arith.mulf %get3A_334, %get3A_334 : vector<16xf32>
      %add3A_337 = arith.addf %mul3A_307, %mul3A_336 : vector<16xf32>
      %add3A_338 = arith.constant 5 : i32
      %add3A_339 = arith.addi %mul3A_296, %add3A_338 : i32
      %get3A_340 = arith.index_cast %add3A_339 : i32 to index
      %get3A_341 = arith.constant 0 : index
      %get3A_342 = tpu.vector_load %arg8[%get3A_340, %get3A_341] {strides = array<i32>} : memref<1664x16xf32, #tpu.memory_space<vmem>>, vector<1x16xf32>,
      %get3A_343 = vector.shape_cast %get3A_342 : vector<1x16xf32> to vector<16xf32>
      %add3A_344 = arith.addf %get3A_313, %get3A_343 : vector<16xf32>
      %mul3A_345 = arith.mulf %get3A_343, %get3A_343 : vector<16xf32>
      %add3A_346 = arith.addf %mul3A_314, %mul3A_345 : vector<16xf32>
      %add3A_347 = arith.constant 6 : i32
      %add3A_348 = arith.addi %mul3A_296, %add3A_347 : i32
      %get3A_349 = arith.index_cast %add3A_348 : i32 to index
      %get3A_350 = arith.constant 0 : index
      %get3A_351 = tpu.vector_load %arg8[%get3A_349, %get3A_350] {strides = array<i32>} : memref<1664x16xf32, #tpu.memory_space<vmem>>, vector<1x16xf32>,
      %get3A_352 = vector.shape_cast %get3A_351 : vector<1x16xf32> to vector<16xf32>
      %add3A_353 = arith.addf %get3A_320, %get3A_352 : vector<16xf32>
      %mul3A_354 = arith.mulf %get3A_352, %get3A_352 : vector<16xf32>
      %add3A_355 = arith.addf %mul3A_321, %mul3A_354 : vector<16xf32>
      %add3A_356 = arith.constant 7 : i32
      %add3A_357 = arith.addi %mul3A_296, %add3A_356 : i32
      %get3A_358 = arith.index_cast %add3A_357 : i32 to index
      %get3A_359 = arith.constant 0 : index
      %get3A_360 = tpu.vector_load %arg8[%get3A_358, %get3A_359] {strides = array<i32>} : memref<1664x16xf32, #tpu.memory_space<vmem>>, vector<1x16xf32>,
      %get3A_361 = vector.shape_cast %get3A_360 : vector<1x16xf32> to vector<16xf32>
      %add3A_362 = arith.addf %get3A_327, %get3A_361 : vector<16xf32>
      %mul3A_363 = arith.mulf %get3A_361, %get3A_361 : vector<16xf32>
      %add3A_364 = arith.addf %mul3A_328, %mul3A_363 : vector<16xf32>
      %add3A_365 = arith.constant 8 : i32
      %add3A_366 = arith.addi %mul3A_296, %add3A_365 : i32
      %get3A_367 = arith.index_cast %add3A_366 : i32 to index
      %get3A_368 = arith.constant 0 : index
      %get3A_369 = tpu.vector_load %arg8[%get3A_367, %get3A_368] {strides = array<i32>} : memref<1664x16xf32, #tpu.memory_space<vmem>>, vector<1x16xf32>,
      %get3A_370 = vector.shape_cast %get3A_369 : vector<1x16xf32> to vector<16xf32>
      %add3A_371 = arith.addf %add3A_335, %get3A_370 : vector<16xf32>
      %mul3A_372 = arith.mulf %get3A_370, %get3A_370 : vector<16xf32>
      %add3A_373 = arith.addf %add3A_337, %mul3A_372 : vector<16xf32>
      %add3A_374 = arith.constant 9 : i32
      %add3A_375 = arith.addi %mul3A_296, %add3A_374 : i32
      %get3A_376 = arith.index_cast %add3A_375 : i32 to index
      %get3A_377 = arith.constant 0 : index
      %get3A_378 = tpu.vector_load %arg8[%get3A_376, %get3A_377] {strides = array<i32>} : memref<1664x16xf32, #tpu.memory_space<vmem>>, vector<1x16xf32>,
      %get3A_379 = vector.shape_cast %get3A_378 : vector<1x16xf32> to vector<16xf32>
      %add3A_380 = arith.addf %add3A_344, %get3A_379 : vector<16xf32>
      %mul3A_381 = arith.mulf %get3A_379, %get3A_379 : vector<16xf32>
      %add3A_382 = arith.addf %add3A_346, %mul3A_381 : vector<16xf32>
      %add3A_383 = arith.constant 10 : i32
      %add3A_384 = arith.addi %mul3A_296, %add3A_383 : i32
      %get3A_385 = arith.index_cast %add3A_384 : i32 to index
      %get3A_386 = arith.constant 0 : index
      %get3A_387 = tpu.vector_load %arg8[%get3A_385, %get3A_386] {strides = array<i32>} : memref<1664x16xf32, #tpu.memory_space<vmem>>, vector<1x16xf32>,
      %get3A_388 = vector.shape_cast %get3A_387 : vector<1x16xf32> to vector<16xf32>
      %add3A_389 = arith.addf %add3A_353, %get3A_388 : vector<16xf32>
      %mul3A_390 = arith.mulf %get3A_388, %get3A_388 : vector<16xf32>
      %add3A_391 = arith.addf %add3A_355, %mul3A_390 : vector<16xf32>
      %add3A_392 = arith.constant 11 : i32
      %add3A_393 = arith.addi %mul3A_296, %add3A_392 : i32
      %get3A_394 = arith.index_cast %add3A_393 : i32 to index
      %get3A_395 = arith.constant 0 : index
      %get3A_396 = tpu.vector_load %arg8[%get3A_394, %get3A_395] {strides = array<i32>} : memref<1664x16xf32, #tpu.memory_space<vmem>>, vector<1x16xf32>,
      %get3A_397 = vector.shape_cast %get3A_396 : vector<1x16xf32> to vector<16xf32>
      %add3A_398 = arith.addf %add3A_362, %get3A_397 : vector<16xf32>
      %mul3A_399 = arith.mulf %get3A_397, %get3A_397 : vector<16xf32>
      %add3A_400 = arith.addf %add3A_364, %mul3A_399 : vector<16xf32>
      %add3A_401 = arith.constant 12 : i32
      %add3A_402 = arith.addi %mul3A_296, %add3A_401 : i32
      %get3A_403 = arith.index_cast %add3A_402 : i32 to index
      %get3A_404 = arith.constant 0 : index
      %get3A_405 = tpu.vector_load %arg8[%get3A_403, %get3A_404] {strides = array<i32>} : memref<1664x16xf32, #tpu.memory_space<vmem>>, vector<1x16xf32>,
      %get3A_406 = vector.shape_cast %get3A_405 : vector<1x16xf32> to vector<16xf32>
      %add3A_407 = arith.addf %add3A_371, %get3A_406 : vector<16xf32>
      %mul3A_408 = arith.mulf %get3A_406, %get3A_406 : vector<16xf32>
      %add3A_409 = arith.addf %add3A_373, %mul3A_408 : vector<16xf32>
      %add3A_410 = arith.constant 13 : i32
      %add3A_411 = arith.addi %mul3A_296, %add3A_410 : i32
      %get3A_412 = arith.index_cast %add3A_411 : i32 to index
      %get3A_413 = arith.constant 0 : index
      %get3A_414 = tpu.vector_load %arg8[%get3A_412, %get3A_413] {strides = array<i32>} : memref<1664x16xf32, #tpu.memory_space<vmem>>, vector<1x16xf32>,
      %get3A_415 = vector.shape_cast %get3A_414 : vector<1x16xf32> to vector<16xf32>
      %add3A_416 = arith.addf %add3A_380, %get3A_415 : vector<16xf32>
      %mul3A_417 = arith.mulf %get3A_415, %get3A_415 : vector<16xf32>
      %add3A_418 = arith.addf %add3A_382, %mul3A_417 : vector<16xf32>
      %add3A_419 = arith.constant 14 : i32
      %add3A_420 = arith.addi %mul3A_296, %add3A_419 : i32
      %get3A_421 = arith.index_cast %add3A_420 : i32 to index
      %get3A_422 = arith.constant 0 : index
      %get3A_423 = tpu.vector_load %arg8[%get3A_421, %get3A_422] {strides = array<i32>} : memref<1664x16xf32, #tpu.memory_space<vmem>>, vector<1x16xf32>,
      %get3A_424 = vector.shape_cast %get3A_423 : vector<1x16xf32> to vector<16xf32>
      %add3A_425 = arith.addf %add3A_389, %get3A_424 : vector<16xf32>
      %mul3A_426 = arith.mulf %get3A_424, %get3A_424 : vector<16xf32>
      %add3A_427 = arith.addf %add3A_391, %mul3A_426 : vector<16xf32>
      %add3A_428 = arith.constant 15 : i32
      %add3A_429 = arith.addi %mul3A_296, %add3A_428 : i32
      %get3A_430 = arith.index_cast %add3A_429 : i32 to index
      %get3A_431 = arith.constant 0 : index
      %get3A_432 = tpu.vector_load %arg8[%get3A_430, %get3A_431] {strides = array<i32>} : memref<1664x16xf32, #tpu.memory_space<vmem>>, vector<1x16xf32>,
      %get3A_433 = vector.shape_cast %get3A_432 : vector<1x16xf32> to vector<16xf32>
      %add3A_434 = arith.addf %add3A_398, %get3A_433 : vector<16xf32>
      %mul3A_435 = arith.mulf %get3A_433, %get3A_433 : vector<16xf32>
      %add3A_436 = arith.addf %add3A_400, %mul3A_435 : vector<16xf32>
      %add3A_437 = arith.constant 16 : i32
      %add3A_438 = arith.addi %mul3A_296, %add3A_437 : i32
      %get3A_439 = arith.index_cast %add3A_438 : i32 to index
      %get3A_440 = arith.constant 0 : index
      %get3A_441 = tpu.vector_load %arg8[%get3A_439, %get3A_440] {strides = array<i32>} : memref<1664x16xf32, #tpu.memory_space<vmem>>, vector<1x16xf32>,
      %get3A_442 = vector.shape_cast %get3A_441 : vector<1x16xf32> to vector<16xf32>
      %add3A_443 = arith.addf %add3A_407, %get3A_442 : vector<16xf32>
      %mul3A_444 = arith.mulf %get3A_442, %get3A_442 : vector<16xf32>
      %add3A_445 = arith.addf %add3A_409, %mul3A_444 : vector<16xf32>
      %add3A_446 = arith.constant 17 : i32
      %add3A_447 = arith.addi %mul3A_296, %add3A_446 : i32
      %get3A_448 = arith.index_cast %add3A_447 : i32 to index
      %get3A_449 = arith.constant 0 : index
      %get3A_450 = tpu.vector_load %arg8[%get3A_448, %get3A_449] {strides = array<i32>} : memref<1664x16xf32, #tpu.memory_space<vmem>>, vector<1x16xf32>,
      %get3A_451 = vector.shape_cast %get3A_450 : vector<1x16xf32> to vector<16xf32>
      %add3A_452 = arith.addf %add3A_416, %get3A_451 : vector<16xf32>
      %mul3A_453 = arith.mulf %get3A_451, %get3A_451 : vector<16xf32>
      %add3A_454 = arith.addf %add3A_418, %mul3A_453 : vector<16xf32>
      %add3A_455 = arith.constant 18 : i32
      %add3A_456 = arith.addi %mul3A_296, %add3A_455 : i32
      %get3A_457 = arith.index_cast %add3A_456 : i32 to index
      %get3A_458 = arith.constant 0 : index
      %get3A_459 = tpu.vector_load %arg8[%get3A_457, %get3A_458] {strides = array<i32>} : memref<1664x16xf32, #tpu.memory_space<vmem>>, vector<1x16xf32>,
      %get3A_460 = vector.shape_cast %get3A_459 : vector<1x16xf32> to vector<16xf32>
      %add3A_461 = arith.addf %add3A_425, %get3A_460 : vector<16xf32>
      %mul3A_462 = arith.mulf %get3A_460, %get3A_460 : vector<16xf32>
      %add3A_463 = arith.addf %add3A_427, %mul3A_462 : vector<16xf32>
      %add3A_464 = arith.constant 19 : i32
      %add3A_465 = arith.addi %mul3A_296, %add3A_464 : i32
      %get3A_466 = arith.index_cast %add3A_465 : i32 to index
      %get3A_467 = arith.constant 0 : index
      %get3A_468 = tpu.vector_load %arg8[%get3A_466, %get3A_467] {strides = array<i32>} : memref<1664x16xf32, #tpu.memory_space<vmem>>, vector<1x16xf32>,
      %get3A_469 = vector.shape_cast %get3A_468 : vector<1x16xf32> to vector<16xf32>
      %add3A_470 = arith.addf %add3A_434, %get3A_469 : vector<16xf32>
      %mul3A_471 = arith.mulf %get3A_469, %get3A_469 : vector<16xf32>
      %add3A_472 = arith.addf %add3A_436, %mul3A_471 : vector<16xf32>
      %add3A_473 = arith.constant 20 : i32
      %add3A_474 = arith.addi %mul3A_296, %add3A_473 : i32
      %get3A_475 = arith.index_cast %add3A_474 : i32 to index
      %get3A_476 = arith.constant 0 : index
      %get3A_477 = tpu.vector_load %arg8[%get3A_475, %get3A_476] {strides = array<i32>} : memref<1664x16xf32, #tpu.memory_space<vmem>>, vector<1x16xf32>,
      %get3A_478 = vector.shape_cast %get3A_477 : vector<1x16xf32> to vector<16xf32>
      %add3A_479 = arith.addf %add3A_443, %get3A_478 : vector<16xf32>
      %mul3A_480 = arith.mulf %get3A_478, %get3A_478 : vector<16xf32>
      %add3A_481 = arith.addf %add3A_445, %mul3A_480 : vector<16xf32>
      %add3A_482 = arith.constant 21 : i32
      %add3A_483 = arith.addi %mul3A_296, %add3A_482 : i32
      %get3A_484 = arith.index_cast %add3A_483 : i32 to index
      %get3A_485 = arith.constant 0 : index
      %get3A_486 = tpu.vector_load %arg8[%get3A_484, %get3A_485] {strides = array<i32>} : memref<1664x16xf32, #tpu.memory_space<vmem>>, vector<1x16xf32>,
      %get3A_487 = vector.shape_cast %get3A_486 : vector<1x16xf32> to vector<16xf32>
      %add3A_488 = arith.addf %add3A_452, %get3A_487 : vector<16xf32>
      %mul3A_489 = arith.mulf %get3A_487, %get3A_487 : vector<16xf32>
      %add3A_490 = arith.addf %add3A_454, %mul3A_489 : vector<16xf32>
      %add3A_491 = arith.constant 22 : i32
      %add3A_492 = arith.addi %mul3A_296, %add3A_491 : i32
      %get3A_493 = arith.index_cast %add3A_492 : i32 to index
      %get3A_494 = arith.constant 0 : index
      %get3A_495 = tpu.vector_load %arg8[%get3A_493, %get3A_494] {strides = array<i32>} : memref<1664x16xf32, #tpu.memory_space<vmem>>, vector<1x16xf32>,
      %get3A_496 = vector.shape_cast %get3A_495 : vector<1x16xf32> to vector<16xf32>
      %add3A_497 = arith.addf %add3A_461, %get3A_496 : vector<16xf32>
      %mul3A_498 = arith.mulf %get3A_496, %get3A_496 : vector<16xf32>
      %add3A_499 = arith.addf %add3A_463, %mul3A_498 : vector<16xf32>
      %add3A_500 = arith.constant 23 : i32
      %add3A_501 = arith.addi %mul3A_296, %add3A_500 : i32
      %get3A_502 = arith.index_cast %add3A_501 : i32 to index
      %get3A_503 = arith.constant 0 : index
      %get3A_504 = tpu.vector_load %arg8[%get3A_502, %get3A_503] {strides = array<i32>} : memref<1664x16xf32, #tpu.memory_space<vmem>>, vector<1x16xf32>,
      %get3A_505 = vector.shape_cast %get3A_504 : vector<1x16xf32> to vector<16xf32>
      %add3A_506 = arith.addf %add3A_470, %get3A_505 : vector<16xf32>
      %mul3A_507 = arith.mulf %get3A_505, %get3A_505 : vector<16xf32>
      %add3A_508 = arith.addf %add3A_472, %mul3A_507 : vector<16xf32>
      %add3A_509 = arith.constant 24 : i32
      %add3A_510 = arith.addi %mul3A_296, %add3A_509 : i32
      %get3A_511 = arith.index_cast %add3A_510 : i32 to index
      %get3A_512 = arith.constant 0 : index
      %get3A_513 = tpu.vector_load %arg8[%get3A_511, %get3A_512] {strides = array<i32>} : memref<1664x16xf32, #tpu.memory_space<vmem>>, vector<1x16xf32>,
      %get3A_514 = vector.shape_cast %get3A_513 : vector<1x16xf32> to vector<16xf32>
      %add3A_515 = arith.addf %add3A_479, %get3A_514 : vector<16xf32>
      %mul3A_516 = arith.mulf %get3A_514, %get3A_514 : vector<16xf32>
      %add3A_517 = arith.addf %add3A_481, %mul3A_516 : vector<16xf32>
      %add3A_518 = arith.constant 25 : i32
      %add3A_519 = arith.addi %mul3A_296, %add3A_518 : i32
      %get3A_520 = arith.index_cast %add3A_519 : i32 to index
      %get3A_521 = arith.constant 0 : index
      %get3A_522 = tpu.vector_load %arg8[%get3A_520, %get3A_521] {strides = array<i32>} : memref<1664x16xf32, #tpu.memory_space<vmem>>, vector<1x16xf32>,
      %get3A_523 = vector.shape_cast %get3A_522 : vector<1x16xf32> to vector<16xf32>
      %add3A_524 = arith.addf %add3A_488, %get3A_523 : vector<16xf32>
      %mul3A_525 = arith.mulf %get3A_523, %get3A_523 : vector<16xf32>
      %add3A_526 = arith.addf %add3A_490, %mul3A_525 : vector<16xf32>
      %add3A_527 = arith.addf %add3A_515, %add3A_524 : vector<16xf32>
      %add3A_528 = arith.addf %add3A_497, %add3A_506 : vector<16xf32>
      %add3A_529 = arith.addf %add3A_527, %add3A_528 : vector<16xf32>
      %add3A_530 = arith.addf %add3A_517, %add3A_526 : vector<16xf32>
      %add3A_531 = arith.addf %add3A_499, %add3A_508 : vector<16xf32>
      %add3A_532 = arith.addf %add3A_530, %add3A_531 : vector<16xf32>
      %mul3A_533 = arith.mulf %add3A_529, %add3A_529 : vector<16xf32>
      %sub3A = arith.subf %mul3A_533, %add3A_532 : vector<16xf32>
      %mul3A_534 = arith.constant 5.000000e-01 : f32
      %mul3A_535 = vector.broadcast %mul3A_534 : f32 to vector<16xf32>
      %mul3A_536 = arith.mulf %sub3A, %mul3A_535 : vector<16xf32>
      %add3A_537 = arith.addf %mul3A_536, %get3A_4 : vector<16xf32>
      %get3A_538 = arith.index_cast %add3A_300 : i32 to index
      %get3A_539 = tpu.vector_load %arg10[%get3A_538] {strides = array<i32>} : memref<13344xf32, #tpu.memory_space<vmem>>, vector<16xf32>,
      %get3A_540 = vector.shape_cast %get3A_539 : vector<16xf32> to vector<16xf32>
      %add3A_541 = arith.constant 16 : i32
      %add3A_542 = arith.addi %add3A_300, %add3A_541 : i32
      %get3A_543 = arith.index_cast %add3A_542 : i32 to index
      %get3A_544 = tpu.vector_load %arg10[%get3A_543] {strides = array<i32>} : memref<13344xf32, #tpu.memory_space<vmem>>, vector<16xf32>,
      %get3A_545 = vector.shape_cast %get3A_544 : vector<16xf32> to vector<16xf32>
      %add3A_546 = arith.addf %add3A_537, %get3A_540 : vector<16xf32>
      %lt3A = arith.constant 10 : i32
      %lt3A_547 = vector.broadcast %lt3A : i32 to vector<16xi32>
      %lt3A_548 = arith.cmpi slt, %iota3A, %lt3A_547 : vector<16xi32>
      %jit3A = arith.constant 0.000000e+00 : f32
      %broadcast_in_dim3A = vector.broadcast %jit3A : f32 to vector<16xf32>
      %select_n3A = arith.select %lt3A_548, %get3A_545, %broadcast_in_dim3A : vector<16xi1>, vector<16xf32>
      %add3A_549 = arith.addf %add3A_546, %select_n3A : vector<16xf32>
      %add3A_550 = arith.constant 256 : i32
      %add3A_551 = arith.addi %add3A_550, %mul3A_294 : i32
      %mul3A_552 = arith.constant 16 : i32
      %mul3A_553 = arith.muli %add3A_551, %mul3A_552 : i32
      %swap3A = arith.index_cast %mul3A_553 : i32 to index
      %swap3A_554 = tpu.vector_load %arg11[%swap3A] {strides = array<i32>} : memref<8192xf32, #tpu.memory_space<vmem>>, vector<16xf32>,
      %swap3A_555 = vector.shape_cast %swap3A_554 : vector<16xf32> to vector<16xf32>
      %swap3A_556 = vector.shape_cast %add3A_549 : vector<16xf32> to vector<16xf32>
      tpu.vector_store %arg11[%swap3A], %swap3A_556 {strides = array<i32>} : memref<8192xf32, #tpu.memory_space<vmem>>, vector<16xf32>,
      %mul3A_557 = arith.constant 2 : i32
      %mul3A_558 = arith.muli %scan3A_292, %mul3A_557 : i32
      %add3A_559 = arith.constant 1 : i32
      %add3A_560 = arith.addi %mul3A_558, %add3A_559 : i32
      %mul3A_561 = arith.constant 26 : i32
      %mul3A_562 = arith.muli %add3A_560, %mul3A_561 : i32
      %mul3A_563 = arith.constant 26 : i32
      %mul3A_564 = arith.muli %add3A_560, %mul3A_563 : i32
      %add3A_565 = arith.constant 6656 : i32
      %add3A_566 = arith.addi %add3A_565, %mul3A_564 : i32
      %add3A_567 = arith.constant 0 : i32
      %add3A_568 = arith.addi %mul3A_562, %add3A_567 : i32
      %get3A_569 = arith.index_cast %add3A_568 : i32 to index
      %get3A_570 = arith.constant 0 : index
      %get3A_571 = tpu.vector_load %arg8[%get3A_569, %get3A_570] {strides = array<i32>} : memref<1664x16xf32, #tpu.memory_space<vmem>>, vector<1x16xf32>,
      %get3A_572 = vector.shape_cast %get3A_571 : vector<1x16xf32> to vector<16xf32>
      %mul3A_573 = arith.mulf %get3A_572, %get3A_572 : vector<16xf32>
      %add3A_574 = arith.constant 1 : i32
      %add3A_575 = arith.addi %mul3A_562, %add3A_574 : i32
      %get3A_576 = arith.index_cast %add3A_575 : i32 to index
      %get3A_577 = arith.constant 0 : index
      %get3A_578 = tpu.vector_load %arg8[%get3A_576, %get3A_577] {strides = array<i32>} : memref<1664x16xf32, #tpu.memory_space<vmem>>, vector<1x16xf32>,
      %get3A_579 = vector.shape_cast %get3A_578 : vector<1x16xf32> to vector<16xf32>
      %mul3A_580 = arith.mulf %get3A_579, %get3A_579 : vector<16xf32>
      %add3A_581 = arith.constant 2 : i32
      %add3A_582 = arith.addi %mul3A_562, %add3A_581 : i32
      %get3A_583 = arith.index_cast %add3A_582 : i32 to index
      %get3A_584 = arith.constant 0 : index
      %get3A_585 = tpu.vector_load %arg8[%get3A_583, %get3A_584] {strides = array<i32>} : memref<1664x16xf32, #tpu.memory_space<vmem>>, vector<1x16xf32>,
      %get3A_586 = vector.shape_cast %get3A_585 : vector<1x16xf32> to vector<16xf32>
      %mul3A_587 = arith.mulf %get3A_586, %get3A_586 : vector<16xf32>
      %add3A_588 = arith.constant 3 : i32
      %add3A_589 = arith.addi %mul3A_562, %add3A_588 : i32
      %get3A_590 = arith.index_cast %add3A_589 : i32 to index
      %get3A_591 = arith.constant 0 : index
      %get3A_592 = tpu.vector_load %arg8[%get3A_590, %get3A_591] {strides = array<i32>} : memref<1664x16xf32, #tpu.memory_space<vmem>>, vector<1x16xf32>,
      %get3A_593 = vector.shape_cast %get3A_592 : vector<1x16xf32> to vector<16xf32>
      %mul3A_594 = arith.mulf %get3A_593, %get3A_593 : vector<16xf32>
      %add3A_595 = arith.constant 4 : i32
      %add3A_596 = arith.addi %mul3A_562, %add3A_595 : i32
      %get3A_597 = arith.index_cast %add3A_596 : i32 to index
      %get3A_598 = arith.constant 0 : index
      %get3A_599 = tpu.vector_load %arg8[%get3A_597, %get3A_598] {strides = array<i32>} : memref<1664x16xf32, #tpu.memory_space<vmem>>, vector<1x16xf32>,
      %get3A_600 = vector.shape_cast %get3A_599 : vector<1x16xf32> to vector<16xf32>
      %add3A_601 = arith.addf %get3A_572, %get3A_600 : vector<16xf32>
      %mul3A_602 = arith.mulf %get3A_600, %get3A_600 : vector<16xf32>
      %add3A_603 = arith.addf %mul3A_573, %mul3A_602 : vector<16xf32>
      %add3A_604 = arith.constant 5 : i32
      %add3A_605 = arith.addi %mul3A_562, %add3A_604 : i32
      %get3A_606 = arith.index_cast %add3A_605 : i32 to index
      %get3A_607 = arith.constant 0 : index
      %get3A_608 = tpu.vector_load %arg8[%get3A_606, %get3A_607] {strides = array<i32>} : memref<1664x16xf32, #tpu.memory_space<vmem>>, vector<1x16xf32>,
      %get3A_609 = vector.shape_cast %get3A_608 : vector<1x16xf32> to vector<16xf32>
      %add3A_610 = arith.addf %get3A_579, %get3A_609 : vector<16xf32>
      %mul3A_611 = arith.mulf %get3A_609, %get3A_609 : vector<16xf32>
      %add3A_612 = arith.addf %mul3A_580, %mul3A_611 : vector<16xf32>
      %add3A_613 = arith.constant 6 : i32
      %add3A_614 = arith.addi %mul3A_562, %add3A_613 : i32
      %get3A_615 = arith.index_cast %add3A_614 : i32 to index
      %get3A_616 = arith.constant 0 : index
      %get3A_617 = tpu.vector_load %arg8[%get3A_615, %get3A_616] {strides = array<i32>} : memref<1664x16xf32, #tpu.memory_space<vmem>>, vector<1x16xf32>,
      %get3A_618 = vector.shape_cast %get3A_617 : vector<1x16xf32> to vector<16xf32>
      %add3A_619 = arith.addf %get3A_586, %get3A_618 : vector<16xf32>
      %mul3A_620 = arith.mulf %get3A_618, %get3A_618 : vector<16xf32>
      %add3A_621 = arith.addf %mul3A_587, %mul3A_620 : vector<16xf32>
      %add3A_622 = arith.constant 7 : i32
      %add3A_623 = arith.addi %mul3A_562, %add3A_622 : i32
      %get3A_624 = arith.index_cast %add3A_623 : i32 to index
      %get3A_625 = arith.constant 0 : index
      %get3A_626 = tpu.vector_load %arg8[%get3A_624, %get3A_625] {strides = array<i32>} : memref<1664x16xf32, #tpu.memory_space<vmem>>, vector<1x16xf32>,
      %get3A_627 = vector.shape_cast %get3A_626 : vector<1x16xf32> to vector<16xf32>
      %add3A_628 = arith.addf %get3A_593, %get3A_627 : vector<16xf32>
      %mul3A_629 = arith.mulf %get3A_627, %get3A_627 : vector<16xf32>
      %add3A_630 = arith.addf %mul3A_594, %mul3A_629 : vector<16xf32>
      %add3A_631 = arith.constant 8 : i32
      %add3A_632 = arith.addi %mul3A_562, %add3A_631 : i32
      %get3A_633 = arith.index_cast %add3A_632 : i32 to index
      %get3A_634 = arith.constant 0 : index
      %get3A_635 = tpu.vector_load %arg8[%get3A_633, %get3A_634] {strides = array<i32>} : memref<1664x16xf32, #tpu.memory_space<vmem>>, vector<1x16xf32>,
      %get3A_636 = vector.shape_cast %get3A_635 : vector<1x16xf32> to vector<16xf32>
      %add3A_637 = arith.addf %add3A_601, %get3A_636 : vector<16xf32>
      %mul3A_638 = arith.mulf %get3A_636, %get3A_636 : vector<16xf32>
      %add3A_639 = arith.addf %add3A_603, %mul3A_638 : vector<16xf32>
      %add3A_640 = arith.constant 9 : i32
      %add3A_641 = arith.addi %mul3A_562, %add3A_640 : i32
      %get3A_642 = arith.index_cast %add3A_641 : i32 to index
      %get3A_643 = arith.constant 0 : index
      %get3A_644 = tpu.vector_load %arg8[%get3A_642, %get3A_643] {strides = array<i32>} : memref<1664x16xf32, #tpu.memory_space<vmem>>, vector<1x16xf32>,
      %get3A_645 = vector.shape_cast %get3A_644 : vector<1x16xf32> to vector<16xf32>
      %add3A_646 = arith.addf %add3A_610, %get3A_645 : vector<16xf32>
      %mul3A_647 = arith.mulf %get3A_645, %get3A_645 : vector<16xf32>
      %add3A_648 = arith.addf %add3A_612, %mul3A_647 : vector<16xf32>
      %add3A_649 = arith.constant 10 : i32
      %add3A_650 = arith.addi %mul3A_562, %add3A_649 : i32
      %get3A_651 = arith.index_cast %add3A_650 : i32 to index
      %get3A_652 = arith.constant 0 : index
      %get3A_653 = tpu.vector_load %arg8[%get3A_651, %get3A_652] {strides = array<i32>} : memref<1664x16xf32, #tpu.memory_space<vmem>>, vector<1x16xf32>,
      %get3A_654 = vector.shape_cast %get3A_653 : vector<1x16xf32> to vector<16xf32>
      %add3A_655 = arith.addf %add3A_619, %get3A_654 : vector<16xf32>
      %mul3A_656 = arith.mulf %get3A_654, %get3A_654 : vector<16xf32>
      %add3A_657 = arith.addf %add3A_621, %mul3A_656 : vector<16xf32>
      %add3A_658 = arith.constant 11 : i32
      %add3A_659 = arith.addi %mul3A_562, %add3A_658 : i32
      %get3A_660 = arith.index_cast %add3A_659 : i32 to index
      %get3A_661 = arith.constant 0 : index
      %get3A_662 = tpu.vector_load %arg8[%get3A_660, %get3A_661] {strides = array<i32>} : memref<1664x16xf32, #tpu.memory_space<vmem>>, vector<1x16xf32>,
      %get3A_663 = vector.shape_cast %get3A_662 : vector<1x16xf32> to vector<16xf32>
      %add3A_664 = arith.addf %add3A_628, %get3A_663 : vector<16xf32>
      %mul3A_665 = arith.mulf %get3A_663, %get3A_663 : vector<16xf32>
      %add3A_666 = arith.addf %add3A_630, %mul3A_665 : vector<16xf32>
      %add3A_667 = arith.constant 12 : i32
      %add3A_668 = arith.addi %mul3A_562, %add3A_667 : i32
      %get3A_669 = arith.index_cast %add3A_668 : i32 to index
      %get3A_670 = arith.constant 0 : index
      %get3A_671 = tpu.vector_load %arg8[%get3A_669, %get3A_670] {strides = array<i32>} : memref<1664x16xf32, #tpu.memory_space<vmem>>, vector<1x16xf32>,
      %get3A_672 = vector.shape_cast %get3A_671 : vector<1x16xf32> to vector<16xf32>
      %add3A_673 = arith.addf %add3A_637, %get3A_672 : vector<16xf32>
      %mul3A_674 = arith.mulf %get3A_672, %get3A_672 : vector<16xf32>
      %add3A_675 = arith.addf %add3A_639, %mul3A_674 : vector<16xf32>
      %add3A_676 = arith.constant 13 : i32
      %add3A_677 = arith.addi %mul3A_562, %add3A_676 : i32
      %get3A_678 = arith.index_cast %add3A_677 : i32 to index
      %get3A_679 = arith.constant 0 : index
      %get3A_680 = tpu.vector_load %arg8[%get3A_678, %get3A_679] {strides = array<i32>} : memref<1664x16xf32, #tpu.memory_space<vmem>>, vector<1x16xf32>,
      %get3A_681 = vector.shape_cast %get3A_680 : vector<1x16xf32> to vector<16xf32>
      %add3A_682 = arith.addf %add3A_646, %get3A_681 : vector<16xf32>
      %mul3A_683 = arith.mulf %get3A_681, %get3A_681 : vector<16xf32>
      %add3A_684 = arith.addf %add3A_648, %mul3A_683 : vector<16xf32>
      %add3A_685 = arith.constant 14 : i32
      %add3A_686 = arith.addi %mul3A_562, %add3A_685 : i32
      %get3A_687 = arith.index_cast %add3A_686 : i32 to index
      %get3A_688 = arith.constant 0 : index
      %get3A_689 = tpu.vector_load %arg8[%get3A_687, %get3A_688] {strides = array<i32>} : memref<1664x16xf32, #tpu.memory_space<vmem>>, vector<1x16xf32>,
      %get3A_690 = vector.shape_cast %get3A_689 : vector<1x16xf32> to vector<16xf32>
      %add3A_691 = arith.addf %add3A_655, %get3A_690 : vector<16xf32>
      %mul3A_692 = arith.mulf %get3A_690, %get3A_690 : vector<16xf32>
      %add3A_693 = arith.addf %add3A_657, %mul3A_692 : vector<16xf32>
      %add3A_694 = arith.constant 15 : i32
      %add3A_695 = arith.addi %mul3A_562, %add3A_694 : i32
      %get3A_696 = arith.index_cast %add3A_695 : i32 to index
      %get3A_697 = arith.constant 0 : index
      %get3A_698 = tpu.vector_load %arg8[%get3A_696, %get3A_697] {strides = array<i32>} : memref<1664x16xf32, #tpu.memory_space<vmem>>, vector<1x16xf32>,
      %get3A_699 = vector.shape_cast %get3A_698 : vector<1x16xf32> to vector<16xf32>
      %add3A_700 = arith.addf %add3A_664, %get3A_699 : vector<16xf32>
      %mul3A_701 = arith.mulf %get3A_699, %get3A_699 : vector<16xf32>
      %add3A_702 = arith.addf %add3A_666, %mul3A_701 : vector<16xf32>
      %add3A_703 = arith.constant 16 : i32
      %add3A_704 = arith.addi %mul3A_562, %add3A_703 : i32
      %get3A_705 = arith.index_cast %add3A_704 : i32 to index
      %get3A_706 = arith.constant 0 : index
      %get3A_707 = tpu.vector_load %arg8[%get3A_705, %get3A_706] {strides = array<i32>} : memref<1664x16xf32, #tpu.memory_space<vmem>>, vector<1x16xf32>,
      %get3A_708 = vector.shape_cast %get3A_707 : vector<1x16xf32> to vector<16xf32>
      %add3A_709 = arith.addf %add3A_673, %get3A_708 : vector<16xf32>
      %mul3A_710 = arith.mulf %get3A_708, %get3A_708 : vector<16xf32>
      %add3A_711 = arith.addf %add3A_675, %mul3A_710 : vector<16xf32>
      %add3A_712 = arith.constant 17 : i32
      %add3A_713 = arith.addi %mul3A_562, %add3A_712 : i32
      %get3A_714 = arith.index_cast %add3A_713 : i32 to index
      %get3A_715 = arith.constant 0 : index
      %get3A_716 = tpu.vector_load %arg8[%get3A_714, %get3A_715] {strides = array<i32>} : memref<1664x16xf32, #tpu.memory_space<vmem>>, vector<1x16xf32>,
      %get3A_717 = vector.shape_cast %get3A_716 : vector<1x16xf32> to vector<16xf32>
      %add3A_718 = arith.addf %add3A_682, %get3A_717 : vector<16xf32>
      %mul3A_719 = arith.mulf %get3A_717, %get3A_717 : vector<16xf32>
      %add3A_720 = arith.addf %add3A_684, %mul3A_719 : vector<16xf32>
      %add3A_721 = arith.constant 18 : i32
      %add3A_722 = arith.addi %mul3A_562, %add3A_721 : i32
      %get3A_723 = arith.index_cast %add3A_722 : i32 to index
      %get3A_724 = arith.constant 0 : index
      %get3A_725 = tpu.vector_load %arg8[%get3A_723, %get3A_724] {strides = array<i32>} : memref<1664x16xf32, #tpu.memory_space<vmem>>, vector<1x16xf32>,
      %get3A_726 = vector.shape_cast %get3A_725 : vector<1x16xf32> to vector<16xf32>
      %add3A_727 = arith.addf %add3A_691, %get3A_726 : vector<16xf32>
      %mul3A_728 = arith.mulf %get3A_726, %get3A_726 : vector<16xf32>
      %add3A_729 = arith.addf %add3A_693, %mul3A_728 : vector<16xf32>
      %add3A_730 = arith.constant 19 : i32
      %add3A_731 = arith.addi %mul3A_562, %add3A_730 : i32
      %get3A_732 = arith.index_cast %add3A_731 : i32 to index
      %get3A_733 = arith.constant 0 : index
      %get3A_734 = tpu.vector_load %arg8[%get3A_732, %get3A_733] {strides = array<i32>} : memref<1664x16xf32, #tpu.memory_space<vmem>>, vector<1x16xf32>,
      %get3A_735 = vector.shape_cast %get3A_734 : vector<1x16xf32> to vector<16xf32>
      %add3A_736 = arith.addf %add3A_700, %get3A_735 : vector<16xf32>
      %mul3A_737 = arith.mulf %get3A_735, %get3A_735 : vector<16xf32>
      %add3A_738 = arith.addf %add3A_702, %mul3A_737 : vector<16xf32>
      %add3A_739 = arith.constant 20 : i32
      %add3A_740 = arith.addi %mul3A_562, %add3A_739 : i32
      %get3A_741 = arith.index_cast %add3A_740 : i32 to index
      %get3A_742 = arith.constant 0 : index
      %get3A_743 = tpu.vector_load %arg8[%get3A_741, %get3A_742] {strides = array<i32>} : memref<1664x16xf32, #tpu.memory_space<vmem>>, vector<1x16xf32>,
      %get3A_744 = vector.shape_cast %get3A_743 : vector<1x16xf32> to vector<16xf32>
      %add3A_745 = arith.addf %add3A_709, %get3A_744 : vector<16xf32>
      %mul3A_746 = arith.mulf %get3A_744, %get3A_744 : vector<16xf32>
      %add3A_747 = arith.addf %add3A_711, %mul3A_746 : vector<16xf32>
      %add3A_748 = arith.constant 21 : i32
      %add3A_749 = arith.addi %mul3A_562, %add3A_748 : i32
      %get3A_750 = arith.index_cast %add3A_749 : i32 to index
      %get3A_751 = arith.constant 0 : index
      %get3A_752 = tpu.vector_load %arg8[%get3A_750, %get3A_751] {strides = array<i32>} : memref<1664x16xf32, #tpu.memory_space<vmem>>, vector<1x16xf32>,
      %get3A_753 = vector.shape_cast %get3A_752 : vector<1x16xf32> to vector<16xf32>
      %add3A_754 = arith.addf %add3A_718, %get3A_753 : vector<16xf32>
      %mul3A_755 = arith.mulf %get3A_753, %get3A_753 : vector<16xf32>
      %add3A_756 = arith.addf %add3A_720, %mul3A_755 : vector<16xf32>
      %add3A_757 = arith.constant 22 : i32
      %add3A_758 = arith.addi %mul3A_562, %add3A_757 : i32
      %get3A_759 = arith.index_cast %add3A_758 : i32 to index
      %get3A_760 = arith.constant 0 : index
      %get3A_761 = tpu.vector_load %arg8[%get3A_759, %get3A_760] {strides = array<i32>} : memref<1664x16xf32, #tpu.memory_space<vmem>>, vector<1x16xf32>,
      %get3A_762 = vector.shape_cast %get3A_761 : vector<1x16xf32> to vector<16xf32>
      %add3A_763 = arith.addf %add3A_727, %get3A_762 : vector<16xf32>
      %mul3A_764 = arith.mulf %get3A_762, %get3A_762 : vector<16xf32>
      %add3A_765 = arith.addf %add3A_729, %mul3A_764 : vector<16xf32>
      %add3A_766 = arith.constant 23 : i32
      %add3A_767 = arith.addi %mul3A_562, %add3A_766 : i32
      %get3A_768 = arith.index_cast %add3A_767 : i32 to index
      %get3A_769 = arith.constant 0 : index
      %get3A_770 = tpu.vector_load %arg8[%get3A_768, %get3A_769] {strides = array<i32>} : memref<1664x16xf32, #tpu.memory_space<vmem>>, vector<1x16xf32>,
      %get3A_771 = vector.shape_cast %get3A_770 : vector<1x16xf32> to vector<16xf32>
      %add3A_772 = arith.addf %add3A_736, %get3A_771 : vector<16xf32>
      %mul3A_773 = arith.mulf %get3A_771, %get3A_771 : vector<16xf32>
      %add3A_774 = arith.addf %add3A_738, %mul3A_773 : vector<16xf32>
      %add3A_775 = arith.constant 24 : i32
      %add3A_776 = arith.addi %mul3A_562, %add3A_775 : i32
      %get3A_777 = arith.index_cast %add3A_776 : i32 to index
      %get3A_778 = arith.constant 0 : index
      %get3A_779 = tpu.vector_load %arg8[%get3A_777, %get3A_778] {strides = array<i32>} : memref<1664x16xf32, #tpu.memory_space<vmem>>, vector<1x16xf32>,
      %get3A_780 = vector.shape_cast %get3A_779 : vector<1x16xf32> to vector<16xf32>
      %add3A_781 = arith.addf %add3A_745, %get3A_780 : vector<16xf32>
      %mul3A_782 = arith.mulf %get3A_780, %get3A_780 : vector<16xf32>
      %add3A_783 = arith.addf %add3A_747, %mul3A_782 : vector<16xf32>
      %add3A_784 = arith.constant 25 : i32
      %add3A_785 = arith.addi %mul3A_562, %add3A_784 : i32
      %get3A_786 = arith.index_cast %add3A_785 : i32 to index
      %get3A_787 = arith.constant 0 : index
      %get3A_788 = tpu.vector_load %arg8[%get3A_786, %get3A_787] {strides = array<i32>} : memref<1664x16xf32, #tpu.memory_space<vmem>>, vector<1x16xf32>,
      %get3A_789 = vector.shape_cast %get3A_788 : vector<1x16xf32> to vector<16xf32>
      %add3A_790 = arith.addf %add3A_754, %get3A_789 : vector<16xf32>
      %mul3A_791 = arith.mulf %get3A_789, %get3A_789 : vector<16xf32>
      %add3A_792 = arith.addf %add3A_756, %mul3A_791 : vector<16xf32>
      %add3A_793 = arith.addf %add3A_781, %add3A_790 : vector<16xf32>
      %add3A_794 = arith.addf %add3A_763, %add3A_772 : vector<16xf32>
      %add3A_795 = arith.addf %add3A_793, %add3A_794 : vector<16xf32>
      %add3A_796 = arith.addf %add3A_783, %add3A_792 : vector<16xf32>
      %add3A_797 = arith.addf %add3A_765, %add3A_774 : vector<16xf32>
      %add3A_798 = arith.addf %add3A_796, %add3A_797 : vector<16xf32>
      %mul3A_799 = arith.mulf %add3A_795, %add3A_795 : vector<16xf32>
      %sub3A_800 = arith.subf %mul3A_799, %add3A_798 : vector<16xf32>
      %mul3A_801 = arith.constant 5.000000e-01 : f32
      %mul3A_802 = vector.broadcast %mul3A_801 : f32 to vector<16xf32>
      %mul3A_803 = arith.mulf %sub3A_800, %mul3A_802 : vector<16xf32>
      %add3A_804 = arith.addf %mul3A_803, %get3A_4 : vector<16xf32>
      %get3A_805 = arith.index_cast %add3A_566 : i32 to index
      %get3A_806 = tpu.vector_load %arg10[%get3A_805] {strides = array<i32>} : memref<13344xf32, #tpu.memory_space<vmem>>, vector<16xf32>,
      %get3A_807 = vector.shape_cast %get3A_806 : vector<16xf32> to vector<16xf32>
      %add3A_808 = arith.constant 16 : i32
      %add3A_809 = arith.addi %add3A_566, %add3A_808 : i32
      %get3A_810 = arith.index_cast %add3A_809 : i32 to index
      %get3A_811 = tpu.vector_load %arg10[%get3A_810] {strides = array<i32>} : memref<13344xf32, #tpu.memory_space<vmem>>, vector<16xf32>,
      %get3A_812 = vector.shape_cast %get3A_811 : vector<16xf32> to vector<16xf32>
      %add3A_813 = arith.addf %add3A_804, %get3A_807 : vector<16xf32>
      %lt3A_814 = arith.constant 10 : i32
      %lt3A_815 = vector.broadcast %lt3A_814 : i32 to vector<16xi32>
      %lt3A_816 = arith.cmpi slt, %iota3A, %lt3A_815 : vector<16xi32>
      %jit3A_817 = arith.constant 0.000000e+00 : f32
      %broadcast_in_dim3A_818 = vector.broadcast %jit3A_817 : f32 to vector<16xf32>
      %select_n3A_819 = arith.select %lt3A_816, %get3A_812, %broadcast_in_dim3A_818 : vector<16xi1>, vector<16xf32>
      %add3A_820 = arith.addf %add3A_813, %select_n3A_819 : vector<16xf32>
      %add3A_821 = arith.constant 256 : i32
      %add3A_822 = arith.addi %add3A_821, %add3A_560 : i32
      %mul3A_823 = arith.constant 16 : i32
      %mul3A_824 = arith.muli %add3A_822, %mul3A_823 : i32
      %swap3A_825 = arith.index_cast %mul3A_824 : i32 to index
      %swap3A_826 = tpu.vector_load %arg11[%swap3A_825] {strides = array<i32>} : memref<8192xf32, #tpu.memory_space<vmem>>, vector<16xf32>,
      %swap3A_827 = vector.shape_cast %swap3A_826 : vector<16xf32> to vector<16xf32>
      %swap3A_828 = vector.shape_cast %add3A_820 : vector<16xf32> to vector<16xf32>
      tpu.vector_store %arg11[%swap3A_825], %swap3A_828 {strides = array<i32>} : memref<8192xf32, #tpu.memory_space<vmem>>, vector<16xf32>,
    }
    %scan3A_196 = arith.constant 32 : i32
    %dma_start3A_197 = arith.constant 6 : i32
    %dma_start3A_198 = arith.constant 0 : i32
    %dma_start3A_199 = tpu.memref_slice %arg7[%dma_start3A_197, %dma_start3A_198] : memref<8x1664xi32, #tpu.memory_space<vmem>> -> memref<1x1664xi32, #tpu.memory_space<vmem>>
    %dma_start3A_200 = tpu.memref_squeeze %dma_start3A_199 : memref<1x1664xi32, #tpu.memory_space<vmem>> -> memref<1664xi32, #tpu.memory_space<vmem>>
    %dma_start3A_201 = arith.constant 0 : i32
    %dma_start3A_202 = arith.constant 0 : i32
    %dma_start3A_203 = tpu.memref_slice %arg3[%dma_start3A_201, %dma_start3A_202] : memref<200000x16xf32, #tpu.memory_space<hbm>> -> memref<200000x16xf32, #tpu.memory_space<hbm>>
    tpu.enqueue_indirect_dma source(%dma_start3A_203 : memref<200000x16xf32, #tpu.memory_space<hbm>>) target(%arg8 : memref<1664x16xf32, #tpu.memory_space<vmem>>) offsets(%dma_start3A_200 : memref<1664xi32, #tpu.memory_space<vmem>>) semaphore(%arg13 : memref<!tpu.dma_semaphore, #tpu.memory_space<semaphore_mem>>)
    %dma_start3A_204 = arith.constant 6 : i32
    %dma_start3A_205 = arith.constant 9984 : i32
    %dma_start3A_206 = tpu.memref_slice %arg10[%dma_start3A_205] : memref<13344xf32, #tpu.memory_space<vmem>> -> memref<1664xf32, #tpu.memory_space<vmem>>
    %dma_start3A_207 = arith.constant 0 : i32
    %dma_start3A_208 = tpu.memref_slice %arg7[%dma_start3A_204, %dma_start3A_207] : memref<8x1664xi32, #tpu.memory_space<vmem>> -> memref<1x1664xi32, #tpu.memory_space<vmem>>
    %dma_start3A_209 = tpu.memref_squeeze %dma_start3A_208 : memref<1x1664xi32, #tpu.memory_space<vmem>> -> memref<1664xi32, #tpu.memory_space<vmem>>
    %dma_start3A_210 = arith.constant 0 : i32
    %dma_start3A_211 = tpu.memref_slice %arg4[%dma_start3A_210] : memref<200000xf32, #tpu.memory_space<hbm>> -> memref<200000xf32, #tpu.memory_space<hbm>>
    tpu.enqueue_indirect_dma source(%dma_start3A_211 : memref<200000xf32, #tpu.memory_space<hbm>>) target(%dma_start3A_206 : memref<1664xf32, #tpu.memory_space<vmem>>) offsets(%dma_start3A_209 : memref<1664xi32, #tpu.memory_space<vmem>>) semaphore(%arg13 : memref<!tpu.dma_semaphore, #tpu.memory_space<semaphore_mem>>)
    %dma_wait3A_212 = arith.constant 5 : i32
    %dma_wait3A_213 = arith.constant 0 : i32
    %dma_wait3A_214 = tpu.memref_slice %arg7[%dma_wait3A_212, %dma_wait3A_213] : memref<8x1664xi32, #tpu.memory_space<vmem>> -> memref<1x1664xi32, #tpu.memory_space<vmem>>
    %dma_wait3A_215 = tpu.memref_squeeze %dma_wait3A_214 : memref<1x1664xi32, #tpu.memory_space<vmem>> -> memref<1664xi32, #tpu.memory_space<vmem>>
    %dma_wait3A_216 = arith.constant 0 : i32
    %dma_wait3A_217 = arith.constant 0 : i32
    %dma_wait3A_218 = tpu.memref_slice %arg3[%dma_wait3A_216, %dma_wait3A_217] : memref<200000x16xf32, #tpu.memory_space<hbm>> -> memref<200000x16xf32, #tpu.memory_space<hbm>>
    tpu.wait_indirect_dma semaphore(%arg14 : memref<!tpu.dma_semaphore, #tpu.memory_space<semaphore_mem>>) src(%dma_wait3A_218 : memref<200000x16xf32, #tpu.memory_space<hbm>>) dst(%arg9 : memref<1664x16xf32, #tpu.memory_space<vmem>>)
    %dma_wait3A_219 = arith.constant 5 : i32
    %dma_wait3A_220 = arith.constant 8320 : i32
    %dma_wait3A_221 = tpu.memref_slice %arg10[%dma_wait3A_220] : memref<13344xf32, #tpu.memory_space<vmem>> -> memref<1664xf32, #tpu.memory_space<vmem>>
    %dma_wait3A_222 = arith.constant 0 : i32
    %dma_wait3A_223 = tpu.memref_slice %arg7[%dma_wait3A_219, %dma_wait3A_222] : memref<8x1664xi32, #tpu.memory_space<vmem>> -> memref<1x1664xi32, #tpu.memory_space<vmem>>
    %dma_wait3A_224 = tpu.memref_squeeze %dma_wait3A_223 : memref<1x1664xi32, #tpu.memory_space<vmem>> -> memref<1664xi32, #tpu.memory_space<vmem>>
    %dma_wait3A_225 = arith.constant 0 : i32
    %dma_wait3A_226 = tpu.memref_slice %arg4[%dma_wait3A_225] : memref<200000xf32, #tpu.memory_space<hbm>> -> memref<200000xf32, #tpu.memory_space<hbm>>
    tpu.wait_indirect_dma semaphore(%arg14 : memref<!tpu.dma_semaphore, #tpu.memory_space<semaphore_mem>>) src(%dma_wait3A_226 : memref<200000xf32, #tpu.memory_space<hbm>>) dst(%dma_wait3A_221 : memref<1664xf32, #tpu.memory_space<vmem>>)
    %scan3A_227 = arith.constant 0 : i32
    %scan3A_228 = arith.constant 0 : i32
    %scan3A_229 = arith.constant 32 : i32
    %scan3A_230 = arith.addi %scan3A_228, %scan3A_229 : i32
    %scan3A_231 = arith.constant 1 : i32
    scf.for %scan3A_292 = %scan3A_228 to %scan3A_230 step %scan3A_231  : i32 {
      %mul3A_293 = arith.constant 2 : i32
      %mul3A_294 = arith.muli %scan3A_292, %mul3A_293 : i32
      %mul3A_295 = arith.constant 26 : i32
      %mul3A_296 = arith.muli %mul3A_294, %mul3A_295 : i32
      %mul3A_297 = arith.constant 26 : i32
      %mul3A_298 = arith.muli %mul3A_294, %mul3A_297 : i32
      %add3A_299 = arith.constant 8320 : i32
      %add3A_300 = arith.addi %add3A_299, %mul3A_298 : i32
      %add3A_301 = arith.constant 0 : i32
      %add3A_302 = arith.addi %mul3A_296, %add3A_301 : i32
      %get3A_303 = arith.index_cast %add3A_302 : i32 to index
      %get3A_304 = arith.constant 0 : index
      %get3A_305 = tpu.vector_load %arg9[%get3A_303, %get3A_304] {strides = array<i32>} : memref<1664x16xf32, #tpu.memory_space<vmem>>, vector<1x16xf32>,
      %get3A_306 = vector.shape_cast %get3A_305 : vector<1x16xf32> to vector<16xf32>
      %mul3A_307 = arith.mulf %get3A_306, %get3A_306 : vector<16xf32>
      %add3A_308 = arith.constant 1 : i32
      %add3A_309 = arith.addi %mul3A_296, %add3A_308 : i32
      %get3A_310 = arith.index_cast %add3A_309 : i32 to index
      %get3A_311 = arith.constant 0 : index
      %get3A_312 = tpu.vector_load %arg9[%get3A_310, %get3A_311] {strides = array<i32>} : memref<1664x16xf32, #tpu.memory_space<vmem>>, vector<1x16xf32>,
      %get3A_313 = vector.shape_cast %get3A_312 : vector<1x16xf32> to vector<16xf32>
      %mul3A_314 = arith.mulf %get3A_313, %get3A_313 : vector<16xf32>
      %add3A_315 = arith.constant 2 : i32
      %add3A_316 = arith.addi %mul3A_296, %add3A_315 : i32
      %get3A_317 = arith.index_cast %add3A_316 : i32 to index
      %get3A_318 = arith.constant 0 : index
      %get3A_319 = tpu.vector_load %arg9[%get3A_317, %get3A_318] {strides = array<i32>} : memref<1664x16xf32, #tpu.memory_space<vmem>>, vector<1x16xf32>,
      %get3A_320 = vector.shape_cast %get3A_319 : vector<1x16xf32> to vector<16xf32>
      %mul3A_321 = arith.mulf %get3A_320, %get3A_320 : vector<16xf32>
      %add3A_322 = arith.constant 3 : i32
      %add3A_323 = arith.addi %mul3A_296, %add3A_322 : i32
      %get3A_324 = arith.index_cast %add3A_323 : i32 to index
      %get3A_325 = arith.constant 0 : index
      %get3A_326 = tpu.vector_load %arg9[%get3A_324, %get3A_325] {strides = array<i32>} : memref<1664x16xf32, #tpu.memory_space<vmem>>, vector<1x16xf32>,
      %get3A_327 = vector.shape_cast %get3A_326 : vector<1x16xf32> to vector<16xf32>
      %mul3A_328 = arith.mulf %get3A_327, %get3A_327 : vector<16xf32>
      %add3A_329 = arith.constant 4 : i32
      %add3A_330 = arith.addi %mul3A_296, %add3A_329 : i32
      %get3A_331 = arith.index_cast %add3A_330 : i32 to index
      %get3A_332 = arith.constant 0 : index
      %get3A_333 = tpu.vector_load %arg9[%get3A_331, %get3A_332] {strides = array<i32>} : memref<1664x16xf32, #tpu.memory_space<vmem>>, vector<1x16xf32>,
      %get3A_334 = vector.shape_cast %get3A_333 : vector<1x16xf32> to vector<16xf32>
      %add3A_335 = arith.addf %get3A_306, %get3A_334 : vector<16xf32>
      %mul3A_336 = arith.mulf %get3A_334, %get3A_334 : vector<16xf32>
      %add3A_337 = arith.addf %mul3A_307, %mul3A_336 : vector<16xf32>
      %add3A_338 = arith.constant 5 : i32
      %add3A_339 = arith.addi %mul3A_296, %add3A_338 : i32
      %get3A_340 = arith.index_cast %add3A_339 : i32 to index
      %get3A_341 = arith.constant 0 : index
      %get3A_342 = tpu.vector_load %arg9[%get3A_340, %get3A_341] {strides = array<i32>} : memref<1664x16xf32, #tpu.memory_space<vmem>>, vector<1x16xf32>,
      %get3A_343 = vector.shape_cast %get3A_342 : vector<1x16xf32> to vector<16xf32>
      %add3A_344 = arith.addf %get3A_313, %get3A_343 : vector<16xf32>
      %mul3A_345 = arith.mulf %get3A_343, %get3A_343 : vector<16xf32>
      %add3A_346 = arith.addf %mul3A_314, %mul3A_345 : vector<16xf32>
      %add3A_347 = arith.constant 6 : i32
      %add3A_348 = arith.addi %mul3A_296, %add3A_347 : i32
      %get3A_349 = arith.index_cast %add3A_348 : i32 to index
      %get3A_350 = arith.constant 0 : index
      %get3A_351 = tpu.vector_load %arg9[%get3A_349, %get3A_350] {strides = array<i32>} : memref<1664x16xf32, #tpu.memory_space<vmem>>, vector<1x16xf32>,
      %get3A_352 = vector.shape_cast %get3A_351 : vector<1x16xf32> to vector<16xf32>
      %add3A_353 = arith.addf %get3A_320, %get3A_352 : vector<16xf32>
      %mul3A_354 = arith.mulf %get3A_352, %get3A_352 : vector<16xf32>
      %add3A_355 = arith.addf %mul3A_321, %mul3A_354 : vector<16xf32>
      %add3A_356 = arith.constant 7 : i32
      %add3A_357 = arith.addi %mul3A_296, %add3A_356 : i32
      %get3A_358 = arith.index_cast %add3A_357 : i32 to index
      %get3A_359 = arith.constant 0 : index
      %get3A_360 = tpu.vector_load %arg9[%get3A_358, %get3A_359] {strides = array<i32>} : memref<1664x16xf32, #tpu.memory_space<vmem>>, vector<1x16xf32>,
      %get3A_361 = vector.shape_cast %get3A_360 : vector<1x16xf32> to vector<16xf32>
      %add3A_362 = arith.addf %get3A_327, %get3A_361 : vector<16xf32>
      %mul3A_363 = arith.mulf %get3A_361, %get3A_361 : vector<16xf32>
      %add3A_364 = arith.addf %mul3A_328, %mul3A_363 : vector<16xf32>
      %add3A_365 = arith.constant 8 : i32
      %add3A_366 = arith.addi %mul3A_296, %add3A_365 : i32
      %get3A_367 = arith.index_cast %add3A_366 : i32 to index
      %get3A_368 = arith.constant 0 : index
      %get3A_369 = tpu.vector_load %arg9[%get3A_367, %get3A_368] {strides = array<i32>} : memref<1664x16xf32, #tpu.memory_space<vmem>>, vector<1x16xf32>,
      %get3A_370 = vector.shape_cast %get3A_369 : vector<1x16xf32> to vector<16xf32>
      %add3A_371 = arith.addf %add3A_335, %get3A_370 : vector<16xf32>
      %mul3A_372 = arith.mulf %get3A_370, %get3A_370 : vector<16xf32>
      %add3A_373 = arith.addf %add3A_337, %mul3A_372 : vector<16xf32>
      %add3A_374 = arith.constant 9 : i32
      %add3A_375 = arith.addi %mul3A_296, %add3A_374 : i32
      %get3A_376 = arith.index_cast %add3A_375 : i32 to index
      %get3A_377 = arith.constant 0 : index
      %get3A_378 = tpu.vector_load %arg9[%get3A_376, %get3A_377] {strides = array<i32>} : memref<1664x16xf32, #tpu.memory_space<vmem>>, vector<1x16xf32>,
      %get3A_379 = vector.shape_cast %get3A_378 : vector<1x16xf32> to vector<16xf32>
      %add3A_380 = arith.addf %add3A_344, %get3A_379 : vector<16xf32>
      %mul3A_381 = arith.mulf %get3A_379, %get3A_379 : vector<16xf32>
      %add3A_382 = arith.addf %add3A_346, %mul3A_381 : vector<16xf32>
      %add3A_383 = arith.constant 10 : i32
      %add3A_384 = arith.addi %mul3A_296, %add3A_383 : i32
      %get3A_385 = arith.index_cast %add3A_384 : i32 to index
      %get3A_386 = arith.constant 0 : index
      %get3A_387 = tpu.vector_load %arg9[%get3A_385, %get3A_386] {strides = array<i32>} : memref<1664x16xf32, #tpu.memory_space<vmem>>, vector<1x16xf32>,
      %get3A_388 = vector.shape_cast %get3A_387 : vector<1x16xf32> to vector<16xf32>
      %add3A_389 = arith.addf %add3A_353, %get3A_388 : vector<16xf32>
      %mul3A_390 = arith.mulf %get3A_388, %get3A_388 : vector<16xf32>
      %add3A_391 = arith.addf %add3A_355, %mul3A_390 : vector<16xf32>
      %add3A_392 = arith.constant 11 : i32
      %add3A_393 = arith.addi %mul3A_296, %add3A_392 : i32
      %get3A_394 = arith.index_cast %add3A_393 : i32 to index
      %get3A_395 = arith.constant 0 : index
      %get3A_396 = tpu.vector_load %arg9[%get3A_394, %get3A_395] {strides = array<i32>} : memref<1664x16xf32, #tpu.memory_space<vmem>>, vector<1x16xf32>,
      %get3A_397 = vector.shape_cast %get3A_396 : vector<1x16xf32> to vector<16xf32>
      %add3A_398 = arith.addf %add3A_362, %get3A_397 : vector<16xf32>
      %mul3A_399 = arith.mulf %get3A_397, %get3A_397 : vector<16xf32>
      %add3A_400 = arith.addf %add3A_364, %mul3A_399 : vector<16xf32>
      %add3A_401 = arith.constant 12 : i32
      %add3A_402 = arith.addi %mul3A_296, %add3A_401 : i32
      %get3A_403 = arith.index_cast %add3A_402 : i32 to index
      %get3A_404 = arith.constant 0 : index
      %get3A_405 = tpu.vector_load %arg9[%get3A_403, %get3A_404] {strides = array<i32>} : memref<1664x16xf32, #tpu.memory_space<vmem>>, vector<1x16xf32>,
      %get3A_406 = vector.shape_cast %get3A_405 : vector<1x16xf32> to vector<16xf32>
      %add3A_407 = arith.addf %add3A_371, %get3A_406 : vector<16xf32>
      %mul3A_408 = arith.mulf %get3A_406, %get3A_406 : vector<16xf32>
      %add3A_409 = arith.addf %add3A_373, %mul3A_408 : vector<16xf32>
      %add3A_410 = arith.constant 13 : i32
      %add3A_411 = arith.addi %mul3A_296, %add3A_410 : i32
      %get3A_412 = arith.index_cast %add3A_411 : i32 to index
      %get3A_413 = arith.constant 0 : index
      %get3A_414 = tpu.vector_load %arg9[%get3A_412, %get3A_413] {strides = array<i32>} : memref<1664x16xf32, #tpu.memory_space<vmem>>, vector<1x16xf32>,
      %get3A_415 = vector.shape_cast %get3A_414 : vector<1x16xf32> to vector<16xf32>
      %add3A_416 = arith.addf %add3A_380, %get3A_415 : vector<16xf32>
      %mul3A_417 = arith.mulf %get3A_415, %get3A_415 : vector<16xf32>
      %add3A_418 = arith.addf %add3A_382, %mul3A_417 : vector<16xf32>
      %add3A_419 = arith.constant 14 : i32
      %add3A_420 = arith.addi %mul3A_296, %add3A_419 : i32
      %get3A_421 = arith.index_cast %add3A_420 : i32 to index
      %get3A_422 = arith.constant 0 : index
      %get3A_423 = tpu.vector_load %arg9[%get3A_421, %get3A_422] {strides = array<i32>} : memref<1664x16xf32, #tpu.memory_space<vmem>>, vector<1x16xf32>,
      %get3A_424 = vector.shape_cast %get3A_423 : vector<1x16xf32> to vector<16xf32>
      %add3A_425 = arith.addf %add3A_389, %get3A_424 : vector<16xf32>
      %mul3A_426 = arith.mulf %get3A_424, %get3A_424 : vector<16xf32>
      %add3A_427 = arith.addf %add3A_391, %mul3A_426 : vector<16xf32>
      %add3A_428 = arith.constant 15 : i32
      %add3A_429 = arith.addi %mul3A_296, %add3A_428 : i32
      %get3A_430 = arith.index_cast %add3A_429 : i32 to index
      %get3A_431 = arith.constant 0 : index
      %get3A_432 = tpu.vector_load %arg9[%get3A_430, %get3A_431] {strides = array<i32>} : memref<1664x16xf32, #tpu.memory_space<vmem>>, vector<1x16xf32>,
      %get3A_433 = vector.shape_cast %get3A_432 : vector<1x16xf32> to vector<16xf32>
      %add3A_434 = arith.addf %add3A_398, %get3A_433 : vector<16xf32>
      %mul3A_435 = arith.mulf %get3A_433, %get3A_433 : vector<16xf32>
      %add3A_436 = arith.addf %add3A_400, %mul3A_435 : vector<16xf32>
      %add3A_437 = arith.constant 16 : i32
      %add3A_438 = arith.addi %mul3A_296, %add3A_437 : i32
      %get3A_439 = arith.index_cast %add3A_438 : i32 to index
      %get3A_440 = arith.constant 0 : index
      %get3A_441 = tpu.vector_load %arg9[%get3A_439, %get3A_440] {strides = array<i32>} : memref<1664x16xf32, #tpu.memory_space<vmem>>, vector<1x16xf32>,
      %get3A_442 = vector.shape_cast %get3A_441 : vector<1x16xf32> to vector<16xf32>
      %add3A_443 = arith.addf %add3A_407, %get3A_442 : vector<16xf32>
      %mul3A_444 = arith.mulf %get3A_442, %get3A_442 : vector<16xf32>
      %add3A_445 = arith.addf %add3A_409, %mul3A_444 : vector<16xf32>
      %add3A_446 = arith.constant 17 : i32
      %add3A_447 = arith.addi %mul3A_296, %add3A_446 : i32
      %get3A_448 = arith.index_cast %add3A_447 : i32 to index
      %get3A_449 = arith.constant 0 : index
      %get3A_450 = tpu.vector_load %arg9[%get3A_448, %get3A_449] {strides = array<i32>} : memref<1664x16xf32, #tpu.memory_space<vmem>>, vector<1x16xf32>,
      %get3A_451 = vector.shape_cast %get3A_450 : vector<1x16xf32> to vector<16xf32>
      %add3A_452 = arith.addf %add3A_416, %get3A_451 : vector<16xf32>
      %mul3A_453 = arith.mulf %get3A_451, %get3A_451 : vector<16xf32>
      %add3A_454 = arith.addf %add3A_418, %mul3A_453 : vector<16xf32>
      %add3A_455 = arith.constant 18 : i32
      %add3A_456 = arith.addi %mul3A_296, %add3A_455 : i32
      %get3A_457 = arith.index_cast %add3A_456 : i32 to index
      %get3A_458 = arith.constant 0 : index
      %get3A_459 = tpu.vector_load %arg9[%get3A_457, %get3A_458] {strides = array<i32>} : memref<1664x16xf32, #tpu.memory_space<vmem>>, vector<1x16xf32>,
      %get3A_460 = vector.shape_cast %get3A_459 : vector<1x16xf32> to vector<16xf32>
      %add3A_461 = arith.addf %add3A_425, %get3A_460 : vector<16xf32>
      %mul3A_462 = arith.mulf %get3A_460, %get3A_460 : vector<16xf32>
      %add3A_463 = arith.addf %add3A_427, %mul3A_462 : vector<16xf32>
      %add3A_464 = arith.constant 19 : i32
      %add3A_465 = arith.addi %mul3A_296, %add3A_464 : i32
      %get3A_466 = arith.index_cast %add3A_465 : i32 to index
      %get3A_467 = arith.constant 0 : index
      %get3A_468 = tpu.vector_load %arg9[%get3A_466, %get3A_467] {strides = array<i32>} : memref<1664x16xf32, #tpu.memory_space<vmem>>, vector<1x16xf32>,
      %get3A_469 = vector.shape_cast %get3A_468 : vector<1x16xf32> to vector<16xf32>
      %add3A_470 = arith.addf %add3A_434, %get3A_469 : vector<16xf32>
      %mul3A_471 = arith.mulf %get3A_469, %get3A_469 : vector<16xf32>
      %add3A_472 = arith.addf %add3A_436, %mul3A_471 : vector<16xf32>
      %add3A_473 = arith.constant 20 : i32
      %add3A_474 = arith.addi %mul3A_296, %add3A_473 : i32
      %get3A_475 = arith.index_cast %add3A_474 : i32 to index
      %get3A_476 = arith.constant 0 : index
      %get3A_477 = tpu.vector_load %arg9[%get3A_475, %get3A_476] {strides = array<i32>} : memref<1664x16xf32, #tpu.memory_space<vmem>>, vector<1x16xf32>,
      %get3A_478 = vector.shape_cast %get3A_477 : vector<1x16xf32> to vector<16xf32>
      %add3A_479 = arith.addf %add3A_443, %get3A_478 : vector<16xf32>
      %mul3A_480 = arith.mulf %get3A_478, %get3A_478 : vector<16xf32>
      %add3A_481 = arith.addf %add3A_445, %mul3A_480 : vector<16xf32>
      %add3A_482 = arith.constant 21 : i32
      %add3A_483 = arith.addi %mul3A_296, %add3A_482 : i32
      %get3A_484 = arith.index_cast %add3A_483 : i32 to index
      %get3A_485 = arith.constant 0 : index
      %get3A_486 = tpu.vector_load %arg9[%get3A_484, %get3A_485] {strides = array<i32>} : memref<1664x16xf32, #tpu.memory_space<vmem>>, vector<1x16xf32>,
      %get3A_487 = vector.shape_cast %get3A_486 : vector<1x16xf32> to vector<16xf32>
      %add3A_488 = arith.addf %add3A_452, %get3A_487 : vector<16xf32>
      %mul3A_489 = arith.mulf %get3A_487, %get3A_487 : vector<16xf32>
      %add3A_490 = arith.addf %add3A_454, %mul3A_489 : vector<16xf32>
      %add3A_491 = arith.constant 22 : i32
      %add3A_492 = arith.addi %mul3A_296, %add3A_491 : i32
      %get3A_493 = arith.index_cast %add3A_492 : i32 to index
      %get3A_494 = arith.constant 0 : index
      %get3A_495 = tpu.vector_load %arg9[%get3A_493, %get3A_494] {strides = array<i32>} : memref<1664x16xf32, #tpu.memory_space<vmem>>, vector<1x16xf32>,
      %get3A_496 = vector.shape_cast %get3A_495 : vector<1x16xf32> to vector<16xf32>
      %add3A_497 = arith.addf %add3A_461, %get3A_496 : vector<16xf32>
      %mul3A_498 = arith.mulf %get3A_496, %get3A_496 : vector<16xf32>
      %add3A_499 = arith.addf %add3A_463, %mul3A_498 : vector<16xf32>
      %add3A_500 = arith.constant 23 : i32
      %add3A_501 = arith.addi %mul3A_296, %add3A_500 : i32
      %get3A_502 = arith.index_cast %add3A_501 : i32 to index
      %get3A_503 = arith.constant 0 : index
      %get3A_504 = tpu.vector_load %arg9[%get3A_502, %get3A_503] {strides = array<i32>} : memref<1664x16xf32, #tpu.memory_space<vmem>>, vector<1x16xf32>,
      %get3A_505 = vector.shape_cast %get3A_504 : vector<1x16xf32> to vector<16xf32>
      %add3A_506 = arith.addf %add3A_470, %get3A_505 : vector<16xf32>
      %mul3A_507 = arith.mulf %get3A_505, %get3A_505 : vector<16xf32>
      %add3A_508 = arith.addf %add3A_472, %mul3A_507 : vector<16xf32>
      %add3A_509 = arith.constant 24 : i32
      %add3A_510 = arith.addi %mul3A_296, %add3A_509 : i32
      %get3A_511 = arith.index_cast %add3A_510 : i32 to index
      %get3A_512 = arith.constant 0 : index
      %get3A_513 = tpu.vector_load %arg9[%get3A_511, %get3A_512] {strides = array<i32>} : memref<1664x16xf32, #tpu.memory_space<vmem>>, vector<1x16xf32>,
      %get3A_514 = vector.shape_cast %get3A_513 : vector<1x16xf32> to vector<16xf32>
      %add3A_515 = arith.addf %add3A_479, %get3A_514 : vector<16xf32>
      %mul3A_516 = arith.mulf %get3A_514, %get3A_514 : vector<16xf32>
      %add3A_517 = arith.addf %add3A_481, %mul3A_516 : vector<16xf32>
      %add3A_518 = arith.constant 25 : i32
      %add3A_519 = arith.addi %mul3A_296, %add3A_518 : i32
      %get3A_520 = arith.index_cast %add3A_519 : i32 to index
      %get3A_521 = arith.constant 0 : index
      %get3A_522 = tpu.vector_load %arg9[%get3A_520, %get3A_521] {strides = array<i32>} : memref<1664x16xf32, #tpu.memory_space<vmem>>, vector<1x16xf32>,
      %get3A_523 = vector.shape_cast %get3A_522 : vector<1x16xf32> to vector<16xf32>
      %add3A_524 = arith.addf %add3A_488, %get3A_523 : vector<16xf32>
      %mul3A_525 = arith.mulf %get3A_523, %get3A_523 : vector<16xf32>
      %add3A_526 = arith.addf %add3A_490, %mul3A_525 : vector<16xf32>
      %add3A_527 = arith.addf %add3A_515, %add3A_524 : vector<16xf32>
      %add3A_528 = arith.addf %add3A_497, %add3A_506 : vector<16xf32>
      %add3A_529 = arith.addf %add3A_527, %add3A_528 : vector<16xf32>
      %add3A_530 = arith.addf %add3A_517, %add3A_526 : vector<16xf32>
      %add3A_531 = arith.addf %add3A_499, %add3A_508 : vector<16xf32>
      %add3A_532 = arith.addf %add3A_530, %add3A_531 : vector<16xf32>
      %mul3A_533 = arith.mulf %add3A_529, %add3A_529 : vector<16xf32>
      %sub3A = arith.subf %mul3A_533, %add3A_532 : vector<16xf32>
      %mul3A_534 = arith.constant 5.000000e-01 : f32
      %mul3A_535 = vector.broadcast %mul3A_534 : f32 to vector<16xf32>
      %mul3A_536 = arith.mulf %sub3A, %mul3A_535 : vector<16xf32>
      %add3A_537 = arith.addf %mul3A_536, %get3A_4 : vector<16xf32>
      %get3A_538 = arith.index_cast %add3A_300 : i32 to index
      %get3A_539 = tpu.vector_load %arg10[%get3A_538] {strides = array<i32>} : memref<13344xf32, #tpu.memory_space<vmem>>, vector<16xf32>,
      %get3A_540 = vector.shape_cast %get3A_539 : vector<16xf32> to vector<16xf32>
      %add3A_541 = arith.constant 16 : i32
      %add3A_542 = arith.addi %add3A_300, %add3A_541 : i32
      %get3A_543 = arith.index_cast %add3A_542 : i32 to index
      %get3A_544 = tpu.vector_load %arg10[%get3A_543] {strides = array<i32>} : memref<13344xf32, #tpu.memory_space<vmem>>, vector<16xf32>,
      %get3A_545 = vector.shape_cast %get3A_544 : vector<16xf32> to vector<16xf32>
      %add3A_546 = arith.addf %add3A_537, %get3A_540 : vector<16xf32>
      %lt3A = arith.constant 10 : i32
      %lt3A_547 = vector.broadcast %lt3A : i32 to vector<16xi32>
      %lt3A_548 = arith.cmpi slt, %iota3A, %lt3A_547 : vector<16xi32>
      %jit3A = arith.constant 0.000000e+00 : f32
      %broadcast_in_dim3A = vector.broadcast %jit3A : f32 to vector<16xf32>
      %select_n3A = arith.select %lt3A_548, %get3A_545, %broadcast_in_dim3A : vector<16xi1>, vector<16xf32>
      %add3A_549 = arith.addf %add3A_546, %select_n3A : vector<16xf32>
      %add3A_550 = arith.constant 320 : i32
      %add3A_551 = arith.addi %add3A_550, %mul3A_294 : i32
      %mul3A_552 = arith.constant 16 : i32
      %mul3A_553 = arith.muli %add3A_551, %mul3A_552 : i32
      %swap3A = arith.index_cast %mul3A_553 : i32 to index
      %swap3A_554 = tpu.vector_load %arg11[%swap3A] {strides = array<i32>} : memref<8192xf32, #tpu.memory_space<vmem>>, vector<16xf32>,
      %swap3A_555 = vector.shape_cast %swap3A_554 : vector<16xf32> to vector<16xf32>
      %swap3A_556 = vector.shape_cast %add3A_549 : vector<16xf32> to vector<16xf32>
      tpu.vector_store %arg11[%swap3A], %swap3A_556 {strides = array<i32>} : memref<8192xf32, #tpu.memory_space<vmem>>, vector<16xf32>,
      %mul3A_557 = arith.constant 2 : i32
      %mul3A_558 = arith.muli %scan3A_292, %mul3A_557 : i32
      %add3A_559 = arith.constant 1 : i32
      %add3A_560 = arith.addi %mul3A_558, %add3A_559 : i32
      %mul3A_561 = arith.constant 26 : i32
      %mul3A_562 = arith.muli %add3A_560, %mul3A_561 : i32
      %mul3A_563 = arith.constant 26 : i32
      %mul3A_564 = arith.muli %add3A_560, %mul3A_563 : i32
      %add3A_565 = arith.constant 8320 : i32
      %add3A_566 = arith.addi %add3A_565, %mul3A_564 : i32
      %add3A_567 = arith.constant 0 : i32
      %add3A_568 = arith.addi %mul3A_562, %add3A_567 : i32
      %get3A_569 = arith.index_cast %add3A_568 : i32 to index
      %get3A_570 = arith.constant 0 : index
      %get3A_571 = tpu.vector_load %arg9[%get3A_569, %get3A_570] {strides = array<i32>} : memref<1664x16xf32, #tpu.memory_space<vmem>>, vector<1x16xf32>,
      %get3A_572 = vector.shape_cast %get3A_571 : vector<1x16xf32> to vector<16xf32>
      %mul3A_573 = arith.mulf %get3A_572, %get3A_572 : vector<16xf32>
      %add3A_574 = arith.constant 1 : i32
      %add3A_575 = arith.addi %mul3A_562, %add3A_574 : i32
      %get3A_576 = arith.index_cast %add3A_575 : i32 to index
      %get3A_577 = arith.constant 0 : index
      %get3A_578 = tpu.vector_load %arg9[%get3A_576, %get3A_577] {strides = array<i32>} : memref<1664x16xf32, #tpu.memory_space<vmem>>, vector<1x16xf32>,
      %get3A_579 = vector.shape_cast %get3A_578 : vector<1x16xf32> to vector<16xf32>
      %mul3A_580 = arith.mulf %get3A_579, %get3A_579 : vector<16xf32>
      %add3A_581 = arith.constant 2 : i32
      %add3A_582 = arith.addi %mul3A_562, %add3A_581 : i32
      %get3A_583 = arith.index_cast %add3A_582 : i32 to index
      %get3A_584 = arith.constant 0 : index
      %get3A_585 = tpu.vector_load %arg9[%get3A_583, %get3A_584] {strides = array<i32>} : memref<1664x16xf32, #tpu.memory_space<vmem>>, vector<1x16xf32>,
      %get3A_586 = vector.shape_cast %get3A_585 : vector<1x16xf32> to vector<16xf32>
      %mul3A_587 = arith.mulf %get3A_586, %get3A_586 : vector<16xf32>
      %add3A_588 = arith.constant 3 : i32
      %add3A_589 = arith.addi %mul3A_562, %add3A_588 : i32
      %get3A_590 = arith.index_cast %add3A_589 : i32 to index
      %get3A_591 = arith.constant 0 : index
      %get3A_592 = tpu.vector_load %arg9[%get3A_590, %get3A_591] {strides = array<i32>} : memref<1664x16xf32, #tpu.memory_space<vmem>>, vector<1x16xf32>,
      %get3A_593 = vector.shape_cast %get3A_592 : vector<1x16xf32> to vector<16xf32>
      %mul3A_594 = arith.mulf %get3A_593, %get3A_593 : vector<16xf32>
      %add3A_595 = arith.constant 4 : i32
      %add3A_596 = arith.addi %mul3A_562, %add3A_595 : i32
      %get3A_597 = arith.index_cast %add3A_596 : i32 to index
      %get3A_598 = arith.constant 0 : index
      %get3A_599 = tpu.vector_load %arg9[%get3A_597, %get3A_598] {strides = array<i32>} : memref<1664x16xf32, #tpu.memory_space<vmem>>, vector<1x16xf32>,
      %get3A_600 = vector.shape_cast %get3A_599 : vector<1x16xf32> to vector<16xf32>
      %add3A_601 = arith.addf %get3A_572, %get3A_600 : vector<16xf32>
      %mul3A_602 = arith.mulf %get3A_600, %get3A_600 : vector<16xf32>
      %add3A_603 = arith.addf %mul3A_573, %mul3A_602 : vector<16xf32>
      %add3A_604 = arith.constant 5 : i32
      %add3A_605 = arith.addi %mul3A_562, %add3A_604 : i32
      %get3A_606 = arith.index_cast %add3A_605 : i32 to index
      %get3A_607 = arith.constant 0 : index
      %get3A_608 = tpu.vector_load %arg9[%get3A_606, %get3A_607] {strides = array<i32>} : memref<1664x16xf32, #tpu.memory_space<vmem>>, vector<1x16xf32>,
      %get3A_609 = vector.shape_cast %get3A_608 : vector<1x16xf32> to vector<16xf32>
      %add3A_610 = arith.addf %get3A_579, %get3A_609 : vector<16xf32>
      %mul3A_611 = arith.mulf %get3A_609, %get3A_609 : vector<16xf32>
      %add3A_612 = arith.addf %mul3A_580, %mul3A_611 : vector<16xf32>
      %add3A_613 = arith.constant 6 : i32
      %add3A_614 = arith.addi %mul3A_562, %add3A_613 : i32
      %get3A_615 = arith.index_cast %add3A_614 : i32 to index
      %get3A_616 = arith.constant 0 : index
      %get3A_617 = tpu.vector_load %arg9[%get3A_615, %get3A_616] {strides = array<i32>} : memref<1664x16xf32, #tpu.memory_space<vmem>>, vector<1x16xf32>,
      %get3A_618 = vector.shape_cast %get3A_617 : vector<1x16xf32> to vector<16xf32>
      %add3A_619 = arith.addf %get3A_586, %get3A_618 : vector<16xf32>
      %mul3A_620 = arith.mulf %get3A_618, %get3A_618 : vector<16xf32>
      %add3A_621 = arith.addf %mul3A_587, %mul3A_620 : vector<16xf32>
      %add3A_622 = arith.constant 7 : i32
      %add3A_623 = arith.addi %mul3A_562, %add3A_622 : i32
      %get3A_624 = arith.index_cast %add3A_623 : i32 to index
      %get3A_625 = arith.constant 0 : index
      %get3A_626 = tpu.vector_load %arg9[%get3A_624, %get3A_625] {strides = array<i32>} : memref<1664x16xf32, #tpu.memory_space<vmem>>, vector<1x16xf32>,
      %get3A_627 = vector.shape_cast %get3A_626 : vector<1x16xf32> to vector<16xf32>
      %add3A_628 = arith.addf %get3A_593, %get3A_627 : vector<16xf32>
      %mul3A_629 = arith.mulf %get3A_627, %get3A_627 : vector<16xf32>
      %add3A_630 = arith.addf %mul3A_594, %mul3A_629 : vector<16xf32>
      %add3A_631 = arith.constant 8 : i32
      %add3A_632 = arith.addi %mul3A_562, %add3A_631 : i32
      %get3A_633 = arith.index_cast %add3A_632 : i32 to index
      %get3A_634 = arith.constant 0 : index
      %get3A_635 = tpu.vector_load %arg9[%get3A_633, %get3A_634] {strides = array<i32>} : memref<1664x16xf32, #tpu.memory_space<vmem>>, vector<1x16xf32>,
      %get3A_636 = vector.shape_cast %get3A_635 : vector<1x16xf32> to vector<16xf32>
      %add3A_637 = arith.addf %add3A_601, %get3A_636 : vector<16xf32>
      %mul3A_638 = arith.mulf %get3A_636, %get3A_636 : vector<16xf32>
      %add3A_639 = arith.addf %add3A_603, %mul3A_638 : vector<16xf32>
      %add3A_640 = arith.constant 9 : i32
      %add3A_641 = arith.addi %mul3A_562, %add3A_640 : i32
      %get3A_642 = arith.index_cast %add3A_641 : i32 to index
      %get3A_643 = arith.constant 0 : index
      %get3A_644 = tpu.vector_load %arg9[%get3A_642, %get3A_643] {strides = array<i32>} : memref<1664x16xf32, #tpu.memory_space<vmem>>, vector<1x16xf32>,
      %get3A_645 = vector.shape_cast %get3A_644 : vector<1x16xf32> to vector<16xf32>
      %add3A_646 = arith.addf %add3A_610, %get3A_645 : vector<16xf32>
      %mul3A_647 = arith.mulf %get3A_645, %get3A_645 : vector<16xf32>
      %add3A_648 = arith.addf %add3A_612, %mul3A_647 : vector<16xf32>
      %add3A_649 = arith.constant 10 : i32
      %add3A_650 = arith.addi %mul3A_562, %add3A_649 : i32
      %get3A_651 = arith.index_cast %add3A_650 : i32 to index
      %get3A_652 = arith.constant 0 : index
      %get3A_653 = tpu.vector_load %arg9[%get3A_651, %get3A_652] {strides = array<i32>} : memref<1664x16xf32, #tpu.memory_space<vmem>>, vector<1x16xf32>,
      %get3A_654 = vector.shape_cast %get3A_653 : vector<1x16xf32> to vector<16xf32>
      %add3A_655 = arith.addf %add3A_619, %get3A_654 : vector<16xf32>
      %mul3A_656 = arith.mulf %get3A_654, %get3A_654 : vector<16xf32>
      %add3A_657 = arith.addf %add3A_621, %mul3A_656 : vector<16xf32>
      %add3A_658 = arith.constant 11 : i32
      %add3A_659 = arith.addi %mul3A_562, %add3A_658 : i32
      %get3A_660 = arith.index_cast %add3A_659 : i32 to index
      %get3A_661 = arith.constant 0 : index
      %get3A_662 = tpu.vector_load %arg9[%get3A_660, %get3A_661] {strides = array<i32>} : memref<1664x16xf32, #tpu.memory_space<vmem>>, vector<1x16xf32>,
      %get3A_663 = vector.shape_cast %get3A_662 : vector<1x16xf32> to vector<16xf32>
      %add3A_664 = arith.addf %add3A_628, %get3A_663 : vector<16xf32>
      %mul3A_665 = arith.mulf %get3A_663, %get3A_663 : vector<16xf32>
      %add3A_666 = arith.addf %add3A_630, %mul3A_665 : vector<16xf32>
      %add3A_667 = arith.constant 12 : i32
      %add3A_668 = arith.addi %mul3A_562, %add3A_667 : i32
      %get3A_669 = arith.index_cast %add3A_668 : i32 to index
      %get3A_670 = arith.constant 0 : index
      %get3A_671 = tpu.vector_load %arg9[%get3A_669, %get3A_670] {strides = array<i32>} : memref<1664x16xf32, #tpu.memory_space<vmem>>, vector<1x16xf32>,
      %get3A_672 = vector.shape_cast %get3A_671 : vector<1x16xf32> to vector<16xf32>
      %add3A_673 = arith.addf %add3A_637, %get3A_672 : vector<16xf32>
      %mul3A_674 = arith.mulf %get3A_672, %get3A_672 : vector<16xf32>
      %add3A_675 = arith.addf %add3A_639, %mul3A_674 : vector<16xf32>
      %add3A_676 = arith.constant 13 : i32
      %add3A_677 = arith.addi %mul3A_562, %add3A_676 : i32
      %get3A_678 = arith.index_cast %add3A_677 : i32 to index
      %get3A_679 = arith.constant 0 : index
      %get3A_680 = tpu.vector_load %arg9[%get3A_678, %get3A_679] {strides = array<i32>} : memref<1664x16xf32, #tpu.memory_space<vmem>>, vector<1x16xf32>,
      %get3A_681 = vector.shape_cast %get3A_680 : vector<1x16xf32> to vector<16xf32>
      %add3A_682 = arith.addf %add3A_646, %get3A_681 : vector<16xf32>
      %mul3A_683 = arith.mulf %get3A_681, %get3A_681 : vector<16xf32>
      %add3A_684 = arith.addf %add3A_648, %mul3A_683 : vector<16xf32>
      %add3A_685 = arith.constant 14 : i32
      %add3A_686 = arith.addi %mul3A_562, %add3A_685 : i32
      %get3A_687 = arith.index_cast %add3A_686 : i32 to index
      %get3A_688 = arith.constant 0 : index
      %get3A_689 = tpu.vector_load %arg9[%get3A_687, %get3A_688] {strides = array<i32>} : memref<1664x16xf32, #tpu.memory_space<vmem>>, vector<1x16xf32>,
      %get3A_690 = vector.shape_cast %get3A_689 : vector<1x16xf32> to vector<16xf32>
      %add3A_691 = arith.addf %add3A_655, %get3A_690 : vector<16xf32>
      %mul3A_692 = arith.mulf %get3A_690, %get3A_690 : vector<16xf32>
      %add3A_693 = arith.addf %add3A_657, %mul3A_692 : vector<16xf32>
      %add3A_694 = arith.constant 15 : i32
      %add3A_695 = arith.addi %mul3A_562, %add3A_694 : i32
      %get3A_696 = arith.index_cast %add3A_695 : i32 to index
      %get3A_697 = arith.constant 0 : index
      %get3A_698 = tpu.vector_load %arg9[%get3A_696, %get3A_697] {strides = array<i32>} : memref<1664x16xf32, #tpu.memory_space<vmem>>, vector<1x16xf32>,
      %get3A_699 = vector.shape_cast %get3A_698 : vector<1x16xf32> to vector<16xf32>
      %add3A_700 = arith.addf %add3A_664, %get3A_699 : vector<16xf32>
      %mul3A_701 = arith.mulf %get3A_699, %get3A_699 : vector<16xf32>
      %add3A_702 = arith.addf %add3A_666, %mul3A_701 : vector<16xf32>
      %add3A_703 = arith.constant 16 : i32
      %add3A_704 = arith.addi %mul3A_562, %add3A_703 : i32
      %get3A_705 = arith.index_cast %add3A_704 : i32 to index
      %get3A_706 = arith.constant 0 : index
      %get3A_707 = tpu.vector_load %arg9[%get3A_705, %get3A_706] {strides = array<i32>} : memref<1664x16xf32, #tpu.memory_space<vmem>>, vector<1x16xf32>,
      %get3A_708 = vector.shape_cast %get3A_707 : vector<1x16xf32> to vector<16xf32>
      %add3A_709 = arith.addf %add3A_673, %get3A_708 : vector<16xf32>
      %mul3A_710 = arith.mulf %get3A_708, %get3A_708 : vector<16xf32>
      %add3A_711 = arith.addf %add3A_675, %mul3A_710 : vector<16xf32>
      %add3A_712 = arith.constant 17 : i32
      %add3A_713 = arith.addi %mul3A_562, %add3A_712 : i32
      %get3A_714 = arith.index_cast %add3A_713 : i32 to index
      %get3A_715 = arith.constant 0 : index
      %get3A_716 = tpu.vector_load %arg9[%get3A_714, %get3A_715] {strides = array<i32>} : memref<1664x16xf32, #tpu.memory_space<vmem>>, vector<1x16xf32>,
      %get3A_717 = vector.shape_cast %get3A_716 : vector<1x16xf32> to vector<16xf32>
      %add3A_718 = arith.addf %add3A_682, %get3A_717 : vector<16xf32>
      %mul3A_719 = arith.mulf %get3A_717, %get3A_717 : vector<16xf32>
      %add3A_720 = arith.addf %add3A_684, %mul3A_719 : vector<16xf32>
      %add3A_721 = arith.constant 18 : i32
      %add3A_722 = arith.addi %mul3A_562, %add3A_721 : i32
      %get3A_723 = arith.index_cast %add3A_722 : i32 to index
      %get3A_724 = arith.constant 0 : index
      %get3A_725 = tpu.vector_load %arg9[%get3A_723, %get3A_724] {strides = array<i32>} : memref<1664x16xf32, #tpu.memory_space<vmem>>, vector<1x16xf32>,
      %get3A_726 = vector.shape_cast %get3A_725 : vector<1x16xf32> to vector<16xf32>
      %add3A_727 = arith.addf %add3A_691, %get3A_726 : vector<16xf32>
      %mul3A_728 = arith.mulf %get3A_726, %get3A_726 : vector<16xf32>
      %add3A_729 = arith.addf %add3A_693, %mul3A_728 : vector<16xf32>
      %add3A_730 = arith.constant 19 : i32
      %add3A_731 = arith.addi %mul3A_562, %add3A_730 : i32
      %get3A_732 = arith.index_cast %add3A_731 : i32 to index
      %get3A_733 = arith.constant 0 : index
      %get3A_734 = tpu.vector_load %arg9[%get3A_732, %get3A_733] {strides = array<i32>} : memref<1664x16xf32, #tpu.memory_space<vmem>>, vector<1x16xf32>,
      %get3A_735 = vector.shape_cast %get3A_734 : vector<1x16xf32> to vector<16xf32>
      %add3A_736 = arith.addf %add3A_700, %get3A_735 : vector<16xf32>
      %mul3A_737 = arith.mulf %get3A_735, %get3A_735 : vector<16xf32>
      %add3A_738 = arith.addf %add3A_702, %mul3A_737 : vector<16xf32>
      %add3A_739 = arith.constant 20 : i32
      %add3A_740 = arith.addi %mul3A_562, %add3A_739 : i32
      %get3A_741 = arith.index_cast %add3A_740 : i32 to index
      %get3A_742 = arith.constant 0 : index
      %get3A_743 = tpu.vector_load %arg9[%get3A_741, %get3A_742] {strides = array<i32>} : memref<1664x16xf32, #tpu.memory_space<vmem>>, vector<1x16xf32>,
      %get3A_744 = vector.shape_cast %get3A_743 : vector<1x16xf32> to vector<16xf32>
      %add3A_745 = arith.addf %add3A_709, %get3A_744 : vector<16xf32>
      %mul3A_746 = arith.mulf %get3A_744, %get3A_744 : vector<16xf32>
      %add3A_747 = arith.addf %add3A_711, %mul3A_746 : vector<16xf32>
      %add3A_748 = arith.constant 21 : i32
      %add3A_749 = arith.addi %mul3A_562, %add3A_748 : i32
      %get3A_750 = arith.index_cast %add3A_749 : i32 to index
      %get3A_751 = arith.constant 0 : index
      %get3A_752 = tpu.vector_load %arg9[%get3A_750, %get3A_751] {strides = array<i32>} : memref<1664x16xf32, #tpu.memory_space<vmem>>, vector<1x16xf32>,
      %get3A_753 = vector.shape_cast %get3A_752 : vector<1x16xf32> to vector<16xf32>
      %add3A_754 = arith.addf %add3A_718, %get3A_753 : vector<16xf32>
      %mul3A_755 = arith.mulf %get3A_753, %get3A_753 : vector<16xf32>
      %add3A_756 = arith.addf %add3A_720, %mul3A_755 : vector<16xf32>
      %add3A_757 = arith.constant 22 : i32
      %add3A_758 = arith.addi %mul3A_562, %add3A_757 : i32
      %get3A_759 = arith.index_cast %add3A_758 : i32 to index
      %get3A_760 = arith.constant 0 : index
      %get3A_761 = tpu.vector_load %arg9[%get3A_759, %get3A_760] {strides = array<i32>} : memref<1664x16xf32, #tpu.memory_space<vmem>>, vector<1x16xf32>,
      %get3A_762 = vector.shape_cast %get3A_761 : vector<1x16xf32> to vector<16xf32>
      %add3A_763 = arith.addf %add3A_727, %get3A_762 : vector<16xf32>
      %mul3A_764 = arith.mulf %get3A_762, %get3A_762 : vector<16xf32>
      %add3A_765 = arith.addf %add3A_729, %mul3A_764 : vector<16xf32>
      %add3A_766 = arith.constant 23 : i32
      %add3A_767 = arith.addi %mul3A_562, %add3A_766 : i32
      %get3A_768 = arith.index_cast %add3A_767 : i32 to index
      %get3A_769 = arith.constant 0 : index
      %get3A_770 = tpu.vector_load %arg9[%get3A_768, %get3A_769] {strides = array<i32>} : memref<1664x16xf32, #tpu.memory_space<vmem>>, vector<1x16xf32>,
      %get3A_771 = vector.shape_cast %get3A_770 : vector<1x16xf32> to vector<16xf32>
      %add3A_772 = arith.addf %add3A_736, %get3A_771 : vector<16xf32>
      %mul3A_773 = arith.mulf %get3A_771, %get3A_771 : vector<16xf32>
      %add3A_774 = arith.addf %add3A_738, %mul3A_773 : vector<16xf32>
      %add3A_775 = arith.constant 24 : i32
      %add3A_776 = arith.addi %mul3A_562, %add3A_775 : i32
      %get3A_777 = arith.index_cast %add3A_776 : i32 to index
      %get3A_778 = arith.constant 0 : index
      %get3A_779 = tpu.vector_load %arg9[%get3A_777, %get3A_778] {strides = array<i32>} : memref<1664x16xf32, #tpu.memory_space<vmem>>, vector<1x16xf32>,
      %get3A_780 = vector.shape_cast %get3A_779 : vector<1x16xf32> to vector<16xf32>
      %add3A_781 = arith.addf %add3A_745, %get3A_780 : vector<16xf32>
      %mul3A_782 = arith.mulf %get3A_780, %get3A_780 : vector<16xf32>
      %add3A_783 = arith.addf %add3A_747, %mul3A_782 : vector<16xf32>
      %add3A_784 = arith.constant 25 : i32
      %add3A_785 = arith.addi %mul3A_562, %add3A_784 : i32
      %get3A_786 = arith.index_cast %add3A_785 : i32 to index
      %get3A_787 = arith.constant 0 : index
      %get3A_788 = tpu.vector_load %arg9[%get3A_786, %get3A_787] {strides = array<i32>} : memref<1664x16xf32, #tpu.memory_space<vmem>>, vector<1x16xf32>,
      %get3A_789 = vector.shape_cast %get3A_788 : vector<1x16xf32> to vector<16xf32>
      %add3A_790 = arith.addf %add3A_754, %get3A_789 : vector<16xf32>
      %mul3A_791 = arith.mulf %get3A_789, %get3A_789 : vector<16xf32>
      %add3A_792 = arith.addf %add3A_756, %mul3A_791 : vector<16xf32>
      %add3A_793 = arith.addf %add3A_781, %add3A_790 : vector<16xf32>
      %add3A_794 = arith.addf %add3A_763, %add3A_772 : vector<16xf32>
      %add3A_795 = arith.addf %add3A_793, %add3A_794 : vector<16xf32>
      %add3A_796 = arith.addf %add3A_783, %add3A_792 : vector<16xf32>
      %add3A_797 = arith.addf %add3A_765, %add3A_774 : vector<16xf32>
      %add3A_798 = arith.addf %add3A_796, %add3A_797 : vector<16xf32>
      %mul3A_799 = arith.mulf %add3A_795, %add3A_795 : vector<16xf32>
      %sub3A_800 = arith.subf %mul3A_799, %add3A_798 : vector<16xf32>
      %mul3A_801 = arith.constant 5.000000e-01 : f32
      %mul3A_802 = vector.broadcast %mul3A_801 : f32 to vector<16xf32>
      %mul3A_803 = arith.mulf %sub3A_800, %mul3A_802 : vector<16xf32>
      %add3A_804 = arith.addf %mul3A_803, %get3A_4 : vector<16xf32>
      %get3A_805 = arith.index_cast %add3A_566 : i32 to index
      %get3A_806 = tpu.vector_load %arg10[%get3A_805] {strides = array<i32>} : memref<13344xf32, #tpu.memory_space<vmem>>, vector<16xf32>,
      %get3A_807 = vector.shape_cast %get3A_806 : vector<16xf32> to vector<16xf32>
      %add3A_808 = arith.constant 16 : i32
      %add3A_809 = arith.addi %add3A_566, %add3A_808 : i32
      %get3A_810 = arith.index_cast %add3A_809 : i32 to index
      %get3A_811 = tpu.vector_load %arg10[%get3A_810] {strides = array<i32>} : memref<13344xf32, #tpu.memory_space<vmem>>, vector<16xf32>,
      %get3A_812 = vector.shape_cast %get3A_811 : vector<16xf32> to vector<16xf32>
      %add3A_813 = arith.addf %add3A_804, %get3A_807 : vector<16xf32>
      %lt3A_814 = arith.constant 10 : i32
      %lt3A_815 = vector.broadcast %lt3A_814 : i32 to vector<16xi32>
      %lt3A_816 = arith.cmpi slt, %iota3A, %lt3A_815 : vector<16xi32>
      %jit3A_817 = arith.constant 0.000000e+00 : f32
      %broadcast_in_dim3A_818 = vector.broadcast %jit3A_817 : f32 to vector<16xf32>
      %select_n3A_819 = arith.select %lt3A_816, %get3A_812, %broadcast_in_dim3A_818 : vector<16xi1>, vector<16xf32>
      %add3A_820 = arith.addf %add3A_813, %select_n3A_819 : vector<16xf32>
      %add3A_821 = arith.constant 320 : i32
      %add3A_822 = arith.addi %add3A_821, %add3A_560 : i32
      %mul3A_823 = arith.constant 16 : i32
      %mul3A_824 = arith.muli %add3A_822, %mul3A_823 : i32
      %swap3A_825 = arith.index_cast %mul3A_824 : i32 to index
      %swap3A_826 = tpu.vector_load %arg11[%swap3A_825] {strides = array<i32>} : memref<8192xf32, #tpu.memory_space<vmem>>, vector<16xf32>,
      %swap3A_827 = vector.shape_cast %swap3A_826 : vector<16xf32> to vector<16xf32>
      %swap3A_828 = vector.shape_cast %add3A_820 : vector<16xf32> to vector<16xf32>
      tpu.vector_store %arg11[%swap3A_825], %swap3A_828 {strides = array<i32>} : memref<8192xf32, #tpu.memory_space<vmem>>, vector<16xf32>,
    }
    %scan3A_232 = arith.constant 32 : i32
    %dma_start3A_233 = arith.constant 7 : i32
    %dma_start3A_234 = arith.constant 0 : i32
    %dma_start3A_235 = tpu.memref_slice %arg7[%dma_start3A_233, %dma_start3A_234] : memref<8x1664xi32, #tpu.memory_space<vmem>> -> memref<1x1664xi32, #tpu.memory_space<vmem>>
    %dma_start3A_236 = tpu.memref_squeeze %dma_start3A_235 : memref<1x1664xi32, #tpu.memory_space<vmem>> -> memref<1664xi32, #tpu.memory_space<vmem>>
    %dma_start3A_237 = arith.constant 0 : i32
    %dma_start3A_238 = arith.constant 0 : i32
    %dma_start3A_239 = tpu.memref_slice %arg3[%dma_start3A_237, %dma_start3A_238] : memref<200000x16xf32, #tpu.memory_space<hbm>> -> memref<200000x16xf32, #tpu.memory_space<hbm>>
    tpu.enqueue_indirect_dma source(%dma_start3A_239 : memref<200000x16xf32, #tpu.memory_space<hbm>>) target(%arg9 : memref<1664x16xf32, #tpu.memory_space<vmem>>) offsets(%dma_start3A_236 : memref<1664xi32, #tpu.memory_space<vmem>>) semaphore(%arg14 : memref<!tpu.dma_semaphore, #tpu.memory_space<semaphore_mem>>)
    %dma_start3A_240 = arith.constant 7 : i32
    %dma_start3A_241 = arith.constant 11648 : i32
    %dma_start3A_242 = tpu.memref_slice %arg10[%dma_start3A_241] : memref<13344xf32, #tpu.memory_space<vmem>> -> memref<1664xf32, #tpu.memory_space<vmem>>
    %dma_start3A_243 = arith.constant 0 : i32
    %dma_start3A_244 = tpu.memref_slice %arg7[%dma_start3A_240, %dma_start3A_243] : memref<8x1664xi32, #tpu.memory_space<vmem>> -> memref<1x1664xi32, #tpu.memory_space<vmem>>
    %dma_start3A_245 = tpu.memref_squeeze %dma_start3A_244 : memref<1x1664xi32, #tpu.memory_space<vmem>> -> memref<1664xi32, #tpu.memory_space<vmem>>
    %dma_start3A_246 = arith.constant 0 : i32
    %dma_start3A_247 = tpu.memref_slice %arg4[%dma_start3A_246] : memref<200000xf32, #tpu.memory_space<hbm>> -> memref<200000xf32, #tpu.memory_space<hbm>>
    tpu.enqueue_indirect_dma source(%dma_start3A_247 : memref<200000xf32, #tpu.memory_space<hbm>>) target(%dma_start3A_242 : memref<1664xf32, #tpu.memory_space<vmem>>) offsets(%dma_start3A_245 : memref<1664xi32, #tpu.memory_space<vmem>>) semaphore(%arg14 : memref<!tpu.dma_semaphore, #tpu.memory_space<semaphore_mem>>)
    %dma_wait3A_248 = arith.constant 6 : i32
    %dma_wait3A_249 = arith.constant 0 : i32
    %dma_wait3A_250 = tpu.memref_slice %arg7[%dma_wait3A_248, %dma_wait3A_249] : memref<8x1664xi32, #tpu.memory_space<vmem>> -> memref<1x1664xi32, #tpu.memory_space<vmem>>
    %dma_wait3A_251 = tpu.memref_squeeze %dma_wait3A_250 : memref<1x1664xi32, #tpu.memory_space<vmem>> -> memref<1664xi32, #tpu.memory_space<vmem>>
    %dma_wait3A_252 = arith.constant 0 : i32
    %dma_wait3A_253 = arith.constant 0 : i32
    %dma_wait3A_254 = tpu.memref_slice %arg3[%dma_wait3A_252, %dma_wait3A_253] : memref<200000x16xf32, #tpu.memory_space<hbm>> -> memref<200000x16xf32, #tpu.memory_space<hbm>>
    tpu.wait_indirect_dma semaphore(%arg13 : memref<!tpu.dma_semaphore, #tpu.memory_space<semaphore_mem>>) src(%dma_wait3A_254 : memref<200000x16xf32, #tpu.memory_space<hbm>>) dst(%arg8 : memref<1664x16xf32, #tpu.memory_space<vmem>>)
    %dma_wait3A_255 = arith.constant 6 : i32
    %dma_wait3A_256 = arith.constant 9984 : i32
    %dma_wait3A_257 = tpu.memref_slice %arg10[%dma_wait3A_256] : memref<13344xf32, #tpu.memory_space<vmem>> -> memref<1664xf32, #tpu.memory_space<vmem>>
    %dma_wait3A_258 = arith.constant 0 : i32
    %dma_wait3A_259 = tpu.memref_slice %arg7[%dma_wait3A_255, %dma_wait3A_258] : memref<8x1664xi32, #tpu.memory_space<vmem>> -> memref<1x1664xi32, #tpu.memory_space<vmem>>
    %dma_wait3A_260 = tpu.memref_squeeze %dma_wait3A_259 : memref<1x1664xi32, #tpu.memory_space<vmem>> -> memref<1664xi32, #tpu.memory_space<vmem>>
    %dma_wait3A_261 = arith.constant 0 : i32
    %dma_wait3A_262 = tpu.memref_slice %arg4[%dma_wait3A_261] : memref<200000xf32, #tpu.memory_space<hbm>> -> memref<200000xf32, #tpu.memory_space<hbm>>
    tpu.wait_indirect_dma semaphore(%arg13 : memref<!tpu.dma_semaphore, #tpu.memory_space<semaphore_mem>>) src(%dma_wait3A_262 : memref<200000xf32, #tpu.memory_space<hbm>>) dst(%dma_wait3A_257 : memref<1664xf32, #tpu.memory_space<vmem>>)
    %scan3A_263 = arith.constant 0 : i32
    %scan3A_264 = arith.constant 0 : i32
    %scan3A_265 = arith.constant 32 : i32
    %scan3A_266 = arith.addi %scan3A_264, %scan3A_265 : i32
    %scan3A_267 = arith.constant 1 : i32
    scf.for %scan3A_292 = %scan3A_264 to %scan3A_266 step %scan3A_267  : i32 {
      %mul3A_293 = arith.constant 2 : i32
      %mul3A_294 = arith.muli %scan3A_292, %mul3A_293 : i32
      %mul3A_295 = arith.constant 26 : i32
      %mul3A_296 = arith.muli %mul3A_294, %mul3A_295 : i32
      %mul3A_297 = arith.constant 26 : i32
      %mul3A_298 = arith.muli %mul3A_294, %mul3A_297 : i32
      %add3A_299 = arith.constant 9984 : i32
      %add3A_300 = arith.addi %add3A_299, %mul3A_298 : i32
      %add3A_301 = arith.constant 0 : i32
      %add3A_302 = arith.addi %mul3A_296, %add3A_301 : i32
      %get3A_303 = arith.index_cast %add3A_302 : i32 to index
      %get3A_304 = arith.constant 0 : index
      %get3A_305 = tpu.vector_load %arg8[%get3A_303, %get3A_304] {strides = array<i32>} : memref<1664x16xf32, #tpu.memory_space<vmem>>, vector<1x16xf32>,
      %get3A_306 = vector.shape_cast %get3A_305 : vector<1x16xf32> to vector<16xf32>
      %mul3A_307 = arith.mulf %get3A_306, %get3A_306 : vector<16xf32>
      %add3A_308 = arith.constant 1 : i32
      %add3A_309 = arith.addi %mul3A_296, %add3A_308 : i32
      %get3A_310 = arith.index_cast %add3A_309 : i32 to index
      %get3A_311 = arith.constant 0 : index
      %get3A_312 = tpu.vector_load %arg8[%get3A_310, %get3A_311] {strides = array<i32>} : memref<1664x16xf32, #tpu.memory_space<vmem>>, vector<1x16xf32>,
      %get3A_313 = vector.shape_cast %get3A_312 : vector<1x16xf32> to vector<16xf32>
      %mul3A_314 = arith.mulf %get3A_313, %get3A_313 : vector<16xf32>
      %add3A_315 = arith.constant 2 : i32
      %add3A_316 = arith.addi %mul3A_296, %add3A_315 : i32
      %get3A_317 = arith.index_cast %add3A_316 : i32 to index
      %get3A_318 = arith.constant 0 : index
      %get3A_319 = tpu.vector_load %arg8[%get3A_317, %get3A_318] {strides = array<i32>} : memref<1664x16xf32, #tpu.memory_space<vmem>>, vector<1x16xf32>,
      %get3A_320 = vector.shape_cast %get3A_319 : vector<1x16xf32> to vector<16xf32>
      %mul3A_321 = arith.mulf %get3A_320, %get3A_320 : vector<16xf32>
      %add3A_322 = arith.constant 3 : i32
      %add3A_323 = arith.addi %mul3A_296, %add3A_322 : i32
      %get3A_324 = arith.index_cast %add3A_323 : i32 to index
      %get3A_325 = arith.constant 0 : index
      %get3A_326 = tpu.vector_load %arg8[%get3A_324, %get3A_325] {strides = array<i32>} : memref<1664x16xf32, #tpu.memory_space<vmem>>, vector<1x16xf32>,
      %get3A_327 = vector.shape_cast %get3A_326 : vector<1x16xf32> to vector<16xf32>
      %mul3A_328 = arith.mulf %get3A_327, %get3A_327 : vector<16xf32>
      %add3A_329 = arith.constant 4 : i32
      %add3A_330 = arith.addi %mul3A_296, %add3A_329 : i32
      %get3A_331 = arith.index_cast %add3A_330 : i32 to index
      %get3A_332 = arith.constant 0 : index
      %get3A_333 = tpu.vector_load %arg8[%get3A_331, %get3A_332] {strides = array<i32>} : memref<1664x16xf32, #tpu.memory_space<vmem>>, vector<1x16xf32>,
      %get3A_334 = vector.shape_cast %get3A_333 : vector<1x16xf32> to vector<16xf32>
      %add3A_335 = arith.addf %get3A_306, %get3A_334 : vector<16xf32>
      %mul3A_336 = arith.mulf %get3A_334, %get3A_334 : vector<16xf32>
      %add3A_337 = arith.addf %mul3A_307, %mul3A_336 : vector<16xf32>
      %add3A_338 = arith.constant 5 : i32
      %add3A_339 = arith.addi %mul3A_296, %add3A_338 : i32
      %get3A_340 = arith.index_cast %add3A_339 : i32 to index
      %get3A_341 = arith.constant 0 : index
      %get3A_342 = tpu.vector_load %arg8[%get3A_340, %get3A_341] {strides = array<i32>} : memref<1664x16xf32, #tpu.memory_space<vmem>>, vector<1x16xf32>,
      %get3A_343 = vector.shape_cast %get3A_342 : vector<1x16xf32> to vector<16xf32>
      %add3A_344 = arith.addf %get3A_313, %get3A_343 : vector<16xf32>
      %mul3A_345 = arith.mulf %get3A_343, %get3A_343 : vector<16xf32>
      %add3A_346 = arith.addf %mul3A_314, %mul3A_345 : vector<16xf32>
      %add3A_347 = arith.constant 6 : i32
      %add3A_348 = arith.addi %mul3A_296, %add3A_347 : i32
      %get3A_349 = arith.index_cast %add3A_348 : i32 to index
      %get3A_350 = arith.constant 0 : index
      %get3A_351 = tpu.vector_load %arg8[%get3A_349, %get3A_350] {strides = array<i32>} : memref<1664x16xf32, #tpu.memory_space<vmem>>, vector<1x16xf32>,
      %get3A_352 = vector.shape_cast %get3A_351 : vector<1x16xf32> to vector<16xf32>
      %add3A_353 = arith.addf %get3A_320, %get3A_352 : vector<16xf32>
      %mul3A_354 = arith.mulf %get3A_352, %get3A_352 : vector<16xf32>
      %add3A_355 = arith.addf %mul3A_321, %mul3A_354 : vector<16xf32>
      %add3A_356 = arith.constant 7 : i32
      %add3A_357 = arith.addi %mul3A_296, %add3A_356 : i32
      %get3A_358 = arith.index_cast %add3A_357 : i32 to index
      %get3A_359 = arith.constant 0 : index
      %get3A_360 = tpu.vector_load %arg8[%get3A_358, %get3A_359] {strides = array<i32>} : memref<1664x16xf32, #tpu.memory_space<vmem>>, vector<1x16xf32>,
      %get3A_361 = vector.shape_cast %get3A_360 : vector<1x16xf32> to vector<16xf32>
      %add3A_362 = arith.addf %get3A_327, %get3A_361 : vector<16xf32>
      %mul3A_363 = arith.mulf %get3A_361, %get3A_361 : vector<16xf32>
      %add3A_364 = arith.addf %mul3A_328, %mul3A_363 : vector<16xf32>
      %add3A_365 = arith.constant 8 : i32
      %add3A_366 = arith.addi %mul3A_296, %add3A_365 : i32
      %get3A_367 = arith.index_cast %add3A_366 : i32 to index
      %get3A_368 = arith.constant 0 : index
      %get3A_369 = tpu.vector_load %arg8[%get3A_367, %get3A_368] {strides = array<i32>} : memref<1664x16xf32, #tpu.memory_space<vmem>>, vector<1x16xf32>,
      %get3A_370 = vector.shape_cast %get3A_369 : vector<1x16xf32> to vector<16xf32>
      %add3A_371 = arith.addf %add3A_335, %get3A_370 : vector<16xf32>
      %mul3A_372 = arith.mulf %get3A_370, %get3A_370 : vector<16xf32>
      %add3A_373 = arith.addf %add3A_337, %mul3A_372 : vector<16xf32>
      %add3A_374 = arith.constant 9 : i32
      %add3A_375 = arith.addi %mul3A_296, %add3A_374 : i32
      %get3A_376 = arith.index_cast %add3A_375 : i32 to index
      %get3A_377 = arith.constant 0 : index
      %get3A_378 = tpu.vector_load %arg8[%get3A_376, %get3A_377] {strides = array<i32>} : memref<1664x16xf32, #tpu.memory_space<vmem>>, vector<1x16xf32>,
      %get3A_379 = vector.shape_cast %get3A_378 : vector<1x16xf32> to vector<16xf32>
      %add3A_380 = arith.addf %add3A_344, %get3A_379 : vector<16xf32>
      %mul3A_381 = arith.mulf %get3A_379, %get3A_379 : vector<16xf32>
      %add3A_382 = arith.addf %add3A_346, %mul3A_381 : vector<16xf32>
      %add3A_383 = arith.constant 10 : i32
      %add3A_384 = arith.addi %mul3A_296, %add3A_383 : i32
      %get3A_385 = arith.index_cast %add3A_384 : i32 to index
      %get3A_386 = arith.constant 0 : index
      %get3A_387 = tpu.vector_load %arg8[%get3A_385, %get3A_386] {strides = array<i32>} : memref<1664x16xf32, #tpu.memory_space<vmem>>, vector<1x16xf32>,
      %get3A_388 = vector.shape_cast %get3A_387 : vector<1x16xf32> to vector<16xf32>
      %add3A_389 = arith.addf %add3A_353, %get3A_388 : vector<16xf32>
      %mul3A_390 = arith.mulf %get3A_388, %get3A_388 : vector<16xf32>
      %add3A_391 = arith.addf %add3A_355, %mul3A_390 : vector<16xf32>
      %add3A_392 = arith.constant 11 : i32
      %add3A_393 = arith.addi %mul3A_296, %add3A_392 : i32
      %get3A_394 = arith.index_cast %add3A_393 : i32 to index
      %get3A_395 = arith.constant 0 : index
      %get3A_396 = tpu.vector_load %arg8[%get3A_394, %get3A_395] {strides = array<i32>} : memref<1664x16xf32, #tpu.memory_space<vmem>>, vector<1x16xf32>,
      %get3A_397 = vector.shape_cast %get3A_396 : vector<1x16xf32> to vector<16xf32>
      %add3A_398 = arith.addf %add3A_362, %get3A_397 : vector<16xf32>
      %mul3A_399 = arith.mulf %get3A_397, %get3A_397 : vector<16xf32>
      %add3A_400 = arith.addf %add3A_364, %mul3A_399 : vector<16xf32>
      %add3A_401 = arith.constant 12 : i32
      %add3A_402 = arith.addi %mul3A_296, %add3A_401 : i32
      %get3A_403 = arith.index_cast %add3A_402 : i32 to index
      %get3A_404 = arith.constant 0 : index
      %get3A_405 = tpu.vector_load %arg8[%get3A_403, %get3A_404] {strides = array<i32>} : memref<1664x16xf32, #tpu.memory_space<vmem>>, vector<1x16xf32>,
      %get3A_406 = vector.shape_cast %get3A_405 : vector<1x16xf32> to vector<16xf32>
      %add3A_407 = arith.addf %add3A_371, %get3A_406 : vector<16xf32>
      %mul3A_408 = arith.mulf %get3A_406, %get3A_406 : vector<16xf32>
      %add3A_409 = arith.addf %add3A_373, %mul3A_408 : vector<16xf32>
      %add3A_410 = arith.constant 13 : i32
      %add3A_411 = arith.addi %mul3A_296, %add3A_410 : i32
      %get3A_412 = arith.index_cast %add3A_411 : i32 to index
      %get3A_413 = arith.constant 0 : index
      %get3A_414 = tpu.vector_load %arg8[%get3A_412, %get3A_413] {strides = array<i32>} : memref<1664x16xf32, #tpu.memory_space<vmem>>, vector<1x16xf32>,
      %get3A_415 = vector.shape_cast %get3A_414 : vector<1x16xf32> to vector<16xf32>
      %add3A_416 = arith.addf %add3A_380, %get3A_415 : vector<16xf32>
      %mul3A_417 = arith.mulf %get3A_415, %get3A_415 : vector<16xf32>
      %add3A_418 = arith.addf %add3A_382, %mul3A_417 : vector<16xf32>
      %add3A_419 = arith.constant 14 : i32
      %add3A_420 = arith.addi %mul3A_296, %add3A_419 : i32
      %get3A_421 = arith.index_cast %add3A_420 : i32 to index
      %get3A_422 = arith.constant 0 : index
      %get3A_423 = tpu.vector_load %arg8[%get3A_421, %get3A_422] {strides = array<i32>} : memref<1664x16xf32, #tpu.memory_space<vmem>>, vector<1x16xf32>,
      %get3A_424 = vector.shape_cast %get3A_423 : vector<1x16xf32> to vector<16xf32>
      %add3A_425 = arith.addf %add3A_389, %get3A_424 : vector<16xf32>
      %mul3A_426 = arith.mulf %get3A_424, %get3A_424 : vector<16xf32>
      %add3A_427 = arith.addf %add3A_391, %mul3A_426 : vector<16xf32>
      %add3A_428 = arith.constant 15 : i32
      %add3A_429 = arith.addi %mul3A_296, %add3A_428 : i32
      %get3A_430 = arith.index_cast %add3A_429 : i32 to index
      %get3A_431 = arith.constant 0 : index
      %get3A_432 = tpu.vector_load %arg8[%get3A_430, %get3A_431] {strides = array<i32>} : memref<1664x16xf32, #tpu.memory_space<vmem>>, vector<1x16xf32>,
      %get3A_433 = vector.shape_cast %get3A_432 : vector<1x16xf32> to vector<16xf32>
      %add3A_434 = arith.addf %add3A_398, %get3A_433 : vector<16xf32>
      %mul3A_435 = arith.mulf %get3A_433, %get3A_433 : vector<16xf32>
      %add3A_436 = arith.addf %add3A_400, %mul3A_435 : vector<16xf32>
      %add3A_437 = arith.constant 16 : i32
      %add3A_438 = arith.addi %mul3A_296, %add3A_437 : i32
      %get3A_439 = arith.index_cast %add3A_438 : i32 to index
      %get3A_440 = arith.constant 0 : index
      %get3A_441 = tpu.vector_load %arg8[%get3A_439, %get3A_440] {strides = array<i32>} : memref<1664x16xf32, #tpu.memory_space<vmem>>, vector<1x16xf32>,
      %get3A_442 = vector.shape_cast %get3A_441 : vector<1x16xf32> to vector<16xf32>
      %add3A_443 = arith.addf %add3A_407, %get3A_442 : vector<16xf32>
      %mul3A_444 = arith.mulf %get3A_442, %get3A_442 : vector<16xf32>
      %add3A_445 = arith.addf %add3A_409, %mul3A_444 : vector<16xf32>
      %add3A_446 = arith.constant 17 : i32
      %add3A_447 = arith.addi %mul3A_296, %add3A_446 : i32
      %get3A_448 = arith.index_cast %add3A_447 : i32 to index
      %get3A_449 = arith.constant 0 : index
      %get3A_450 = tpu.vector_load %arg8[%get3A_448, %get3A_449] {strides = array<i32>} : memref<1664x16xf32, #tpu.memory_space<vmem>>, vector<1x16xf32>,
      %get3A_451 = vector.shape_cast %get3A_450 : vector<1x16xf32> to vector<16xf32>
      %add3A_452 = arith.addf %add3A_416, %get3A_451 : vector<16xf32>
      %mul3A_453 = arith.mulf %get3A_451, %get3A_451 : vector<16xf32>
      %add3A_454 = arith.addf %add3A_418, %mul3A_453 : vector<16xf32>
      %add3A_455 = arith.constant 18 : i32
      %add3A_456 = arith.addi %mul3A_296, %add3A_455 : i32
      %get3A_457 = arith.index_cast %add3A_456 : i32 to index
      %get3A_458 = arith.constant 0 : index
      %get3A_459 = tpu.vector_load %arg8[%get3A_457, %get3A_458] {strides = array<i32>} : memref<1664x16xf32, #tpu.memory_space<vmem>>, vector<1x16xf32>,
      %get3A_460 = vector.shape_cast %get3A_459 : vector<1x16xf32> to vector<16xf32>
      %add3A_461 = arith.addf %add3A_425, %get3A_460 : vector<16xf32>
      %mul3A_462 = arith.mulf %get3A_460, %get3A_460 : vector<16xf32>
      %add3A_463 = arith.addf %add3A_427, %mul3A_462 : vector<16xf32>
      %add3A_464 = arith.constant 19 : i32
      %add3A_465 = arith.addi %mul3A_296, %add3A_464 : i32
      %get3A_466 = arith.index_cast %add3A_465 : i32 to index
      %get3A_467 = arith.constant 0 : index
      %get3A_468 = tpu.vector_load %arg8[%get3A_466, %get3A_467] {strides = array<i32>} : memref<1664x16xf32, #tpu.memory_space<vmem>>, vector<1x16xf32>,
      %get3A_469 = vector.shape_cast %get3A_468 : vector<1x16xf32> to vector<16xf32>
      %add3A_470 = arith.addf %add3A_434, %get3A_469 : vector<16xf32>
      %mul3A_471 = arith.mulf %get3A_469, %get3A_469 : vector<16xf32>
      %add3A_472 = arith.addf %add3A_436, %mul3A_471 : vector<16xf32>
      %add3A_473 = arith.constant 20 : i32
      %add3A_474 = arith.addi %mul3A_296, %add3A_473 : i32
      %get3A_475 = arith.index_cast %add3A_474 : i32 to index
      %get3A_476 = arith.constant 0 : index
      %get3A_477 = tpu.vector_load %arg8[%get3A_475, %get3A_476] {strides = array<i32>} : memref<1664x16xf32, #tpu.memory_space<vmem>>, vector<1x16xf32>,
      %get3A_478 = vector.shape_cast %get3A_477 : vector<1x16xf32> to vector<16xf32>
      %add3A_479 = arith.addf %add3A_443, %get3A_478 : vector<16xf32>
      %mul3A_480 = arith.mulf %get3A_478, %get3A_478 : vector<16xf32>
      %add3A_481 = arith.addf %add3A_445, %mul3A_480 : vector<16xf32>
      %add3A_482 = arith.constant 21 : i32
      %add3A_483 = arith.addi %mul3A_296, %add3A_482 : i32
      %get3A_484 = arith.index_cast %add3A_483 : i32 to index
      %get3A_485 = arith.constant 0 : index
      %get3A_486 = tpu.vector_load %arg8[%get3A_484, %get3A_485] {strides = array<i32>} : memref<1664x16xf32, #tpu.memory_space<vmem>>, vector<1x16xf32>,
      %get3A_487 = vector.shape_cast %get3A_486 : vector<1x16xf32> to vector<16xf32>
      %add3A_488 = arith.addf %add3A_452, %get3A_487 : vector<16xf32>
      %mul3A_489 = arith.mulf %get3A_487, %get3A_487 : vector<16xf32>
      %add3A_490 = arith.addf %add3A_454, %mul3A_489 : vector<16xf32>
      %add3A_491 = arith.constant 22 : i32
      %add3A_492 = arith.addi %mul3A_296, %add3A_491 : i32
      %get3A_493 = arith.index_cast %add3A_492 : i32 to index
      %get3A_494 = arith.constant 0 : index
      %get3A_495 = tpu.vector_load %arg8[%get3A_493, %get3A_494] {strides = array<i32>} : memref<1664x16xf32, #tpu.memory_space<vmem>>, vector<1x16xf32>,
      %get3A_496 = vector.shape_cast %get3A_495 : vector<1x16xf32> to vector<16xf32>
      %add3A_497 = arith.addf %add3A_461, %get3A_496 : vector<16xf32>
      %mul3A_498 = arith.mulf %get3A_496, %get3A_496 : vector<16xf32>
      %add3A_499 = arith.addf %add3A_463, %mul3A_498 : vector<16xf32>
      %add3A_500 = arith.constant 23 : i32
      %add3A_501 = arith.addi %mul3A_296, %add3A_500 : i32
      %get3A_502 = arith.index_cast %add3A_501 : i32 to index
      %get3A_503 = arith.constant 0 : index
      %get3A_504 = tpu.vector_load %arg8[%get3A_502, %get3A_503] {strides = array<i32>} : memref<1664x16xf32, #tpu.memory_space<vmem>>, vector<1x16xf32>,
      %get3A_505 = vector.shape_cast %get3A_504 : vector<1x16xf32> to vector<16xf32>
      %add3A_506 = arith.addf %add3A_470, %get3A_505 : vector<16xf32>
      %mul3A_507 = arith.mulf %get3A_505, %get3A_505 : vector<16xf32>
      %add3A_508 = arith.addf %add3A_472, %mul3A_507 : vector<16xf32>
      %add3A_509 = arith.constant 24 : i32
      %add3A_510 = arith.addi %mul3A_296, %add3A_509 : i32
      %get3A_511 = arith.index_cast %add3A_510 : i32 to index
      %get3A_512 = arith.constant 0 : index
      %get3A_513 = tpu.vector_load %arg8[%get3A_511, %get3A_512] {strides = array<i32>} : memref<1664x16xf32, #tpu.memory_space<vmem>>, vector<1x16xf32>,
      %get3A_514 = vector.shape_cast %get3A_513 : vector<1x16xf32> to vector<16xf32>
      %add3A_515 = arith.addf %add3A_479, %get3A_514 : vector<16xf32>
      %mul3A_516 = arith.mulf %get3A_514, %get3A_514 : vector<16xf32>
      %add3A_517 = arith.addf %add3A_481, %mul3A_516 : vector<16xf32>
      %add3A_518 = arith.constant 25 : i32
      %add3A_519 = arith.addi %mul3A_296, %add3A_518 : i32
      %get3A_520 = arith.index_cast %add3A_519 : i32 to index
      %get3A_521 = arith.constant 0 : index
      %get3A_522 = tpu.vector_load %arg8[%get3A_520, %get3A_521] {strides = array<i32>} : memref<1664x16xf32, #tpu.memory_space<vmem>>, vector<1x16xf32>,
      %get3A_523 = vector.shape_cast %get3A_522 : vector<1x16xf32> to vector<16xf32>
      %add3A_524 = arith.addf %add3A_488, %get3A_523 : vector<16xf32>
      %mul3A_525 = arith.mulf %get3A_523, %get3A_523 : vector<16xf32>
      %add3A_526 = arith.addf %add3A_490, %mul3A_525 : vector<16xf32>
      %add3A_527 = arith.addf %add3A_515, %add3A_524 : vector<16xf32>
      %add3A_528 = arith.addf %add3A_497, %add3A_506 : vector<16xf32>
      %add3A_529 = arith.addf %add3A_527, %add3A_528 : vector<16xf32>
      %add3A_530 = arith.addf %add3A_517, %add3A_526 : vector<16xf32>
      %add3A_531 = arith.addf %add3A_499, %add3A_508 : vector<16xf32>
      %add3A_532 = arith.addf %add3A_530, %add3A_531 : vector<16xf32>
      %mul3A_533 = arith.mulf %add3A_529, %add3A_529 : vector<16xf32>
      %sub3A = arith.subf %mul3A_533, %add3A_532 : vector<16xf32>
      %mul3A_534 = arith.constant 5.000000e-01 : f32
      %mul3A_535 = vector.broadcast %mul3A_534 : f32 to vector<16xf32>
      %mul3A_536 = arith.mulf %sub3A, %mul3A_535 : vector<16xf32>
      %add3A_537 = arith.addf %mul3A_536, %get3A_4 : vector<16xf32>
      %get3A_538 = arith.index_cast %add3A_300 : i32 to index
      %get3A_539 = tpu.vector_load %arg10[%get3A_538] {strides = array<i32>} : memref<13344xf32, #tpu.memory_space<vmem>>, vector<16xf32>,
      %get3A_540 = vector.shape_cast %get3A_539 : vector<16xf32> to vector<16xf32>
      %add3A_541 = arith.constant 16 : i32
      %add3A_542 = arith.addi %add3A_300, %add3A_541 : i32
      %get3A_543 = arith.index_cast %add3A_542 : i32 to index
      %get3A_544 = tpu.vector_load %arg10[%get3A_543] {strides = array<i32>} : memref<13344xf32, #tpu.memory_space<vmem>>, vector<16xf32>,
      %get3A_545 = vector.shape_cast %get3A_544 : vector<16xf32> to vector<16xf32>
      %add3A_546 = arith.addf %add3A_537, %get3A_540 : vector<16xf32>
      %lt3A = arith.constant 10 : i32
      %lt3A_547 = vector.broadcast %lt3A : i32 to vector<16xi32>
      %lt3A_548 = arith.cmpi slt, %iota3A, %lt3A_547 : vector<16xi32>
      %jit3A = arith.constant 0.000000e+00 : f32
      %broadcast_in_dim3A = vector.broadcast %jit3A : f32 to vector<16xf32>
      %select_n3A = arith.select %lt3A_548, %get3A_545, %broadcast_in_dim3A : vector<16xi1>, vector<16xf32>
      %add3A_549 = arith.addf %add3A_546, %select_n3A : vector<16xf32>
      %add3A_550 = arith.constant 384 : i32
      %add3A_551 = arith.addi %add3A_550, %mul3A_294 : i32
      %mul3A_552 = arith.constant 16 : i32
      %mul3A_553 = arith.muli %add3A_551, %mul3A_552 : i32
      %swap3A = arith.index_cast %mul3A_553 : i32 to index
      %swap3A_554 = tpu.vector_load %arg11[%swap3A] {strides = array<i32>} : memref<8192xf32, #tpu.memory_space<vmem>>, vector<16xf32>,
      %swap3A_555 = vector.shape_cast %swap3A_554 : vector<16xf32> to vector<16xf32>
      %swap3A_556 = vector.shape_cast %add3A_549 : vector<16xf32> to vector<16xf32>
      tpu.vector_store %arg11[%swap3A], %swap3A_556 {strides = array<i32>} : memref<8192xf32, #tpu.memory_space<vmem>>, vector<16xf32>,
      %mul3A_557 = arith.constant 2 : i32
      %mul3A_558 = arith.muli %scan3A_292, %mul3A_557 : i32
      %add3A_559 = arith.constant 1 : i32
      %add3A_560 = arith.addi %mul3A_558, %add3A_559 : i32
      %mul3A_561 = arith.constant 26 : i32
      %mul3A_562 = arith.muli %add3A_560, %mul3A_561 : i32
      %mul3A_563 = arith.constant 26 : i32
      %mul3A_564 = arith.muli %add3A_560, %mul3A_563 : i32
      %add3A_565 = arith.constant 9984 : i32
      %add3A_566 = arith.addi %add3A_565, %mul3A_564 : i32
      %add3A_567 = arith.constant 0 : i32
      %add3A_568 = arith.addi %mul3A_562, %add3A_567 : i32
      %get3A_569 = arith.index_cast %add3A_568 : i32 to index
      %get3A_570 = arith.constant 0 : index
      %get3A_571 = tpu.vector_load %arg8[%get3A_569, %get3A_570] {strides = array<i32>} : memref<1664x16xf32, #tpu.memory_space<vmem>>, vector<1x16xf32>,
      %get3A_572 = vector.shape_cast %get3A_571 : vector<1x16xf32> to vector<16xf32>
      %mul3A_573 = arith.mulf %get3A_572, %get3A_572 : vector<16xf32>
      %add3A_574 = arith.constant 1 : i32
      %add3A_575 = arith.addi %mul3A_562, %add3A_574 : i32
      %get3A_576 = arith.index_cast %add3A_575 : i32 to index
      %get3A_577 = arith.constant 0 : index
      %get3A_578 = tpu.vector_load %arg8[%get3A_576, %get3A_577] {strides = array<i32>} : memref<1664x16xf32, #tpu.memory_space<vmem>>, vector<1x16xf32>,
      %get3A_579 = vector.shape_cast %get3A_578 : vector<1x16xf32> to vector<16xf32>
      %mul3A_580 = arith.mulf %get3A_579, %get3A_579 : vector<16xf32>
      %add3A_581 = arith.constant 2 : i32
      %add3A_582 = arith.addi %mul3A_562, %add3A_581 : i32
      %get3A_583 = arith.index_cast %add3A_582 : i32 to index
      %get3A_584 = arith.constant 0 : index
      %get3A_585 = tpu.vector_load %arg8[%get3A_583, %get3A_584] {strides = array<i32>} : memref<1664x16xf32, #tpu.memory_space<vmem>>, vector<1x16xf32>,
      %get3A_586 = vector.shape_cast %get3A_585 : vector<1x16xf32> to vector<16xf32>
      %mul3A_587 = arith.mulf %get3A_586, %get3A_586 : vector<16xf32>
      %add3A_588 = arith.constant 3 : i32
      %add3A_589 = arith.addi %mul3A_562, %add3A_588 : i32
      %get3A_590 = arith.index_cast %add3A_589 : i32 to index
      %get3A_591 = arith.constant 0 : index
      %get3A_592 = tpu.vector_load %arg8[%get3A_590, %get3A_591] {strides = array<i32>} : memref<1664x16xf32, #tpu.memory_space<vmem>>, vector<1x16xf32>,
      %get3A_593 = vector.shape_cast %get3A_592 : vector<1x16xf32> to vector<16xf32>
      %mul3A_594 = arith.mulf %get3A_593, %get3A_593 : vector<16xf32>
      %add3A_595 = arith.constant 4 : i32
      %add3A_596 = arith.addi %mul3A_562, %add3A_595 : i32
      %get3A_597 = arith.index_cast %add3A_596 : i32 to index
      %get3A_598 = arith.constant 0 : index
      %get3A_599 = tpu.vector_load %arg8[%get3A_597, %get3A_598] {strides = array<i32>} : memref<1664x16xf32, #tpu.memory_space<vmem>>, vector<1x16xf32>,
      %get3A_600 = vector.shape_cast %get3A_599 : vector<1x16xf32> to vector<16xf32>
      %add3A_601 = arith.addf %get3A_572, %get3A_600 : vector<16xf32>
      %mul3A_602 = arith.mulf %get3A_600, %get3A_600 : vector<16xf32>
      %add3A_603 = arith.addf %mul3A_573, %mul3A_602 : vector<16xf32>
      %add3A_604 = arith.constant 5 : i32
      %add3A_605 = arith.addi %mul3A_562, %add3A_604 : i32
      %get3A_606 = arith.index_cast %add3A_605 : i32 to index
      %get3A_607 = arith.constant 0 : index
      %get3A_608 = tpu.vector_load %arg8[%get3A_606, %get3A_607] {strides = array<i32>} : memref<1664x16xf32, #tpu.memory_space<vmem>>, vector<1x16xf32>,
      %get3A_609 = vector.shape_cast %get3A_608 : vector<1x16xf32> to vector<16xf32>
      %add3A_610 = arith.addf %get3A_579, %get3A_609 : vector<16xf32>
      %mul3A_611 = arith.mulf %get3A_609, %get3A_609 : vector<16xf32>
      %add3A_612 = arith.addf %mul3A_580, %mul3A_611 : vector<16xf32>
      %add3A_613 = arith.constant 6 : i32
      %add3A_614 = arith.addi %mul3A_562, %add3A_613 : i32
      %get3A_615 = arith.index_cast %add3A_614 : i32 to index
      %get3A_616 = arith.constant 0 : index
      %get3A_617 = tpu.vector_load %arg8[%get3A_615, %get3A_616] {strides = array<i32>} : memref<1664x16xf32, #tpu.memory_space<vmem>>, vector<1x16xf32>,
      %get3A_618 = vector.shape_cast %get3A_617 : vector<1x16xf32> to vector<16xf32>
      %add3A_619 = arith.addf %get3A_586, %get3A_618 : vector<16xf32>
      %mul3A_620 = arith.mulf %get3A_618, %get3A_618 : vector<16xf32>
      %add3A_621 = arith.addf %mul3A_587, %mul3A_620 : vector<16xf32>
      %add3A_622 = arith.constant 7 : i32
      %add3A_623 = arith.addi %mul3A_562, %add3A_622 : i32
      %get3A_624 = arith.index_cast %add3A_623 : i32 to index
      %get3A_625 = arith.constant 0 : index
      %get3A_626 = tpu.vector_load %arg8[%get3A_624, %get3A_625] {strides = array<i32>} : memref<1664x16xf32, #tpu.memory_space<vmem>>, vector<1x16xf32>,
      %get3A_627 = vector.shape_cast %get3A_626 : vector<1x16xf32> to vector<16xf32>
      %add3A_628 = arith.addf %get3A_593, %get3A_627 : vector<16xf32>
      %mul3A_629 = arith.mulf %get3A_627, %get3A_627 : vector<16xf32>
      %add3A_630 = arith.addf %mul3A_594, %mul3A_629 : vector<16xf32>
      %add3A_631 = arith.constant 8 : i32
      %add3A_632 = arith.addi %mul3A_562, %add3A_631 : i32
      %get3A_633 = arith.index_cast %add3A_632 : i32 to index
      %get3A_634 = arith.constant 0 : index
      %get3A_635 = tpu.vector_load %arg8[%get3A_633, %get3A_634] {strides = array<i32>} : memref<1664x16xf32, #tpu.memory_space<vmem>>, vector<1x16xf32>,
      %get3A_636 = vector.shape_cast %get3A_635 : vector<1x16xf32> to vector<16xf32>
      %add3A_637 = arith.addf %add3A_601, %get3A_636 : vector<16xf32>
      %mul3A_638 = arith.mulf %get3A_636, %get3A_636 : vector<16xf32>
      %add3A_639 = arith.addf %add3A_603, %mul3A_638 : vector<16xf32>
      %add3A_640 = arith.constant 9 : i32
      %add3A_641 = arith.addi %mul3A_562, %add3A_640 : i32
      %get3A_642 = arith.index_cast %add3A_641 : i32 to index
      %get3A_643 = arith.constant 0 : index
      %get3A_644 = tpu.vector_load %arg8[%get3A_642, %get3A_643] {strides = array<i32>} : memref<1664x16xf32, #tpu.memory_space<vmem>>, vector<1x16xf32>,
      %get3A_645 = vector.shape_cast %get3A_644 : vector<1x16xf32> to vector<16xf32>
      %add3A_646 = arith.addf %add3A_610, %get3A_645 : vector<16xf32>
      %mul3A_647 = arith.mulf %get3A_645, %get3A_645 : vector<16xf32>
      %add3A_648 = arith.addf %add3A_612, %mul3A_647 : vector<16xf32>
      %add3A_649 = arith.constant 10 : i32
      %add3A_650 = arith.addi %mul3A_562, %add3A_649 : i32
      %get3A_651 = arith.index_cast %add3A_650 : i32 to index
      %get3A_652 = arith.constant 0 : index
      %get3A_653 = tpu.vector_load %arg8[%get3A_651, %get3A_652] {strides = array<i32>} : memref<1664x16xf32, #tpu.memory_space<vmem>>, vector<1x16xf32>,
      %get3A_654 = vector.shape_cast %get3A_653 : vector<1x16xf32> to vector<16xf32>
      %add3A_655 = arith.addf %add3A_619, %get3A_654 : vector<16xf32>
      %mul3A_656 = arith.mulf %get3A_654, %get3A_654 : vector<16xf32>
      %add3A_657 = arith.addf %add3A_621, %mul3A_656 : vector<16xf32>
      %add3A_658 = arith.constant 11 : i32
      %add3A_659 = arith.addi %mul3A_562, %add3A_658 : i32
      %get3A_660 = arith.index_cast %add3A_659 : i32 to index
      %get3A_661 = arith.constant 0 : index
      %get3A_662 = tpu.vector_load %arg8[%get3A_660, %get3A_661] {strides = array<i32>} : memref<1664x16xf32, #tpu.memory_space<vmem>>, vector<1x16xf32>,
      %get3A_663 = vector.shape_cast %get3A_662 : vector<1x16xf32> to vector<16xf32>
      %add3A_664 = arith.addf %add3A_628, %get3A_663 : vector<16xf32>
      %mul3A_665 = arith.mulf %get3A_663, %get3A_663 : vector<16xf32>
      %add3A_666 = arith.addf %add3A_630, %mul3A_665 : vector<16xf32>
      %add3A_667 = arith.constant 12 : i32
      %add3A_668 = arith.addi %mul3A_562, %add3A_667 : i32
      %get3A_669 = arith.index_cast %add3A_668 : i32 to index
      %get3A_670 = arith.constant 0 : index
      %get3A_671 = tpu.vector_load %arg8[%get3A_669, %get3A_670] {strides = array<i32>} : memref<1664x16xf32, #tpu.memory_space<vmem>>, vector<1x16xf32>,
      %get3A_672 = vector.shape_cast %get3A_671 : vector<1x16xf32> to vector<16xf32>
      %add3A_673 = arith.addf %add3A_637, %get3A_672 : vector<16xf32>
      %mul3A_674 = arith.mulf %get3A_672, %get3A_672 : vector<16xf32>
      %add3A_675 = arith.addf %add3A_639, %mul3A_674 : vector<16xf32>
      %add3A_676 = arith.constant 13 : i32
      %add3A_677 = arith.addi %mul3A_562, %add3A_676 : i32
      %get3A_678 = arith.index_cast %add3A_677 : i32 to index
      %get3A_679 = arith.constant 0 : index
      %get3A_680 = tpu.vector_load %arg8[%get3A_678, %get3A_679] {strides = array<i32>} : memref<1664x16xf32, #tpu.memory_space<vmem>>, vector<1x16xf32>,
      %get3A_681 = vector.shape_cast %get3A_680 : vector<1x16xf32> to vector<16xf32>
      %add3A_682 = arith.addf %add3A_646, %get3A_681 : vector<16xf32>
      %mul3A_683 = arith.mulf %get3A_681, %get3A_681 : vector<16xf32>
      %add3A_684 = arith.addf %add3A_648, %mul3A_683 : vector<16xf32>
      %add3A_685 = arith.constant 14 : i32
      %add3A_686 = arith.addi %mul3A_562, %add3A_685 : i32
      %get3A_687 = arith.index_cast %add3A_686 : i32 to index
      %get3A_688 = arith.constant 0 : index
      %get3A_689 = tpu.vector_load %arg8[%get3A_687, %get3A_688] {strides = array<i32>} : memref<1664x16xf32, #tpu.memory_space<vmem>>, vector<1x16xf32>,
      %get3A_690 = vector.shape_cast %get3A_689 : vector<1x16xf32> to vector<16xf32>
      %add3A_691 = arith.addf %add3A_655, %get3A_690 : vector<16xf32>
      %mul3A_692 = arith.mulf %get3A_690, %get3A_690 : vector<16xf32>
      %add3A_693 = arith.addf %add3A_657, %mul3A_692 : vector<16xf32>
      %add3A_694 = arith.constant 15 : i32
      %add3A_695 = arith.addi %mul3A_562, %add3A_694 : i32
      %get3A_696 = arith.index_cast %add3A_695 : i32 to index
      %get3A_697 = arith.constant 0 : index
      %get3A_698 = tpu.vector_load %arg8[%get3A_696, %get3A_697] {strides = array<i32>} : memref<1664x16xf32, #tpu.memory_space<vmem>>, vector<1x16xf32>,
      %get3A_699 = vector.shape_cast %get3A_698 : vector<1x16xf32> to vector<16xf32>
      %add3A_700 = arith.addf %add3A_664, %get3A_699 : vector<16xf32>
      %mul3A_701 = arith.mulf %get3A_699, %get3A_699 : vector<16xf32>
      %add3A_702 = arith.addf %add3A_666, %mul3A_701 : vector<16xf32>
      %add3A_703 = arith.constant 16 : i32
      %add3A_704 = arith.addi %mul3A_562, %add3A_703 : i32
      %get3A_705 = arith.index_cast %add3A_704 : i32 to index
      %get3A_706 = arith.constant 0 : index
      %get3A_707 = tpu.vector_load %arg8[%get3A_705, %get3A_706] {strides = array<i32>} : memref<1664x16xf32, #tpu.memory_space<vmem>>, vector<1x16xf32>,
      %get3A_708 = vector.shape_cast %get3A_707 : vector<1x16xf32> to vector<16xf32>
      %add3A_709 = arith.addf %add3A_673, %get3A_708 : vector<16xf32>
      %mul3A_710 = arith.mulf %get3A_708, %get3A_708 : vector<16xf32>
      %add3A_711 = arith.addf %add3A_675, %mul3A_710 : vector<16xf32>
      %add3A_712 = arith.constant 17 : i32
      %add3A_713 = arith.addi %mul3A_562, %add3A_712 : i32
      %get3A_714 = arith.index_cast %add3A_713 : i32 to index
      %get3A_715 = arith.constant 0 : index
      %get3A_716 = tpu.vector_load %arg8[%get3A_714, %get3A_715] {strides = array<i32>} : memref<1664x16xf32, #tpu.memory_space<vmem>>, vector<1x16xf32>,
      %get3A_717 = vector.shape_cast %get3A_716 : vector<1x16xf32> to vector<16xf32>
      %add3A_718 = arith.addf %add3A_682, %get3A_717 : vector<16xf32>
      %mul3A_719 = arith.mulf %get3A_717, %get3A_717 : vector<16xf32>
      %add3A_720 = arith.addf %add3A_684, %mul3A_719 : vector<16xf32>
      %add3A_721 = arith.constant 18 : i32
      %add3A_722 = arith.addi %mul3A_562, %add3A_721 : i32
      %get3A_723 = arith.index_cast %add3A_722 : i32 to index
      %get3A_724 = arith.constant 0 : index
      %get3A_725 = tpu.vector_load %arg8[%get3A_723, %get3A_724] {strides = array<i32>} : memref<1664x16xf32, #tpu.memory_space<vmem>>, vector<1x16xf32>,
      %get3A_726 = vector.shape_cast %get3A_725 : vector<1x16xf32> to vector<16xf32>
      %add3A_727 = arith.addf %add3A_691, %get3A_726 : vector<16xf32>
      %mul3A_728 = arith.mulf %get3A_726, %get3A_726 : vector<16xf32>
      %add3A_729 = arith.addf %add3A_693, %mul3A_728 : vector<16xf32>
      %add3A_730 = arith.constant 19 : i32
      %add3A_731 = arith.addi %mul3A_562, %add3A_730 : i32
      %get3A_732 = arith.index_cast %add3A_731 : i32 to index
      %get3A_733 = arith.constant 0 : index
      %get3A_734 = tpu.vector_load %arg8[%get3A_732, %get3A_733] {strides = array<i32>} : memref<1664x16xf32, #tpu.memory_space<vmem>>, vector<1x16xf32>,
      %get3A_735 = vector.shape_cast %get3A_734 : vector<1x16xf32> to vector<16xf32>
      %add3A_736 = arith.addf %add3A_700, %get3A_735 : vector<16xf32>
      %mul3A_737 = arith.mulf %get3A_735, %get3A_735 : vector<16xf32>
      %add3A_738 = arith.addf %add3A_702, %mul3A_737 : vector<16xf32>
      %add3A_739 = arith.constant 20 : i32
      %add3A_740 = arith.addi %mul3A_562, %add3A_739 : i32
      %get3A_741 = arith.index_cast %add3A_740 : i32 to index
      %get3A_742 = arith.constant 0 : index
      %get3A_743 = tpu.vector_load %arg8[%get3A_741, %get3A_742] {strides = array<i32>} : memref<1664x16xf32, #tpu.memory_space<vmem>>, vector<1x16xf32>,
      %get3A_744 = vector.shape_cast %get3A_743 : vector<1x16xf32> to vector<16xf32>
      %add3A_745 = arith.addf %add3A_709, %get3A_744 : vector<16xf32>
      %mul3A_746 = arith.mulf %get3A_744, %get3A_744 : vector<16xf32>
      %add3A_747 = arith.addf %add3A_711, %mul3A_746 : vector<16xf32>
      %add3A_748 = arith.constant 21 : i32
      %add3A_749 = arith.addi %mul3A_562, %add3A_748 : i32
      %get3A_750 = arith.index_cast %add3A_749 : i32 to index
      %get3A_751 = arith.constant 0 : index
      %get3A_752 = tpu.vector_load %arg8[%get3A_750, %get3A_751] {strides = array<i32>} : memref<1664x16xf32, #tpu.memory_space<vmem>>, vector<1x16xf32>,
      %get3A_753 = vector.shape_cast %get3A_752 : vector<1x16xf32> to vector<16xf32>
      %add3A_754 = arith.addf %add3A_718, %get3A_753 : vector<16xf32>
      %mul3A_755 = arith.mulf %get3A_753, %get3A_753 : vector<16xf32>
      %add3A_756 = arith.addf %add3A_720, %mul3A_755 : vector<16xf32>
      %add3A_757 = arith.constant 22 : i32
      %add3A_758 = arith.addi %mul3A_562, %add3A_757 : i32
      %get3A_759 = arith.index_cast %add3A_758 : i32 to index
      %get3A_760 = arith.constant 0 : index
      %get3A_761 = tpu.vector_load %arg8[%get3A_759, %get3A_760] {strides = array<i32>} : memref<1664x16xf32, #tpu.memory_space<vmem>>, vector<1x16xf32>,
      %get3A_762 = vector.shape_cast %get3A_761 : vector<1x16xf32> to vector<16xf32>
      %add3A_763 = arith.addf %add3A_727, %get3A_762 : vector<16xf32>
      %mul3A_764 = arith.mulf %get3A_762, %get3A_762 : vector<16xf32>
      %add3A_765 = arith.addf %add3A_729, %mul3A_764 : vector<16xf32>
      %add3A_766 = arith.constant 23 : i32
      %add3A_767 = arith.addi %mul3A_562, %add3A_766 : i32
      %get3A_768 = arith.index_cast %add3A_767 : i32 to index
      %get3A_769 = arith.constant 0 : index
      %get3A_770 = tpu.vector_load %arg8[%get3A_768, %get3A_769] {strides = array<i32>} : memref<1664x16xf32, #tpu.memory_space<vmem>>, vector<1x16xf32>,
      %get3A_771 = vector.shape_cast %get3A_770 : vector<1x16xf32> to vector<16xf32>
      %add3A_772 = arith.addf %add3A_736, %get3A_771 : vector<16xf32>
      %mul3A_773 = arith.mulf %get3A_771, %get3A_771 : vector<16xf32>
      %add3A_774 = arith.addf %add3A_738, %mul3A_773 : vector<16xf32>
      %add3A_775 = arith.constant 24 : i32
      %add3A_776 = arith.addi %mul3A_562, %add3A_775 : i32
      %get3A_777 = arith.index_cast %add3A_776 : i32 to index
      %get3A_778 = arith.constant 0 : index
      %get3A_779 = tpu.vector_load %arg8[%get3A_777, %get3A_778] {strides = array<i32>} : memref<1664x16xf32, #tpu.memory_space<vmem>>, vector<1x16xf32>,
      %get3A_780 = vector.shape_cast %get3A_779 : vector<1x16xf32> to vector<16xf32>
      %add3A_781 = arith.addf %add3A_745, %get3A_780 : vector<16xf32>
      %mul3A_782 = arith.mulf %get3A_780, %get3A_780 : vector<16xf32>
      %add3A_783 = arith.addf %add3A_747, %mul3A_782 : vector<16xf32>
      %add3A_784 = arith.constant 25 : i32
      %add3A_785 = arith.addi %mul3A_562, %add3A_784 : i32
      %get3A_786 = arith.index_cast %add3A_785 : i32 to index
      %get3A_787 = arith.constant 0 : index
      %get3A_788 = tpu.vector_load %arg8[%get3A_786, %get3A_787] {strides = array<i32>} : memref<1664x16xf32, #tpu.memory_space<vmem>>, vector<1x16xf32>,
      %get3A_789 = vector.shape_cast %get3A_788 : vector<1x16xf32> to vector<16xf32>
      %add3A_790 = arith.addf %add3A_754, %get3A_789 : vector<16xf32>
      %mul3A_791 = arith.mulf %get3A_789, %get3A_789 : vector<16xf32>
      %add3A_792 = arith.addf %add3A_756, %mul3A_791 : vector<16xf32>
      %add3A_793 = arith.addf %add3A_781, %add3A_790 : vector<16xf32>
      %add3A_794 = arith.addf %add3A_763, %add3A_772 : vector<16xf32>
      %add3A_795 = arith.addf %add3A_793, %add3A_794 : vector<16xf32>
      %add3A_796 = arith.addf %add3A_783, %add3A_792 : vector<16xf32>
      %add3A_797 = arith.addf %add3A_765, %add3A_774 : vector<16xf32>
      %add3A_798 = arith.addf %add3A_796, %add3A_797 : vector<16xf32>
      %mul3A_799 = arith.mulf %add3A_795, %add3A_795 : vector<16xf32>
      %sub3A_800 = arith.subf %mul3A_799, %add3A_798 : vector<16xf32>
      %mul3A_801 = arith.constant 5.000000e-01 : f32
      %mul3A_802 = vector.broadcast %mul3A_801 : f32 to vector<16xf32>
      %mul3A_803 = arith.mulf %sub3A_800, %mul3A_802 : vector<16xf32>
      %add3A_804 = arith.addf %mul3A_803, %get3A_4 : vector<16xf32>
      %get3A_805 = arith.index_cast %add3A_566 : i32 to index
      %get3A_806 = tpu.vector_load %arg10[%get3A_805] {strides = array<i32>} : memref<13344xf32, #tpu.memory_space<vmem>>, vector<16xf32>,
      %get3A_807 = vector.shape_cast %get3A_806 : vector<16xf32> to vector<16xf32>
      %add3A_808 = arith.constant 16 : i32
      %add3A_809 = arith.addi %add3A_566, %add3A_808 : i32
      %get3A_810 = arith.index_cast %add3A_809 : i32 to index
      %get3A_811 = tpu.vector_load %arg10[%get3A_810] {strides = array<i32>} : memref<13344xf32, #tpu.memory_space<vmem>>, vector<16xf32>,
      %get3A_812 = vector.shape_cast %get3A_811 : vector<16xf32> to vector<16xf32>
      %add3A_813 = arith.addf %add3A_804, %get3A_807 : vector<16xf32>
      %lt3A_814 = arith.constant 10 : i32
      %lt3A_815 = vector.broadcast %lt3A_814 : i32 to vector<16xi32>
      %lt3A_816 = arith.cmpi slt, %iota3A, %lt3A_815 : vector<16xi32>
      %jit3A_817 = arith.constant 0.000000e+00 : f32
      %broadcast_in_dim3A_818 = vector.broadcast %jit3A_817 : f32 to vector<16xf32>
      %select_n3A_819 = arith.select %lt3A_816, %get3A_812, %broadcast_in_dim3A_818 : vector<16xi1>, vector<16xf32>
      %add3A_820 = arith.addf %add3A_813, %select_n3A_819 : vector<16xf32>
      %add3A_821 = arith.constant 384 : i32
      %add3A_822 = arith.addi %add3A_821, %add3A_560 : i32
      %mul3A_823 = arith.constant 16 : i32
      %mul3A_824 = arith.muli %add3A_822, %mul3A_823 : i32
      %swap3A_825 = arith.index_cast %mul3A_824 : i32 to index
      %swap3A_826 = tpu.vector_load %arg11[%swap3A_825] {strides = array<i32>} : memref<8192xf32, #tpu.memory_space<vmem>>, vector<16xf32>,
      %swap3A_827 = vector.shape_cast %swap3A_826 : vector<16xf32> to vector<16xf32>
      %swap3A_828 = vector.shape_cast %add3A_820 : vector<16xf32> to vector<16xf32>
      tpu.vector_store %arg11[%swap3A_825], %swap3A_828 {strides = array<i32>} : memref<8192xf32, #tpu.memory_space<vmem>>, vector<16xf32>,
    }
    %scan3A_268 = arith.constant 32 : i32
    %dma_wait3A_269 = arith.constant 7 : i32
    %dma_wait3A_270 = arith.constant 0 : i32
    %dma_wait3A_271 = tpu.memref_slice %arg7[%dma_wait3A_269, %dma_wait3A_270] : memref<8x1664xi32, #tpu.memory_space<vmem>> -> memref<1x1664xi32, #tpu.memory_space<vmem>>
    %dma_wait3A_272 = tpu.memref_squeeze %dma_wait3A_271 : memref<1x1664xi32, #tpu.memory_space<vmem>> -> memref<1664xi32, #tpu.memory_space<vmem>>
    %dma_wait3A_273 = arith.constant 0 : i32
    %dma_wait3A_274 = arith.constant 0 : i32
    %dma_wait3A_275 = tpu.memref_slice %arg3[%dma_wait3A_273, %dma_wait3A_274] : memref<200000x16xf32, #tpu.memory_space<hbm>> -> memref<200000x16xf32, #tpu.memory_space<hbm>>
    tpu.wait_indirect_dma semaphore(%arg14 : memref<!tpu.dma_semaphore, #tpu.memory_space<semaphore_mem>>) src(%dma_wait3A_275 : memref<200000x16xf32, #tpu.memory_space<hbm>>) dst(%arg9 : memref<1664x16xf32, #tpu.memory_space<vmem>>)
    %dma_wait3A_276 = arith.constant 7 : i32
    %dma_wait3A_277 = arith.constant 11648 : i32
    %dma_wait3A_278 = tpu.memref_slice %arg10[%dma_wait3A_277] : memref<13344xf32, #tpu.memory_space<vmem>> -> memref<1664xf32, #tpu.memory_space<vmem>>
    %dma_wait3A_279 = arith.constant 0 : i32
    %dma_wait3A_280 = tpu.memref_slice %arg7[%dma_wait3A_276, %dma_wait3A_279] : memref<8x1664xi32, #tpu.memory_space<vmem>> -> memref<1x1664xi32, #tpu.memory_space<vmem>>
    %dma_wait3A_281 = tpu.memref_squeeze %dma_wait3A_280 : memref<1x1664xi32, #tpu.memory_space<vmem>> -> memref<1664xi32, #tpu.memory_space<vmem>>
    %dma_wait3A_282 = arith.constant 0 : i32
    %dma_wait3A_283 = tpu.memref_slice %arg4[%dma_wait3A_282] : memref<200000xf32, #tpu.memory_space<hbm>> -> memref<200000xf32, #tpu.memory_space<hbm>>
    tpu.wait_indirect_dma semaphore(%arg14 : memref<!tpu.dma_semaphore, #tpu.memory_space<semaphore_mem>>) src(%dma_wait3A_283 : memref<200000xf32, #tpu.memory_space<hbm>>) dst(%dma_wait3A_278 : memref<1664xf32, #tpu.memory_space<vmem>>)
    %scan3A_284 = arith.constant 0 : i32
    %scan3A_285 = arith.constant 0 : i32
    %scan3A_286 = arith.constant 32 : i32
    %scan3A_287 = arith.addi %scan3A_285, %scan3A_286 : i32
    %scan3A_288 = arith.constant 1 : i32
    scf.for %scan3A_292 = %scan3A_285 to %scan3A_287 step %scan3A_288  : i32 {
      %mul3A_293 = arith.constant 2 : i32
      %mul3A_294 = arith.muli %scan3A_292, %mul3A_293 : i32
      %mul3A_295 = arith.constant 26 : i32
      %mul3A_296 = arith.muli %mul3A_294, %mul3A_295 : i32
      %mul3A_297 = arith.constant 26 : i32
      %mul3A_298 = arith.muli %mul3A_294, %mul3A_297 : i32
      %add3A_299 = arith.constant 11648 : i32
      %add3A_300 = arith.addi %add3A_299, %mul3A_298 : i32
      %add3A_301 = arith.constant 0 : i32
      %add3A_302 = arith.addi %mul3A_296, %add3A_301 : i32
      %get3A_303 = arith.index_cast %add3A_302 : i32 to index
      %get3A_304 = arith.constant 0 : index
      %get3A_305 = tpu.vector_load %arg9[%get3A_303, %get3A_304] {strides = array<i32>} : memref<1664x16xf32, #tpu.memory_space<vmem>>, vector<1x16xf32>,
      %get3A_306 = vector.shape_cast %get3A_305 : vector<1x16xf32> to vector<16xf32>
      %mul3A_307 = arith.mulf %get3A_306, %get3A_306 : vector<16xf32>
      %add3A_308 = arith.constant 1 : i32
      %add3A_309 = arith.addi %mul3A_296, %add3A_308 : i32
      %get3A_310 = arith.index_cast %add3A_309 : i32 to index
      %get3A_311 = arith.constant 0 : index
      %get3A_312 = tpu.vector_load %arg9[%get3A_310, %get3A_311] {strides = array<i32>} : memref<1664x16xf32, #tpu.memory_space<vmem>>, vector<1x16xf32>,
      %get3A_313 = vector.shape_cast %get3A_312 : vector<1x16xf32> to vector<16xf32>
      %mul3A_314 = arith.mulf %get3A_313, %get3A_313 : vector<16xf32>
      %add3A_315 = arith.constant 2 : i32
      %add3A_316 = arith.addi %mul3A_296, %add3A_315 : i32
      %get3A_317 = arith.index_cast %add3A_316 : i32 to index
      %get3A_318 = arith.constant 0 : index
      %get3A_319 = tpu.vector_load %arg9[%get3A_317, %get3A_318] {strides = array<i32>} : memref<1664x16xf32, #tpu.memory_space<vmem>>, vector<1x16xf32>,
      %get3A_320 = vector.shape_cast %get3A_319 : vector<1x16xf32> to vector<16xf32>
      %mul3A_321 = arith.mulf %get3A_320, %get3A_320 : vector<16xf32>
      %add3A_322 = arith.constant 3 : i32
      %add3A_323 = arith.addi %mul3A_296, %add3A_322 : i32
      %get3A_324 = arith.index_cast %add3A_323 : i32 to index
      %get3A_325 = arith.constant 0 : index
      %get3A_326 = tpu.vector_load %arg9[%get3A_324, %get3A_325] {strides = array<i32>} : memref<1664x16xf32, #tpu.memory_space<vmem>>, vector<1x16xf32>,
      %get3A_327 = vector.shape_cast %get3A_326 : vector<1x16xf32> to vector<16xf32>
      %mul3A_328 = arith.mulf %get3A_327, %get3A_327 : vector<16xf32>
      %add3A_329 = arith.constant 4 : i32
      %add3A_330 = arith.addi %mul3A_296, %add3A_329 : i32
      %get3A_331 = arith.index_cast %add3A_330 : i32 to index
      %get3A_332 = arith.constant 0 : index
      %get3A_333 = tpu.vector_load %arg9[%get3A_331, %get3A_332] {strides = array<i32>} : memref<1664x16xf32, #tpu.memory_space<vmem>>, vector<1x16xf32>,
      %get3A_334 = vector.shape_cast %get3A_333 : vector<1x16xf32> to vector<16xf32>
      %add3A_335 = arith.addf %get3A_306, %get3A_334 : vector<16xf32>
      %mul3A_336 = arith.mulf %get3A_334, %get3A_334 : vector<16xf32>
      %add3A_337 = arith.addf %mul3A_307, %mul3A_336 : vector<16xf32>
      %add3A_338 = arith.constant 5 : i32
      %add3A_339 = arith.addi %mul3A_296, %add3A_338 : i32
      %get3A_340 = arith.index_cast %add3A_339 : i32 to index
      %get3A_341 = arith.constant 0 : index
      %get3A_342 = tpu.vector_load %arg9[%get3A_340, %get3A_341] {strides = array<i32>} : memref<1664x16xf32, #tpu.memory_space<vmem>>, vector<1x16xf32>,
      %get3A_343 = vector.shape_cast %get3A_342 : vector<1x16xf32> to vector<16xf32>
      %add3A_344 = arith.addf %get3A_313, %get3A_343 : vector<16xf32>
      %mul3A_345 = arith.mulf %get3A_343, %get3A_343 : vector<16xf32>
      %add3A_346 = arith.addf %mul3A_314, %mul3A_345 : vector<16xf32>
      %add3A_347 = arith.constant 6 : i32
      %add3A_348 = arith.addi %mul3A_296, %add3A_347 : i32
      %get3A_349 = arith.index_cast %add3A_348 : i32 to index
      %get3A_350 = arith.constant 0 : index
      %get3A_351 = tpu.vector_load %arg9[%get3A_349, %get3A_350] {strides = array<i32>} : memref<1664x16xf32, #tpu.memory_space<vmem>>, vector<1x16xf32>,
      %get3A_352 = vector.shape_cast %get3A_351 : vector<1x16xf32> to vector<16xf32>
      %add3A_353 = arith.addf %get3A_320, %get3A_352 : vector<16xf32>
      %mul3A_354 = arith.mulf %get3A_352, %get3A_352 : vector<16xf32>
      %add3A_355 = arith.addf %mul3A_321, %mul3A_354 : vector<16xf32>
      %add3A_356 = arith.constant 7 : i32
      %add3A_357 = arith.addi %mul3A_296, %add3A_356 : i32
      %get3A_358 = arith.index_cast %add3A_357 : i32 to index
      %get3A_359 = arith.constant 0 : index
      %get3A_360 = tpu.vector_load %arg9[%get3A_358, %get3A_359] {strides = array<i32>} : memref<1664x16xf32, #tpu.memory_space<vmem>>, vector<1x16xf32>,
      %get3A_361 = vector.shape_cast %get3A_360 : vector<1x16xf32> to vector<16xf32>
      %add3A_362 = arith.addf %get3A_327, %get3A_361 : vector<16xf32>
      %mul3A_363 = arith.mulf %get3A_361, %get3A_361 : vector<16xf32>
      %add3A_364 = arith.addf %mul3A_328, %mul3A_363 : vector<16xf32>
      %add3A_365 = arith.constant 8 : i32
      %add3A_366 = arith.addi %mul3A_296, %add3A_365 : i32
      %get3A_367 = arith.index_cast %add3A_366 : i32 to index
      %get3A_368 = arith.constant 0 : index
      %get3A_369 = tpu.vector_load %arg9[%get3A_367, %get3A_368] {strides = array<i32>} : memref<1664x16xf32, #tpu.memory_space<vmem>>, vector<1x16xf32>,
      %get3A_370 = vector.shape_cast %get3A_369 : vector<1x16xf32> to vector<16xf32>
      %add3A_371 = arith.addf %add3A_335, %get3A_370 : vector<16xf32>
      %mul3A_372 = arith.mulf %get3A_370, %get3A_370 : vector<16xf32>
      %add3A_373 = arith.addf %add3A_337, %mul3A_372 : vector<16xf32>
      %add3A_374 = arith.constant 9 : i32
      %add3A_375 = arith.addi %mul3A_296, %add3A_374 : i32
      %get3A_376 = arith.index_cast %add3A_375 : i32 to index
      %get3A_377 = arith.constant 0 : index
      %get3A_378 = tpu.vector_load %arg9[%get3A_376, %get3A_377] {strides = array<i32>} : memref<1664x16xf32, #tpu.memory_space<vmem>>, vector<1x16xf32>,
      %get3A_379 = vector.shape_cast %get3A_378 : vector<1x16xf32> to vector<16xf32>
      %add3A_380 = arith.addf %add3A_344, %get3A_379 : vector<16xf32>
      %mul3A_381 = arith.mulf %get3A_379, %get3A_379 : vector<16xf32>
      %add3A_382 = arith.addf %add3A_346, %mul3A_381 : vector<16xf32>
      %add3A_383 = arith.constant 10 : i32
      %add3A_384 = arith.addi %mul3A_296, %add3A_383 : i32
      %get3A_385 = arith.index_cast %add3A_384 : i32 to index
      %get3A_386 = arith.constant 0 : index
      %get3A_387 = tpu.vector_load %arg9[%get3A_385, %get3A_386] {strides = array<i32>} : memref<1664x16xf32, #tpu.memory_space<vmem>>, vector<1x16xf32>,
      %get3A_388 = vector.shape_cast %get3A_387 : vector<1x16xf32> to vector<16xf32>
      %add3A_389 = arith.addf %add3A_353, %get3A_388 : vector<16xf32>
      %mul3A_390 = arith.mulf %get3A_388, %get3A_388 : vector<16xf32>
      %add3A_391 = arith.addf %add3A_355, %mul3A_390 : vector<16xf32>
      %add3A_392 = arith.constant 11 : i32
      %add3A_393 = arith.addi %mul3A_296, %add3A_392 : i32
      %get3A_394 = arith.index_cast %add3A_393 : i32 to index
      %get3A_395 = arith.constant 0 : index
      %get3A_396 = tpu.vector_load %arg9[%get3A_394, %get3A_395] {strides = array<i32>} : memref<1664x16xf32, #tpu.memory_space<vmem>>, vector<1x16xf32>,
      %get3A_397 = vector.shape_cast %get3A_396 : vector<1x16xf32> to vector<16xf32>
      %add3A_398 = arith.addf %add3A_362, %get3A_397 : vector<16xf32>
      %mul3A_399 = arith.mulf %get3A_397, %get3A_397 : vector<16xf32>
      %add3A_400 = arith.addf %add3A_364, %mul3A_399 : vector<16xf32>
      %add3A_401 = arith.constant 12 : i32
      %add3A_402 = arith.addi %mul3A_296, %add3A_401 : i32
      %get3A_403 = arith.index_cast %add3A_402 : i32 to index
      %get3A_404 = arith.constant 0 : index
      %get3A_405 = tpu.vector_load %arg9[%get3A_403, %get3A_404] {strides = array<i32>} : memref<1664x16xf32, #tpu.memory_space<vmem>>, vector<1x16xf32>,
      %get3A_406 = vector.shape_cast %get3A_405 : vector<1x16xf32> to vector<16xf32>
      %add3A_407 = arith.addf %add3A_371, %get3A_406 : vector<16xf32>
      %mul3A_408 = arith.mulf %get3A_406, %get3A_406 : vector<16xf32>
      %add3A_409 = arith.addf %add3A_373, %mul3A_408 : vector<16xf32>
      %add3A_410 = arith.constant 13 : i32
      %add3A_411 = arith.addi %mul3A_296, %add3A_410 : i32
      %get3A_412 = arith.index_cast %add3A_411 : i32 to index
      %get3A_413 = arith.constant 0 : index
      %get3A_414 = tpu.vector_load %arg9[%get3A_412, %get3A_413] {strides = array<i32>} : memref<1664x16xf32, #tpu.memory_space<vmem>>, vector<1x16xf32>,
      %get3A_415 = vector.shape_cast %get3A_414 : vector<1x16xf32> to vector<16xf32>
      %add3A_416 = arith.addf %add3A_380, %get3A_415 : vector<16xf32>
      %mul3A_417 = arith.mulf %get3A_415, %get3A_415 : vector<16xf32>
      %add3A_418 = arith.addf %add3A_382, %mul3A_417 : vector<16xf32>
      %add3A_419 = arith.constant 14 : i32
      %add3A_420 = arith.addi %mul3A_296, %add3A_419 : i32
      %get3A_421 = arith.index_cast %add3A_420 : i32 to index
      %get3A_422 = arith.constant 0 : index
      %get3A_423 = tpu.vector_load %arg9[%get3A_421, %get3A_422] {strides = array<i32>} : memref<1664x16xf32, #tpu.memory_space<vmem>>, vector<1x16xf32>,
      %get3A_424 = vector.shape_cast %get3A_423 : vector<1x16xf32> to vector<16xf32>
      %add3A_425 = arith.addf %add3A_389, %get3A_424 : vector<16xf32>
      %mul3A_426 = arith.mulf %get3A_424, %get3A_424 : vector<16xf32>
      %add3A_427 = arith.addf %add3A_391, %mul3A_426 : vector<16xf32>
      %add3A_428 = arith.constant 15 : i32
      %add3A_429 = arith.addi %mul3A_296, %add3A_428 : i32
      %get3A_430 = arith.index_cast %add3A_429 : i32 to index
      %get3A_431 = arith.constant 0 : index
      %get3A_432 = tpu.vector_load %arg9[%get3A_430, %get3A_431] {strides = array<i32>} : memref<1664x16xf32, #tpu.memory_space<vmem>>, vector<1x16xf32>,
      %get3A_433 = vector.shape_cast %get3A_432 : vector<1x16xf32> to vector<16xf32>
      %add3A_434 = arith.addf %add3A_398, %get3A_433 : vector<16xf32>
      %mul3A_435 = arith.mulf %get3A_433, %get3A_433 : vector<16xf32>
      %add3A_436 = arith.addf %add3A_400, %mul3A_435 : vector<16xf32>
      %add3A_437 = arith.constant 16 : i32
      %add3A_438 = arith.addi %mul3A_296, %add3A_437 : i32
      %get3A_439 = arith.index_cast %add3A_438 : i32 to index
      %get3A_440 = arith.constant 0 : index
      %get3A_441 = tpu.vector_load %arg9[%get3A_439, %get3A_440] {strides = array<i32>} : memref<1664x16xf32, #tpu.memory_space<vmem>>, vector<1x16xf32>,
      %get3A_442 = vector.shape_cast %get3A_441 : vector<1x16xf32> to vector<16xf32>
      %add3A_443 = arith.addf %add3A_407, %get3A_442 : vector<16xf32>
      %mul3A_444 = arith.mulf %get3A_442, %get3A_442 : vector<16xf32>
      %add3A_445 = arith.addf %add3A_409, %mul3A_444 : vector<16xf32>
      %add3A_446 = arith.constant 17 : i32
      %add3A_447 = arith.addi %mul3A_296, %add3A_446 : i32
      %get3A_448 = arith.index_cast %add3A_447 : i32 to index
      %get3A_449 = arith.constant 0 : index
      %get3A_450 = tpu.vector_load %arg9[%get3A_448, %get3A_449] {strides = array<i32>} : memref<1664x16xf32, #tpu.memory_space<vmem>>, vector<1x16xf32>,
      %get3A_451 = vector.shape_cast %get3A_450 : vector<1x16xf32> to vector<16xf32>
      %add3A_452 = arith.addf %add3A_416, %get3A_451 : vector<16xf32>
      %mul3A_453 = arith.mulf %get3A_451, %get3A_451 : vector<16xf32>
      %add3A_454 = arith.addf %add3A_418, %mul3A_453 : vector<16xf32>
      %add3A_455 = arith.constant 18 : i32
      %add3A_456 = arith.addi %mul3A_296, %add3A_455 : i32
      %get3A_457 = arith.index_cast %add3A_456 : i32 to index
      %get3A_458 = arith.constant 0 : index
      %get3A_459 = tpu.vector_load %arg9[%get3A_457, %get3A_458] {strides = array<i32>} : memref<1664x16xf32, #tpu.memory_space<vmem>>, vector<1x16xf32>,
      %get3A_460 = vector.shape_cast %get3A_459 : vector<1x16xf32> to vector<16xf32>
      %add3A_461 = arith.addf %add3A_425, %get3A_460 : vector<16xf32>
      %mul3A_462 = arith.mulf %get3A_460, %get3A_460 : vector<16xf32>
      %add3A_463 = arith.addf %add3A_427, %mul3A_462 : vector<16xf32>
      %add3A_464 = arith.constant 19 : i32
      %add3A_465 = arith.addi %mul3A_296, %add3A_464 : i32
      %get3A_466 = arith.index_cast %add3A_465 : i32 to index
      %get3A_467 = arith.constant 0 : index
      %get3A_468 = tpu.vector_load %arg9[%get3A_466, %get3A_467] {strides = array<i32>} : memref<1664x16xf32, #tpu.memory_space<vmem>>, vector<1x16xf32>,
      %get3A_469 = vector.shape_cast %get3A_468 : vector<1x16xf32> to vector<16xf32>
      %add3A_470 = arith.addf %add3A_434, %get3A_469 : vector<16xf32>
      %mul3A_471 = arith.mulf %get3A_469, %get3A_469 : vector<16xf32>
      %add3A_472 = arith.addf %add3A_436, %mul3A_471 : vector<16xf32>
      %add3A_473 = arith.constant 20 : i32
      %add3A_474 = arith.addi %mul3A_296, %add3A_473 : i32
      %get3A_475 = arith.index_cast %add3A_474 : i32 to index
      %get3A_476 = arith.constant 0 : index
      %get3A_477 = tpu.vector_load %arg9[%get3A_475, %get3A_476] {strides = array<i32>} : memref<1664x16xf32, #tpu.memory_space<vmem>>, vector<1x16xf32>,
      %get3A_478 = vector.shape_cast %get3A_477 : vector<1x16xf32> to vector<16xf32>
      %add3A_479 = arith.addf %add3A_443, %get3A_478 : vector<16xf32>
      %mul3A_480 = arith.mulf %get3A_478, %get3A_478 : vector<16xf32>
      %add3A_481 = arith.addf %add3A_445, %mul3A_480 : vector<16xf32>
      %add3A_482 = arith.constant 21 : i32
      %add3A_483 = arith.addi %mul3A_296, %add3A_482 : i32
      %get3A_484 = arith.index_cast %add3A_483 : i32 to index
      %get3A_485 = arith.constant 0 : index
      %get3A_486 = tpu.vector_load %arg9[%get3A_484, %get3A_485] {strides = array<i32>} : memref<1664x16xf32, #tpu.memory_space<vmem>>, vector<1x16xf32>,
      %get3A_487 = vector.shape_cast %get3A_486 : vector<1x16xf32> to vector<16xf32>
      %add3A_488 = arith.addf %add3A_452, %get3A_487 : vector<16xf32>
      %mul3A_489 = arith.mulf %get3A_487, %get3A_487 : vector<16xf32>
      %add3A_490 = arith.addf %add3A_454, %mul3A_489 : vector<16xf32>
      %add3A_491 = arith.constant 22 : i32
      %add3A_492 = arith.addi %mul3A_296, %add3A_491 : i32
      %get3A_493 = arith.index_cast %add3A_492 : i32 to index
      %get3A_494 = arith.constant 0 : index
      %get3A_495 = tpu.vector_load %arg9[%get3A_493, %get3A_494] {strides = array<i32>} : memref<1664x16xf32, #tpu.memory_space<vmem>>, vector<1x16xf32>,
      %get3A_496 = vector.shape_cast %get3A_495 : vector<1x16xf32> to vector<16xf32>
      %add3A_497 = arith.addf %add3A_461, %get3A_496 : vector<16xf32>
      %mul3A_498 = arith.mulf %get3A_496, %get3A_496 : vector<16xf32>
      %add3A_499 = arith.addf %add3A_463, %mul3A_498 : vector<16xf32>
      %add3A_500 = arith.constant 23 : i32
      %add3A_501 = arith.addi %mul3A_296, %add3A_500 : i32
      %get3A_502 = arith.index_cast %add3A_501 : i32 to index
      %get3A_503 = arith.constant 0 : index
      %get3A_504 = tpu.vector_load %arg9[%get3A_502, %get3A_503] {strides = array<i32>} : memref<1664x16xf32, #tpu.memory_space<vmem>>, vector<1x16xf32>,
      %get3A_505 = vector.shape_cast %get3A_504 : vector<1x16xf32> to vector<16xf32>
      %add3A_506 = arith.addf %add3A_470, %get3A_505 : vector<16xf32>
      %mul3A_507 = arith.mulf %get3A_505, %get3A_505 : vector<16xf32>
      %add3A_508 = arith.addf %add3A_472, %mul3A_507 : vector<16xf32>
      %add3A_509 = arith.constant 24 : i32
      %add3A_510 = arith.addi %mul3A_296, %add3A_509 : i32
      %get3A_511 = arith.index_cast %add3A_510 : i32 to index
      %get3A_512 = arith.constant 0 : index
      %get3A_513 = tpu.vector_load %arg9[%get3A_511, %get3A_512] {strides = array<i32>} : memref<1664x16xf32, #tpu.memory_space<vmem>>, vector<1x16xf32>,
      %get3A_514 = vector.shape_cast %get3A_513 : vector<1x16xf32> to vector<16xf32>
      %add3A_515 = arith.addf %add3A_479, %get3A_514 : vector<16xf32>
      %mul3A_516 = arith.mulf %get3A_514, %get3A_514 : vector<16xf32>
      %add3A_517 = arith.addf %add3A_481, %mul3A_516 : vector<16xf32>
      %add3A_518 = arith.constant 25 : i32
      %add3A_519 = arith.addi %mul3A_296, %add3A_518 : i32
      %get3A_520 = arith.index_cast %add3A_519 : i32 to index
      %get3A_521 = arith.constant 0 : index
      %get3A_522 = tpu.vector_load %arg9[%get3A_520, %get3A_521] {strides = array<i32>} : memref<1664x16xf32, #tpu.memory_space<vmem>>, vector<1x16xf32>,
      %get3A_523 = vector.shape_cast %get3A_522 : vector<1x16xf32> to vector<16xf32>
      %add3A_524 = arith.addf %add3A_488, %get3A_523 : vector<16xf32>
      %mul3A_525 = arith.mulf %get3A_523, %get3A_523 : vector<16xf32>
      %add3A_526 = arith.addf %add3A_490, %mul3A_525 : vector<16xf32>
      %add3A_527 = arith.addf %add3A_515, %add3A_524 : vector<16xf32>
      %add3A_528 = arith.addf %add3A_497, %add3A_506 : vector<16xf32>
      %add3A_529 = arith.addf %add3A_527, %add3A_528 : vector<16xf32>
      %add3A_530 = arith.addf %add3A_517, %add3A_526 : vector<16xf32>
      %add3A_531 = arith.addf %add3A_499, %add3A_508 : vector<16xf32>
      %add3A_532 = arith.addf %add3A_530, %add3A_531 : vector<16xf32>
      %mul3A_533 = arith.mulf %add3A_529, %add3A_529 : vector<16xf32>
      %sub3A = arith.subf %mul3A_533, %add3A_532 : vector<16xf32>
      %mul3A_534 = arith.constant 5.000000e-01 : f32
      %mul3A_535 = vector.broadcast %mul3A_534 : f32 to vector<16xf32>
      %mul3A_536 = arith.mulf %sub3A, %mul3A_535 : vector<16xf32>
      %add3A_537 = arith.addf %mul3A_536, %get3A_4 : vector<16xf32>
      %get3A_538 = arith.index_cast %add3A_300 : i32 to index
      %get3A_539 = tpu.vector_load %arg10[%get3A_538] {strides = array<i32>} : memref<13344xf32, #tpu.memory_space<vmem>>, vector<16xf32>,
      %get3A_540 = vector.shape_cast %get3A_539 : vector<16xf32> to vector<16xf32>
      %add3A_541 = arith.constant 16 : i32
      %add3A_542 = arith.addi %add3A_300, %add3A_541 : i32
      %get3A_543 = arith.index_cast %add3A_542 : i32 to index
      %get3A_544 = tpu.vector_load %arg10[%get3A_543] {strides = array<i32>} : memref<13344xf32, #tpu.memory_space<vmem>>, vector<16xf32>,
      %get3A_545 = vector.shape_cast %get3A_544 : vector<16xf32> to vector<16xf32>
      %add3A_546 = arith.addf %add3A_537, %get3A_540 : vector<16xf32>
      %lt3A = arith.constant 10 : i32
      %lt3A_547 = vector.broadcast %lt3A : i32 to vector<16xi32>
      %lt3A_548 = arith.cmpi slt, %iota3A, %lt3A_547 : vector<16xi32>
      %jit3A = arith.constant 0.000000e+00 : f32
      %broadcast_in_dim3A = vector.broadcast %jit3A : f32 to vector<16xf32>
      %select_n3A = arith.select %lt3A_548, %get3A_545, %broadcast_in_dim3A : vector<16xi1>, vector<16xf32>
      %add3A_549 = arith.addf %add3A_546, %select_n3A : vector<16xf32>
      %add3A_550 = arith.constant 448 : i32
      %add3A_551 = arith.addi %add3A_550, %mul3A_294 : i32
      %mul3A_552 = arith.constant 16 : i32
      %mul3A_553 = arith.muli %add3A_551, %mul3A_552 : i32
      %swap3A = arith.index_cast %mul3A_553 : i32 to index
      %swap3A_554 = tpu.vector_load %arg11[%swap3A] {strides = array<i32>} : memref<8192xf32, #tpu.memory_space<vmem>>, vector<16xf32>,
      %swap3A_555 = vector.shape_cast %swap3A_554 : vector<16xf32> to vector<16xf32>
      %swap3A_556 = vector.shape_cast %add3A_549 : vector<16xf32> to vector<16xf32>
      tpu.vector_store %arg11[%swap3A], %swap3A_556 {strides = array<i32>} : memref<8192xf32, #tpu.memory_space<vmem>>, vector<16xf32>,
      %mul3A_557 = arith.constant 2 : i32
      %mul3A_558 = arith.muli %scan3A_292, %mul3A_557 : i32
      %add3A_559 = arith.constant 1 : i32
      %add3A_560 = arith.addi %mul3A_558, %add3A_559 : i32
      %mul3A_561 = arith.constant 26 : i32
      %mul3A_562 = arith.muli %add3A_560, %mul3A_561 : i32
      %mul3A_563 = arith.constant 26 : i32
      %mul3A_564 = arith.muli %add3A_560, %mul3A_563 : i32
      %add3A_565 = arith.constant 11648 : i32
      %add3A_566 = arith.addi %add3A_565, %mul3A_564 : i32
      %add3A_567 = arith.constant 0 : i32
      %add3A_568 = arith.addi %mul3A_562, %add3A_567 : i32
      %get3A_569 = arith.index_cast %add3A_568 : i32 to index
      %get3A_570 = arith.constant 0 : index
      %get3A_571 = tpu.vector_load %arg9[%get3A_569, %get3A_570] {strides = array<i32>} : memref<1664x16xf32, #tpu.memory_space<vmem>>, vector<1x16xf32>,
      %get3A_572 = vector.shape_cast %get3A_571 : vector<1x16xf32> to vector<16xf32>
      %mul3A_573 = arith.mulf %get3A_572, %get3A_572 : vector<16xf32>
      %add3A_574 = arith.constant 1 : i32
      %add3A_575 = arith.addi %mul3A_562, %add3A_574 : i32
      %get3A_576 = arith.index_cast %add3A_575 : i32 to index
      %get3A_577 = arith.constant 0 : index
      %get3A_578 = tpu.vector_load %arg9[%get3A_576, %get3A_577] {strides = array<i32>} : memref<1664x16xf32, #tpu.memory_space<vmem>>, vector<1x16xf32>,
      %get3A_579 = vector.shape_cast %get3A_578 : vector<1x16xf32> to vector<16xf32>
      %mul3A_580 = arith.mulf %get3A_579, %get3A_579 : vector<16xf32>
      %add3A_581 = arith.constant 2 : i32
      %add3A_582 = arith.addi %mul3A_562, %add3A_581 : i32
      %get3A_583 = arith.index_cast %add3A_582 : i32 to index
      %get3A_584 = arith.constant 0 : index
      %get3A_585 = tpu.vector_load %arg9[%get3A_583, %get3A_584] {strides = array<i32>} : memref<1664x16xf32, #tpu.memory_space<vmem>>, vector<1x16xf32>,
      %get3A_586 = vector.shape_cast %get3A_585 : vector<1x16xf32> to vector<16xf32>
      %mul3A_587 = arith.mulf %get3A_586, %get3A_586 : vector<16xf32>
      %add3A_588 = arith.constant 3 : i32
      %add3A_589 = arith.addi %mul3A_562, %add3A_588 : i32
      %get3A_590 = arith.index_cast %add3A_589 : i32 to index
      %get3A_591 = arith.constant 0 : index
      %get3A_592 = tpu.vector_load %arg9[%get3A_590, %get3A_591] {strides = array<i32>} : memref<1664x16xf32, #tpu.memory_space<vmem>>, vector<1x16xf32>,
      %get3A_593 = vector.shape_cast %get3A_592 : vector<1x16xf32> to vector<16xf32>
      %mul3A_594 = arith.mulf %get3A_593, %get3A_593 : vector<16xf32>
      %add3A_595 = arith.constant 4 : i32
      %add3A_596 = arith.addi %mul3A_562, %add3A_595 : i32
      %get3A_597 = arith.index_cast %add3A_596 : i32 to index
      %get3A_598 = arith.constant 0 : index
      %get3A_599 = tpu.vector_load %arg9[%get3A_597, %get3A_598] {strides = array<i32>} : memref<1664x16xf32, #tpu.memory_space<vmem>>, vector<1x16xf32>,
      %get3A_600 = vector.shape_cast %get3A_599 : vector<1x16xf32> to vector<16xf32>
      %add3A_601 = arith.addf %get3A_572, %get3A_600 : vector<16xf32>
      %mul3A_602 = arith.mulf %get3A_600, %get3A_600 : vector<16xf32>
      %add3A_603 = arith.addf %mul3A_573, %mul3A_602 : vector<16xf32>
      %add3A_604 = arith.constant 5 : i32
      %add3A_605 = arith.addi %mul3A_562, %add3A_604 : i32
      %get3A_606 = arith.index_cast %add3A_605 : i32 to index
      %get3A_607 = arith.constant 0 : index
      %get3A_608 = tpu.vector_load %arg9[%get3A_606, %get3A_607] {strides = array<i32>} : memref<1664x16xf32, #tpu.memory_space<vmem>>, vector<1x16xf32>,
      %get3A_609 = vector.shape_cast %get3A_608 : vector<1x16xf32> to vector<16xf32>
      %add3A_610 = arith.addf %get3A_579, %get3A_609 : vector<16xf32>
      %mul3A_611 = arith.mulf %get3A_609, %get3A_609 : vector<16xf32>
      %add3A_612 = arith.addf %mul3A_580, %mul3A_611 : vector<16xf32>
      %add3A_613 = arith.constant 6 : i32
      %add3A_614 = arith.addi %mul3A_562, %add3A_613 : i32
      %get3A_615 = arith.index_cast %add3A_614 : i32 to index
      %get3A_616 = arith.constant 0 : index
      %get3A_617 = tpu.vector_load %arg9[%get3A_615, %get3A_616] {strides = array<i32>} : memref<1664x16xf32, #tpu.memory_space<vmem>>, vector<1x16xf32>,
      %get3A_618 = vector.shape_cast %get3A_617 : vector<1x16xf32> to vector<16xf32>
      %add3A_619 = arith.addf %get3A_586, %get3A_618 : vector<16xf32>
      %mul3A_620 = arith.mulf %get3A_618, %get3A_618 : vector<16xf32>
      %add3A_621 = arith.addf %mul3A_587, %mul3A_620 : vector<16xf32>
      %add3A_622 = arith.constant 7 : i32
      %add3A_623 = arith.addi %mul3A_562, %add3A_622 : i32
      %get3A_624 = arith.index_cast %add3A_623 : i32 to index
      %get3A_625 = arith.constant 0 : index
      %get3A_626 = tpu.vector_load %arg9[%get3A_624, %get3A_625] {strides = array<i32>} : memref<1664x16xf32, #tpu.memory_space<vmem>>, vector<1x16xf32>,
      %get3A_627 = vector.shape_cast %get3A_626 : vector<1x16xf32> to vector<16xf32>
      %add3A_628 = arith.addf %get3A_593, %get3A_627 : vector<16xf32>
      %mul3A_629 = arith.mulf %get3A_627, %get3A_627 : vector<16xf32>
      %add3A_630 = arith.addf %mul3A_594, %mul3A_629 : vector<16xf32>
      %add3A_631 = arith.constant 8 : i32
      %add3A_632 = arith.addi %mul3A_562, %add3A_631 : i32
      %get3A_633 = arith.index_cast %add3A_632 : i32 to index
      %get3A_634 = arith.constant 0 : index
      %get3A_635 = tpu.vector_load %arg9[%get3A_633, %get3A_634] {strides = array<i32>} : memref<1664x16xf32, #tpu.memory_space<vmem>>, vector<1x16xf32>,
      %get3A_636 = vector.shape_cast %get3A_635 : vector<1x16xf32> to vector<16xf32>
      %add3A_637 = arith.addf %add3A_601, %get3A_636 : vector<16xf32>
      %mul3A_638 = arith.mulf %get3A_636, %get3A_636 : vector<16xf32>
      %add3A_639 = arith.addf %add3A_603, %mul3A_638 : vector<16xf32>
      %add3A_640 = arith.constant 9 : i32
      %add3A_641 = arith.addi %mul3A_562, %add3A_640 : i32
      %get3A_642 = arith.index_cast %add3A_641 : i32 to index
      %get3A_643 = arith.constant 0 : index
      %get3A_644 = tpu.vector_load %arg9[%get3A_642, %get3A_643] {strides = array<i32>} : memref<1664x16xf32, #tpu.memory_space<vmem>>, vector<1x16xf32>,
      %get3A_645 = vector.shape_cast %get3A_644 : vector<1x16xf32> to vector<16xf32>
      %add3A_646 = arith.addf %add3A_610, %get3A_645 : vector<16xf32>
      %mul3A_647 = arith.mulf %get3A_645, %get3A_645 : vector<16xf32>
      %add3A_648 = arith.addf %add3A_612, %mul3A_647 : vector<16xf32>
      %add3A_649 = arith.constant 10 : i32
      %add3A_650 = arith.addi %mul3A_562, %add3A_649 : i32
      %get3A_651 = arith.index_cast %add3A_650 : i32 to index
      %get3A_652 = arith.constant 0 : index
      %get3A_653 = tpu.vector_load %arg9[%get3A_651, %get3A_652] {strides = array<i32>} : memref<1664x16xf32, #tpu.memory_space<vmem>>, vector<1x16xf32>,
      %get3A_654 = vector.shape_cast %get3A_653 : vector<1x16xf32> to vector<16xf32>
      %add3A_655 = arith.addf %add3A_619, %get3A_654 : vector<16xf32>
      %mul3A_656 = arith.mulf %get3A_654, %get3A_654 : vector<16xf32>
      %add3A_657 = arith.addf %add3A_621, %mul3A_656 : vector<16xf32>
      %add3A_658 = arith.constant 11 : i32
      %add3A_659 = arith.addi %mul3A_562, %add3A_658 : i32
      %get3A_660 = arith.index_cast %add3A_659 : i32 to index
      %get3A_661 = arith.constant 0 : index
      %get3A_662 = tpu.vector_load %arg9[%get3A_660, %get3A_661] {strides = array<i32>} : memref<1664x16xf32, #tpu.memory_space<vmem>>, vector<1x16xf32>,
      %get3A_663 = vector.shape_cast %get3A_662 : vector<1x16xf32> to vector<16xf32>
      %add3A_664 = arith.addf %add3A_628, %get3A_663 : vector<16xf32>
      %mul3A_665 = arith.mulf %get3A_663, %get3A_663 : vector<16xf32>
      %add3A_666 = arith.addf %add3A_630, %mul3A_665 : vector<16xf32>
      %add3A_667 = arith.constant 12 : i32
      %add3A_668 = arith.addi %mul3A_562, %add3A_667 : i32
      %get3A_669 = arith.index_cast %add3A_668 : i32 to index
      %get3A_670 = arith.constant 0 : index
      %get3A_671 = tpu.vector_load %arg9[%get3A_669, %get3A_670] {strides = array<i32>} : memref<1664x16xf32, #tpu.memory_space<vmem>>, vector<1x16xf32>,
      %get3A_672 = vector.shape_cast %get3A_671 : vector<1x16xf32> to vector<16xf32>
      %add3A_673 = arith.addf %add3A_637, %get3A_672 : vector<16xf32>
      %mul3A_674 = arith.mulf %get3A_672, %get3A_672 : vector<16xf32>
      %add3A_675 = arith.addf %add3A_639, %mul3A_674 : vector<16xf32>
      %add3A_676 = arith.constant 13 : i32
      %add3A_677 = arith.addi %mul3A_562, %add3A_676 : i32
      %get3A_678 = arith.index_cast %add3A_677 : i32 to index
      %get3A_679 = arith.constant 0 : index
      %get3A_680 = tpu.vector_load %arg9[%get3A_678, %get3A_679] {strides = array<i32>} : memref<1664x16xf32, #tpu.memory_space<vmem>>, vector<1x16xf32>,
      %get3A_681 = vector.shape_cast %get3A_680 : vector<1x16xf32> to vector<16xf32>
      %add3A_682 = arith.addf %add3A_646, %get3A_681 : vector<16xf32>
      %mul3A_683 = arith.mulf %get3A_681, %get3A_681 : vector<16xf32>
      %add3A_684 = arith.addf %add3A_648, %mul3A_683 : vector<16xf32>
      %add3A_685 = arith.constant 14 : i32
      %add3A_686 = arith.addi %mul3A_562, %add3A_685 : i32
      %get3A_687 = arith.index_cast %add3A_686 : i32 to index
      %get3A_688 = arith.constant 0 : index
      %get3A_689 = tpu.vector_load %arg9[%get3A_687, %get3A_688] {strides = array<i32>} : memref<1664x16xf32, #tpu.memory_space<vmem>>, vector<1x16xf32>,
      %get3A_690 = vector.shape_cast %get3A_689 : vector<1x16xf32> to vector<16xf32>
      %add3A_691 = arith.addf %add3A_655, %get3A_690 : vector<16xf32>
      %mul3A_692 = arith.mulf %get3A_690, %get3A_690 : vector<16xf32>
      %add3A_693 = arith.addf %add3A_657, %mul3A_692 : vector<16xf32>
      %add3A_694 = arith.constant 15 : i32
      %add3A_695 = arith.addi %mul3A_562, %add3A_694 : i32
      %get3A_696 = arith.index_cast %add3A_695 : i32 to index
      %get3A_697 = arith.constant 0 : index
      %get3A_698 = tpu.vector_load %arg9[%get3A_696, %get3A_697] {strides = array<i32>} : memref<1664x16xf32, #tpu.memory_space<vmem>>, vector<1x16xf32>,
      %get3A_699 = vector.shape_cast %get3A_698 : vector<1x16xf32> to vector<16xf32>
      %add3A_700 = arith.addf %add3A_664, %get3A_699 : vector<16xf32>
      %mul3A_701 = arith.mulf %get3A_699, %get3A_699 : vector<16xf32>
      %add3A_702 = arith.addf %add3A_666, %mul3A_701 : vector<16xf32>
      %add3A_703 = arith.constant 16 : i32
      %add3A_704 = arith.addi %mul3A_562, %add3A_703 : i32
      %get3A_705 = arith.index_cast %add3A_704 : i32 to index
      %get3A_706 = arith.constant 0 : index
      %get3A_707 = tpu.vector_load %arg9[%get3A_705, %get3A_706] {strides = array<i32>} : memref<1664x16xf32, #tpu.memory_space<vmem>>, vector<1x16xf32>,
      %get3A_708 = vector.shape_cast %get3A_707 : vector<1x16xf32> to vector<16xf32>
      %add3A_709 = arith.addf %add3A_673, %get3A_708 : vector<16xf32>
      %mul3A_710 = arith.mulf %get3A_708, %get3A_708 : vector<16xf32>
      %add3A_711 = arith.addf %add3A_675, %mul3A_710 : vector<16xf32>
      %add3A_712 = arith.constant 17 : i32
      %add3A_713 = arith.addi %mul3A_562, %add3A_712 : i32
      %get3A_714 = arith.index_cast %add3A_713 : i32 to index
      %get3A_715 = arith.constant 0 : index
      %get3A_716 = tpu.vector_load %arg9[%get3A_714, %get3A_715] {strides = array<i32>} : memref<1664x16xf32, #tpu.memory_space<vmem>>, vector<1x16xf32>,
      %get3A_717 = vector.shape_cast %get3A_716 : vector<1x16xf32> to vector<16xf32>
      %add3A_718 = arith.addf %add3A_682, %get3A_717 : vector<16xf32>
      %mul3A_719 = arith.mulf %get3A_717, %get3A_717 : vector<16xf32>
      %add3A_720 = arith.addf %add3A_684, %mul3A_719 : vector<16xf32>
      %add3A_721 = arith.constant 18 : i32
      %add3A_722 = arith.addi %mul3A_562, %add3A_721 : i32
      %get3A_723 = arith.index_cast %add3A_722 : i32 to index
      %get3A_724 = arith.constant 0 : index
      %get3A_725 = tpu.vector_load %arg9[%get3A_723, %get3A_724] {strides = array<i32>} : memref<1664x16xf32, #tpu.memory_space<vmem>>, vector<1x16xf32>,
      %get3A_726 = vector.shape_cast %get3A_725 : vector<1x16xf32> to vector<16xf32>
      %add3A_727 = arith.addf %add3A_691, %get3A_726 : vector<16xf32>
      %mul3A_728 = arith.mulf %get3A_726, %get3A_726 : vector<16xf32>
      %add3A_729 = arith.addf %add3A_693, %mul3A_728 : vector<16xf32>
      %add3A_730 = arith.constant 19 : i32
      %add3A_731 = arith.addi %mul3A_562, %add3A_730 : i32
      %get3A_732 = arith.index_cast %add3A_731 : i32 to index
      %get3A_733 = arith.constant 0 : index
      %get3A_734 = tpu.vector_load %arg9[%get3A_732, %get3A_733] {strides = array<i32>} : memref<1664x16xf32, #tpu.memory_space<vmem>>, vector<1x16xf32>,
      %get3A_735 = vector.shape_cast %get3A_734 : vector<1x16xf32> to vector<16xf32>
      %add3A_736 = arith.addf %add3A_700, %get3A_735 : vector<16xf32>
      %mul3A_737 = arith.mulf %get3A_735, %get3A_735 : vector<16xf32>
      %add3A_738 = arith.addf %add3A_702, %mul3A_737 : vector<16xf32>
      %add3A_739 = arith.constant 20 : i32
      %add3A_740 = arith.addi %mul3A_562, %add3A_739 : i32
      %get3A_741 = arith.index_cast %add3A_740 : i32 to index
      %get3A_742 = arith.constant 0 : index
      %get3A_743 = tpu.vector_load %arg9[%get3A_741, %get3A_742] {strides = array<i32>} : memref<1664x16xf32, #tpu.memory_space<vmem>>, vector<1x16xf32>,
      %get3A_744 = vector.shape_cast %get3A_743 : vector<1x16xf32> to vector<16xf32>
      %add3A_745 = arith.addf %add3A_709, %get3A_744 : vector<16xf32>
      %mul3A_746 = arith.mulf %get3A_744, %get3A_744 : vector<16xf32>
      %add3A_747 = arith.addf %add3A_711, %mul3A_746 : vector<16xf32>
      %add3A_748 = arith.constant 21 : i32
      %add3A_749 = arith.addi %mul3A_562, %add3A_748 : i32
      %get3A_750 = arith.index_cast %add3A_749 : i32 to index
      %get3A_751 = arith.constant 0 : index
      %get3A_752 = tpu.vector_load %arg9[%get3A_750, %get3A_751] {strides = array<i32>} : memref<1664x16xf32, #tpu.memory_space<vmem>>, vector<1x16xf32>,
      %get3A_753 = vector.shape_cast %get3A_752 : vector<1x16xf32> to vector<16xf32>
      %add3A_754 = arith.addf %add3A_718, %get3A_753 : vector<16xf32>
      %mul3A_755 = arith.mulf %get3A_753, %get3A_753 : vector<16xf32>
      %add3A_756 = arith.addf %add3A_720, %mul3A_755 : vector<16xf32>
      %add3A_757 = arith.constant 22 : i32
      %add3A_758 = arith.addi %mul3A_562, %add3A_757 : i32
      %get3A_759 = arith.index_cast %add3A_758 : i32 to index
      %get3A_760 = arith.constant 0 : index
      %get3A_761 = tpu.vector_load %arg9[%get3A_759, %get3A_760] {strides = array<i32>} : memref<1664x16xf32, #tpu.memory_space<vmem>>, vector<1x16xf32>,
      %get3A_762 = vector.shape_cast %get3A_761 : vector<1x16xf32> to vector<16xf32>
      %add3A_763 = arith.addf %add3A_727, %get3A_762 : vector<16xf32>
      %mul3A_764 = arith.mulf %get3A_762, %get3A_762 : vector<16xf32>
      %add3A_765 = arith.addf %add3A_729, %mul3A_764 : vector<16xf32>
      %add3A_766 = arith.constant 23 : i32
      %add3A_767 = arith.addi %mul3A_562, %add3A_766 : i32
      %get3A_768 = arith.index_cast %add3A_767 : i32 to index
      %get3A_769 = arith.constant 0 : index
      %get3A_770 = tpu.vector_load %arg9[%get3A_768, %get3A_769] {strides = array<i32>} : memref<1664x16xf32, #tpu.memory_space<vmem>>, vector<1x16xf32>,
      %get3A_771 = vector.shape_cast %get3A_770 : vector<1x16xf32> to vector<16xf32>
      %add3A_772 = arith.addf %add3A_736, %get3A_771 : vector<16xf32>
      %mul3A_773 = arith.mulf %get3A_771, %get3A_771 : vector<16xf32>
      %add3A_774 = arith.addf %add3A_738, %mul3A_773 : vector<16xf32>
      %add3A_775 = arith.constant 24 : i32
      %add3A_776 = arith.addi %mul3A_562, %add3A_775 : i32
      %get3A_777 = arith.index_cast %add3A_776 : i32 to index
      %get3A_778 = arith.constant 0 : index
      %get3A_779 = tpu.vector_load %arg9[%get3A_777, %get3A_778] {strides = array<i32>} : memref<1664x16xf32, #tpu.memory_space<vmem>>, vector<1x16xf32>,
      %get3A_780 = vector.shape_cast %get3A_779 : vector<1x16xf32> to vector<16xf32>
      %add3A_781 = arith.addf %add3A_745, %get3A_780 : vector<16xf32>
      %mul3A_782 = arith.mulf %get3A_780, %get3A_780 : vector<16xf32>
      %add3A_783 = arith.addf %add3A_747, %mul3A_782 : vector<16xf32>
      %add3A_784 = arith.constant 25 : i32
      %add3A_785 = arith.addi %mul3A_562, %add3A_784 : i32
      %get3A_786 = arith.index_cast %add3A_785 : i32 to index
      %get3A_787 = arith.constant 0 : index
      %get3A_788 = tpu.vector_load %arg9[%get3A_786, %get3A_787] {strides = array<i32>} : memref<1664x16xf32, #tpu.memory_space<vmem>>, vector<1x16xf32>,
      %get3A_789 = vector.shape_cast %get3A_788 : vector<1x16xf32> to vector<16xf32>
      %add3A_790 = arith.addf %add3A_754, %get3A_789 : vector<16xf32>
      %mul3A_791 = arith.mulf %get3A_789, %get3A_789 : vector<16xf32>
      %add3A_792 = arith.addf %add3A_756, %mul3A_791 : vector<16xf32>
      %add3A_793 = arith.addf %add3A_781, %add3A_790 : vector<16xf32>
      %add3A_794 = arith.addf %add3A_763, %add3A_772 : vector<16xf32>
      %add3A_795 = arith.addf %add3A_793, %add3A_794 : vector<16xf32>
      %add3A_796 = arith.addf %add3A_783, %add3A_792 : vector<16xf32>
      %add3A_797 = arith.addf %add3A_765, %add3A_774 : vector<16xf32>
      %add3A_798 = arith.addf %add3A_796, %add3A_797 : vector<16xf32>
      %mul3A_799 = arith.mulf %add3A_795, %add3A_795 : vector<16xf32>
      %sub3A_800 = arith.subf %mul3A_799, %add3A_798 : vector<16xf32>
      %mul3A_801 = arith.constant 5.000000e-01 : f32
      %mul3A_802 = vector.broadcast %mul3A_801 : f32 to vector<16xf32>
      %mul3A_803 = arith.mulf %sub3A_800, %mul3A_802 : vector<16xf32>
      %add3A_804 = arith.addf %mul3A_803, %get3A_4 : vector<16xf32>
      %get3A_805 = arith.index_cast %add3A_566 : i32 to index
      %get3A_806 = tpu.vector_load %arg10[%get3A_805] {strides = array<i32>} : memref<13344xf32, #tpu.memory_space<vmem>>, vector<16xf32>,
      %get3A_807 = vector.shape_cast %get3A_806 : vector<16xf32> to vector<16xf32>
      %add3A_808 = arith.constant 16 : i32
      %add3A_809 = arith.addi %add3A_566, %add3A_808 : i32
      %get3A_810 = arith.index_cast %add3A_809 : i32 to index
      %get3A_811 = tpu.vector_load %arg10[%get3A_810] {strides = array<i32>} : memref<13344xf32, #tpu.memory_space<vmem>>, vector<16xf32>,
      %get3A_812 = vector.shape_cast %get3A_811 : vector<16xf32> to vector<16xf32>
      %add3A_813 = arith.addf %add3A_804, %get3A_807 : vector<16xf32>
      %lt3A_814 = arith.constant 10 : i32
      %lt3A_815 = vector.broadcast %lt3A_814 : i32 to vector<16xi32>
      %lt3A_816 = arith.cmpi slt, %iota3A, %lt3A_815 : vector<16xi32>
      %jit3A_817 = arith.constant 0.000000e+00 : f32
      %broadcast_in_dim3A_818 = vector.broadcast %jit3A_817 : f32 to vector<16xf32>
      %select_n3A_819 = arith.select %lt3A_816, %get3A_812, %broadcast_in_dim3A_818 : vector<16xi1>, vector<16xf32>
      %add3A_820 = arith.addf %add3A_813, %select_n3A_819 : vector<16xf32>
      %add3A_821 = arith.constant 448 : i32
      %add3A_822 = arith.addi %add3A_821, %add3A_560 : i32
      %mul3A_823 = arith.constant 16 : i32
      %mul3A_824 = arith.muli %add3A_822, %mul3A_823 : i32
      %swap3A_825 = arith.index_cast %mul3A_824 : i32 to index
      %swap3A_826 = tpu.vector_load %arg11[%swap3A_825] {strides = array<i32>} : memref<8192xf32, #tpu.memory_space<vmem>>, vector<16xf32>,
      %swap3A_827 = vector.shape_cast %swap3A_826 : vector<16xf32> to vector<16xf32>
      %swap3A_828 = vector.shape_cast %add3A_820 : vector<16xf32> to vector<16xf32>
      tpu.vector_store %arg11[%swap3A_825], %swap3A_828 {strides = array<i32>} : memref<8192xf32, #tpu.memory_space<vmem>>, vector<16xf32>,
    }
    %scan3A_289 = arith.constant 32 : i32
    %mul3A_290 = arith.constant 16 : i32
    %mul3A_291 = arith.muli %mul3A_2, %mul3A_290 : i32
    "tpu.region"() ({
      %run_scoped3A = tpu.sem_alloc : memref<!tpu.dma_semaphore, #tpu.memory_space<semaphore_mem>>
      %dma_start3A_292 = tpu.memref_slice %arg6[%mul3A_291] : memref<262144xf32, #tpu.memory_space<hbm>> -> memref<8192xf32, #tpu.memory_space<hbm>>
      %dma_start3A_293 = tpu.memref_slice %arg6[%mul3A_291] : memref<262144xf32, #tpu.memory_space<hbm>> -> memref<8192xf32, #tpu.memory_space<hbm>>
      tpu.enqueue_dma source(%arg11 : memref<8192xf32, #tpu.memory_space<vmem>>) target(%dma_start3A_293 : memref<8192xf32, #tpu.memory_space<hbm>>) target_semaphore(%run_scoped3A : memref<!tpu.dma_semaphore, #tpu.memory_space<semaphore_mem>>)
      %dma_wait3A_294 = tpu.memref_slice %arg6[%mul3A_291] : memref<262144xf32, #tpu.memory_space<hbm>> -> memref<8192xf32, #tpu.memory_space<hbm>>
      %dma_wait3A_295 = tpu.memref_slice %arg6[%mul3A_291] : memref<262144xf32, #tpu.memory_space<hbm>> -> memref<8192xf32, #tpu.memory_space<hbm>>
      tpu.wait_dma2 semaphore(%run_scoped3A : memref<!tpu.dma_semaphore, #tpu.memory_space<semaphore_mem>>) src(%arg11 : memref<8192xf32, #tpu.memory_space<vmem>>) dst(%dma_wait3A_295 : memref<8192xf32, #tpu.memory_space<hbm>>)
      tpu.yield
    }) : () -> ()
    return
  }
}

module attributes {stable_mosaic.version = 14 : i64} {
  func.func @_tc_epilogue_body(%arg0: i32, %arg1: memref<4096x16xf32, #tpu.memory_space<vmem>>, %arg2: memref<4096xf32, #tpu.memory_space<vmem>>) attributes {dimension_semantics = [#tpu.dimension_semantics<arbitrary>], iteration_bounds = array<i64: 4>, scalar_prefetch = 0 : i64, scratch_operands = 0 : i64, tpu.core_type = #tpu.core_type<tc>, window_params = [{transform_indices = @transform_0, window_bounds = array<i64: 4096, 16>}, {transform_indices = @transform_1, window_bounds = array<i64: 4096>}]} {
    %get3A = arith.constant 0 : index
    %get3A_0 = arith.constant 0 : index
    %get3A_1 = vector.load %arg1[%get3A, %get3A_0] : memref<4096x16xf32, #tpu.memory_space<vmem>>, vector<4096x16xf32>
    %reduce_sum3A = arith.constant dense<0.000000e+00> : vector<4096xf32>
    %reduce_sum3A_2 = vector.multi_reduction <add>, %get3A_1, %reduce_sum3A [1] : vector<4096x16xf32> to vector<4096xf32>
    %neg3A = arith.constant 0.000000e+00 : f32
    %neg3A_3 = vector.broadcast %neg3A : f32 to vector<4096xf32>
    %neg3A_4 = arith.subf %neg3A_3, %reduce_sum3A_2 : vector<4096xf32>
    %exp3A = math.exp %neg3A_4 : vector<4096xf32>
    %add3A = arith.constant 1.000000e+00 : f32
    %add3A_5 = vector.broadcast %add3A : f32 to vector<4096xf32>
    %add3A_6 = arith.addf %add3A_5, %exp3A : vector<4096xf32>
    %div3A = arith.constant 1.000000e+00 : f32
    %div3A_7 = vector.broadcast %div3A : f32 to vector<4096xf32>
    %div3A_8 = arith.divf %div3A_7, %add3A_6 : vector<4096xf32>
    %swap3A = arith.constant 0 : index
    %swap3A_9 = vector.load %arg2[%swap3A] : memref<4096xf32, #tpu.memory_space<vmem>>, vector<4096xf32>
    tpu.vector_store %arg2[%swap3A], %div3A_8 {strides = array<i32>} : memref<4096xf32, #tpu.memory_space<vmem>>, vector<4096xf32>,
    return
  }
  func.func @transform_0(%arg0: i32) -> (i32, i32) {
    %c0_i32 = arith.constant 0 : i32
    %c0_i32_0 = arith.constant 0 : i32
    return %arg0, %c0_i32 : i32, i32
  }
  func.func @transform_1(%arg0: i32) -> i32 {
    %c0_i32 = arith.constant 0 : i32
    return %arg0 : i32
  }
}

</mosaic_0001>

<sc_bundles>
// kernel: kernel.4.cloned.1.call-start
scs
__scs_entry_jumppad:
0x0: {  	(pc) =	sbr.rel $0x88, $3  }
0x1: {  	(tag) =	ssettag $0x0;
	lr =	simm.s32 $0x1  }
0x2: {  	[smem:$0x3F9D] =	sst lr;
	_ =	strace $0xD0000000  }
0x3: {  	_ = 	snop  }
0x4: {  	_ = 	snop  }
0x5: {  	_ = 	snop  }
0x6: {  	_ = 	snop  }
0x7: {  	_ = 	snop  }
__scs_overlays_trampoline_lowered:
0x8: {  	[smem:$0x3FAC] =	sst s0  }
0x9: {  	[smem:$0x3FAD] =	sst s1  }
0xa: {  	[smem:$0x3FAE] =	sst s2  }
0xb: {  	[smem:$0x3FAF] =	sst s3  }
0xc: {  	[smem:$0x3FB0] =	sst s4  }
0xd: {  	[smem:$0x3FB1] =	sst s5  }
0xe: {  	[smem:$0x3FB2] =	sst s6  }
0xf: {  	[smem:$0x3FB3] =	sst s7  }
0x10: {  	[smem:$0x3FB4] =	sst s8  }
0x11: {  	[smem:$0x3FB5] =	sst s9;
	s0 =	simm.s32 @!p0 $0x0  }
0x12: {  	s1 =	sld [smem:$0x3F9B];
	s0 =	simm.s32 @p0 $0x1  }
0x13: {  	[smem:$0x3FB6] =	sst s0;
	s0 =	simm.s32 @!p1 $0x0  }
0x14: {  	s2 =	sld [smem:$0x3F9A];
	s0 =	simm.s32 @p1 $0x1  }
0x15: {  	[smem:$0x3FB7] =	sst s0;
	s0 =	simm.s32 @!p2 $0x0  }
0x16: {  	s3 =	sld [smem:$0x3FDB];
	s0 =	simm.s32 @p2 $0x1  }
0x17: {  	s4 =	simm.s32 $0x1BF5;
	[smem:$0x3FB9] =	sst s0  }
0x18: {  	s0 =	sld [smem:$0x3F9C];
	_ =	swait.ge [sflag:s4], $0x0  }
0x19: {  	s7 =	sld [smem:$0x3F9D]  }
0x1a: {  	s8 =	sadd.s32 $0xFFFFE003, lr  }
0x1b: {  	s9 =	sadd.s32 $0xFFFFFEF7, lr;
	s5 =	simm.s32 $0xFFFFFFFF;
	p2 =	slt.u32 s8, $0xFFFFF086  }
0x1c: {  	p1 =	slt.u32 s9, $0xF7A;
	s5 =	simm.s32 @!p2 $0x0  }
0x1d: {  	s5 =	simm.s32 @p1 $0x1;
	p0 =	seq.s32 s7, s2  }
0x1e: {  	s7 =	smul.u32 @!p0 $0xF7A, s2;
	p2 =	seq.s32 @!p0 s5, $0x0  }
0x1f: {  	s9 =	smul.u32 $0xF7A, s1;
	s8 =	simm.s32 @!p0 $0x1BF5;
	p2 =	por !p2, p0  }
0x20: {  	[sflag:s8] =	ssyncset.s32 @!p0 $0xFFFFF086;
	s6 =	sadd.s32 @!p0 s3, s7;
	s7 =	simm.s32 @!p0 $0x108  }
0x21: {  	s3 =	sadd.s32 s3, s9;
	s6 =	sadd.s32 @!p0 $0x88, s6;
	s7 =	simm.s32 @p2 $0x1082  }
0x22: {  	[simem:s7], [sflag:s8] =	dma.local @!p0 [hbm:s6], $0xF7A  }
0x23: {  	s9 =	sor.u32 $0xD0000000, s2;
	s6 =	simm.s32 $0x108;
	_ =	swait.ge @!p0 [sflag:s8], $0x0  }
0x24: {  	s3 =	sadd.s32 $0x88, s3;
	s6 =	simm.s32 @!p1 $0x1082;
	[sflag:s4] =	ssyncset.s32 $0xFFFFF086  }
0x25: {  	[simem:s6], [sflag:s4] =	dma.local [hbm:s3], $0xF7A  }
0x26: {  	[smem:$0x3F9D] =	sst s1;
	(tag) =	ssettag s2;
	_ =	strace s9  }
0x27: {  	s1 =	sld [smem:$0x3FAD]  }
0x28: {  	s2 =	sld [smem:$0x3FAE]  }
0x29: {  	s4 =	sld [smem:$0x3FB0]  }
0x2a: {  	p0 =	seq.s32 s5, $0x0;
	s5 =	sld [smem:$0x3FB1]  }
0x2b: {  	s6 =	sld [smem:$0x3FB2]  }
0x2c: {  	s7 =	sld [smem:$0x3FB3]  }
0x2d: {  	s3 =	simm.s32 $0x108;
	s8 =	sld [smem:$0x3FB4]  }
0x2e: {  	s3 =	simm.s32 @!p0 $0x1082;
	s9 =	sld [smem:$0x3FB5]  }
0x2f: {  	lr =	sadd.s32 s0, s3;
	s0 =	sld [smem:$0x3FAC]  }
0x30: {  	s3 =	sld [smem:$0x3FAF]  }
0x31: {  	[smem:$0x3FB8] =	sst s10  }
0x32: {  	s10 =	sld [smem:$0x3FB6];
	_ =	sdelay $0x3  }
0x33: {  	p0 =	seq.s32 s10, $0x1;
	s10 =	sld [smem:$0x3FB8];
	_ =	sdelay $0x3  }
0x34: {  	[smem:$0x3FB8] =	sst s10  }
0x35: {  	s10 =	sld [smem:$0x3FB7];
	_ =	sdelay $0x3  }
0x36: {  	p1 =	seq.s32 s10, $0x1;
	s10 =	sld [smem:$0x3FB8];
	_ =	sdelay $0x3  }
0x37: {  	[smem:$0x3FB8] =	sst s10  }
0x38: {  	s10 =	sld [smem:$0x3FB9]  }
0x39: {  	_ = 	snop;
	(pc) =	sbr.ind lr, $3  }
0x3a: {  	_ = 	snop  }
0x3b: {  	_ = 	snop  }
0x3c: {  	p2 =	seq.s32 s10, $0x1;
	s10 =	sld [smem:$0x3FB8]  }
0x3d: {  	_ =	shalt  }
0x3e: {  	_ =	shalt  }
0x3f: {  	_ =	shalt  }
0x40: {  	_ =	shalt  }
0x41: {  	_ =	shalt  }
0x42: {  	_ =	shalt  }
0x43: {  	_ =	shalt  }
0x44: {  	_ =	shalt  }
0x45: {  	_ =	shalt  }
0x46: {  	_ =	shalt  }
0x47: {  	_ =	shalt  }
0x48: {  	_ =	shalt  }
0x49: {  	_ =	shalt  }
0x4a: {  	_ =	shalt  }
0x4b: {  	_ =	shalt  }
0x4c: {  	_ =	shalt  }
0x4d: {  	_ =	shalt  }
0x4e: {  	_ =	shalt  }
0x4f: {  	_ =	shalt  }
0x50: {  	_ =	shalt  }
0x51: {  	_ =	shalt  }
0x52: {  	_ =	shalt  }
0x53: {  	_ =	shalt  }
0x54: {  	_ =	shalt  }
0x55: {  	_ =	shalt  }
0x56: {  	_ =	shalt  }
0x57: {  	_ =	shalt  }
0x58: {  	_ =	shalt  }
0x59: {  	_ =	shalt  }
0x5a: {  	_ =	shalt  }
0x5b: {  	_ =	shalt  }
0x5c: {  	_ =	shalt  }
0x5d: {  	_ =	shalt  }
0x5e: {  	_ =	shalt  }
0x5f: {  	_ =	shalt  }
0x60: {  	_ =	shalt  }
0x61: {  	_ =	shalt  }
0x62: {  	_ =	shalt  }
0x63: {  	_ =	shalt  }
0x64: {  	_ =	shalt  }
0x65: {  	_ =	shalt  }
0x66: {  	_ =	shalt  }
0x67: {  	_ =	shalt  }
0x68: {  	_ =	shalt  }
0x69: {  	_ =	shalt  }
0x6a: {  	_ =	shalt  }
0x6b: {  	_ =	shalt  }
0x6c: {  	_ =	shalt  }
0x6d: {  	_ =	shalt  }
0x6e: {  	_ =	shalt  }
0x6f: {  	_ =	shalt  }
0x70: {  	_ =	shalt  }
0x71: {  	_ =	shalt  }
0x72: {  	_ =	shalt  }
0x73: {  	_ =	shalt  }
0x74: {  	_ =	shalt  }
0x75: {  	_ =	shalt  }
0x76: {  	_ =	shalt  }
0x77: {  	_ =	shalt  }
0x78: {  	_ =	shalt  }
0x79: {  	_ =	shalt  }
0x7a: {  	_ =	shalt  }
0x7b: {  	_ =	shalt  }
0x7c: {  	_ =	shalt  }
0x7d: {  	_ =	shalt  }
0x7e: {  	_ =	shalt  }
0x7f: {  	_ =	shalt  }
0x80: {  	_ =	shalt  }
0x81: {  	_ =	shalt  }
0x82: {  	_ =	shalt  }
0x83: {  	_ =	shalt  }
0x84: {  	_ =	shalt  }
0x85: {  	_ =	shalt  }
0x86: {  	_ =	shalt  }
0x87: {  	_ =	shalt  }
.Lfunc_end0:
.L_simem_size_0:
called_computation_lowered:
.L_overlay_start_0:
0x88: {  	s2 =	sld [smem:$0x3FD9]  }
0x89: {  	s3 =	sld [smem:$0x3FFE];
	_ =	sdelay $0x1  }
0x8a: {  	s1 =	srdreg.scid  }
0x8b: {  	s0 =	sand.u32 $0x1, s1  }
0x8c: {  	s16 =	sshll.u32 s0, $0xA;
	s2 =	sadd.s32 s3, s2  }
0x8d: {  	s2 =	sadd.s32 s2, s16  }
0x8e: {  	[smem:$0x3FC4] =	sst s2  }
0x8f: {  	_ = 	snop  }
0x90: {  	(tm) =	ssettm $0x1  }
0x91: {  	s17 =	sld [smem:$0x3FFB];
	_ =	sdelay $0x3  }
0x92: {  	_ =	strace s17  }
0x93: {  	s2 =	sld [smem:$0x3FFC];
	_ =	sdelay $0x3  }
0x94: {  	_ =	strace s2  }
0x95: {  	s2 =	sld [smem:$0x3FFD];
	_ =	sdelay $0x3  }
0x96: {  	_ =	strace s2  }
0x97: {  	_ =	strace $0x8FFFFFFF  }
0x98: {  	s18 =	sld [smem:$0x3FDB];
	_ =	sdelay $0x1  }
0x99: {  	s19 =	simm.s32 $_scs_section_size  }
0x9a: {  	s4 =	simm.s32 $_size__tile_overlayer_lowered;
	s5 =	simm.s32 $_tile_overlayer_lowered  }
0x9b: {  	s22 =	simm.s32 $0x1BFF;
	s21 =	sshll.u32 s5, $0x1;
	s2 =	sadd.s32 s19, s18  }
0x9c: {  	s6 =	simm.s32 $0x0;
	s20 =	sshll.u32 s4, $0x1;
	s4 =	sadd.s32 s21, s2  }
0x9d: {  	[timem:s6], [sflag:s22] =	dma.local [hbm:s4], s20  }
0x9e: {  	_ =	swait.ge [sflag:s22], s20  }
0x9f: {  	s3 =	ssub.s32 $0x0, s20;
	[sflag:s22] =	ssyncset.done $0x0  }
0xa0: {  	[sflag:s22] =	ssyncadd.s32 s3;
	_ =	sdelay $0x1  }
0xa1: {  	s23 =	simm.s32 $0x1B8B  }
0xa2: {  	_ =	swait.ge [sflag:s23], $0x1  }
0xa3: {  	[sflag:s23] =	ssyncset.done $0x0  }
0xa4: {  	s25 =	simm.s32 $0x1B8E;
	s24 =	sld [smem:$0x3FFE];
	[sflag:s23] =	ssyncadd.s32 $0xFFFFFFFF  }
0xa5: {  	s26 =	simm.s32 $execute0_lowered;
	[smem:$0x3FD2] =	sst s25  }
0xa6: {  	s4 =	sshll.u32 s26, $0x1;
	_ =	strace $0x80000046;
	[dreg:$0x1] =	wrdreg $0xFFFFFFFF  }
0xa7: {  	s28 =	simm.s32 $_size_execute0_lowered;
	s2 =	sadd.s32 s2, s4;
	[dreg:$0x0] =	wrdreg $0x0  }
0xa8: {  	s4 =	sshll.u32 s28, $0x1;
	[dreg:$0x2] =	wrdreg s2  }
0xa9: {  	[dreg:$0x3] =	wrdreg s4  }
0xaa: {  	[dreg:$0x4] =	wrdreg $0xC0  }
0xab: {  	_ =	task [dreg:s6], $0x5FFFF  }
0xac: {  	[dreg:$0x1] =	wrdreg $0xFFFFFFFF  }
0xad: {  	[dreg:$0x0] =	wrdreg $0x60  }
0xae: {  	[dreg:$0x2] =	wrdreg s24  }
0xaf: {  	[dreg:$0x3] =	wrdreg $0x9  }
0xb0: {  	_ =	task.clear_ibuf [dreg:s6], $0x4FFFF;
	_ =	strace $0x90000046  }
0xb1: {  	s29 =	simm.s32 $0x9;
	_ =	strace $0x80000048  }
0xb2: {  	_ =	swait.ge [sflag:s29], $0x1  }
0xb3: {  	[sflag:s29] =	ssyncadd.s32 $0xFFFFFFFF  }
0xb4: {  	_ =	strace $0x90000048  }
0xb5: {  	_ =	sfence  }
0xb6: {  	s30 =	sld [smem:$0x0];
	_ =	sdelay $0x2  }
0xb7: {  	s31 =	sshll.u32 s1, $0xD;
	s1 =	sshrl.u32 s1, $0x2  }
0xb8: {  	s3 =	sand.u32 $0x4000, s31;
	s1 =	sadd.s32 s1, s30  }
0xb9: {  	s0 =	sor.u32 s3, s0;
	s1 =	sshll.u32 s1, $0x11  }
0xba: {  	s0 =	sor.u32 s1, s0  }
0xbb: {  	s0 =	sadd.s32 $0x8F2B, s0  }
0xbc: {  	[sflag:s0] =	ssyncadd.remote.s32 $0x1  }
0xbd: {  	_ =	sfence.sel $0xFFFF  }
0xbe: {  	[dreg:$0x0] =	wrdreg $0xFFFFFFFF;
	(pc) =	sbr.abs _section_cstart, $3  }
0xbf: {  	[dreg:$0x1] =	wrdreg $0xFFFFFFFF  }
0xc0: {  	_ =	task.clear_ibuf [dreg:s6], $0x2FFFF;
	_ =	strace $0x9FFFFFFF  }
0xc1: {  	(tm) =	ssettm $0x7FFFFFFF  }
tec
execute0_lowered:
.L_overlay_start_1:
0x0: {  	(tag) =	ssettag $0x1  }
0x1: {  	s0 =	srdreg.scid  }
0x2: {  	s1 =	stileid.u32;
	s6 =	rddreg [dreg:$0x0];
	s2 =	simm.s32 $0x0  }
0x3: {  	s9 =	simm.s32 $0x3;
	s11 =	simm.s32 $0x680;
	s12 =	simm.s32 $0x3400  }
0x4: {  	s14 =	simm.s32 $0x9C00;
	s16 =	simm.s32 $0x1;
	s17 =	simm.s32 $0xD00  }
0x5: {  	s19 =	simm.s32 $0x2;
	s20 =	simm.s32 $0x1380;
	s22 =	simm.s32 $0x1A00  }
0x6: {  	s23 =	simm.s32 $0x11E00;
	s24 =	simm.s32 $0x2080;
	s25 =	simm.s32 $0x12480  }
0x7: {  	s28 =	simm.s32 $0x12B00;
	s29 =	simm.s32 $0x2D80;
	s30 =	simm.s32 $0x13180  }
0x8: {  	s31 =	simm.s32 $0x13820;
	s0 =	sand.u32 $0x1, s0;
	s1 =	sshll.u32 s1, $0x1  }
0x9: {  	[smem:$0x7FF] =	sst s2;
	s4 =	sadd.s32 $0xD600, s6;
	s5 =	sadd.s32 $0x13800, s6  }
0xa: {  	s1 =	sor.u32 s0, s1;
	_ =	strace $0x80000047;
	s0 =	ssub.s32 $0x2, s0  }
0xb: {  	s3 =	smul.u32 $0x680, s1;
	s1 =	sshll.u32 s1, $0xA;
	s26 =	sshrl.u32 s0, $0x1  }
0xc: {  	s1 =	sadd.s32 s1, s6;
	s0 =	ssub.s32 s0, s26;
	s26 =	simm.s32 $0x2700  }
0xd: {  	s7 =	sadd.s32 s3, s6;
	s3 =	sadd.s32 $0x31AA00, s6;
	s8 =	smax.u32 s0, $0x1  }
0xe: {  	vm0 =	vmmov $0x3ff;
	s6 =	sadd.s32 $0x600, s7;
	s7 =	sadd.s32 $0x13A00, s1;
	s1 =	simm.s32 $0x0  }
.LBB2_1:
0xf: {  	[tilespmem:s2], [sflag:$0x3] =	stream.linear.gather [hbm4b:s6+s2], $0x3400, $0x38;
	[tilespmem:$0x15830] =	vst v63  }
0x10: {  	_ =	swait.ge [sflag:s9], $0x3400  }
0x11: {  	[sflag:s9] =	ssyncset.done $0x0  }
0x12: {  	s0 =	simm.s32 $0x15820;
	[sflag:s9] =	ssyncadd.s32 $0xFFFFCC00  }
0x13: {  	[tilespmem:s0], [sflag:$0x3] =	stream.linear.gather [hbm4b:s5+s2], $0x10, $0x38;
	[tilespmem:$0x15830] =	vst v63  }
0x14: {  	_ =	swait.ge [sflag:s9], $0x10  }
0x15: {  	[sflag:s9] =	ssyncset.done $0x0  }
0x16: {  	[sflag:s9] =	ssyncadd.s32 $0xFFFFFFF0  }
0x17: {  	v0 =	vld [tilespmem:$0x15820];
	[tilespmem:s12], [sflag:$0x1] =	stream.indirect.gather [hbm4b:s3+s11], $0x10, s2, s11, $0xb8  }
0x18: {  	s18 =	simm.s32 $0x10400  }
0x19: {  	[tilespmem:s18], [sflag:$0x1] =	stream.indirect.gather [hbm4b:s4+s11], $0x1, s2, s11, $0xb8;
	[tilespmem:$0x15830] =	vst v63  }
0x1a: {  	_ = 	snop  }
0x1b: {  	[tilespmem:s14], [sflag:$0x2] =	stream.indirect.gather [hbm4b:s3+s11], $0x10, s11, s11, $0xb8;
	[tilespmem:$0x15830] =	vst v63  }
0x1c: {  	s21 =	simm.s32 $0x10A80  }
0x1d: {  	[tilespmem:s21], [sflag:$0x2] =	stream.indirect.gather [hbm4b:s4+s11], $0x1, s11, s11, $0xb8;
	[tilespmem:$0x15830] =	vst v63  }
0x1e: {  	_ =	swait.ge [sflag:s16], $0x6800  }
0x1f: {  	[sflag:s16] =	ssyncset.done $0x0  }
0x20: {  	[sflag:s16] =	ssyncadd.s32 $0xFFFF9800  }
0x21: {  	_ =	swait.ge [sflag:s16], $0x680  }
0x22: {  	s10 =	simm.s32 $0x13830;
	s13 =	simm.s32 $0x1041A;
	[sflag:s16] =	ssyncset.done $0x0  }
0x23: {  	s15 =	simm.s32 $0x35A0;
	s0 =	simm.s32 $0x2A;
	[sflag:s16] =	ssyncadd.s32 $0xFFFFF980  }
.LBB2_2:
0x24: {  	v1 =	vld [tilespmem:s15+$0xFFFFFE60]  }
0x25: {  	v2 =	vld [tilespmem:s15+$0xFFFFFE70]  }
0x26: {  	v3 =	vld [tilespmem:s15+$0xFFFFFE80]  }
0x27: {  	v4 =	vld [tilespmem:s15+$0xFFFFFE90]  }
0x28: {  	v5 =	vld [tilespmem:s15+$0xFFFFFEA0]  }
0x29: {  	v6 =	vld [tilespmem:s15+$0xFFFFFEB0]  }
0x2a: {  	v7 =	vld [tilespmem:s15+$0xFFFFFEC0]  }
0x2b: {  	v8 =	vld [tilespmem:s15+$0xFFFFFED0]  }
0x2c: {  	v11 =	vld [tilespmem:s15+$0xFFFFFEE0];
	v9 =	vmul.f32 v1, v1  }
0x2d: {  	v14 =	vld [tilespmem:s15+$0xFFFFFEF0];
	v10 =	vmul.f32 v2, v2;
	v12 =	vmul.f32 v3, v3  }
0x2e: {  	v16 =	vld [tilespmem:s15+$0xFFFFFF00];
	v13 =	vmul.f32 v5, v5;
	v15 =	vmul.f32 v4, v4;
	v1 =	vadd.f32 v5, v1  }
0x2f: {  	v23 =	vld [tilespmem:s15+$0xFFFFFF10];
	v21 =	vmul.f32 v6, v6;
	v2 =	vadd.f32 v6, v2;
	v22 =	vmul.f32 v7, v7  }
0x30: {  	v25 =	vld [tilespmem:s15+$0xFFFFFF20];
	v3 =	vadd.f32 v7, v3;
	v24 =	vmul.f32 v8, v8;
	v4 =	vadd.f32 v8, v4  }
0x31: {  	v27 =	vld [tilespmem:s15+$0xFFFFFF30];
	v26 =	vmul.f32 v11, v11;
	v9 =	vadd.f32 v13, v9;
	v5 =	vadd.f32 v21, v10  }
0x32: {  	v29 =	vld [tilespmem:s15+$0xFFFFFF40];
	v28 =	vmul.f32 v14, v14;
	v6 =	vadd.f32 v22, v12;
	v7 =	vadd.f32 v24, v15  }
0x33: {  	v31 =	vld [tilespmem:s15+$0xFFFFFF50];
	v30 =	vmul.f32 v16, v16;
	v1 =	vadd.f32 v11, v1;
	v2 =	vadd.f32 v14, v2  }
0x34: {  	v33 =	vld [tilespmem:s15+$0xFFFFFF60];
	v32 =	vmul.f32 v23, v23;
	v3 =	vadd.f32 v16, v3;
	v4 =	vadd.f32 v23, v4  }
0x35: {  	v35 =	vld [tilespmem:s15+$0xFFFFFF70];
	v34 =	vmul.f32 v25, v25;
	v8 =	vadd.f32 v26, v9;
	v5 =	vadd.f32 v28, v5  }
0x36: {  	v37 =	vld [tilespmem:s15+$0xFFFFFF80];
	v36 =	vmul.f32 v27, v27;
	v6 =	vadd.f32 v30, v6;
	v7 =	vadd.f32 v32, v7  }
0x37: {  	v39 =	vld [tilespmem:s15+$0xFFFFFF90];
	v38 =	vmul.f32 v29, v29;
	v1 =	vadd.f32 v25, v1;
	v2 =	vadd.f32 v27, v2  }
0x38: {  	v41 =	vld [tilespmem:s15+$0xFFFFFFA0];
	v40 =	vmul.f32 v31, v31;
	v3 =	vadd.f32 v29, v3;
	v4 =	vadd.f32 v31, v4  }
0x39: {  	v43 =	vld [tilespmem:s15+$0xFFFFFFB0];
	v42 =	vmul.f32 v33, v33;
	v8 =	vadd.f32 v34, v8;
	v5 =	vadd.f32 v36, v5  }
0x3a: {  	v45 =	vld [tilespmem:s15+$0xFFFFFFC0];
	v44 =	vmul.f32 v35, v35;
	v6 =	vadd.f32 v38, v6;
	v7 =	vadd.f32 v40, v7  }
0x3b: {  	v47 =	vld [tilespmem:s15+$0xFFFFFFD0];
	v46 =	vmul.f32 v37, v37;
	v1 =	vadd.f32 v33, v1;
	v2 =	vadd.f32 v35, v2  }
0x3c: {  	v49 =	vld [tilespmem:s15+$0xFFFFFFE0];
	v48 =	vmul.f32 v39, v39;
	v3 =	vadd.f32 v37, v3;
	v4 =	vadd.f32 v39, v4  }
0x3d: {  	v51 =	vld [tilespmem:s15+$0xFFFFFFF0];
	v8 =	vadd.f32 v42, v8;
	v5 =	vadd.f32 v44, v5  }
0x3e: {  	v50 =	vmul.f32 v41, v41;
	v6 =	vadd.f32 v46, v6;
	v7 =	vadd.f32 v48, v7  }
0x3f: {  	v52 =	vmul.f32 v43, v43;
	v1 =	vadd.f32 v41, v1;
	v2 =	vadd.f32 v43, v2  }
0x40: {  	v53 =	vmul.f32 v45, v45;
	v3 =	vadd.f32 v45, v3;
	v4 =	vadd.f32 v47, v4  }
0x41: {  	v54 =	vmul.f32 v47, v47;
	v8 =	vadd.f32 v50, v8;
	v5 =	vadd.f32 v52, v5  }
0x42: {  	v55 =	vmul.f32 v49, v49;
	v1 =	vadd.f32 v49, v1;
	v2 =	vadd.f32 v51, v2  }
0x43: {  	v56 =	vmul.f32 v51, v51;
	v6 =	vadd.f32 v53, v6;
	v7 =	vadd.f32 v54, v7  }
0x44: {  	v1 =	vadd.f32 v2, v1;
	v2 =	vadd.f32 v4, v3  }
0x45: {  	v3 =	vadd.f32 v55, v8;
	v57 =	vadd.f32 v56, v5  }
0x46: {  	v1 =	vadd.f32 v1, v2  }
0x47: {  	v2 =	vadd.f32 v57, v3;
	v3 =	vadd.f32 v7, v6;
	_ =	sdelay $0x1  }
0x48: {  	v2 =	vadd.f32 v2, v3;
	v1 =	vmul.f32 v1, v1  }
0x49: {  	s18 =	sadd.s32 $0xFFFFFFD6, s0;
	s21 =	sadd.s32 $0xFFFFFFE6, s0  }
0x4a: {  	s21 =	sand.u32 $0xFF8, s21;
	s18 =	sand.u32 $0x4, s18;
	v1 =	vsub.f32 v1, v2  }
0x4b: {  	s18 =	sor.u32 s18, s21;
	v2 =	vld [tilespmem:s13+$0xFFFFFFE6]  }
0x4c: {  	v3 =	vld [tilespmem:s18+$0x10400];
	v1 =	vmul.f32 $5.000000000e-01, v1;
	_ =	sdelay $0x1  }
0x4d: {  	v1 =	vadd.f32 v1, v0;
	_ =	sdelay $0x1  }
0x4e: {  	v1 =	vadd.f32 v1, v2  }
0x4f: {  	v2 =	vnsel vm0, $0x0, v3  }
0x50: {  	v1 =	vadd.f32 v1, v2;
	_ =	sdelay $0x1  }
0x51: {  	[tilespmem:s10+$0xFFFFFFF0] =	vst v1  }
0x52: {  	v1 =	vld [tilespmem:s15+$0x0]  }
0x53: {  	v2 =	vld [tilespmem:s15+$0x10]  }
0x54: {  	v3 =	vld [tilespmem:s15+$0x20]  }
0x55: {  	v58 =	vld [tilespmem:s15+$0x30]  }
0x56: {  	v59 =	vld [tilespmem:s15+$0x40]  }
0x57: {  	v60 =	vld [tilespmem:s15+$0x50]  }
0x58: {  	v61 =	vld [tilespmem:s15+$0x60]  }
0x59: {  	v62 =	vld [tilespmem:s15+$0x70]  }
0x5a: {  	v21 =	vld [tilespmem:s15+$0x80];
	v63 =	vmul.f32 v1, v1  }
0x5b: {  	v24 =	vld [tilespmem:s15+$0x90];
	v20 =	vmul.f32 v2, v2;
	v22 =	vmul.f32 v3, v3  }
0x5c: {  	v27 =	vld [tilespmem:s15+$0xA0];
	v23 =	vmul.f32 v59, v59;
	v25 =	vmul.f32 v58, v58;
	v1 =	vadd.f32 v59, v1  }
0x5d: {  	v29 =	vld [tilespmem:s15+$0xB0];
	v26 =	vmul.f32 v60, v60;
	v2 =	vadd.f32 v60, v2;
	v28 =	vmul.f32 v61, v61  }
0x5e: {  	v31 =	vld [tilespmem:s15+$0xC0];
	v3 =	vadd.f32 v61, v3;
	v30 =	vmul.f32 v62, v62;
	v4 =	vadd.f32 v62, v58  }
0x5f: {  	v33 =	vld [tilespmem:s15+$0xD0];
	v32 =	vmul.f32 v21, v21;
	v9 =	vadd.f32 v23, v63;
	v5 =	vadd.f32 v26, v20  }
0x60: {  	v35 =	vld [tilespmem:s15+$0xE0];
	v34 =	vmul.f32 v24, v24;
	v6 =	vadd.f32 v28, v22;
	v7 =	vadd.f32 v30, v25  }
0x61: {  	v37 =	vld [tilespmem:s15+$0xF0];
	v36 =	vmul.f32 v27, v27;
	v1 =	vadd.f32 v21, v1;
	v2 =	vadd.f32 v24, v2  }
0x62: {  	v39 =	vld [tilespmem:s15+$0x100];
	v38 =	vmul.f32 v29, v29;
	v3 =	vadd.f32 v27, v3;
	v4 =	vadd.f32 v29, v4  }
0x63: {  	v41 =	vld [tilespmem:s15+$0x110];
	v40 =	vmul.f32 v31, v31;
	v8 =	vadd.f32 v32, v9;
	v5 =	vadd.f32 v34, v5  }
0x64: {  	v43 =	vld [tilespmem:s15+$0x120];
	v42 =	vmul.f32 v33, v33;
	v6 =	vadd.f32 v36, v6;
	v7 =	vadd.f32 v38, v7  }
0x65: {  	v45 =	vld [tilespmem:s15+$0x130];
	v44 =	vmul.f32 v35, v35;
	v1 =	vadd.f32 v31, v1;
	v2 =	vadd.f32 v33, v2  }
0x66: {  	v47 =	vld [tilespmem:s15+$0x140];
	v46 =	vmul.f32 v37, v37;
	v3 =	vadd.f32 v35, v3;
	v4 =	vadd.f32 v37, v4  }
0x67: {  	v49 =	vld [tilespmem:s15+$0x150];
	v48 =	vmul.f32 v39, v39;
	v8 =	vadd.f32 v40, v8;
	v5 =	vadd.f32 v42, v5  }
0x68: {  	v51 =	vld [tilespmem:s15+$0x160];
	v50 =	vmul.f32 v41, v41;
	v6 =	vadd.f32 v44, v6;
	v7 =	vadd.f32 v46, v7  }
0x69: {  	v53 =	vld [tilespmem:s15+$0x170];
	v52 =	vmul.f32 v43, v43;
	v1 =	vadd.f32 v39, v1;
	v2 =	vadd.f32 v41, v2  }
0x6a: {  	v55 =	vld [tilespmem:s15+$0x180];
	v54 =	vmul.f32 v45, v45;
	v3 =	vadd.f32 v43, v3;
	v4 =	vadd.f32 v45, v4  }
0x6b: {  	v57 =	vld [tilespmem:s15+$0x190];
	v8 =	vadd.f32 v48, v8;
	v5 =	vadd.f32 v50, v5  }
0x6c: {  	v56 =	vmul.f32 v47, v47;
	v6 =	vadd.f32 v52, v6;
	v7 =	vadd.f32 v54, v7  }
0x6d: {  	v58 =	vmul.f32 v49, v49;
	v1 =	vadd.f32 v47, v1;
	v2 =	vadd.f32 v49, v2  }
0x6e: {  	v59 =	vmul.f32 v51, v51;
	v3 =	vadd.f32 v51, v3;
	v4 =	vadd.f32 v53, v4  }
0x6f: {  	v60 =	vmul.f32 v53, v53;
	v8 =	vadd.f32 v56, v8;
	v5 =	vadd.f32 v58, v5  }
0x70: {  	v61 =	vmul.f32 v55, v55;
	v1 =	vadd.f32 v55, v1;
	v2 =	vadd.f32 v57, v2  }
0x71: {  	v62 =	vmul.f32 v57, v57;
	v6 =	vadd.f32 v59, v6;
	v7 =	vadd.f32 v60, v7  }
0x72: {  	v1 =	vadd.f32 v2, v1;
	v2 =	vadd.f32 v4, v3  }
0x73: {  	v3 =	vadd.f32 v61, v8;
	v63 =	vadd.f32 v62, v5  }
0x74: {  	v1 =	vadd.f32 v1, v2  }
0x75: {  	v2 =	vadd.f32 v63, v3;
	v3 =	vadd.f32 v7, v6;
	_ =	sdelay $0x1  }
0x76: {  	v2 =	vadd.f32 v2, v3;
	v1 =	vmul.f32 v1, v1  }
0x77: {  	s18 =	sadd.s32 $0xFFFFFFF0, s0  }
0x78: {  	s21 =	sand.u32 $0xFF8, s0;
	s18 =	sand.u32 $0x6, s18;
	v1 =	vsub.f32 v1, v2  }
0x79: {  	s18 =	sor.u32 s18, s21;
	v2 =	vld [tilespmem:s13+$0x0]  }
0x7a: {  	v3 =	vld [tilespmem:s18+$0x10400];
	v1 =	vmul.f32 $5.000000000e-01, v1;
	_ =	sdelay $0x1  }
0x7b: {  	v1 =	vadd.f32 v1, v0  }
0x7c: {  	p0 =	sne.s32 s0, $0x676  }
.Ltmp0:
0x7d: {  	v1 =	vadd.f32 v1, v2;
	(pc) =	sbr.rel @p0 .LBB2_2-.Ltmp0, $4  }
0x7e: {  	v2 =	vnsel vm0, $0x0, v3  }
0x7f: {  	v1 =	vadd.f32 v1, v2  }
0x80: {  	s0 =	sadd.s32 $0x34, s0  }
0x81: {  	s15 =	sadd.s32 $0x340, s15;
	s13 =	sadd.s32 $0x34, s13;
	[tilespmem:s10+$0x0] =	vst v1;
	s10 =	sadd.s32 $0x20, s10  }
0x82: {  	[tilespmem:s12], [sflag:$0x1] =	stream.indirect.gather [hbm4b:s3+s11], $0x10, s17, s11, $0xb8;
	[tilespmem:$0x15830] =	vst v63  }
0x83: {  	s0 =	simm.s32 $0x11100  }
0x84: {  	[tilespmem:s0], [sflag:$0x1] =	stream.indirect.gather [hbm4b:s4+s11], $0x1, s17, s11, $0xb8;
	[tilespmem:$0x15830] =	vst v63  }
0x85: {  	_ =	swait.ge [sflag:s19], $0x6800  }
0x86: {  	[sflag:s19] =	ssyncset.done $0x0  }
0x87: {  	[sflag:s19] =	ssyncadd.s32 $0xFFFF9800  }
0x88: {  	_ =	swait.ge [sflag:s19], $0x680  }
0x89: {  	s10 =	simm.s32 $0x13C30;
	s13 =	simm.s32 $0x10AAA;
	[sflag:s19] =	ssyncset.done $0x0  }
0x8a: {  	s15 =	simm.s32 $0x9DA0;
	s0 =	simm.s32 $0x0;
	[sflag:s19] =	ssyncadd.s32 $0xFFFFF980  }
.LBB2_4:
0x8b: {  	v1 =	vld [tilespmem:s15+$0xFFFFFE60]  }
0x8c: {  	v2 =	vld [tilespmem:s15+$0xFFFFFE70]  }
0x8d: {  	v3 =	vld [tilespmem:s15+$0xFFFFFE80]  }
0x8e: {  	v4 =	vld [tilespmem:s15+$0xFFFFFE90]  }
0x8f: {  	v5 =	vld [tilespmem:s15+$0xFFFFFEA0]  }
0x90: {  	v6 =	vld [tilespmem:s15+$0xFFFFFEB0]  }
0x91: {  	v7 =	vld [tilespmem:s15+$0xFFFFFEC0]  }
0x92: {  	v8 =	vld [tilespmem:s15+$0xFFFFFED0]  }
0x93: {  	v11 =	vld [tilespmem:s15+$0xFFFFFEE0];
	v9 =	vmul.f32 v1, v1  }
0x94: {  	v14 =	vld [tilespmem:s15+$0xFFFFFEF0];
	v10 =	vmul.f32 v2, v2;
	v12 =	vmul.f32 v3, v3  }
0x95: {  	v16 =	vld [tilespmem:s15+$0xFFFFFF00];
	v13 =	vmul.f32 v5, v5;
	v15 =	vmul.f32 v4, v4;
	v1 =	vadd.f32 v5, v1  }
0x96: {  	v23 =	vld [tilespmem:s15+$0xFFFFFF10];
	v21 =	vmul.f32 v6, v6;
	v2 =	vadd.f32 v6, v2;
	v22 =	vmul.f32 v7, v7  }
0x97: {  	v25 =	vld [tilespmem:s15+$0xFFFFFF20];
	v3 =	vadd.f32 v7, v3;
	v24 =	vmul.f32 v8, v8;
	v4 =	vadd.f32 v8, v4  }
0x98: {  	v27 =	vld [tilespmem:s15+$0xFFFFFF30];
	v26 =	vmul.f32 v11, v11;
	v9 =	vadd.f32 v13, v9;
	v5 =	vadd.f32 v21, v10  }
0x99: {  	v29 =	vld [tilespmem:s15+$0xFFFFFF40];
	v28 =	vmul.f32 v14, v14;
	v6 =	vadd.f32 v22, v12;
	v7 =	vadd.f32 v24, v15  }
0x9a: {  	v31 =	vld [tilespmem:s15+$0xFFFFFF50];
	v30 =	vmul.f32 v16, v16;
	v1 =	vadd.f32 v11, v1;
	v2 =	vadd.f32 v14, v2  }
0x9b: {  	v33 =	vld [tilespmem:s15+$0xFFFFFF60];
	v32 =	vmul.f32 v23, v23;
	v3 =	vadd.f32 v16, v3;
	v4 =	vadd.f32 v23, v4  }
0x9c: {  	v35 =	vld [tilespmem:s15+$0xFFFFFF70];
	v34 =	vmul.f32 v25, v25;
	v8 =	vadd.f32 v26, v9;
	v5 =	vadd.f32 v28, v5  }
0x9d: {  	v37 =	vld [tilespmem:s15+$0xFFFFFF80];
	v36 =	vmul.f32 v27, v27;
	v6 =	vadd.f32 v30, v6;
	v7 =	vadd.f32 v32, v7  }
0x9e: {  	v39 =	vld [tilespmem:s15+$0xFFFFFF90];
	v38 =	vmul.f32 v29, v29;
	v1 =	vadd.f32 v25, v1;
	v2 =	vadd.f32 v27, v2  }
0x9f: {  	v41 =	vld [tilespmem:s15+$0xFFFFFFA0];
	v40 =	vmul.f32 v31, v31;
	v3 =	vadd.f32 v29, v3;
	v4 =	vadd.f32 v31, v4  }
0xa0: {  	v43 =	vld [tilespmem:s15+$0xFFFFFFB0];
	v42 =	vmul.f32 v33, v33;
	v8 =	vadd.f32 v34, v8;
	v5 =	vadd.f32 v36, v5  }
0xa1: {  	v45 =	vld [tilespmem:s15+$0xFFFFFFC0];
	v44 =	vmul.f32 v35, v35;
	v6 =	vadd.f32 v38, v6;
	v7 =	vadd.f32 v40, v7  }
0xa2: {  	v47 =	vld [tilespmem:s15+$0xFFFFFFD0];
	v46 =	vmul.f32 v37, v37;
	v1 =	vadd.f32 v33, v1;
	v2 =	vadd.f32 v35, v2  }
0xa3: {  	v49 =	vld [tilespmem:s15+$0xFFFFFFE0];
	v48 =	vmul.f32 v39, v39;
	v3 =	vadd.f32 v37, v3;
	v4 =	vadd.f32 v39, v4  }
0xa4: {  	v51 =	vld [tilespmem:s15+$0xFFFFFFF0];
	v8 =	vadd.f32 v42, v8;
	v5 =	vadd.f32 v44, v5  }
0xa5: {  	v50 =	vmul.f32 v41, v41;
	v6 =	vadd.f32 v46, v6;
	v7 =	vadd.f32 v48, v7  }
0xa6: {  	v52 =	vmul.f32 v43, v43;
	v1 =	vadd.f32 v41, v1;
	v2 =	vadd.f32 v43, v2  }
0xa7: {  	v53 =	vmul.f32 v45, v45;
	v3 =	vadd.f32 v45, v3;
	v4 =	vadd.f32 v47, v4  }
0xa8: {  	v54 =	vmul.f32 v47, v47;
	v8 =	vadd.f32 v50, v8;
	v5 =	vadd.f32 v52, v5  }
0xa9: {  	v55 =	vmul.f32 v49, v49;
	v1 =	vadd.f32 v49, v1;
	v2 =	vadd.f32 v51, v2  }
0xaa: {  	v56 =	vmul.f32 v51, v51;
	v6 =	vadd.f32 v53, v6;
	v7 =	vadd.f32 v54, v7  }
0xab: {  	v1 =	vadd.f32 v2, v1;
	v2 =	vadd.f32 v4, v3  }
0xac: {  	v3 =	vadd.f32 v55, v8;
	v57 =	vadd.f32 v56, v5  }
0xad: {  	v1 =	vadd.f32 v1, v2  }
0xae: {  	v2 =	vadd.f32 v57, v3;
	v3 =	vadd.f32 v7, v6;
	_ =	sdelay $0x1  }
0xaf: {  	v2 =	vadd.f32 v2, v3;
	v1 =	vmul.f32 v1, v1;
	_ =	sdelay $0x1  }
0xb0: {  	s18 =	sand.u32 $0x7FC, s0;
	v1 =	vsub.f32 v1, v2  }
0xb1: {  	v2 =	vld [tilespmem:s18+$0x10A80]  }
0xb2: {  	v3 =	vld [tilespmem:s18+$0x10A90];
	v1 =	vmul.f32 $5.000000000e-01, v1;
	_ =	sdelay $0x1  }
0xb3: {  	v1 =	vadd.f32 v1, v0;
	_ =	sdelay $0x1  }
0xb4: {  	v1 =	vadd.f32 v1, v2  }
0xb5: {  	v2 =	vnsel vm0, $0x0, v3  }
0xb6: {  	v1 =	vadd.f32 v1, v2;
	_ =	sdelay $0x1  }
0xb7: {  	[tilespmem:s10+$0xFFFFFFF0] =	vst v1  }
0xb8: {  	v1 =	vld [tilespmem:s15+$0x0]  }
0xb9: {  	v2 =	vld [tilespmem:s15+$0x10]  }
0xba: {  	v3 =	vld [tilespmem:s15+$0x20]  }
0xbb: {  	v58 =	vld [tilespmem:s15+$0x30]  }
0xbc: {  	v59 =	vld [tilespmem:s15+$0x40]  }
0xbd: {  	v60 =	vld [tilespmem:s15+$0x50]  }
0xbe: {  	v61 =	vld [tilespmem:s15+$0x60]  }
0xbf: {  	v62 =	vld [tilespmem:s15+$0x70]  }
0xc0: {  	v21 =	vld [tilespmem:s15+$0x80];
	v63 =	vmul.f32 v1, v1  }
0xc1: {  	v24 =	vld [tilespmem:s15+$0x90];
	v20 =	vmul.f32 v2, v2;
	v22 =	vmul.f32 v3, v3  }
0xc2: {  	v27 =	vld [tilespmem:s15+$0xA0];
	v23 =	vmul.f32 v59, v59;
	v25 =	vmul.f32 v58, v58;
	v1 =	vadd.f32 v59, v1  }
0xc3: {  	v29 =	vld [tilespmem:s15+$0xB0];
	v26 =	vmul.f32 v60, v60;
	v2 =	vadd.f32 v60, v2;
	v28 =	vmul.f32 v61, v61  }
0xc4: {  	v31 =	vld [tilespmem:s15+$0xC0];
	v3 =	vadd.f32 v61, v3;
	v30 =	vmul.f32 v62, v62;
	v4 =	vadd.f32 v62, v58  }
0xc5: {  	v33 =	vld [tilespmem:s15+$0xD0];
	v32 =	vmul.f32 v21, v21;
	v9 =	vadd.f32 v23, v63;
	v5 =	vadd.f32 v26, v20  }
0xc6: {  	v35 =	vld [tilespmem:s15+$0xE0];
	v34 =	vmul.f32 v24, v24;
	v6 =	vadd.f32 v28, v22;
	v7 =	vadd.f32 v30, v25  }
0xc7: {  	v37 =	vld [tilespmem:s15+$0xF0];
	v36 =	vmul.f32 v27, v27;
	v1 =	vadd.f32 v21, v1;
	v2 =	vadd.f32 v24, v2  }
0xc8: {  	v39 =	vld [tilespmem:s15+$0x100];
	v38 =	vmul.f32 v29, v29;
	v3 =	vadd.f32 v27, v3;
	v4 =	vadd.f32 v29, v4  }
0xc9: {  	v41 =	vld [tilespmem:s15+$0x110];
	v40 =	vmul.f32 v31, v31;
	v8 =	vadd.f32 v32, v9;
	v5 =	vadd.f32 v34, v5  }
0xca: {  	v43 =	vld [tilespmem:s15+$0x120];
	v42 =	vmul.f32 v33, v33;
	v6 =	vadd.f32 v36, v6;
	v7 =	vadd.f32 v38, v7  }
0xcb: {  	v45 =	vld [tilespmem:s15+$0x130];
	v44 =	vmul.f32 v35, v35;
	v1 =	vadd.f32 v31, v1;
	v2 =	vadd.f32 v33, v2  }
0xcc: {  	v47 =	vld [tilespmem:s15+$0x140];
	v46 =	vmul.f32 v37, v37;
	v3 =	vadd.f32 v35, v3;
	v4 =	vadd.f32 v37, v4  }
0xcd: {  	v49 =	vld [tilespmem:s15+$0x150];
	v48 =	vmul.f32 v39, v39;
	v8 =	vadd.f32 v40, v8;
	v5 =	vadd.f32 v42, v5  }
0xce: {  	v51 =	vld [tilespmem:s15+$0x160];
	v50 =	vmul.f32 v41, v41;
	v6 =	vadd.f32 v44, v6;
	v7 =	vadd.f32 v46, v7  }
0xcf: {  	v53 =	vld [tilespmem:s15+$0x170];
	v52 =	vmul.f32 v43, v43;
	v1 =	vadd.f32 v39, v1;
	v2 =	vadd.f32 v41, v2  }
0xd0: {  	v55 =	vld [tilespmem:s15+$0x180];
	v54 =	vmul.f32 v45, v45;
	v3 =	vadd.f32 v43, v3;
	v4 =	vadd.f32 v45, v4  }
0xd1: {  	v57 =	vld [tilespmem:s15+$0x190];
	v8 =	vadd.f32 v48, v8;
	v5 =	vadd.f32 v50, v5  }
0xd2: {  	v56 =	vmul.f32 v47, v47;
	v6 =	vadd.f32 v52, v6;
	v7 =	vadd.f32 v54, v7  }
0xd3: {  	v58 =	vmul.f32 v49, v49;
	v1 =	vadd.f32 v47, v1;
	v2 =	vadd.f32 v49, v2  }
0xd4: {  	v59 =	vmul.f32 v51, v51;
	v3 =	vadd.f32 v51, v3;
	v4 =	vadd.f32 v53, v4  }
0xd5: {  	v60 =	vmul.f32 v53, v53;
	v8 =	vadd.f32 v56, v8;
	v5 =	vadd.f32 v58, v5  }
0xd6: {  	v61 =	vmul.f32 v55, v55;
	v1 =	vadd.f32 v55, v1;
	v2 =	vadd.f32 v57, v2  }
0xd7: {  	v62 =	vmul.f32 v57, v57;
	v6 =	vadd.f32 v59, v6;
	v7 =	vadd.f32 v60, v7  }
0xd8: {  	v1 =	vadd.f32 v2, v1;
	v2 =	vadd.f32 v4, v3  }
0xd9: {  	v3 =	vadd.f32 v61, v8;
	v63 =	vadd.f32 v62, v5  }
0xda: {  	v1 =	vadd.f32 v1, v2  }
0xdb: {  	v2 =	vadd.f32 v63, v3;
	v3 =	vadd.f32 v7, v6;
	_ =	sdelay $0x1  }
0xdc: {  	v2 =	vadd.f32 v2, v3;
	v1 =	vmul.f32 v1, v1;
	_ =	sdelay $0x1  }
0xdd: {  	v1 =	vsub.f32 v1, v2  }
0xde: {  	v2 =	vld [tilespmem:s13+$0xFFFFFFF0]  }
0xdf: {  	v3 =	vld [tilespmem:s13+$0x0];
	v1 =	vmul.f32 $5.000000000e-01, v1;
	_ =	sdelay $0x1  }
0xe0: {  	v1 =	vadd.f32 v1, v0  }
0xe1: {  	p0 =	sne.s32 s0, $0x64C  }
.Ltmp1:
0xe2: {  	v1 =	vadd.f32 v1, v2;
	(pc) =	sbr.rel @p0 .LBB2_4-.Ltmp1, $4  }
0xe3: {  	v2 =	vnsel vm0, $0x0, v3  }
0xe4: {  	v1 =	vadd.f32 v1, v2  }
0xe5: {  	s0 =	sadd.s32 $0x34, s0  }
0xe6: {  	s15 =	sadd.s32 $0x340, s15;
	s13 =	sadd.s32 $0x34, s13;
	[tilespmem:s10+$0x0] =	vst v1;
	s10 =	sadd.s32 $0x20, s10  }
0xe7: {  	[tilespmem:s14], [sflag:$0x2] =	stream.indirect.gather [hbm4b:s3+s11], $0x10, s20, s11, $0xb8;
	[tilespmem:$0x15830] =	vst v63  }
0xe8: {  	s0 =	simm.s32 $0x11780  }
0xe9: {  	[tilespmem:s0], [sflag:$0x2] =	stream.indirect.gather [hbm4b:s4+s11], $0x1, s20, s11, $0xb8;
	[tilespmem:$0x15830] =	vst v63  }
0xea: {  	_ =	swait.ge [sflag:s16], $0x6800  }
0xeb: {  	[sflag:s16] =	ssyncset.done $0x0  }
0xec: {  	[sflag:s16] =	ssyncadd.s32 $0xFFFF9800  }
0xed: {  	_ =	swait.ge [sflag:s16], $0x680  }
0xee: {  	s10 =	simm.s32 $0x14030;
	s13 =	simm.s32 $0x1112A;
	[sflag:s16] =	ssyncset.done $0x0  }
0xef: {  	s15 =	simm.s32 $0x35A0;
	s0 =	simm.s32 $0x0;
	[sflag:s16] =	ssyncadd.s32 $0xFFFFF980  }
.LBB2_6:
0xf0: {  	v1 =	vld [tilespmem:s15+$0xFFFFFE60]  }
0xf1: {  	v2 =	vld [tilespmem:s15+$0xFFFFFE70]  }
0xf2: {  	v3 =	vld [tilespmem:s15+$0xFFFFFE80]  }
0xf3: {  	v4 =	vld [tilespmem:s15+$0xFFFFFE90]  }
0xf4: {  	v5 =	vld [tilespmem:s15+$0xFFFFFEA0]  }
0xf5: {  	v6 =	vld [tilespmem:s15+$0xFFFFFEB0]  }
0xf6: {  	v7 =	vld [tilespmem:s15+$0xFFFFFEC0]  }
0xf7: {  	v8 =	vld [tilespmem:s15+$0xFFFFFED0]  }
0xf8: {  	v11 =	vld [tilespmem:s15+$0xFFFFFEE0];
	v9 =	vmul.f32 v1, v1  }
0xf9: {  	v14 =	vld [tilespmem:s15+$0xFFFFFEF0];
	v10 =	vmul.f32 v2, v2;
	v12 =	vmul.f32 v3, v3  }
0xfa: {  	v16 =	vld [tilespmem:s15+$0xFFFFFF00];
	v13 =	vmul.f32 v5, v5;
	v15 =	vmul.f32 v4, v4;
	v1 =	vadd.f32 v5, v1  }
0xfb: {  	v23 =	vld [tilespmem:s15+$0xFFFFFF10];
	v21 =	vmul.f32 v6, v6;
	v2 =	vadd.f32 v6, v2;
	v22 =	vmul.f32 v7, v7  }
0xfc: {  	v25 =	vld [tilespmem:s15+$0xFFFFFF20];
	v3 =	vadd.f32 v7, v3;
	v24 =	vmul.f32 v8, v8;
	v4 =	vadd.f32 v8, v4  }
0xfd: {  	v27 =	vld [tilespmem:s15+$0xFFFFFF30];
	v26 =	vmul.f32 v11, v11;
	v9 =	vadd.f32 v13, v9;
	v5 =	vadd.f32 v21, v10  }
0xfe: {  	v29 =	vld [tilespmem:s15+$0xFFFFFF40];
	v28 =	vmul.f32 v14, v14;
	v6 =	vadd.f32 v22, v12;
	v7 =	vadd.f32 v24, v15  }
0xff: {  	v31 =	vld [tilespmem:s15+$0xFFFFFF50];
	v30 =	vmul.f32 v16, v16;
	v1 =	vadd.f32 v11, v1;
	v2 =	vadd.f32 v14, v2  }
0x100: {  	v33 =	vld [tilespmem:s15+$0xFFFFFF60];
	v32 =	vmul.f32 v23, v23;
	v3 =	vadd.f32 v16, v3;
	v4 =	vadd.f32 v23, v4  }
0x101: {  	v35 =	vld [tilespmem:s15+$0xFFFFFF70];
	v34 =	vmul.f32 v25, v25;
	v8 =	vadd.f32 v26, v9;
	v5 =	vadd.f32 v28, v5  }
0x102: {  	v37 =	vld [tilespmem:s15+$0xFFFFFF80];
	v36 =	vmul.f32 v27, v27;
	v6 =	vadd.f32 v30, v6;
	v7 =	vadd.f32 v32, v7  }
0x103: {  	v39 =	vld [tilespmem:s15+$0xFFFFFF90];
	v38 =	vmul.f32 v29, v29;
	v1 =	vadd.f32 v25, v1;
	v2 =	vadd.f32 v27, v2  }
0x104: {  	v41 =	vld [tilespmem:s15+$0xFFFFFFA0];
	v40 =	vmul.f32 v31, v31;
	v3 =	vadd.f32 v29, v3;
	v4 =	vadd.f32 v31, v4  }
0x105: {  	v43 =	vld [tilespmem:s15+$0xFFFFFFB0];
	v42 =	vmul.f32 v33, v33;
	v8 =	vadd.f32 v34, v8;
	v5 =	vadd.f32 v36, v5  }
0x106: {  	v45 =	vld [tilespmem:s15+$0xFFFFFFC0];
	v44 =	vmul.f32 v35, v35;
	v6 =	vadd.f32 v38, v6;
	v7 =	vadd.f32 v40, v7  }
0x107: {  	v47 =	vld [tilespmem:s15+$0xFFFFFFD0];
	v46 =	vmul.f32 v37, v37;
	v1 =	vadd.f32 v33, v1;
	v2 =	vadd.f32 v35, v2  }
0x108: {  	v49 =	vld [tilespmem:s15+$0xFFFFFFE0];
	v48 =	vmul.f32 v39, v39;
	v3 =	vadd.f32 v37, v3;
	v4 =	vadd.f32 v39, v4  }
0x109: {  	v51 =	vld [tilespmem:s15+$0xFFFFFFF0];
	v8 =	vadd.f32 v42, v8;
	v5 =	vadd.f32 v44, v5  }
0x10a: {  	v50 =	vmul.f32 v41, v41;
	v6 =	vadd.f32 v46, v6;
	v7 =	vadd.f32 v48, v7  }
0x10b: {  	v52 =	vmul.f32 v43, v43;
	v1 =	vadd.f32 v41, v1;
	v2 =	vadd.f32 v43, v2  }
0x10c: {  	v53 =	vmul.f32 v45, v45;
	v3 =	vadd.f32 v45, v3;
	v4 =	vadd.f32 v47, v4  }
0x10d: {  	v54 =	vmul.f32 v47, v47;
	v8 =	vadd.f32 v50, v8;
	v5 =	vadd.f32 v52, v5  }
0x10e: {  	v55 =	vmul.f32 v49, v49;
	v1 =	vadd.f32 v49, v1;
	v2 =	vadd.f32 v51, v2  }
0x10f: {  	v56 =	vmul.f32 v51, v51;
	v6 =	vadd.f32 v53, v6;
	v7 =	vadd.f32 v54, v7  }
0x110: {  	v1 =	vadd.f32 v2, v1;
	v2 =	vadd.f32 v4, v3  }
0x111: {  	v3 =	vadd.f32 v55, v8;
	v57 =	vadd.f32 v56, v5  }
0x112: {  	v1 =	vadd.f32 v1, v2  }
0x113: {  	v2 =	vadd.f32 v57, v3;
	v3 =	vadd.f32 v7, v6;
	_ =	sdelay $0x1  }
0x114: {  	v2 =	vadd.f32 v2, v3;
	v1 =	vmul.f32 v1, v1;
	_ =	sdelay $0x1  }
0x115: {  	s18 =	sand.u32 $0x7FC, s0;
	v1 =	vsub.f32 v1, v2  }
0x116: {  	v2 =	vld [tilespmem:s18+$0x11100]  }
0x117: {  	v3 =	vld [tilespmem:s18+$0x11110];
	v1 =	vmul.f32 $5.000000000e-01, v1;
	_ =	sdelay $0x1  }
0x118: {  	v1 =	vadd.f32 v1, v0;
	_ =	sdelay $0x1  }
0x119: {  	v1 =	vadd.f32 v1, v2  }
0x11a: {  	v2 =	vnsel vm0, $0x0, v3  }
0x11b: {  	v1 =	vadd.f32 v1, v2;
	_ =	sdelay $0x1  }
0x11c: {  	[tilespmem:s10+$0xFFFFFFF0] =	vst v1  }
0x11d: {  	v1 =	vld [tilespmem:s15+$0x0]  }
0x11e: {  	v2 =	vld [tilespmem:s15+$0x10]  }
0x11f: {  	v3 =	vld [tilespmem:s15+$0x20]  }
0x120: {  	v58 =	vld [tilespmem:s15+$0x30]  }
0x121: {  	v59 =	vld [tilespmem:s15+$0x40]  }
0x122: {  	v60 =	vld [tilespmem:s15+$0x50]  }
0x123: {  	v61 =	vld [tilespmem:s15+$0x60]  }
0x124: {  	v62 =	vld [tilespmem:s15+$0x70]  }
0x125: {  	v21 =	vld [tilespmem:s15+$0x80];
	v63 =	vmul.f32 v1, v1  }
0x126: {  	v24 =	vld [tilespmem:s15+$0x90];
	v20 =	vmul.f32 v2, v2;
	v22 =	vmul.f32 v3, v3  }
0x127: {  	v27 =	vld [tilespmem:s15+$0xA0];
	v23 =	vmul.f32 v59, v59;
	v25 =	vmul.f32 v58, v58;
	v1 =	vadd.f32 v59, v1  }
0x128: {  	v29 =	vld [tilespmem:s15+$0xB0];
	v26 =	vmul.f32 v60, v60;
	v2 =	vadd.f32 v60, v2;
	v28 =	vmul.f32 v61, v61  }
0x129: {  	v31 =	vld [tilespmem:s15+$0xC0];
	v3 =	vadd.f32 v61, v3;
	v30 =	vmul.f32 v62, v62;
	v4 =	vadd.f32 v62, v58  }
0x12a: {  	v33 =	vld [tilespmem:s15+$0xD0];
	v32 =	vmul.f32 v21, v21;
	v9 =	vadd.f32 v23, v63;
	v5 =	vadd.f32 v26, v20  }
0x12b: {  	v35 =	vld [tilespmem:s15+$0xE0];
	v34 =	vmul.f32 v24, v24;
	v6 =	vadd.f32 v28, v22;
	v7 =	vadd.f32 v30, v25  }
0x12c: {  	v37 =	vld [tilespmem:s15+$0xF0];
	v36 =	vmul.f32 v27, v27;
	v1 =	vadd.f32 v21, v1;
	v2 =	vadd.f32 v24, v2  }
0x12d: {  	v39 =	vld [tilespmem:s15+$0x100];
	v38 =	vmul.f32 v29, v29;
	v3 =	vadd.f32 v27, v3;
	v4 =	vadd.f32 v29, v4  }
0x12e: {  	v41 =	vld [tilespmem:s15+$0x110];
	v40 =	vmul.f32 v31, v31;
	v8 =	vadd.f32 v32, v9;
	v5 =	vadd.f32 v34, v5  }
0x12f: {  	v43 =	vld [tilespmem:s15+$0x120];
	v42 =	vmul.f32 v33, v33;
	v6 =	vadd.f32 v36, v6;
	v7 =	vadd.f32 v38, v7  }
0x130: {  	v45 =	vld [tilespmem:s15+$0x130];
	v44 =	vmul.f32 v35, v35;
	v1 =	vadd.f32 v31, v1;
	v2 =	vadd.f32 v33, v2  }
0x131: {  	v47 =	vld [tilespmem:s15+$0x140];
	v46 =	vmul.f32 v37, v37;
	v3 =	vadd.f32 v35, v3;
	v4 =	vadd.f32 v37, v4  }
0x132: {  	v49 =	vld [tilespmem:s15+$0x150];
	v48 =	vmul.f32 v39, v39;
	v8 =	vadd.f32 v40, v8;
	v5 =	vadd.f32 v42, v5  }
0x133: {  	v51 =	vld [tilespmem:s15+$0x160];
	v50 =	vmul.f32 v41, v41;
	v6 =	vadd.f32 v44, v6;
	v7 =	vadd.f32 v46, v7  }
0x134: {  	v53 =	vld [tilespmem:s15+$0x170];
	v52 =	vmul.f32 v43, v43;
	v1 =	vadd.f32 v39, v1;
	v2 =	vadd.f32 v41, v2  }
0x135: {  	v55 =	vld [tilespmem:s15+$0x180];
	v54 =	vmul.f32 v45, v45;
	v3 =	vadd.f32 v43, v3;
	v4 =	vadd.f32 v45, v4  }
0x136: {  	v57 =	vld [tilespmem:s15+$0x190];
	v8 =	vadd.f32 v48, v8;
	v5 =	vadd.f32 v50, v5  }
0x137: {  	v56 =	vmul.f32 v47, v47;
	v6 =	vadd.f32 v52, v6;
	v7 =	vadd.f32 v54, v7  }
0x138: {  	v58 =	vmul.f32 v49, v49;
	v1 =	vadd.f32 v47, v1;
	v2 =	vadd.f32 v49, v2  }
0x139: {  	v59 =	vmul.f32 v51, v51;
	v3 =	vadd.f32 v51, v3;
	v4 =	vadd.f32 v53, v4  }
0x13a: {  	v60 =	vmul.f32 v53, v53;
	v8 =	vadd.f32 v56, v8;
	v5 =	vadd.f32 v58, v5  }
0x13b: {  	v61 =	vmul.f32 v55, v55;
	v1 =	vadd.f32 v55, v1;
	v2 =	vadd.f32 v57, v2  }
0x13c: {  	v62 =	vmul.f32 v57, v57;
	v6 =	vadd.f32 v59, v6;
	v7 =	vadd.f32 v60, v7  }
0x13d: {  	v1 =	vadd.f32 v2, v1;
	v2 =	vadd.f32 v4, v3  }
0x13e: {  	v3 =	vadd.f32 v61, v8;
	v63 =	vadd.f32 v62, v5  }
0x13f: {  	v1 =	vadd.f32 v1, v2  }
0x140: {  	v2 =	vadd.f32 v63, v3;
	v3 =	vadd.f32 v7, v6;
	_ =	sdelay $0x1  }
0x141: {  	v2 =	vadd.f32 v2, v3;
	v1 =	vmul.f32 v1, v1;
	_ =	sdelay $0x1  }
0x142: {  	v1 =	vsub.f32 v1, v2  }
0x143: {  	v2 =	vld [tilespmem:s13+$0xFFFFFFF0]  }
0x144: {  	v3 =	vld [tilespmem:s13+$0x0];
	v1 =	vmul.f32 $5.000000000e-01, v1;
	_ =	sdelay $0x1  }
0x145: {  	v1 =	vadd.f32 v1, v0  }
0x146: {  	p0 =	sne.s32 s0, $0x64C  }
.Ltmp2:
0x147: {  	v1 =	vadd.f32 v1, v2;
	(pc) =	sbr.rel @p0 .LBB2_6-.Ltmp2, $4  }
0x148: {  	v2 =	vnsel vm0, $0x0, v3  }
0x149: {  	v1 =	vadd.f32 v1, v2  }
0x14a: {  	s0 =	sadd.s32 $0x34, s0  }
0x14b: {  	s15 =	sadd.s32 $0x340, s15;
	s13 =	sadd.s32 $0x34, s13;
	[tilespmem:s10+$0x0] =	vst v1;
	s10 =	sadd.s32 $0x20, s10  }
0x14c: {  	[tilespmem:s12], [sflag:$0x1] =	stream.indirect.gather [hbm4b:s3+s11], $0x10, s22, s11, $0xb8;
	[tilespmem:$0x15830] =	vst v63  }
0x14d: {  	_ = 	snop  }
0x14e: {  	[tilespmem:s23], [sflag:$0x1] =	stream.indirect.gather [hbm4b:s4+s11], $0x1, s22, s11, $0xb8;
	[tilespmem:$0x15830] =	vst v63  }
0x14f: {  	_ =	swait.ge [sflag:s19], $0x6800  }
0x150: {  	[sflag:s19] =	ssyncset.done $0x0  }
0x151: {  	[sflag:s19] =	ssyncadd.s32 $0xFFFF9800  }
0x152: {  	_ =	swait.ge [sflag:s19], $0x680  }
0x153: {  	s0 =	simm.s32 $0x0;
	s10 =	simm.s32 $0x14430;
	[sflag:s19] =	ssyncset.done $0x0  }
0x154: {  	s13 =	simm.s32 $0x117AA;
	s15 =	simm.s32 $0x9DA0;
	[sflag:s19] =	ssyncadd.s32 $0xFFFFF980  }
.LBB2_8:
0x155: {  	v1 =	vld [tilespmem:s15+$0xFFFFFE60]  }
0x156: {  	v2 =	vld [tilespmem:s15+$0xFFFFFE70]  }
0x157: {  	v3 =	vld [tilespmem:s15+$0xFFFFFE80]  }
0x158: {  	v4 =	vld [tilespmem:s15+$0xFFFFFE90]  }
0x159: {  	v5 =	vld [tilespmem:s15+$0xFFFFFEA0]  }
0x15a: {  	v6 =	vld [tilespmem:s15+$0xFFFFFEB0]  }
0x15b: {  	v7 =	vld [tilespmem:s15+$0xFFFFFEC0]  }
0x15c: {  	v8 =	vld [tilespmem:s15+$0xFFFFFED0]  }
0x15d: {  	v11 =	vld [tilespmem:s15+$0xFFFFFEE0];
	v9 =	vmul.f32 v1, v1  }
0x15e: {  	v14 =	vld [tilespmem:s15+$0xFFFFFEF0];
	v10 =	vmul.f32 v2, v2;
	v12 =	vmul.f32 v3, v3  }
0x15f: {  	v16 =	vld [tilespmem:s15+$0xFFFFFF00];
	v13 =	vmul.f32 v5, v5;
	v15 =	vmul.f32 v4, v4;
	v1 =	vadd.f32 v5, v1  }
0x160: {  	v23 =	vld [tilespmem:s15+$0xFFFFFF10];
	v21 =	vmul.f32 v6, v6;
	v2 =	vadd.f32 v6, v2;
	v22 =	vmul.f32 v7, v7  }
0x161: {  	v25 =	vld [tilespmem:s15+$0xFFFFFF20];
	v3 =	vadd.f32 v7, v3;
	v24 =	vmul.f32 v8, v8;
	v4 =	vadd.f32 v8, v4  }
0x162: {  	v27 =	vld [tilespmem:s15+$0xFFFFFF30];
	v26 =	vmul.f32 v11, v11;
	v9 =	vadd.f32 v13, v9;
	v5 =	vadd.f32 v21, v10  }
0x163: {  	v29 =	vld [tilespmem:s15+$0xFFFFFF40];
	v28 =	vmul.f32 v14, v14;
	v6 =	vadd.f32 v22, v12;
	v7 =	vadd.f32 v24, v15  }
0x164: {  	v31 =	vld [tilespmem:s15+$0xFFFFFF50];
	v30 =	vmul.f32 v16, v16;
	v1 =	vadd.f32 v11, v1;
	v2 =	vadd.f32 v14, v2  }
0x165: {  	v33 =	vld [tilespmem:s15+$0xFFFFFF60];
	v32 =	vmul.f32 v23, v23;
	v3 =	vadd.f32 v16, v3;
	v4 =	vadd.f32 v23, v4  }
0x166: {  	v35 =	vld [tilespmem:s15+$0xFFFFFF70];
	v34 =	vmul.f32 v25, v25;
	v8 =	vadd.f32 v26, v9;
	v5 =	vadd.f32 v28, v5  }
0x167: {  	v37 =	vld [tilespmem:s15+$0xFFFFFF80];
	v36 =	vmul.f32 v27, v27;
	v6 =	vadd.f32 v30, v6;
	v7 =	vadd.f32 v32, v7  }
0x168: {  	v39 =	vld [tilespmem:s15+$0xFFFFFF90];
	v38 =	vmul.f32 v29, v29;
	v1 =	vadd.f32 v25, v1;
	v2 =	vadd.f32 v27, v2  }
0x169: {  	v41 =	vld [tilespmem:s15+$0xFFFFFFA0];
	v40 =	vmul.f32 v31, v31;
	v3 =	vadd.f32 v29, v3;
	v4 =	vadd.f32 v31, v4  }
0x16a: {  	v43 =	vld [tilespmem:s15+$0xFFFFFFB0];
	v42 =	vmul.f32 v33, v33;
	v8 =	vadd.f32 v34, v8;
	v5 =	vadd.f32 v36, v5  }
0x16b: {  	v45 =	vld [tilespmem:s15+$0xFFFFFFC0];
	v44 =	vmul.f32 v35, v35;
	v6 =	vadd.f32 v38, v6;
	v7 =	vadd.f32 v40, v7  }
0x16c: {  	v47 =	vld [tilespmem:s15+$0xFFFFFFD0];
	v46 =	vmul.f32 v37, v37;
	v1 =	vadd.f32 v33, v1;
	v2 =	vadd.f32 v35, v2  }
0x16d: {  	v49 =	vld [tilespmem:s15+$0xFFFFFFE0];
	v48 =	vmul.f32 v39, v39;
	v3 =	vadd.f32 v37, v3;
	v4 =	vadd.f32 v39, v4  }
0x16e: {  	v51 =	vld [tilespmem:s15+$0xFFFFFFF0];
	v8 =	vadd.f32 v42, v8;
	v5 =	vadd.f32 v44, v5  }
0x16f: {  	v50 =	vmul.f32 v41, v41;
	v6 =	vadd.f32 v46, v6;
	v7 =	vadd.f32 v48, v7  }
0x170: {  	v52 =	vmul.f32 v43, v43;
	v1 =	vadd.f32 v41, v1;
	v2 =	vadd.f32 v43, v2  }
0x171: {  	v53 =	vmul.f32 v45, v45;
	v3 =	vadd.f32 v45, v3;
	v4 =	vadd.f32 v47, v4  }
0x172: {  	v54 =	vmul.f32 v47, v47;
	v8 =	vadd.f32 v50, v8;
	v5 =	vadd.f32 v52, v5  }
0x173: {  	v55 =	vmul.f32 v49, v49;
	v1 =	vadd.f32 v49, v1;
	v2 =	vadd.f32 v51, v2  }
0x174: {  	v56 =	vmul.f32 v51, v51;
	v6 =	vadd.f32 v53, v6;
	v7 =	vadd.f32 v54, v7  }
0x175: {  	v1 =	vadd.f32 v2, v1;
	v2 =	vadd.f32 v4, v3  }
0x176: {  	v3 =	vadd.f32 v55, v8;
	v57 =	vadd.f32 v56, v5  }
0x177: {  	v1 =	vadd.f32 v1, v2  }
0x178: {  	v2 =	vadd.f32 v57, v3;
	v3 =	vadd.f32 v7, v6;
	_ =	sdelay $0x1  }
0x179: {  	v2 =	vadd.f32 v2, v3;
	v1 =	vmul.f32 v1, v1;
	_ =	sdelay $0x1  }
0x17a: {  	s18 =	sand.u32 $0x7FC, s0;
	v1 =	vsub.f32 v1, v2  }
0x17b: {  	v2 =	vld [tilespmem:s18+$0x11780]  }
0x17c: {  	v3 =	vld [tilespmem:s18+$0x11790];
	v1 =	vmul.f32 $5.000000000e-01, v1;
	_ =	sdelay $0x1  }
0x17d: {  	v1 =	vadd.f32 v1, v0;
	_ =	sdelay $0x1  }
0x17e: {  	v1 =	vadd.f32 v1, v2  }
0x17f: {  	v2 =	vnsel vm0, $0x0, v3  }
0x180: {  	v1 =	vadd.f32 v1, v2;
	_ =	sdelay $0x1  }
0x181: {  	[tilespmem:s10+$0xFFFFFFF0] =	vst v1  }
0x182: {  	v1 =	vld [tilespmem:s15+$0x0]  }
0x183: {  	v2 =	vld [tilespmem:s15+$0x10]  }
0x184: {  	v3 =	vld [tilespmem:s15+$0x20]  }
0x185: {  	v58 =	vld [tilespmem:s15+$0x30]  }
0x186: {  	v59 =	vld [tilespmem:s15+$0x40]  }
0x187: {  	v60 =	vld [tilespmem:s15+$0x50]  }
0x188: {  	v61 =	vld [tilespmem:s15+$0x60]  }
0x189: {  	v62 =	vld [tilespmem:s15+$0x70]  }
0x18a: {  	v21 =	vld [tilespmem:s15+$0x80];
	v63 =	vmul.f32 v1, v1  }
0x18b: {  	v24 =	vld [tilespmem:s15+$0x90];
	v20 =	vmul.f32 v2, v2;
	v22 =	vmul.f32 v3, v3  }
0x18c: {  	v27 =	vld [tilespmem:s15+$0xA0];
	v23 =	vmul.f32 v59, v59;
	v25 =	vmul.f32 v58, v58;
	v1 =	vadd.f32 v59, v1  }
0x18d: {  	v29 =	vld [tilespmem:s15+$0xB0];
	v26 =	vmul.f32 v60, v60;
	v2 =	vadd.f32 v60, v2;
	v28 =	vmul.f32 v61, v61  }
0x18e: {  	v31 =	vld [tilespmem:s15+$0xC0];
	v3 =	vadd.f32 v61, v3;
	v30 =	vmul.f32 v62, v62;
	v4 =	vadd.f32 v62, v58  }
0x18f: {  	v33 =	vld [tilespmem:s15+$0xD0];
	v32 =	vmul.f32 v21, v21;
	v9 =	vadd.f32 v23, v63;
	v5 =	vadd.f32 v26, v20  }
0x190: {  	v35 =	vld [tilespmem:s15+$0xE0];
	v34 =	vmul.f32 v24, v24;
	v6 =	vadd.f32 v28, v22;
	v7 =	vadd.f32 v30, v25  }
0x191: {  	v37 =	vld [tilespmem:s15+$0xF0];
	v36 =	vmul.f32 v27, v27;
	v1 =	vadd.f32 v21, v1;
	v2 =	vadd.f32 v24, v2  }
0x192: {  	v39 =	vld [tilespmem:s15+$0x100];
	v38 =	vmul.f32 v29, v29;
	v3 =	vadd.f32 v27, v3;
	v4 =	vadd.f32 v29, v4  }
0x193: {  	v41 =	vld [tilespmem:s15+$0x110];
	v40 =	vmul.f32 v31, v31;
	v8 =	vadd.f32 v32, v9;
	v5 =	vadd.f32 v34, v5  }
0x194: {  	v43 =	vld [tilespmem:s15+$0x120];
	v42 =	vmul.f32 v33, v33;
	v6 =	vadd.f32 v36, v6;
	v7 =	vadd.f32 v38, v7  }
0x195: {  	v45 =	vld [tilespmem:s15+$0x130];
	v44 =	vmul.f32 v35, v35;
	v1 =	vadd.f32 v31, v1;
	v2 =	vadd.f32 v33, v2  }
0x196: {  	v47 =	vld [tilespmem:s15+$0x140];
	v46 =	vmul.f32 v37, v37;
	v3 =	vadd.f32 v35, v3;
	v4 =	vadd.f32 v37, v4  }
0x197: {  	v49 =	vld [tilespmem:s15+$0x150];
	v48 =	vmul.f32 v39, v39;
	v8 =	vadd.f32 v40, v8;
	v5 =	vadd.f32 v42, v5  }
0x198: {  	v51 =	vld [tilespmem:s15+$0x160];
	v50 =	vmul.f32 v41, v41;
	v6 =	vadd.f32 v44, v6;
	v7 =	vadd.f32 v46, v7  }
0x199: {  	v53 =	vld [tilespmem:s15+$0x170];
	v52 =	vmul.f32 v43, v43;
	v1 =	vadd.f32 v39, v1;
	v2 =	vadd.f32 v41, v2  }
0x19a: {  	v55 =	vld [tilespmem:s15+$0x180];
	v54 =	vmul.f32 v45, v45;
	v3 =	vadd.f32 v43, v3;
	v4 =	vadd.f32 v45, v4  }
0x19b: {  	v57 =	vld [tilespmem:s15+$0x190];
	v8 =	vadd.f32 v48, v8;
	v5 =	vadd.f32 v50, v5  }
0x19c: {  	v56 =	vmul.f32 v47, v47;
	v6 =	vadd.f32 v52, v6;
	v7 =	vadd.f32 v54, v7  }
0x19d: {  	v58 =	vmul.f32 v49, v49;
	v1 =	vadd.f32 v47, v1;
	v2 =	vadd.f32 v49, v2  }
0x19e: {  	v59 =	vmul.f32 v51, v51;
	v3 =	vadd.f32 v51, v3;
	v4 =	vadd.f32 v53, v4  }
0x19f: {  	v60 =	vmul.f32 v53, v53;
	v8 =	vadd.f32 v56, v8;
	v5 =	vadd.f32 v58, v5  }
0x1a0: {  	v61 =	vmul.f32 v55, v55;
	v1 =	vadd.f32 v55, v1;
	v2 =	vadd.f32 v57, v2  }
0x1a1: {  	v62 =	vmul.f32 v57, v57;
	v6 =	vadd.f32 v59, v6;
	v7 =	vadd.f32 v60, v7  }
0x1a2: {  	v1 =	vadd.f32 v2, v1;
	v2 =	vadd.f32 v4, v3  }
0x1a3: {  	v3 =	vadd.f32 v61, v8;
	v63 =	vadd.f32 v62, v5  }
0x1a4: {  	v1 =	vadd.f32 v1, v2  }
0x1a5: {  	v2 =	vadd.f32 v63, v3;
	v3 =	vadd.f32 v7, v6;
	_ =	sdelay $0x1  }
0x1a6: {  	v2 =	vadd.f32 v2, v3;
	v1 =	vmul.f32 v1, v1;
	_ =	sdelay $0x1  }
0x1a7: {  	v1 =	vsub.f32 v1, v2  }
0x1a8: {  	v2 =	vld [tilespmem:s13+$0xFFFFFFF0]  }
0x1a9: {  	v3 =	vld [tilespmem:s13+$0x0];
	v1 =	vmul.f32 $5.000000000e-01, v1;
	_ =	sdelay $0x1  }
0x1aa: {  	v1 =	vadd.f32 v1, v0  }
0x1ab: {  	p0 =	sne.s32 s0, $0x64C  }
.Ltmp3:
0x1ac: {  	v1 =	vadd.f32 v1, v2;
	(pc) =	sbr.rel @p0 .LBB2_8-.Ltmp3, $4  }
0x1ad: {  	v2 =	vnsel vm0, $0x0, v3  }
0x1ae: {  	v1 =	vadd.f32 v1, v2  }
0x1af: {  	s0 =	sadd.s32 $0x34, s0  }
0x1b0: {  	s15 =	sadd.s32 $0x340, s15;
	s13 =	sadd.s32 $0x34, s13;
	[tilespmem:s10+$0x0] =	vst v1;
	s10 =	sadd.s32 $0x20, s10  }
0x1b1: {  	[tilespmem:s14], [sflag:$0x2] =	stream.indirect.gather [hbm4b:s3+s11], $0x10, s24, s11, $0xb8;
	[tilespmem:$0x15830] =	vst v63  }
0x1b2: {  	_ = 	snop  }
0x1b3: {  	[tilespmem:s25], [sflag:$0x2] =	stream.indirect.gather [hbm4b:s4+s11], $0x1, s24, s11, $0xb8;
	[tilespmem:$0x15830] =	vst v63  }
0x1b4: {  	_ =	swait.ge [sflag:s16], $0x6800  }
0x1b5: {  	[sflag:s16] =	ssyncset.done $0x0  }
0x1b6: {  	[sflag:s16] =	ssyncadd.s32 $0xFFFF9800  }
0x1b7: {  	_ =	swait.ge [sflag:s16], $0x680  }
0x1b8: {  	s0 =	simm.s32 $0x0;
	s10 =	simm.s32 $0x14830;
	[sflag:s16] =	ssyncset.done $0x0  }
0x1b9: {  	s13 =	simm.s32 $0x11E2A;
	s15 =	simm.s32 $0x35A0;
	[sflag:s16] =	ssyncadd.s32 $0xFFFFF980  }
.LBB2_10:
0x1ba: {  	v1 =	vld [tilespmem:s15+$0xFFFFFE60]  }
0x1bb: {  	v2 =	vld [tilespmem:s15+$0xFFFFFE70]  }
0x1bc: {  	v3 =	vld [tilespmem:s15+$0xFFFFFE80]  }
0x1bd: {  	v4 =	vld [tilespmem:s15+$0xFFFFFE90]  }
0x1be: {  	v5 =	vld [tilespmem:s15+$0xFFFFFEA0]  }
0x1bf: {  	v6 =	vld [tilespmem:s15+$0xFFFFFEB0]  }
0x1c0: {  	v7 =	vld [tilespmem:s15+$0xFFFFFEC0]  }
0x1c1: {  	v8 =	vld [tilespmem:s15+$0xFFFFFED0]  }
0x1c2: {  	v11 =	vld [tilespmem:s15+$0xFFFFFEE0];
	v9 =	vmul.f32 v1, v1  }
0x1c3: {  	v14 =	vld [tilespmem:s15+$0xFFFFFEF0];
	v10 =	vmul.f32 v2, v2;
	v12 =	vmul.f32 v3, v3  }
0x1c4: {  	v16 =	vld [tilespmem:s15+$0xFFFFFF00];
	v13 =	vmul.f32 v5, v5;
	v15 =	vmul.f32 v4, v4;
	v1 =	vadd.f32 v5, v1  }
0x1c5: {  	v23 =	vld [tilespmem:s15+$0xFFFFFF10];
	v21 =	vmul.f32 v6, v6;
	v2 =	vadd.f32 v6, v2;
	v22 =	vmul.f32 v7, v7  }
0x1c6: {  	v25 =	vld [tilespmem:s15+$0xFFFFFF20];
	v3 =	vadd.f32 v7, v3;
	v24 =	vmul.f32 v8, v8;
	v4 =	vadd.f32 v8, v4  }
0x1c7: {  	v27 =	vld [tilespmem:s15+$0xFFFFFF30];
	v26 =	vmul.f32 v11, v11;
	v9 =	vadd.f32 v13, v9;
	v5 =	vadd.f32 v21, v10  }
0x1c8: {  	v29 =	vld [tilespmem:s15+$0xFFFFFF40];
	v28 =	vmul.f32 v14, v14;
	v6 =	vadd.f32 v22, v12;
	v7 =	vadd.f32 v24, v15  }
0x1c9: {  	v31 =	vld [tilespmem:s15+$0xFFFFFF50];
	v30 =	vmul.f32 v16, v16;
	v1 =	vadd.f32 v11, v1;
	v2 =	vadd.f32 v14, v2  }
0x1ca: {  	v33 =	vld [tilespmem:s15+$0xFFFFFF60];
	v32 =	vmul.f32 v23, v23;
	v3 =	vadd.f32 v16, v3;
	v4 =	vadd.f32 v23, v4  }
0x1cb: {  	v35 =	vld [tilespmem:s15+$0xFFFFFF70];
	v34 =	vmul.f32 v25, v25;
	v8 =	vadd.f32 v26, v9;
	v5 =	vadd.f32 v28, v5  }
0x1cc: {  	v37 =	vld [tilespmem:s15+$0xFFFFFF80];
	v36 =	vmul.f32 v27, v27;
	v6 =	vadd.f32 v30, v6;
	v7 =	vadd.f32 v32, v7  }
0x1cd: {  	v39 =	vld [tilespmem:s15+$0xFFFFFF90];
	v38 =	vmul.f32 v29, v29;
	v1 =	vadd.f32 v25, v1;
	v2 =	vadd.f32 v27, v2  }
0x1ce: {  	v41 =	vld [tilespmem:s15+$0xFFFFFFA0];
	v40 =	vmul.f32 v31, v31;
	v3 =	vadd.f32 v29, v3;
	v4 =	vadd.f32 v31, v4  }
0x1cf: {  	v43 =	vld [tilespmem:s15+$0xFFFFFFB0];
	v42 =	vmul.f32 v33, v33;
	v8 =	vadd.f32 v34, v8;
	v5 =	vadd.f32 v36, v5  }
0x1d0: {  	v45 =	vld [tilespmem:s15+$0xFFFFFFC0];
	v44 =	vmul.f32 v35, v35;
	v6 =	vadd.f32 v38, v6;
	v7 =	vadd.f32 v40, v7  }
0x1d1: {  	v47 =	vld [tilespmem:s15+$0xFFFFFFD0];
	v46 =	vmul.f32 v37, v37;
	v1 =	vadd.f32 v33, v1;
	v2 =	vadd.f32 v35, v2  }
0x1d2: {  	v49 =	vld [tilespmem:s15+$0xFFFFFFE0];
	v48 =	vmul.f32 v39, v39;
	v3 =	vadd.f32 v37, v3;
	v4 =	vadd.f32 v39, v4  }
0x1d3: {  	v51 =	vld [tilespmem:s15+$0xFFFFFFF0];
	v8 =	vadd.f32 v42, v8;
	v5 =	vadd.f32 v44, v5  }
0x1d4: {  	v50 =	vmul.f32 v41, v41;
	v6 =	vadd.f32 v46, v6;
	v7 =	vadd.f32 v48, v7  }
0x1d5: {  	v52 =	vmul.f32 v43, v43;
	v1 =	vadd.f32 v41, v1;
	v2 =	vadd.f32 v43, v2  }
0x1d6: {  	v53 =	vmul.f32 v45, v45;
	v3 =	vadd.f32 v45, v3;
	v4 =	vadd.f32 v47, v4  }
0x1d7: {  	v54 =	vmul.f32 v47, v47;
	v8 =	vadd.f32 v50, v8;
	v5 =	vadd.f32 v52, v5  }
0x1d8: {  	v55 =	vmul.f32 v49, v49;
	v1 =	vadd.f32 v49, v1;
	v2 =	vadd.f32 v51, v2  }
0x1d9: {  	v56 =	vmul.f32 v51, v51;
	v6 =	vadd.f32 v53, v6;
	v7 =	vadd.f32 v54, v7  }
0x1da: {  	v1 =	vadd.f32 v2, v1;
	v2 =	vadd.f32 v4, v3  }
0x1db: {  	v3 =	vadd.f32 v55, v8;
	v57 =	vadd.f32 v56, v5  }
0x1dc: {  	v1 =	vadd.f32 v1, v2  }
0x1dd: {  	v2 =	vadd.f32 v57, v3;
	v3 =	vadd.f32 v7, v6;
	_ =	sdelay $0x1  }
0x1de: {  	v2 =	vadd.f32 v2, v3;
	v1 =	vmul.f32 v1, v1;
	_ =	sdelay $0x1  }
0x1df: {  	s18 =	sand.u32 $0x7FC, s0;
	v1 =	vsub.f32 v1, v2  }
0x1e0: {  	v2 =	vld [tilespmem:s18+$0x11E00]  }
0x1e1: {  	v3 =	vld [tilespmem:s18+$0x11E10];
	v1 =	vmul.f32 $5.000000000e-01, v1;
	_ =	sdelay $0x1  }
0x1e2: {  	v1 =	vadd.f32 v1, v0;
	_ =	sdelay $0x1  }
0x1e3: {  	v1 =	vadd.f32 v1, v2  }
0x1e4: {  	v2 =	vnsel vm0, $0x0, v3  }
0x1e5: {  	v1 =	vadd.f32 v1, v2;
	_ =	sdelay $0x1  }
0x1e6: {  	[tilespmem:s10+$0xFFFFFFF0] =	vst v1  }
0x1e7: {  	v1 =	vld [tilespmem:s15+$0x0]  }
0x1e8: {  	v2 =	vld [tilespmem:s15+$0x10]  }
0x1e9: {  	v3 =	vld [tilespmem:s15+$0x20]  }
0x1ea: {  	v58 =	vld [tilespmem:s15+$0x30]  }
0x1eb: {  	v59 =	vld [tilespmem:s15+$0x40]  }
0x1ec: {  	v60 =	vld [tilespmem:s15+$0x50]  }
0x1ed: {  	v61 =	vld [tilespmem:s15+$0x60]  }
0x1ee: {  	v62 =	vld [tilespmem:s15+$0x70]  }
0x1ef: {  	v21 =	vld [tilespmem:s15+$0x80];
	v63 =	vmul.f32 v1, v1  }
0x1f0: {  	v24 =	vld [tilespmem:s15+$0x90];
	v20 =	vmul.f32 v2, v2;
	v22 =	vmul.f32 v3, v3  }
0x1f1: {  	v27 =	vld [tilespmem:s15+$0xA0];
	v23 =	vmul.f32 v59, v59;
	v25 =	vmul.f32 v58, v58;
	v1 =	vadd.f32 v59, v1  }
0x1f2: {  	v29 =	vld [tilespmem:s15+$0xB0];
	v26 =	vmul.f32 v60, v60;
	v2 =	vadd.f32 v60, v2;
	v28 =	vmul.f32 v61, v61  }
0x1f3: {  	v31 =	vld [tilespmem:s15+$0xC0];
	v3 =	vadd.f32 v61, v3;
	v30 =	vmul.f32 v62, v62;
	v4 =	vadd.f32 v62, v58  }
0x1f4: {  	v33 =	vld [tilespmem:s15+$0xD0];
	v32 =	vmul.f32 v21, v21;
	v9 =	vadd.f32 v23, v63;
	v5 =	vadd.f32 v26, v20  }
0x1f5: {  	v35 =	vld [tilespmem:s15+$0xE0];
	v34 =	vmul.f32 v24, v24;
	v6 =	vadd.f32 v28, v22;
	v7 =	vadd.f32 v30, v25  }
0x1f6: {  	v37 =	vld [tilespmem:s15+$0xF0];
	v36 =	vmul.f32 v27, v27;
	v1 =	vadd.f32 v21, v1;
	v2 =	vadd.f32 v24, v2  }
0x1f7: {  	v39 =	vld [tilespmem:s15+$0x100];
	v38 =	vmul.f32 v29, v29;
	v3 =	vadd.f32 v27, v3;
	v4 =	vadd.f32 v29, v4  }
0x1f8: {  	v41 =	vld [tilespmem:s15+$0x110];
	v40 =	vmul.f32 v31, v31;
	v8 =	vadd.f32 v32, v9;
	v5 =	vadd.f32 v34, v5  }
0x1f9: {  	v43 =	vld [tilespmem:s15+$0x120];
	v42 =	vmul.f32 v33, v33;
	v6 =	vadd.f32 v36, v6;
	v7 =	vadd.f32 v38, v7  }
0x1fa: {  	v45 =	vld [tilespmem:s15+$0x130];
	v44 =	vmul.f32 v35, v35;
	v1 =	vadd.f32 v31, v1;
	v2 =	vadd.f32 v33, v2  }
0x1fb: {  	v47 =	vld [tilespmem:s15+$0x140];
	v46 =	vmul.f32 v37, v37;
	v3 =	vadd.f32 v35, v3;
	v4 =	vadd.f32 v37, v4  }
0x1fc: {  	v49 =	vld [tilespmem:s15+$0x150];
	v48 =	vmul.f32 v39, v39;
	v8 =	vadd.f32 v40, v8;
	v5 =	vadd.f32 v42, v5  }
0x1fd: {  	v51 =	vld [tilespmem:s15+$0x160];
	v50 =	vmul.f32 v41, v41;
	v6 =	vadd.f32 v44, v6;
	v7 =	vadd.f32 v46, v7  }
0x1fe: {  	v53 =	vld [tilespmem:s15+$0x170];
	v52 =	vmul.f32 v43, v43;
	v1 =	vadd.f32 v39, v1;
	v2 =	vadd.f32 v41, v2  }
0x1ff: {  	v55 =	vld [tilespmem:s15+$0x180];
	v54 =	vmul.f32 v45, v45;
	v3 =	vadd.f32 v43, v3;
	v4 =	vadd.f32 v45, v4  }
0x200: {  	v57 =	vld [tilespmem:s15+$0x190];
	v8 =	vadd.f32 v48, v8;
	v5 =	vadd.f32 v50, v5  }
0x201: {  	v56 =	vmul.f32 v47, v47;
	v6 =	vadd.f32 v52, v6;
	v7 =	vadd.f32 v54, v7  }
0x202: {  	v58 =	vmul.f32 v49, v49;
	v1 =	vadd.f32 v47, v1;
	v2 =	vadd.f32 v49, v2  }
0x203: {  	v59 =	vmul.f32 v51, v51;
	v3 =	vadd.f32 v51, v3;
	v4 =	vadd.f32 v53, v4  }
0x204: {  	v60 =	vmul.f32 v53, v53;
	v8 =	vadd.f32 v56, v8;
	v5 =	vadd.f32 v58, v5  }
0x205: {  	v61 =	vmul.f32 v55, v55;
	v1 =	vadd.f32 v55, v1;
	v2 =	vadd.f32 v57, v2  }
0x206: {  	v62 =	vmul.f32 v57, v57;
	v6 =	vadd.f32 v59, v6;
	v7 =	vadd.f32 v60, v7  }
0x207: {  	v1 =	vadd.f32 v2, v1;
	v2 =	vadd.f32 v4, v3  }
0x208: {  	v3 =	vadd.f32 v61, v8;
	v63 =	vadd.f32 v62, v5  }
0x209: {  	v1 =	vadd.f32 v1, v2  }
0x20a: {  	v2 =	vadd.f32 v63, v3;
	v3 =	vadd.f32 v7, v6;
	_ =	sdelay $0x1  }
0x20b: {  	v2 =	vadd.f32 v2, v3;
	v1 =	vmul.f32 v1, v1;
	_ =	sdelay $0x1  }
0x20c: {  	v1 =	vsub.f32 v1, v2  }
0x20d: {  	v2 =	vld [tilespmem:s13+$0xFFFFFFF0]  }
0x20e: {  	v3 =	vld [tilespmem:s13+$0x0];
	v1 =	vmul.f32 $5.000000000e-01, v1;
	_ =	sdelay $0x1  }
0x20f: {  	v1 =	vadd.f32 v1, v0  }
0x210: {  	p0 =	sne.s32 s0, $0x64C  }
.Ltmp4:
0x211: {  	v1 =	vadd.f32 v1, v2;
	(pc) =	sbr.rel @p0 .LBB2_10-.Ltmp4, $4  }
0x212: {  	v2 =	vnsel vm0, $0x0, v3  }
0x213: {  	v1 =	vadd.f32 v1, v2  }
0x214: {  	s0 =	sadd.s32 $0x34, s0  }
0x215: {  	s15 =	sadd.s32 $0x340, s15;
	s13 =	sadd.s32 $0x34, s13;
	[tilespmem:s10+$0x0] =	vst v1;
	s10 =	sadd.s32 $0x20, s10  }
0x216: {  	[tilespmem:s12], [sflag:$0x1] =	stream.indirect.gather [hbm4b:s3+s11], $0x10, s26, s11, $0xb8;
	[tilespmem:$0x15830] =	vst v63  }
0x217: {  	_ = 	snop  }
0x218: {  	[tilespmem:s28], [sflag:$0x1] =	stream.indirect.gather [hbm4b:s4+s11], $0x1, s26, s11, $0xb8;
	[tilespmem:$0x15830] =	vst v63  }
0x219: {  	_ =	swait.ge [sflag:s19], $0x6800  }
0x21a: {  	[sflag:s19] =	ssyncset.done $0x0  }
0x21b: {  	[sflag:s19] =	ssyncadd.s32 $0xFFFF9800  }
0x21c: {  	_ =	swait.ge [sflag:s19], $0x680  }
0x21d: {  	s0 =	simm.s32 $0x0;
	s10 =	simm.s32 $0x14C30;
	[sflag:s19] =	ssyncset.done $0x0  }
0x21e: {  	s13 =	simm.s32 $0x124AA;
	s15 =	simm.s32 $0x9DA0;
	[sflag:s19] =	ssyncadd.s32 $0xFFFFF980  }
.LBB2_12:
0x21f: {  	v1 =	vld [tilespmem:s15+$0xFFFFFE60]  }
0x220: {  	v2 =	vld [tilespmem:s15+$0xFFFFFE70]  }
0x221: {  	v3 =	vld [tilespmem:s15+$0xFFFFFE80]  }
0x222: {  	v4 =	vld [tilespmem:s15+$0xFFFFFE90]  }
0x223: {  	v5 =	vld [tilespmem:s15+$0xFFFFFEA0]  }
0x224: {  	v6 =	vld [tilespmem:s15+$0xFFFFFEB0]  }
0x225: {  	v7 =	vld [tilespmem:s15+$0xFFFFFEC0]  }
0x226: {  	v8 =	vld [tilespmem:s15+$0xFFFFFED0]  }
0x227: {  	v11 =	vld [tilespmem:s15+$0xFFFFFEE0];
	v9 =	vmul.f32 v1, v1  }
0x228: {  	v14 =	vld [tilespmem:s15+$0xFFFFFEF0];
	v10 =	vmul.f32 v2, v2;
	v12 =	vmul.f32 v3, v3  }
0x229: {  	v16 =	vld [tilespmem:s15+$0xFFFFFF00];
	v13 =	vmul.f32 v5, v5;
	v15 =	vmul.f32 v4, v4;
	v1 =	vadd.f32 v5, v1  }
0x22a: {  	v23 =	vld [tilespmem:s15+$0xFFFFFF10];
	v21 =	vmul.f32 v6, v6;
	v2 =	vadd.f32 v6, v2;
	v22 =	vmul.f32 v7, v7  }
0x22b: {  	v25 =	vld [tilespmem:s15+$0xFFFFFF20];
	v3 =	vadd.f32 v7, v3;
	v24 =	vmul.f32 v8, v8;
	v4 =	vadd.f32 v8, v4  }
0x22c: {  	v27 =	vld [tilespmem:s15+$0xFFFFFF30];
	v26 =	vmul.f32 v11, v11;
	v9 =	vadd.f32 v13, v9;
	v5 =	vadd.f32 v21, v10  }
0x22d: {  	v29 =	vld [tilespmem:s15+$0xFFFFFF40];
	v28 =	vmul.f32 v14, v14;
	v6 =	vadd.f32 v22, v12;
	v7 =	vadd.f32 v24, v15  }
0x22e: {  	v31 =	vld [tilespmem:s15+$0xFFFFFF50];
	v30 =	vmul.f32 v16, v16;
	v1 =	vadd.f32 v11, v1;
	v2 =	vadd.f32 v14, v2  }
0x22f: {  	v33 =	vld [tilespmem:s15+$0xFFFFFF60];
	v32 =	vmul.f32 v23, v23;
	v3 =	vadd.f32 v16, v3;
	v4 =	vadd.f32 v23, v4  }
0x230: {  	v35 =	vld [tilespmem:s15+$0xFFFFFF70];
	v34 =	vmul.f32 v25, v25;
	v8 =	vadd.f32 v26, v9;
	v5 =	vadd.f32 v28, v5  }
0x231: {  	v37 =	vld [tilespmem:s15+$0xFFFFFF80];
	v36 =	vmul.f32 v27, v27;
	v6 =	vadd.f32 v30, v6;
	v7 =	vadd.f32 v32, v7  }
0x232: {  	v39 =	vld [tilespmem:s15+$0xFFFFFF90];
	v38 =	vmul.f32 v29, v29;
	v1 =	vadd.f32 v25, v1;
	v2 =	vadd.f32 v27, v2  }
0x233: {  	v41 =	vld [tilespmem:s15+$0xFFFFFFA0];
	v40 =	vmul.f32 v31, v31;
	v3 =	vadd.f32 v29, v3;
	v4 =	vadd.f32 v31, v4  }
0x234: {  	v43 =	vld [tilespmem:s15+$0xFFFFFFB0];
	v42 =	vmul.f32 v33, v33;
	v8 =	vadd.f32 v34, v8;
	v5 =	vadd.f32 v36, v5  }
0x235: {  	v45 =	vld [tilespmem:s15+$0xFFFFFFC0];
	v44 =	vmul.f32 v35, v35;
	v6 =	vadd.f32 v38, v6;
	v7 =	vadd.f32 v40, v7  }
0x236: {  	v47 =	vld [tilespmem:s15+$0xFFFFFFD0];
	v46 =	vmul.f32 v37, v37;
	v1 =	vadd.f32 v33, v1;
	v2 =	vadd.f32 v35, v2  }
0x237: {  	v49 =	vld [tilespmem:s15+$0xFFFFFFE0];
	v48 =	vmul.f32 v39, v39;
	v3 =	vadd.f32 v37, v3;
	v4 =	vadd.f32 v39, v4  }
0x238: {  	v51 =	vld [tilespmem:s15+$0xFFFFFFF0];
	v8 =	vadd.f32 v42, v8;
	v5 =	vadd.f32 v44, v5  }
0x239: {  	v50 =	vmul.f32 v41, v41;
	v6 =	vadd.f32 v46, v6;
	v7 =	vadd.f32 v48, v7  }
0x23a: {  	v52 =	vmul.f32 v43, v43;
	v1 =	vadd.f32 v41, v1;
	v2 =	vadd.f32 v43, v2  }
0x23b: {  	v53 =	vmul.f32 v45, v45;
	v3 =	vadd.f32 v45, v3;
	v4 =	vadd.f32 v47, v4  }
0x23c: {  	v54 =	vmul.f32 v47, v47;
	v8 =	vadd.f32 v50, v8;
	v5 =	vadd.f32 v52, v5  }
0x23d: {  	v55 =	vmul.f32 v49, v49;
	v1 =	vadd.f32 v49, v1;
	v2 =	vadd.f32 v51, v2  }
0x23e: {  	v56 =	vmul.f32 v51, v51;
	v6 =	vadd.f32 v53, v6;
	v7 =	vadd.f32 v54, v7  }
0x23f: {  	v1 =	vadd.f32 v2, v1;
	v2 =	vadd.f32 v4, v3  }
0x240: {  	v3 =	vadd.f32 v55, v8;
	v57 =	vadd.f32 v56, v5  }
0x241: {  	v1 =	vadd.f32 v1, v2  }
0x242: {  	v2 =	vadd.f32 v57, v3;
	v3 =	vadd.f32 v7, v6;
	_ =	sdelay $0x1  }
0x243: {  	v2 =	vadd.f32 v2, v3;
	v1 =	vmul.f32 v1, v1;
	_ =	sdelay $0x1  }
0x244: {  	s18 =	sand.u32 $0x7FC, s0;
	v1 =	vsub.f32 v1, v2  }
0x245: {  	v2 =	vld [tilespmem:s18+$0x12480]  }
0x246: {  	v3 =	vld [tilespmem:s18+$0x12490];
	v1 =	vmul.f32 $5.000000000e-01, v1;
	_ =	sdelay $0x1  }
0x247: {  	v1 =	vadd.f32 v1, v0;
	_ =	sdelay $0x1  }
0x248: {  	v1 =	vadd.f32 v1, v2  }
0x249: {  	v2 =	vnsel vm0, $0x0, v3  }
0x24a: {  	v1 =	vadd.f32 v1, v2;
	_ =	sdelay $0x1  }
0x24b: {  	[tilespmem:s10+$0xFFFFFFF0] =	vst v1  }
0x24c: {  	v1 =	vld [tilespmem:s15+$0x0]  }
0x24d: {  	v2 =	vld [tilespmem:s15+$0x10]  }
0x24e: {  	v3 =	vld [tilespmem:s15+$0x20]  }
0x24f: {  	v58 =	vld [tilespmem:s15+$0x30]  }
0x250: {  	v59 =	vld [tilespmem:s15+$0x40]  }
0x251: {  	v60 =	vld [tilespmem:s15+$0x50]  }
0x252: {  	v61 =	vld [tilespmem:s15+$0x60]  }
0x253: {  	v62 =	vld [tilespmem:s15+$0x70]  }
0x254: {  	v21 =	vld [tilespmem:s15+$0x80];
	v63 =	vmul.f32 v1, v1  }
0x255: {  	v24 =	vld [tilespmem:s15+$0x90];
	v20 =	vmul.f32 v2, v2;
	v22 =	vmul.f32 v3, v3  }
0x256: {  	v27 =	vld [tilespmem:s15+$0xA0];
	v23 =	vmul.f32 v59, v59;
	v25 =	vmul.f32 v58, v58;
	v1 =	vadd.f32 v59, v1  }
0x257: {  	v29 =	vld [tilespmem:s15+$0xB0];
	v26 =	vmul.f32 v60, v60;
	v2 =	vadd.f32 v60, v2;
	v28 =	vmul.f32 v61, v61  }
0x258: {  	v31 =	vld [tilespmem:s15+$0xC0];
	v3 =	vadd.f32 v61, v3;
	v30 =	vmul.f32 v62, v62;
	v4 =	vadd.f32 v62, v58  }
0x259: {  	v33 =	vld [tilespmem:s15+$0xD0];
	v32 =	vmul.f32 v21, v21;
	v9 =	vadd.f32 v23, v63;
	v5 =	vadd.f32 v26, v20  }
0x25a: {  	v35 =	vld [tilespmem:s15+$0xE0];
	v34 =	vmul.f32 v24, v24;
	v6 =	vadd.f32 v28, v22;
	v7 =	vadd.f32 v30, v25  }
0x25b: {  	v37 =	vld [tilespmem:s15+$0xF0];
	v36 =	vmul.f32 v27, v27;
	v1 =	vadd.f32 v21, v1;
	v2 =	vadd.f32 v24, v2  }
0x25c: {  	v39 =	vld [tilespmem:s15+$0x100];
	v38 =	vmul.f32 v29, v29;
	v3 =	vadd.f32 v27, v3;
	v4 =	vadd.f32 v29, v4  }
0x25d: {  	v41 =	vld [tilespmem:s15+$0x110];
	v40 =	vmul.f32 v31, v31;
	v8 =	vadd.f32 v32, v9;
	v5 =	vadd.f32 v34, v5  }
0x25e: {  	v43 =	vld [tilespmem:s15+$0x120];
	v42 =	vmul.f32 v33, v33;
	v6 =	vadd.f32 v36, v6;
	v7 =	vadd.f32 v38, v7  }
0x25f: {  	v45 =	vld [tilespmem:s15+$0x130];
	v44 =	vmul.f32 v35, v35;
	v1 =	vadd.f32 v31, v1;
	v2 =	vadd.f32 v33, v2  }
0x260: {  	v47 =	vld [tilespmem:s15+$0x140];
	v46 =	vmul.f32 v37, v37;
	v3 =	vadd.f32 v35, v3;
	v4 =	vadd.f32 v37, v4  }
0x261: {  	v49 =	vld [tilespmem:s15+$0x150];
	v48 =	vmul.f32 v39, v39;
	v8 =	vadd.f32 v40, v8;
	v5 =	vadd.f32 v42, v5  }
0x262: {  	v51 =	vld [tilespmem:s15+$0x160];
	v50 =	vmul.f32 v41, v41;
	v6 =	vadd.f32 v44, v6;
	v7 =	vadd.f32 v46, v7  }
0x263: {  	v53 =	vld [tilespmem:s15+$0x170];
	v52 =	vmul.f32 v43, v43;
	v1 =	vadd.f32 v39, v1;
	v2 =	vadd.f32 v41, v2  }
0x264: {  	v55 =	vld [tilespmem:s15+$0x180];
	v54 =	vmul.f32 v45, v45;
	v3 =	vadd.f32 v43, v3;
	v4 =	vadd.f32 v45, v4  }
0x265: {  	v57 =	vld [tilespmem:s15+$0x190];
	v8 =	vadd.f32 v48, v8;
	v5 =	vadd.f32 v50, v5  }
0x266: {  	v56 =	vmul.f32 v47, v47;
	v6 =	vadd.f32 v52, v6;
	v7 =	vadd.f32 v54, v7  }
0x267: {  	v58 =	vmul.f32 v49, v49;
	v1 =	vadd.f32 v47, v1;
	v2 =	vadd.f32 v49, v2  }
0x268: {  	v59 =	vmul.f32 v51, v51;
	v3 =	vadd.f32 v51, v3;
	v4 =	vadd.f32 v53, v4  }
0x269: {  	v60 =	vmul.f32 v53, v53;
	v8 =	vadd.f32 v56, v8;
	v5 =	vadd.f32 v58, v5  }
0x26a: {  	v61 =	vmul.f32 v55, v55;
	v1 =	vadd.f32 v55, v1;
	v2 =	vadd.f32 v57, v2  }
0x26b: {  	v62 =	vmul.f32 v57, v57;
	v6 =	vadd.f32 v59, v6;
	v7 =	vadd.f32 v60, v7  }
0x26c: {  	v1 =	vadd.f32 v2, v1;
	v2 =	vadd.f32 v4, v3  }
0x26d: {  	v3 =	vadd.f32 v61, v8;
	v63 =	vadd.f32 v62, v5  }
0x26e: {  	v1 =	vadd.f32 v1, v2  }
0x26f: {  	v2 =	vadd.f32 v63, v3;
	v3 =	vadd.f32 v7, v6;
	_ =	sdelay $0x1  }
0x270: {  	v2 =	vadd.f32 v2, v3;
	v1 =	vmul.f32 v1, v1;
	_ =	sdelay $0x1  }
0x271: {  	v1 =	vsub.f32 v1, v2  }
0x272: {  	v2 =	vld [tilespmem:s13+$0xFFFFFFF0]  }
0x273: {  	v3 =	vld [tilespmem:s13+$0x0];
	v1 =	vmul.f32 $5.000000000e-01, v1;
	_ =	sdelay $0x1  }
0x274: {  	v1 =	vadd.f32 v1, v0  }
0x275: {  	p0 =	sne.s32 s0, $0x64C  }
.Ltmp5:
0x276: {  	v1 =	vadd.f32 v1, v2;
	(pc) =	sbr.rel @p0 .LBB2_12-.Ltmp5, $4  }
0x277: {  	v2 =	vnsel vm0, $0x0, v3  }
0x278: {  	v1 =	vadd.f32 v1, v2  }
0x279: {  	s0 =	sadd.s32 $0x34, s0  }
0x27a: {  	s15 =	sadd.s32 $0x340, s15;
	s13 =	sadd.s32 $0x34, s13;
	[tilespmem:s10+$0x0] =	vst v1;
	s10 =	sadd.s32 $0x20, s10  }
0x27b: {  	[tilespmem:s14], [sflag:$0x2] =	stream.indirect.gather [hbm4b:s3+s11], $0x10, s29, s11, $0xb8;
	[tilespmem:$0x15830] =	vst v63  }
0x27c: {  	_ = 	snop  }
0x27d: {  	[tilespmem:s30], [sflag:$0x2] =	stream.indirect.gather [hbm4b:s4+s11], $0x1, s29, s11, $0xb8;
	[tilespmem:$0x15830] =	vst v63  }
0x27e: {  	_ =	swait.ge [sflag:s16], $0x6800  }
0x27f: {  	[sflag:s16] =	ssyncset.done $0x0  }
0x280: {  	[sflag:s16] =	ssyncadd.s32 $0xFFFF9800  }
0x281: {  	_ =	swait.ge [sflag:s16], $0x680  }
0x282: {  	s0 =	simm.s32 $0x0;
	s10 =	simm.s32 $0x15030;
	[sflag:s16] =	ssyncset.done $0x0  }
0x283: {  	s13 =	simm.s32 $0x12B2A;
	s15 =	simm.s32 $0x35A0;
	[sflag:s16] =	ssyncadd.s32 $0xFFFFF980  }
.LBB2_14:
0x284: {  	v1 =	vld [tilespmem:s15+$0xFFFFFE60]  }
0x285: {  	v2 =	vld [tilespmem:s15+$0xFFFFFE70]  }
0x286: {  	v3 =	vld [tilespmem:s15+$0xFFFFFE80]  }
0x287: {  	v4 =	vld [tilespmem:s15+$0xFFFFFE90]  }
0x288: {  	v5 =	vld [tilespmem:s15+$0xFFFFFEA0]  }
0x289: {  	v6 =	vld [tilespmem:s15+$0xFFFFFEB0]  }
0x28a: {  	v7 =	vld [tilespmem:s15+$0xFFFFFEC0]  }
0x28b: {  	v8 =	vld [tilespmem:s15+$0xFFFFFED0]  }
0x28c: {  	v11 =	vld [tilespmem:s15+$0xFFFFFEE0];
	v9 =	vmul.f32 v1, v1  }
0x28d: {  	v14 =	vld [tilespmem:s15+$0xFFFFFEF0];
	v10 =	vmul.f32 v2, v2;
	v12 =	vmul.f32 v3, v3  }
0x28e: {  	v16 =	vld [tilespmem:s15+$0xFFFFFF00];
	v13 =	vmul.f32 v5, v5;
	v15 =	vmul.f32 v4, v4;
	v1 =	vadd.f32 v5, v1  }
0x28f: {  	v23 =	vld [tilespmem:s15+$0xFFFFFF10];
	v21 =	vmul.f32 v6, v6;
	v2 =	vadd.f32 v6, v2;
	v22 =	vmul.f32 v7, v7  }
0x290: {  	v25 =	vld [tilespmem:s15+$0xFFFFFF20];
	v3 =	vadd.f32 v7, v3;
	v24 =	vmul.f32 v8, v8;
	v4 =	vadd.f32 v8, v4  }
0x291: {  	v27 =	vld [tilespmem:s15+$0xFFFFFF30];
	v26 =	vmul.f32 v11, v11;
	v9 =	vadd.f32 v13, v9;
	v5 =	vadd.f32 v21, v10  }
0x292: {  	v29 =	vld [tilespmem:s15+$0xFFFFFF40];
	v28 =	vmul.f32 v14, v14;
	v6 =	vadd.f32 v22, v12;
	v7 =	vadd.f32 v24, v15  }
0x293: {  	v31 =	vld [tilespmem:s15+$0xFFFFFF50];
	v30 =	vmul.f32 v16, v16;
	v1 =	vadd.f32 v11, v1;
	v2 =	vadd.f32 v14, v2  }
0x294: {  	v33 =	vld [tilespmem:s15+$0xFFFFFF60];
	v32 =	vmul.f32 v23, v23;
	v3 =	vadd.f32 v16, v3;
	v4 =	vadd.f32 v23, v4  }
0x295: {  	v35 =	vld [tilespmem:s15+$0xFFFFFF70];
	v34 =	vmul.f32 v25, v25;
	v8 =	vadd.f32 v26, v9;
	v5 =	vadd.f32 v28, v5  }
0x296: {  	v37 =	vld [tilespmem:s15+$0xFFFFFF80];
	v36 =	vmul.f32 v27, v27;
	v6 =	vadd.f32 v30, v6;
	v7 =	vadd.f32 v32, v7  }
0x297: {  	v39 =	vld [tilespmem:s15+$0xFFFFFF90];
	v38 =	vmul.f32 v29, v29;
	v1 =	vadd.f32 v25, v1;
	v2 =	vadd.f32 v27, v2  }
0x298: {  	v41 =	vld [tilespmem:s15+$0xFFFFFFA0];
	v40 =	vmul.f32 v31, v31;
	v3 =	vadd.f32 v29, v3;
	v4 =	vadd.f32 v31, v4  }
0x299: {  	v43 =	vld [tilespmem:s15+$0xFFFFFFB0];
	v42 =	vmul.f32 v33, v33;
	v8 =	vadd.f32 v34, v8;
	v5 =	vadd.f32 v36, v5  }
0x29a: {  	v45 =	vld [tilespmem:s15+$0xFFFFFFC0];
	v44 =	vmul.f32 v35, v35;
	v6 =	vadd.f32 v38, v6;
	v7 =	vadd.f32 v40, v7  }
0x29b: {  	v47 =	vld [tilespmem:s15+$0xFFFFFFD0];
	v46 =	vmul.f32 v37, v37;
	v1 =	vadd.f32 v33, v1;
	v2 =	vadd.f32 v35, v2  }
0x29c: {  	v49 =	vld [tilespmem:s15+$0xFFFFFFE0];
	v48 =	vmul.f32 v39, v39;
	v3 =	vadd.f32 v37, v3;
	v4 =	vadd.f32 v39, v4  }
0x29d: {  	v51 =	vld [tilespmem:s15+$0xFFFFFFF0];
	v8 =	vadd.f32 v42, v8;
	v5 =	vadd.f32 v44, v5  }
0x29e: {  	v50 =	vmul.f32 v41, v41;
	v6 =	vadd.f32 v46, v6;
	v7 =	vadd.f32 v48, v7  }
0x29f: {  	v52 =	vmul.f32 v43, v43;
	v1 =	vadd.f32 v41, v1;
	v2 =	vadd.f32 v43, v2  }
0x2a0: {  	v53 =	vmul.f32 v45, v45;
	v3 =	vadd.f32 v45, v3;
	v4 =	vadd.f32 v47, v4  }
0x2a1: {  	v54 =	vmul.f32 v47, v47;
	v8 =	vadd.f32 v50, v8;
	v5 =	vadd.f32 v52, v5  }
0x2a2: {  	v55 =	vmul.f32 v49, v49;
	v1 =	vadd.f32 v49, v1;
	v2 =	vadd.f32 v51, v2  }
0x2a3: {  	v56 =	vmul.f32 v51, v51;
	v6 =	vadd.f32 v53, v6;
	v7 =	vadd.f32 v54, v7  }
0x2a4: {  	v1 =	vadd.f32 v2, v1;
	v2 =	vadd.f32 v4, v3  }
0x2a5: {  	v3 =	vadd.f32 v55, v8;
	v57 =	vadd.f32 v56, v5  }
0x2a6: {  	v1 =	vadd.f32 v1, v2  }
0x2a7: {  	v2 =	vadd.f32 v57, v3;
	v3 =	vadd.f32 v7, v6;
	_ =	sdelay $0x1  }
0x2a8: {  	v2 =	vadd.f32 v2, v3;
	v1 =	vmul.f32 v1, v1;
	_ =	sdelay $0x1  }
0x2a9: {  	s18 =	sand.u32 $0x7FC, s0;
	v1 =	vsub.f32 v1, v2  }
0x2aa: {  	v2 =	vld [tilespmem:s18+$0x12B00]  }
0x2ab: {  	v3 =	vld [tilespmem:s18+$0x12B10];
	v1 =	vmul.f32 $5.000000000e-01, v1;
	_ =	sdelay $0x1  }
0x2ac: {  	v1 =	vadd.f32 v1, v0;
	_ =	sdelay $0x1  }
0x2ad: {  	v1 =	vadd.f32 v1, v2  }
0x2ae: {  	v2 =	vnsel vm0, $0x0, v3  }
0x2af: {  	v1 =	vadd.f32 v1, v2;
	_ =	sdelay $0x1  }
0x2b0: {  	[tilespmem:s10+$0xFFFFFFF0] =	vst v1  }
0x2b1: {  	v1 =	vld [tilespmem:s15+$0x0]  }
0x2b2: {  	v2 =	vld [tilespmem:s15+$0x10]  }
0x2b3: {  	v3 =	vld [tilespmem:s15+$0x20]  }
0x2b4: {  	v58 =	vld [tilespmem:s15+$0x30]  }
0x2b5: {  	v59 =	vld [tilespmem:s15+$0x40]  }
0x2b6: {  	v60 =	vld [tilespmem:s15+$0x50]  }
0x2b7: {  	v61 =	vld [tilespmem:s15+$0x60]  }
0x2b8: {  	v62 =	vld [tilespmem:s15+$0x70]  }
0x2b9: {  	v21 =	vld [tilespmem:s15+$0x80];
	v63 =	vmul.f32 v1, v1  }
0x2ba: {  	v24 =	vld [tilespmem:s15+$0x90];
	v20 =	vmul.f32 v2, v2;
	v22 =	vmul.f32 v3, v3  }
0x2bb: {  	v27 =	vld [tilespmem:s15+$0xA0];
	v23 =	vmul.f32 v59, v59;
	v25 =	vmul.f32 v58, v58;
	v1 =	vadd.f32 v59, v1  }
0x2bc: {  	v29 =	vld [tilespmem:s15+$0xB0];
	v26 =	vmul.f32 v60, v60;
	v2 =	vadd.f32 v60, v2;
	v28 =	vmul.f32 v61, v61  }
0x2bd: {  	v31 =	vld [tilespmem:s15+$0xC0];
	v3 =	vadd.f32 v61, v3;
	v30 =	vmul.f32 v62, v62;
	v4 =	vadd.f32 v62, v58  }
0x2be: {  	v33 =	vld [tilespmem:s15+$0xD0];
	v32 =	vmul.f32 v21, v21;
	v9 =	vadd.f32 v23, v63;
	v5 =	vadd.f32 v26, v20  }
0x2bf: {  	v35 =	vld [tilespmem:s15+$0xE0];
	v34 =	vmul.f32 v24, v24;
	v6 =	vadd.f32 v28, v22;
	v7 =	vadd.f32 v30, v25  }
0x2c0: {  	v37 =	vld [tilespmem:s15+$0xF0];
	v36 =	vmul.f32 v27, v27;
	v1 =	vadd.f32 v21, v1;
	v2 =	vadd.f32 v24, v2  }
0x2c1: {  	v39 =	vld [tilespmem:s15+$0x100];
	v38 =	vmul.f32 v29, v29;
	v3 =	vadd.f32 v27, v3;
	v4 =	vadd.f32 v29, v4  }
0x2c2: {  	v41 =	vld [tilespmem:s15+$0x110];
	v40 =	vmul.f32 v31, v31;
	v8 =	vadd.f32 v32, v9;
	v5 =	vadd.f32 v34, v5  }
0x2c3: {  	v43 =	vld [tilespmem:s15+$0x120];
	v42 =	vmul.f32 v33, v33;
	v6 =	vadd.f32 v36, v6;
	v7 =	vadd.f32 v38, v7  }
0x2c4: {  	v45 =	vld [tilespmem:s15+$0x130];
	v44 =	vmul.f32 v35, v35;
	v1 =	vadd.f32 v31, v1;
	v2 =	vadd.f32 v33, v2  }
0x2c5: {  	v47 =	vld [tilespmem:s15+$0x140];
	v46 =	vmul.f32 v37, v37;
	v3 =	vadd.f32 v35, v3;
	v4 =	vadd.f32 v37, v4  }
0x2c6: {  	v49 =	vld [tilespmem:s15+$0x150];
	v48 =	vmul.f32 v39, v39;
	v8 =	vadd.f32 v40, v8;
	v5 =	vadd.f32 v42, v5  }
0x2c7: {  	v51 =	vld [tilespmem:s15+$0x160];
	v50 =	vmul.f32 v41, v41;
	v6 =	vadd.f32 v44, v6;
	v7 =	vadd.f32 v46, v7  }
0x2c8: {  	v53 =	vld [tilespmem:s15+$0x170];
	v52 =	vmul.f32 v43, v43;
	v1 =	vadd.f32 v39, v1;
	v2 =	vadd.f32 v41, v2  }
0x2c9: {  	v55 =	vld [tilespmem:s15+$0x180];
	v54 =	vmul.f32 v45, v45;
	v3 =	vadd.f32 v43, v3;
	v4 =	vadd.f32 v45, v4  }
0x2ca: {  	v57 =	vld [tilespmem:s15+$0x190];
	v8 =	vadd.f32 v48, v8;
	v5 =	vadd.f32 v50, v5  }
0x2cb: {  	v56 =	vmul.f32 v47, v47;
	v6 =	vadd.f32 v52, v6;
	v7 =	vadd.f32 v54, v7  }
0x2cc: {  	v58 =	vmul.f32 v49, v49;
	v1 =	vadd.f32 v47, v1;
	v2 =	vadd.f32 v49, v2  }
0x2cd: {  	v59 =	vmul.f32 v51, v51;
	v3 =	vadd.f32 v51, v3;
	v4 =	vadd.f32 v53, v4  }
0x2ce: {  	v60 =	vmul.f32 v53, v53;
	v8 =	vadd.f32 v56, v8;
	v5 =	vadd.f32 v58, v5  }
0x2cf: {  	v61 =	vmul.f32 v55, v55;
	v1 =	vadd.f32 v55, v1;
	v2 =	vadd.f32 v57, v2  }
0x2d0: {  	v62 =	vmul.f32 v57, v57;
	v6 =	vadd.f32 v59, v6;
	v7 =	vadd.f32 v60, v7  }
0x2d1: {  	v1 =	vadd.f32 v2, v1;
	v2 =	vadd.f32 v4, v3  }
0x2d2: {  	v3 =	vadd.f32 v61, v8;
	v63 =	vadd.f32 v62, v5  }
0x2d3: {  	v1 =	vadd.f32 v1, v2  }
0x2d4: {  	v2 =	vadd.f32 v63, v3;
	v3 =	vadd.f32 v7, v6;
	_ =	sdelay $0x1  }
0x2d5: {  	v2 =	vadd.f32 v2, v3;
	v1 =	vmul.f32 v1, v1;
	_ =	sdelay $0x1  }
0x2d6: {  	v1 =	vsub.f32 v1, v2  }
0x2d7: {  	v2 =	vld [tilespmem:s13+$0xFFFFFFF0]  }
0x2d8: {  	v3 =	vld [tilespmem:s13+$0x0];
	v1 =	vmul.f32 $5.000000000e-01, v1;
	_ =	sdelay $0x1  }
0x2d9: {  	v1 =	vadd.f32 v1, v0  }
0x2da: {  	p0 =	sne.s32 s0, $0x64C  }
.Ltmp6:
0x2db: {  	v1 =	vadd.f32 v1, v2;
	(pc) =	sbr.rel @p0 .LBB2_14-.Ltmp6, $4  }
0x2dc: {  	v2 =	vnsel vm0, $0x0, v3  }
0x2dd: {  	v1 =	vadd.f32 v1, v2  }
0x2de: {  	s0 =	sadd.s32 $0x34, s0  }
0x2df: {  	s15 =	sadd.s32 $0x340, s15;
	s13 =	sadd.s32 $0x34, s13;
	[tilespmem:s10+$0x0] =	vst v1;
	s10 =	sadd.s32 $0x20, s10  }
0x2e0: {  	_ =	swait.ge [sflag:s19], $0x6800  }
0x2e1: {  	[sflag:s19] =	ssyncset.done $0x0  }
0x2e2: {  	[sflag:s19] =	ssyncadd.s32 $0xFFFF9800  }
0x2e3: {  	_ =	swait.ge [sflag:s19], $0x680  }
0x2e4: {  	s0 =	simm.s32 $0x0;
	s10 =	simm.s32 $0x15430;
	[sflag:s19] =	ssyncset.done $0x0  }
0x2e5: {  	s13 =	simm.s32 $0x131AA;
	s15 =	simm.s32 $0x9DA0;
	[sflag:s19] =	ssyncadd.s32 $0xFFFFF980  }
.LBB2_16:
0x2e6: {  	v1 =	vld [tilespmem:s15+$0xFFFFFE60]  }
0x2e7: {  	v2 =	vld [tilespmem:s15+$0xFFFFFE70]  }
0x2e8: {  	v3 =	vld [tilespmem:s15+$0xFFFFFE80]  }
0x2e9: {  	v4 =	vld [tilespmem:s15+$0xFFFFFE90]  }
0x2ea: {  	v5 =	vld [tilespmem:s15+$0xFFFFFEA0]  }
0x2eb: {  	v6 =	vld [tilespmem:s15+$0xFFFFFEB0]  }
0x2ec: {  	v7 =	vld [tilespmem:s15+$0xFFFFFEC0]  }
0x2ed: {  	v8 =	vld [tilespmem:s15+$0xFFFFFED0]  }
0x2ee: {  	v11 =	vld [tilespmem:s15+$0xFFFFFEE0];
	v9 =	vmul.f32 v1, v1  }
0x2ef: {  	v14 =	vld [tilespmem:s15+$0xFFFFFEF0];
	v10 =	vmul.f32 v2, v2;
	v12 =	vmul.f32 v3, v3  }
0x2f0: {  	v16 =	vld [tilespmem:s15+$0xFFFFFF00];
	v13 =	vmul.f32 v5, v5;
	v15 =	vmul.f32 v4, v4;
	v1 =	vadd.f32 v5, v1  }
0x2f1: {  	v23 =	vld [tilespmem:s15+$0xFFFFFF10];
	v21 =	vmul.f32 v6, v6;
	v2 =	vadd.f32 v6, v2;
	v22 =	vmul.f32 v7, v7  }
0x2f2: {  	v25 =	vld [tilespmem:s15+$0xFFFFFF20];
	v3 =	vadd.f32 v7, v3;
	v24 =	vmul.f32 v8, v8;
	v4 =	vadd.f32 v8, v4  }
0x2f3: {  	v27 =	vld [tilespmem:s15+$0xFFFFFF30];
	v26 =	vmul.f32 v11, v11;
	v9 =	vadd.f32 v13, v9;
	v5 =	vadd.f32 v21, v10  }
0x2f4: {  	v29 =	vld [tilespmem:s15+$0xFFFFFF40];
	v28 =	vmul.f32 v14, v14;
	v6 =	vadd.f32 v22, v12;
	v7 =	vadd.f32 v24, v15  }
0x2f5: {  	v31 =	vld [tilespmem:s15+$0xFFFFFF50];
	v30 =	vmul.f32 v16, v16;
	v1 =	vadd.f32 v11, v1;
	v2 =	vadd.f32 v14, v2  }
0x2f6: {  	v33 =	vld [tilespmem:s15+$0xFFFFFF60];
	v32 =	vmul.f32 v23, v23;
	v3 =	vadd.f32 v16, v3;
	v4 =	vadd.f32 v23, v4  }
0x2f7: {  	v35 =	vld [tilespmem:s15+$0xFFFFFF70];
	v34 =	vmul.f32 v25, v25;
	v8 =	vadd.f32 v26, v9;
	v5 =	vadd.f32 v28, v5  }
0x2f8: {  	v37 =	vld [tilespmem:s15+$0xFFFFFF80];
	v36 =	vmul.f32 v27, v27;
	v6 =	vadd.f32 v30, v6;
	v7 =	vadd.f32 v32, v7  }
0x2f9: {  	v39 =	vld [tilespmem:s15+$0xFFFFFF90];
	v38 =	vmul.f32 v29, v29;
	v1 =	vadd.f32 v25, v1;
	v2 =	vadd.f32 v27, v2  }
0x2fa: {  	v41 =	vld [tilespmem:s15+$0xFFFFFFA0];
	v40 =	vmul.f32 v31, v31;
	v3 =	vadd.f32 v29, v3;
	v4 =	vadd.f32 v31, v4  }
0x2fb: {  	v43 =	vld [tilespmem:s15+$0xFFFFFFB0];
	v42 =	vmul.f32 v33, v33;
	v8 =	vadd.f32 v34, v8;
	v5 =	vadd.f32 v36, v5  }
0x2fc: {  	v45 =	vld [tilespmem:s15+$0xFFFFFFC0];
	v44 =	vmul.f32 v35, v35;
	v6 =	vadd.f32 v38, v6;
	v7 =	vadd.f32 v40, v7  }
0x2fd: {  	v47 =	vld [tilespmem:s15+$0xFFFFFFD0];
	v46 =	vmul.f32 v37, v37;
	v1 =	vadd.f32 v33, v1;
	v2 =	vadd.f32 v35, v2  }
0x2fe: {  	v49 =	vld [tilespmem:s15+$0xFFFFFFE0];
	v48 =	vmul.f32 v39, v39;
	v3 =	vadd.f32 v37, v3;
	v4 =	vadd.f32 v39, v4  }
0x2ff: {  	v51 =	vld [tilespmem:s15+$0xFFFFFFF0];
	v8 =	vadd.f32 v42, v8;
	v5 =	vadd.f32 v44, v5  }
0x300: {  	v50 =	vmul.f32 v41, v41;
	v6 =	vadd.f32 v46, v6;
	v7 =	vadd.f32 v48, v7  }
0x301: {  	v52 =	vmul.f32 v43, v43;
	v1 =	vadd.f32 v41, v1;
	v2 =	vadd.f32 v43, v2  }
0x302: {  	v53 =	vmul.f32 v45, v45;
	v3 =	vadd.f32 v45, v3;
	v4 =	vadd.f32 v47, v4  }
0x303: {  	v54 =	vmul.f32 v47, v47;
	v8 =	vadd.f32 v50, v8;
	v5 =	vadd.f32 v52, v5  }
0x304: {  	v55 =	vmul.f32 v49, v49;
	v1 =	vadd.f32 v49, v1;
	v2 =	vadd.f32 v51, v2  }
0x305: {  	v56 =	vmul.f32 v51, v51;
	v6 =	vadd.f32 v53, v6;
	v7 =	vadd.f32 v54, v7  }
0x306: {  	v1 =	vadd.f32 v2, v1;
	v2 =	vadd.f32 v4, v3  }
0x307: {  	v3 =	vadd.f32 v55, v8;
	v57 =	vadd.f32 v56, v5  }
0x308: {  	v1 =	vadd.f32 v1, v2  }
0x309: {  	v2 =	vadd.f32 v57, v3;
	v3 =	vadd.f32 v7, v6;
	_ =	sdelay $0x1  }
0x30a: {  	v2 =	vadd.f32 v2, v3;
	v1 =	vmul.f32 v1, v1;
	_ =	sdelay $0x1  }
0x30b: {  	s18 =	sand.u32 $0x7FC, s0;
	v1 =	vsub.f32 v1, v2  }
0x30c: {  	v2 =	vld [tilespmem:s18+$0x13180]  }
0x30d: {  	v3 =	vld [tilespmem:s18+$0x13190];
	v1 =	vmul.f32 $5.000000000e-01, v1;
	_ =	sdelay $0x1  }
0x30e: {  	v1 =	vadd.f32 v1, v0;
	_ =	sdelay $0x1  }
0x30f: {  	v1 =	vadd.f32 v1, v2  }
0x310: {  	v2 =	vnsel vm0, $0x0, v3  }
0x311: {  	v1 =	vadd.f32 v1, v2;
	_ =	sdelay $0x1  }
0x312: {  	[tilespmem:s10+$0xFFFFFFF0] =	vst v1  }
0x313: {  	v1 =	vld [tilespmem:s15+$0x0]  }
0x314: {  	v2 =	vld [tilespmem:s15+$0x10]  }
0x315: {  	v3 =	vld [tilespmem:s15+$0x20]  }
0x316: {  	v58 =	vld [tilespmem:s15+$0x30]  }
0x317: {  	v59 =	vld [tilespmem:s15+$0x40]  }
0x318: {  	v60 =	vld [tilespmem:s15+$0x50]  }
0x319: {  	v61 =	vld [tilespmem:s15+$0x60]  }
0x31a: {  	v62 =	vld [tilespmem:s15+$0x70]  }
0x31b: {  	v21 =	vld [tilespmem:s15+$0x80];
	v63 =	vmul.f32 v1, v1  }
0x31c: {  	v24 =	vld [tilespmem:s15+$0x90];
	v20 =	vmul.f32 v2, v2;
	v22 =	vmul.f32 v3, v3  }
0x31d: {  	v27 =	vld [tilespmem:s15+$0xA0];
	v23 =	vmul.f32 v59, v59;
	v25 =	vmul.f32 v58, v58;
	v1 =	vadd.f32 v59, v1  }
0x31e: {  	v29 =	vld [tilespmem:s15+$0xB0];
	v26 =	vmul.f32 v60, v60;
	v2 =	vadd.f32 v60, v2;
	v28 =	vmul.f32 v61, v61  }
0x31f: {  	v31 =	vld [tilespmem:s15+$0xC0];
	v3 =	vadd.f32 v61, v3;
	v30 =	vmul.f32 v62, v62;
	v4 =	vadd.f32 v62, v58  }
0x320: {  	v33 =	vld [tilespmem:s15+$0xD0];
	v32 =	vmul.f32 v21, v21;
	v9 =	vadd.f32 v23, v63;
	v5 =	vadd.f32 v26, v20  }
0x321: {  	v35 =	vld [tilespmem:s15+$0xE0];
	v34 =	vmul.f32 v24, v24;
	v6 =	vadd.f32 v28, v22;
	v7 =	vadd.f32 v30, v25  }
0x322: {  	v37 =	vld [tilespmem:s15+$0xF0];
	v36 =	vmul.f32 v27, v27;
	v1 =	vadd.f32 v21, v1;
	v2 =	vadd.f32 v24, v2  }
0x323: {  	v39 =	vld [tilespmem:s15+$0x100];
	v38 =	vmul.f32 v29, v29;
	v3 =	vadd.f32 v27, v3;
	v4 =	vadd.f32 v29, v4  }
0x324: {  	v41 =	vld [tilespmem:s15+$0x110];
	v40 =	vmul.f32 v31, v31;
	v8 =	vadd.f32 v32, v9;
	v5 =	vadd.f32 v34, v5  }
0x325: {  	v43 =	vld [tilespmem:s15+$0x120];
	v42 =	vmul.f32 v33, v33;
	v6 =	vadd.f32 v36, v6;
	v7 =	vadd.f32 v38, v7  }
0x326: {  	v45 =	vld [tilespmem:s15+$0x130];
	v44 =	vmul.f32 v35, v35;
	v1 =	vadd.f32 v31, v1;
	v2 =	vadd.f32 v33, v2  }
0x327: {  	v47 =	vld [tilespmem:s15+$0x140];
	v46 =	vmul.f32 v37, v37;
	v3 =	vadd.f32 v35, v3;
	v4 =	vadd.f32 v37, v4  }
0x328: {  	v49 =	vld [tilespmem:s15+$0x150];
	v48 =	vmul.f32 v39, v39;
	v8 =	vadd.f32 v40, v8;
	v5 =	vadd.f32 v42, v5  }
0x329: {  	v51 =	vld [tilespmem:s15+$0x160];
	v50 =	vmul.f32 v41, v41;
	v6 =	vadd.f32 v44, v6;
	v7 =	vadd.f32 v46, v7  }
0x32a: {  	v53 =	vld [tilespmem:s15+$0x170];
	v52 =	vmul.f32 v43, v43;
	v1 =	vadd.f32 v39, v1;
	v2 =	vadd.f32 v41, v2  }
0x32b: {  	v55 =	vld [tilespmem:s15+$0x180];
	v54 =	vmul.f32 v45, v45;
	v3 =	vadd.f32 v43, v3;
	v4 =	vadd.f32 v45, v4  }
0x32c: {  	v57 =	vld [tilespmem:s15+$0x190];
	v8 =	vadd.f32 v48, v8;
	v5 =	vadd.f32 v50, v5  }
0x32d: {  	v56 =	vmul.f32 v47, v47;
	v6 =	vadd.f32 v52, v6;
	v7 =	vadd.f32 v54, v7  }
0x32e: {  	v58 =	vmul.f32 v49, v49;
	v1 =	vadd.f32 v47, v1;
	v2 =	vadd.f32 v49, v2  }
0x32f: {  	v59 =	vmul.f32 v51, v51;
	v3 =	vadd.f32 v51, v3;
	v4 =	vadd.f32 v53, v4  }
0x330: {  	v60 =	vmul.f32 v53, v53;
	v8 =	vadd.f32 v56, v8;
	v5 =	vadd.f32 v58, v5  }
0x331: {  	v61 =	vmul.f32 v55, v55;
	v1 =	vadd.f32 v55, v1;
	v2 =	vadd.f32 v57, v2  }
0x332: {  	v62 =	vmul.f32 v57, v57;
	v6 =	vadd.f32 v59, v6;
	v7 =	vadd.f32 v60, v7  }
0x333: {  	v1 =	vadd.f32 v2, v1;
	v2 =	vadd.f32 v4, v3  }
0x334: {  	v3 =	vadd.f32 v61, v8;
	v63 =	vadd.f32 v62, v5  }
0x335: {  	v1 =	vadd.f32 v1, v2  }
0x336: {  	v2 =	vadd.f32 v63, v3;
	v3 =	vadd.f32 v7, v6;
	_ =	sdelay $0x1  }
0x337: {  	v2 =	vadd.f32 v2, v3;
	v1 =	vmul.f32 v1, v1;
	_ =	sdelay $0x1  }
0x338: {  	v1 =	vsub.f32 v1, v2  }
0x339: {  	v2 =	vld [tilespmem:s13+$0xFFFFFFF0]  }
0x33a: {  	v3 =	vld [tilespmem:s13+$0x0];
	v1 =	vmul.f32 $5.000000000e-01, v1;
	_ =	sdelay $0x1  }
0x33b: {  	v1 =	vadd.f32 v1, v0  }
0x33c: {  	p0 =	sne.s32 s0, $0x64C  }
.Ltmp7:
0x33d: {  	v1 =	vadd.f32 v1, v2;
	(pc) =	sbr.rel @p0 .LBB2_16-.Ltmp7, $4  }
0x33e: {  	v2 =	vnsel vm0, $0x0, v3  }
0x33f: {  	v1 =	vadd.f32 v1, v2  }
0x340: {  	s0 =	sadd.s32 $0x34, s0  }
0x341: {  	s15 =	sadd.s32 $0x340, s15;
	s13 =	sadd.s32 $0x34, s13;
	[tilespmem:s10+$0x0] =	vst v1;
	s10 =	sadd.s32 $0x20, s10  }
0x342: {  	s1 =	sadd.s32 $0x1, s1  }
0x343: {  	p0 =	sne.s32 s1, s8  }
.Ltmp8:
0x344: {  	_ = 	snop;
	(pc) =	sbr.rel @p0 .LBB2_1-.Ltmp8, $4  }
0x345: {  	[hbm4b:s7+s2] =	stream.linear.scatter [tilespmem:s31], [sflag:$0x3], $0x2000, $0x38;
	[tilespmem:$0x15830] =	vst v63  }
0x346: {  	_ =	swait.ge [sflag:s9], $0x2000  }
0x347: {  	[sflag:s9] =	ssyncset.done $0x0  }
0x348: {  	[sflag:s9] =	ssyncadd.s32 $0xFFFFE000  }
0x349: {  	_ =	sfence.sel $0x180000  }
0x34a: {  	[bflag:$0x0] =	sbarrier.arrive $0xFFFF  }
0x34b: {  	_ =	strace $0x90000047  }
0x34c: {  	s0 =	stileid.u32;
	[bflag:$0x2] =	sbarrier.arrive $0xFFFF  }
0x34d: {  	p0 =	sne.s32 s0, $0x0;
	s0 =	rddreg [dreg:$0x1]  }
0x34e: {  	s0 =	sadd.s32 @!p0 $0x100000, s0  }
0x34f: {  	[sflag:s0] =	ssyncadd.tile.s32 @!p0 $0x1;
	_ =	shalt  }
.Lfunc_end2:
_tile_overlayer_lowered:
.L_overlay_start_2:
0x350: {  	(tag) =	ssettag $0x2  }
0x351: {  	s0 =	rddreg [dreg:$0x0];
	s2 =	stileid.u32  }
0x352: {  	s1 =	rddreg [dreg:$0x1];
	p0 =	sne.s32 s2, $0x0  }
0x353: {  	s3 =	rddreg [dreg:$0x2];
	[bflag:$0x3] =	sbarrier.arrive $0xFFFF;
	s2 =	simm.s32 @!p0 $0x1C03  }
0x354: {  	[timem:s3], [sflag:s2] =	dma.local @!p0 [hbm:s0], s1  }
0x355: {  	s0 =	simm.s32 @!p0 $0x3  }
0x356: {  	_ =	swait.ge @!p0 [sflag:s0], s1  }
0x357: {  	s1 =	ssub.s32 @!p0 $0x0, s1;
	[sflag:s0] =	ssyncset.done @!p0 $0x0  }
0x358: {  	[sflag:s0] =	ssyncadd.s32 @!p0 s1  }
0x359: {  	[bflag:$0x3] =	sbarrier.arrive $0xFFFF  }
0x35a: {  	_ =	shalt  }

</sc_bundles>
